<compile_context>
chip_gen: v7x
topology: tpu7x:2x2x1
jax: 0.10.2.dev20260603
libtpu: 0.0.44.dev20260713+nightly
codegen_flags: <defaults>
</compile_context>

<pallas_src>
import functools

import jax
import jax.numpy as jnp
from jax import lax
from jax.experimental import pallas as pl
from jax.experimental.pallas import tpu as pltpu
from jax.experimental.pallas import tpu_sc as plsc

NN = 2560
EIN = 81920
ET = EIN + NN
HH = 4
CH = 128
F = HH * CH
NW = 32
EPW = ET // NW
CHUNK = 24
NCH = EPW // CHUNK
RPT = NN // 16


def _mp_body(h_hbm, as_hbm, ad_hbm, s2_hbm, d2_hbm, acc_hbm, den_hbm,
             sidx2_v, didx2_v, rows_a, rows_b, dstg_v, astg_s, astg_d,
             zrow_v, acc_sh, den_sh, sem_a, sem_b, sem2):
    cid = lax.axis_index("c")
    sid = lax.axis_index("s")
    wid = cid * 16 + sid
    z16 = jnp.zeros((16,), jnp.float32)

    pltpu.sync_copy(s2_hbm.at[wid], sidx2_v)
    pltpu.sync_copy(d2_hbm.at[wid], didx2_v)

    for j in range(F // 16):
        zrow_v[pl.ds(j * 16, 16)] = z16
    for j in range(CHUNK):
        dstg_v[j, :] = z16

    def _zero(r, _):
        pltpu.sync_copy(zrow_v, acc_sh.at[sid * RPT + r])
        return 0
    lax.fori_loop(0, RPT, _zero, 0)

    def _zerod(r, _):
        pltpu.sync_copy(dstg_v.at[pl.ds(0, 16)],
                        den_sh.at[pl.ds(sid * RPT + r * 16, 16)])
        return 0
    lax.fori_loop(0, RPT // 16, _zerod, 0)

    plsc.subcore_barrier()

    def _fire(c, buf, sm):
        pltpu.async_copy(h_hbm.at[sidx2_v.at[c]], buf, sm)

    def _proc(c, buf, sm):
        cp2 = pltpu.async_copy(as_hbm.at[sidx2_v.at[c]], astg_s, sem2)
        cp3 = pltpu.async_copy(ad_hbm.at[didx2_v.at[c]], astg_d, sem2)
        cp2.wait()
        cp3.wait()

        def _alpha(i, _):
            e = astg_s[i, :] + astg_d[i, :]
            e = jnp.maximum(e, e * 0.2)
            dstg_v[i, :] = jnp.exp(e)
            return 0
        lax.fori_loop(0, CHUNK, _alpha, 0)
        pltpu.make_async_copy(h_hbm.at[sidx2_v.at[c]], buf, sm).wait()

        def _scale(i, _):
            arow = dstg_v[i, :]
            for h in range(HH):
                m = arow[jnp.full((16,), h, jnp.int32)]
                for j in range(CH // 16):
                    sl = pl.ds(h * CH + j * 16, 16)
                    buf[i, sl] = buf[i, sl] * m
            return 0
        lax.fori_loop(0, CHUNK, _scale, 0)
        pltpu.sync_copy(buf, acc_sh.at[didx2_v.at[c]], add=True)
        pltpu.sync_copy(dstg_v, den_sh.at[didx2_v.at[c]], add=True)

    _fire(0, rows_a, sem_a)

    def _pair(i, _):
        c0 = i * 2
        _fire(c0 + 1, rows_b, sem_b)
        _proc(c0, rows_a, sem_a)

        @pl.when(c0 + 2 < NCH)
        def _():
            _fire(c0 + 2, rows_a, sem_a)
        _proc(c0 + 1, rows_b, sem_b)
        return 0

    lax.fori_loop(0, NCH // 2, _pair, 0)

    plsc.subcore_barrier()

    def _wb(r, _):
        row0 = sid * RPT + r * 16
        pltpu.sync_copy(acc_sh.at[pl.ds(row0, 16)],
                        acc_hbm.at[pl.ds(cid * NN + row0, 16)])
        pltpu.sync_copy(den_sh.at[pl.ds(row0, 16)],
                        den_hbm.at[pl.ds(cid * NN + row0, 16)])
        return 0
    lax.fori_loop(0, RPT // 16, _wb, 0)


_mp_call = functools.partial(
    pl.kernel,
    out_type=[jax.ShapeDtypeStruct((2 * NN, F), jnp.float32),
              jax.ShapeDtypeStruct((2 * NN, 16), jnp.float32)],
    mesh=plsc.VectorSubcoreMesh(core_axis_name="c", subcore_axis_name="s"),
    compiler_params=pltpu.CompilerParams(
        needs_layout_passes=False, use_tc_tiling_on_sc=False),
    scratch_types=[
        pltpu.VMEM((NCH, CHUNK), jnp.int32),
        pltpu.VMEM((NCH, CHUNK), jnp.int32),
        pltpu.VMEM((CHUNK, F), jnp.float32),
        pltpu.VMEM((CHUNK, F), jnp.float32),
        pltpu.VMEM((CHUNK, 16), jnp.float32),
        pltpu.VMEM((CHUNK, 16), jnp.float32),
        pltpu.VMEM((CHUNK, 16), jnp.float32),
        pltpu.VMEM((F,), jnp.float32),
        pltpu.VMEM_SHARED((NN, F), jnp.float32),
        pltpu.VMEM_SHARED((NN, 16), jnp.float32),
        pltpu.SemaphoreType.DMA,
        pltpu.SemaphoreType.DMA,
        pltpu.SemaphoreType.DMA,
    ],
)(_mp_body)


def _tc_a_body(x_ref, w_ref, afs_ref, afd_ref, h_ref, as_ref, ad_ref):
    h = jnp.dot(x_ref[...], w_ref[...], preferred_element_type=jnp.float32)
    h_ref[...] = h
    as_ref[...] = jnp.dot(h, afs_ref[...], preferred_element_type=jnp.float32)
    ad_ref[...] = jnp.dot(h, afd_ref[...], preferred_element_type=jnp.float32)


def _tc_mid_body(acc_ref, den_ref, b_ref, g_ref, be_ref, w_ref, afs_ref,
                 afd_ref, h_ref, as_ref, ad_ref):
    den = den_ref[0:NN, :] + den_ref[NN:2 * NN, :]
    parts = []
    for h in range(HH):
        a = acc_ref[0:NN, h * CH:(h + 1) * CH] + acc_ref[NN:2 * NN, h * CH:(h + 1) * CH]
        parts.append(a / den[:, h:h + 1])
    hc = jnp.concatenate(parts, axis=1) + b_ref[...][None, :]
    mu = jnp.mean(hc, axis=0)
    var = jnp.mean((hc - mu[None, :]) ** 2, axis=0)
    xn = (hc - mu[None, :]) * lax.rsqrt(var + 1e-5)[None, :]
    xn = xn * g_ref[...][None, :] + be_ref[...][None, :]
    r = jnp.maximum(xn, 0.0)
    h2 = jnp.dot(r, w_ref[...], preferred_element_type=jnp.float32)
    h_ref[...] = h2
    as_ref[...] = jnp.dot(h2, afs_ref[...], preferred_element_type=jnp.float32)
    ad_ref[...] = jnp.dot(h2, afd_ref[...], preferred_element_type=jnp.float32)


def _tc_out_body(acc_ref, den_ref, b_ref, g_ref, be_ref, wf_ref, bf_ref,
                 mask_ref, adj_ref, o_ref):
    den = den_ref[0:NN, :] + den_ref[NN:2 * NN, :]
    parts = []
    for h in range(HH):
        a = acc_ref[0:NN, h * CH:(h + 1) * CH] + acc_ref[NN:2 * NN, h * CH:(h + 1) * CH]
        parts.append(a / den[:, h:h + 1])
    hc = jnp.concatenate(parts, axis=1) + b_ref[...][None, :]
    mu = jnp.mean(hc, axis=0)
    var = jnp.mean((hc - mu[None, :]) ** 2, axis=0)
    xn = (hc - mu[None, :]) * lax.rsqrt(var + 1e-5)[None, :]
    xn = xn * g_ref[...][None, :] + be_ref[...][None, :]
    r = jnp.maximum(xn, 0.0)
    o = jnp.dot(r, wf_ref[...], preferred_element_type=jnp.float32) + bf_ref[...][None, :]
    o = o * mask_ref[...][:, None] + adj_ref[...]
    o_ref[...] = o


def _build_af(a_src, a_dst, ch):
    eye = jnp.eye(HH, dtype=jnp.float32)
    bs = jnp.einsum("hc,hk->hck", a_src, eye).reshape(HH * ch, HH)
    bd = jnp.einsum("hc,hk->hck", a_dst, eye).reshape(HH * ch, HH)
    pad = jnp.zeros((HH * ch, 16 - HH), jnp.float32)
    return (jnp.concatenate([bs, pad], axis=1),
            jnp.concatenate([bd, pad], axis=1))


def kernel(x, edge_index, mask, adjacency, W1, a_src1, a_dst1, b1, g1, be1,
           W2, a_src2, a_dst2, b2, g2, be2, Wf, bf):
    loop = jnp.arange(NN, dtype=edge_index.dtype)
    s_idx = jnp.concatenate([edge_index[0], loop]).astype(jnp.int32)
    d_idx = jnp.concatenate([edge_index[1], loop]).astype(jnp.int32)
    s_idx2 = s_idx.reshape(NW, NCH, CHUNK)
    d_idx2 = d_idx.reshape(NW, NCH, CHUNK)
    afs1, afd1 = _build_af(a_src1, a_dst1, CH)
    afs2, afd2 = _build_af(a_src2, a_dst2, CH)

    h1, as1, ad1 = pl.pallas_call(
        _tc_a_body,
        out_shape=[jax.ShapeDtypeStruct((NN, F), jnp.float32),
                   jax.ShapeDtypeStruct((NN, 16), jnp.float32),
                   jax.ShapeDtypeStruct((NN, 16), jnp.float32)],
    )(x, W1, afs1, afd1)

    acc1, den1 = _mp_call(h1, as1, ad1, s_idx2, d_idx2)

    h2, as2, ad2 = pl.pallas_call(
        _tc_mid_body,
        out_shape=[jax.ShapeDtypeStruct((NN, F), jnp.float32),
                   jax.ShapeDtypeStruct((NN, 16), jnp.float32),
                   jax.ShapeDtypeStruct((NN, 16), jnp.float32)],
    )(acc1, den1[:, :4], b1, g1, be1, W2, afs2, afd2)

    acc2, den2 = _mp_call(h2, as2, ad2, s_idx2, d_idx2)

    o = pl.pallas_call(
        _tc_out_body,
        out_shape=jax.ShapeDtypeStruct((NN, 40), jnp.float32),
    )(acc2, den2[:, :4], b2, g2, be2, Wf, bf, mask, adjacency)

    return o.reshape(64, 40, 40)

# --- scband reference (transcript-rebuilt; emitter-appended) ---
"""Pipeline reference for scband-edge-gatmodel-83141976916259 (READ-ONLY COPY).

The authoritative reference and input builder live on the scoring server;
editing this copy changes nothing except your own understanding.
"""

import jax, jax.numpy as jnp
import numpy as np

N = 2560
E = 81920
IN = 256
H = 4
C1 = 128
C2 = 128
OUT = 40


def gat_conv(x, src, dst, W, a_src, a_dst, bias, heads, ch):
    n = x.shape[0]
    # add self loops (PyG GATConv default)
    loop = jnp.arange(n)
    s = jnp.concatenate([src, loop])
    d = jnp.concatenate([dst, loop])
    h = (x @ W).reshape(n, heads, ch)
    alpha_s = (h * a_src[None, :, :]).sum(-1)  # [n, H]
    alpha_d = (h * a_dst[None, :, :]).sum(-1)  # [n, H]
    e = alpha_s[s] + alpha_d[d]                # [e, H]
    e = jax.nn.leaky_relu(e, 0.2)
    m = jax.ops.segment_max(e, d, num_segments=n)
    m = jnp.where(jnp.isfinite(m), m, 0.0)
    m = jax.lax.stop_gradient(m)
    ex = jnp.exp(e - m[d])
    denom = jax.ops.segment_sum(ex, d, num_segments=n)
    alpha = ex / (denom[d] + 1e-16)
    msg = h[s] * alpha[:, :, None]
    out = jax.ops.segment_sum(msg, d, num_segments=n)
    return out.reshape(n, heads * ch) + bias


def batch_norm(x, gamma, beta, eps=1e-5):
    mu = x.mean(axis=0)
    var = x.var(axis=0)
    return (x - mu) / jnp.sqrt(var + eps) * gamma + beta


def setup_inputs(seed: int = 0):
    key = jax.random.key(seed)
    ks = jax.random.split(key, 20)
    x = jax.random.normal(ks[0], (N, IN), dtype=jnp.float32)
    edge_index = jax.random.randint(ks[1], (2, E), 0, N)
    mask = jax.random.uniform(ks[2], (N,), dtype=jnp.float32)
    adjacency = jax.random.uniform(ks[3], (N, OUT), dtype=jnp.float32)
    s1 = 1.0 / np.sqrt(IN)
    W1 = jax.random.normal(ks[4], (IN, H * C1), dtype=jnp.float32) * s1
    a_src1 = jax.random.normal(ks[5], (H, C1), dtype=jnp.float32) * 0.1
    a_dst1 = jax.random.normal(ks[6], (H, C1), dtype=jnp.float32) * 0.1
    b1 = jnp.zeros((H * C1,), dtype=jnp.float32)
    g1 = jnp.ones((H * C1,), dtype=jnp.float32)
    be1 = jnp.zeros((H * C1,), dtype=jnp.float32)
    s2 = 1.0 / np.sqrt(H * C1)
    W2 = jax.random.normal(ks[7], (H * C1, H * C2), dtype=jnp.float32) * s2
    a_src2 = jax.random.normal(ks[8], (H, C2), dtype=jnp.float32) * 0.1
    a_dst2 = jax.random.normal(ks[9], (H, C2), dtype=jnp.float32) * 0.1
    b2 = jnp.zeros((H * C2,), dtype=jnp.float32)
    g2 = jnp.ones((H * C2,), dtype=jnp.float32)
    be2 = jnp.zeros((H * C2,), dtype=jnp.float32)
    sf = 1.0 / np.sqrt(H * C2)
    Wf = jax.random.normal(ks[10], (H * C2, OUT), dtype=jnp.float32) * sf
    bf = jnp.zeros((OUT,), dtype=jnp.float32)
    return {"x": x, "edge_index": edge_index, "mask": mask, "adjacency": adjacency,
            "W1": W1, "a_src1": a_src1, "a_dst1": a_dst1, "b1": b1, "g1": g1, "be1": be1,
            "W2": W2, "a_src2": a_src2, "a_dst2": a_dst2, "b2": b2, "g2": g2, "be2": be2,
            "Wf": Wf, "bf": bf}


def reference(x, edge_index, mask, adjacency, W1, a_src1, a_dst1, b1, g1, be1,
              W2, a_src2, a_dst2, b2, g2, be2, Wf, bf):
    src = edge_index[0]
    dst = edge_index[1]
    h1 = gat_conv(x, src, dst, W1, a_src1, a_dst1, b1, H, C1)
    h1 = jax.nn.relu(batch_norm(h1, g1, be1))
    h2 = gat_conv(h1, src, dst, W2, a_src2, a_dst2, b2, H, C2)
    h2 = jax.nn.relu(batch_norm(h2, g2, be2))
    out_edge = h2 @ Wf + bf
    out_edge = out_edge * mask[:, None]
    out_edge = out_edge.reshape(64, 40, 40)
    initial_edges = adjacency.reshape(64, 40, 40)
    return out_edge + initial_edges

if __name__ == "__main__":
    import jax
    _d = setup_inputs()
    print(jax.jit(kernel)(*tuple(_d.values())))

</pallas_src>

<mosaic_0001>
#map = affine_map<(d0, d1) -> (0, 0)>
#map1 = affine_map<(d0, d1) -> (0, 0, 0)>
module attributes {stable_mosaic.version = 14 : i64} {
  func.func @_mp_body(%arg0: i32, %arg1: i32, %arg2: memref<2560x512xf32, #tpu.memory_space<hbm>>, %arg3: memref<2560x16xf32, #tpu.memory_space<hbm>>, %arg4: memref<2560x16xf32, #tpu.memory_space<hbm>>, %arg5: memref<32x110x24xi32, #tpu.memory_space<hbm>>, %arg6: memref<32x110x24xi32, #tpu.memory_space<hbm>>, %arg7: memref<5120x512xf32, #tpu.memory_space<hbm>>, %arg8: memref<5120x16xf32, #tpu.memory_space<hbm>>, %arg9: memref<110x24xi32, #tpu.memory_space<vmem>>, %arg10: memref<110x24xi32, #tpu.memory_space<vmem>>, %arg11: memref<24x512xf32, #tpu.memory_space<vmem>>, %arg12: memref<24x512xf32, #tpu.memory_space<vmem>>, %arg13: memref<24x16xf32, #tpu.memory_space<vmem>>, %arg14: memref<24x16xf32, #tpu.memory_space<vmem>>, %arg15: memref<24x16xf32, #tpu.memory_space<vmem>>, %arg16: memref<512xf32, #tpu.memory_space<vmem>>, %arg17: memref<2560x512xf32, #tpu.memory_space<vmem_shared>>, %arg18: memref<2560x16xf32, #tpu.memory_space<vmem_shared>>, %arg19: memref<!tpu.dma_semaphore, #tpu.memory_space<semaphore_mem>>, %arg20: memref<!tpu.dma_semaphore, #tpu.memory_space<semaphore_mem>>, %arg21: memref<!tpu.dma_semaphore, #tpu.memory_space<semaphore_mem>>) attributes {dimension_semantics = [#tpu.dimension_semantics<core_parallel>, #tpu.dimension_semantics<subcore_parallel>], iteration_bounds = array<i64: 2, 16>, scalar_prefetch = 0 : i64, scratch_operands = 13 : i64, tpu.core_type = #tpu.core_type<sc_vector_subcore>, window_params = [{transform_indices = #map}, {transform_indices = #map}, {transform_indices = #map}, {transform_indices = #map1}, {transform_indices = #map1}, {transform_indices = #map}, {transform_indices = #map}]} {
    %mul3A = arith.constant 16 : i32
    %mul3A_0 = arith.muli %arg0, %mul3A : i32
    %add3A = arith.addi %mul3A_0, %arg1 : i32
    %broadcast_in_dim3A = arith.constant 0.000000e+00 : f32
    %broadcast_in_dim3A_1 = vector.broadcast %broadcast_in_dim3A : f32 to vector<16xf32>
    "tpu.region"() ({
      %run_scoped3A = tpu.sem_alloc : memref<!tpu.dma_semaphore, #tpu.memory_space<semaphore_mem>>
      %dma_start3A_195 = arith.constant 0 : i32
      %dma_start3A_196 = arith.constant 0 : i32
      %dma_start3A_197 = tpu.memref_slice %arg5[%add3A, %dma_start3A_195, %dma_start3A_196] : memref<32x110x24xi32, #tpu.memory_space<hbm>> -> memref<1x110x24xi32, #tpu.memory_space<hbm>>
      %dma_start3A_198 = tpu.memref_squeeze %dma_start3A_197 : memref<1x110x24xi32, #tpu.memory_space<hbm>> -> memref<110x24xi32, #tpu.memory_space<hbm>>
      %dma_start3A_199 = arith.constant 0 : i32
      %dma_start3A_200 = arith.constant 0 : i32
      %dma_start3A_201 = tpu.memref_slice %arg5[%add3A, %dma_start3A_199, %dma_start3A_200] : memref<32x110x24xi32, #tpu.memory_space<hbm>> -> memref<1x110x24xi32, #tpu.memory_space<hbm>>
      %dma_start3A_202 = tpu.memref_squeeze %dma_start3A_201 : memref<1x110x24xi32, #tpu.memory_space<hbm>> -> memref<110x24xi32, #tpu.memory_space<hbm>>
      tpu.enqueue_dma source(%dma_start3A_202 : memref<110x24xi32, #tpu.memory_space<hbm>>) target(%arg9 : memref<110x24xi32, #tpu.memory_space<vmem>>) target_semaphore(%run_scoped3A : memref<!tpu.dma_semaphore, #tpu.memory_space<semaphore_mem>>)
      %dma_wait3A = arith.constant 0 : i32
      %dma_wait3A_203 = arith.constant 0 : i32
      %dma_wait3A_204 = tpu.memref_slice %arg5[%add3A, %dma_wait3A, %dma_wait3A_203] : memref<32x110x24xi32, #tpu.memory_space<hbm>> -> memref<1x110x24xi32, #tpu.memory_space<hbm>>
      %dma_wait3A_205 = tpu.memref_squeeze %dma_wait3A_204 : memref<1x110x24xi32, #tpu.memory_space<hbm>> -> memref<110x24xi32, #tpu.memory_space<hbm>>
      %dma_wait3A_206 = arith.constant 0 : i32
      %dma_wait3A_207 = arith.constant 0 : i32
      %dma_wait3A_208 = tpu.memref_slice %arg5[%add3A, %dma_wait3A_206, %dma_wait3A_207] : memref<32x110x24xi32, #tpu.memory_space<hbm>> -> memref<1x110x24xi32, #tpu.memory_space<hbm>>
      %dma_wait3A_209 = tpu.memref_squeeze %dma_wait3A_208 : memref<1x110x24xi32, #tpu.memory_space<hbm>> -> memref<110x24xi32, #tpu.memory_space<hbm>>
      tpu.wait_dma2 semaphore(%run_scoped3A : memref<!tpu.dma_semaphore, #tpu.memory_space<semaphore_mem>>) src(%dma_wait3A_209 : memref<110x24xi32, #tpu.memory_space<hbm>>) dst(%arg9 : memref<110x24xi32, #tpu.memory_space<vmem>>)
      tpu.yield
    }) : () -> ()
    "tpu.region"() ({
      %run_scoped3A = tpu.sem_alloc : memref<!tpu.dma_semaphore, #tpu.memory_space<semaphore_mem>>
      %dma_start3A_195 = arith.constant 0 : i32
      %dma_start3A_196 = arith.constant 0 : i32
      %dma_start3A_197 = tpu.memref_slice %arg6[%add3A, %dma_start3A_195, %dma_start3A_196] : memref<32x110x24xi32, #tpu.memory_space<hbm>> -> memref<1x110x24xi32, #tpu.memory_space<hbm>>
      %dma_start3A_198 = tpu.memref_squeeze %dma_start3A_197 : memref<1x110x24xi32, #tpu.memory_space<hbm>> -> memref<110x24xi32, #tpu.memory_space<hbm>>
      %dma_start3A_199 = arith.constant 0 : i32
      %dma_start3A_200 = arith.constant 0 : i32
      %dma_start3A_201 = tpu.memref_slice %arg6[%add3A, %dma_start3A_199, %dma_start3A_200] : memref<32x110x24xi32, #tpu.memory_space<hbm>> -> memref<1x110x24xi32, #tpu.memory_space<hbm>>
      %dma_start3A_202 = tpu.memref_squeeze %dma_start3A_201 : memref<1x110x24xi32, #tpu.memory_space<hbm>> -> memref<110x24xi32, #tpu.memory_space<hbm>>
      tpu.enqueue_dma source(%dma_start3A_202 : memref<110x24xi32, #tpu.memory_space<hbm>>) target(%arg10 : memref<110x24xi32, #tpu.memory_space<vmem>>) target_semaphore(%run_scoped3A : memref<!tpu.dma_semaphore, #tpu.memory_space<semaphore_mem>>)
      %dma_wait3A = arith.constant 0 : i32
      %dma_wait3A_203 = arith.constant 0 : i32
      %dma_wait3A_204 = tpu.memref_slice %arg6[%add3A, %dma_wait3A, %dma_wait3A_203] : memref<32x110x24xi32, #tpu.memory_space<hbm>> -> memref<1x110x24xi32, #tpu.memory_space<hbm>>
      %dma_wait3A_205 = tpu.memref_squeeze %dma_wait3A_204 : memref<1x110x24xi32, #tpu.memory_space<hbm>> -> memref<110x24xi32, #tpu.memory_space<hbm>>
      %dma_wait3A_206 = arith.constant 0 : i32
      %dma_wait3A_207 = arith.constant 0 : i32
      %dma_wait3A_208 = tpu.memref_slice %arg6[%add3A, %dma_wait3A_206, %dma_wait3A_207] : memref<32x110x24xi32, #tpu.memory_space<hbm>> -> memref<1x110x24xi32, #tpu.memory_space<hbm>>
      %dma_wait3A_209 = tpu.memref_squeeze %dma_wait3A_208 : memref<1x110x24xi32, #tpu.memory_space<hbm>> -> memref<110x24xi32, #tpu.memory_space<hbm>>
      tpu.wait_dma2 semaphore(%run_scoped3A : memref<!tpu.dma_semaphore, #tpu.memory_space<semaphore_mem>>) src(%dma_wait3A_209 : memref<110x24xi32, #tpu.memory_space<hbm>>) dst(%arg10 : memref<110x24xi32, #tpu.memory_space<vmem>>)
      tpu.yield
    }) : () -> ()
    %swap3A = arith.constant 0 : index
    %swap3A_2 = tpu.vector_load %arg16[%swap3A] {strides = array<i32>} : memref<512xf32, #tpu.memory_space<vmem>>, vector<16xf32>,
    tpu.vector_store %arg16[%swap3A], %broadcast_in_dim3A_1 {strides = array<i32>} : memref<512xf32, #tpu.memory_space<vmem>>, vector<16xf32>,
    %swap3A_3 = arith.constant 16 : index
    %swap3A_4 = tpu.vector_load %arg16[%swap3A_3] {strides = array<i32>} : memref<512xf32, #tpu.memory_space<vmem>>, vector<16xf32>,
    tpu.vector_store %arg16[%swap3A_3], %broadcast_in_dim3A_1 {strides = array<i32>} : memref<512xf32, #tpu.memory_space<vmem>>, vector<16xf32>,
    %swap3A_5 = arith.constant 32 : index
    %swap3A_6 = tpu.vector_load %arg16[%swap3A_5] {strides = array<i32>} : memref<512xf32, #tpu.memory_space<vmem>>, vector<16xf32>,
    tpu.vector_store %arg16[%swap3A_5], %broadcast_in_dim3A_1 {strides = array<i32>} : memref<512xf32, #tpu.memory_space<vmem>>, vector<16xf32>,
    %swap3A_7 = arith.constant 48 : index
    %swap3A_8 = tpu.vector_load %arg16[%swap3A_7] {strides = array<i32>} : memref<512xf32, #tpu.memory_space<vmem>>, vector<16xf32>,
    tpu.vector_store %arg16[%swap3A_7], %broadcast_in_dim3A_1 {strides = array<i32>} : memref<512xf32, #tpu.memory_space<vmem>>, vector<16xf32>,
    %swap3A_9 = arith.constant 64 : index
    %swap3A_10 = tpu.vector_load %arg16[%swap3A_9] {strides = array<i32>} : memref<512xf32, #tpu.memory_space<vmem>>, vector<16xf32>,
    tpu.vector_store %arg16[%swap3A_9], %broadcast_in_dim3A_1 {strides = array<i32>} : memref<512xf32, #tpu.memory_space<vmem>>, vector<16xf32>,
    %swap3A_11 = arith.constant 80 : index
    %swap3A_12 = tpu.vector_load %arg16[%swap3A_11] {strides = array<i32>} : memref<512xf32, #tpu.memory_space<vmem>>, vector<16xf32>,
    tpu.vector_store %arg16[%swap3A_11], %broadcast_in_dim3A_1 {strides = array<i32>} : memref<512xf32, #tpu.memory_space<vmem>>, vector<16xf32>,
    %swap3A_13 = arith.constant 96 : index
    %swap3A_14 = tpu.vector_load %arg16[%swap3A_13] {strides = array<i32>} : memref<512xf32, #tpu.memory_space<vmem>>, vector<16xf32>,
    tpu.vector_store %arg16[%swap3A_13], %broadcast_in_dim3A_1 {strides = array<i32>} : memref<512xf32, #tpu.memory_space<vmem>>, vector<16xf32>,
    %swap3A_15 = arith.constant 112 : index
    %swap3A_16 = tpu.vector_load %arg16[%swap3A_15] {strides = array<i32>} : memref<512xf32, #tpu.memory_space<vmem>>, vector<16xf32>,
    tpu.vector_store %arg16[%swap3A_15], %broadcast_in_dim3A_1 {strides = array<i32>} : memref<512xf32, #tpu.memory_space<vmem>>, vector<16xf32>,
    %swap3A_17 = arith.constant 128 : index
    %swap3A_18 = tpu.vector_load %arg16[%swap3A_17] {strides = array<i32>} : memref<512xf32, #tpu.memory_space<vmem>>, vector<16xf32>,
    tpu.vector_store %arg16[%swap3A_17], %broadcast_in_dim3A_1 {strides = array<i32>} : memref<512xf32, #tpu.memory_space<vmem>>, vector<16xf32>,
    %swap3A_19 = arith.constant 144 : index
    %swap3A_20 = tpu.vector_load %arg16[%swap3A_19] {strides = array<i32>} : memref<512xf32, #tpu.memory_space<vmem>>, vector<16xf32>,
    tpu.vector_store %arg16[%swap3A_19], %broadcast_in_dim3A_1 {strides = array<i32>} : memref<512xf32, #tpu.memory_space<vmem>>, vector<16xf32>,
    %swap3A_21 = arith.constant 160 : index
    %swap3A_22 = tpu.vector_load %arg16[%swap3A_21] {strides = array<i32>} : memref<512xf32, #tpu.memory_space<vmem>>, vector<16xf32>,
    tpu.vector_store %arg16[%swap3A_21], %broadcast_in_dim3A_1 {strides = array<i32>} : memref<512xf32, #tpu.memory_space<vmem>>, vector<16xf32>,
    %swap3A_23 = arith.constant 176 : index
    %swap3A_24 = tpu.vector_load %arg16[%swap3A_23] {strides = array<i32>} : memref<512xf32, #tpu.memory_space<vmem>>, vector<16xf32>,
    tpu.vector_store %arg16[%swap3A_23], %broadcast_in_dim3A_1 {strides = array<i32>} : memref<512xf32, #tpu.memory_space<vmem>>, vector<16xf32>,
    %swap3A_25 = arith.constant 192 : index
    %swap3A_26 = tpu.vector_load %arg16[%swap3A_25] {strides = array<i32>} : memref<512xf32, #tpu.memory_space<vmem>>, vector<16xf32>,
    tpu.vector_store %arg16[%swap3A_25], %broadcast_in_dim3A_1 {strides = array<i32>} : memref<512xf32, #tpu.memory_space<vmem>>, vector<16xf32>,
    %swap3A_27 = arith.constant 208 : index
    %swap3A_28 = tpu.vector_load %arg16[%swap3A_27] {strides = array<i32>} : memref<512xf32, #tpu.memory_space<vmem>>, vector<16xf32>,
    tpu.vector_store %arg16[%swap3A_27], %broadcast_in_dim3A_1 {strides = array<i32>} : memref<512xf32, #tpu.memory_space<vmem>>, vector<16xf32>,
    %swap3A_29 = arith.constant 224 : index
    %swap3A_30 = tpu.vector_load %arg16[%swap3A_29] {strides = array<i32>} : memref<512xf32, #tpu.memory_space<vmem>>, vector<16xf32>,
    tpu.vector_store %arg16[%swap3A_29], %broadcast_in_dim3A_1 {strides = array<i32>} : memref<512xf32, #tpu.memory_space<vmem>>, vector<16xf32>,
    %swap3A_31 = arith.constant 240 : index
    %swap3A_32 = tpu.vector_load %arg16[%swap3A_31] {strides = array<i32>} : memref<512xf32, #tpu.memory_space<vmem>>, vector<16xf32>,
    tpu.vector_store %arg16[%swap3A_31], %broadcast_in_dim3A_1 {strides = array<i32>} : memref<512xf32, #tpu.memory_space<vmem>>, vector<16xf32>,
    %swap3A_33 = arith.constant 256 : index
    %swap3A_34 = tpu.vector_load %arg16[%swap3A_33] {strides = array<i32>} : memref<512xf32, #tpu.memory_space<vmem>>, vector<16xf32>,
    tpu.vector_store %arg16[%swap3A_33], %broadcast_in_dim3A_1 {strides = array<i32>} : memref<512xf32, #tpu.memory_space<vmem>>, vector<16xf32>,
    %swap3A_35 = arith.constant 272 : index
    %swap3A_36 = tpu.vector_load %arg16[%swap3A_35] {strides = array<i32>} : memref<512xf32, #tpu.memory_space<vmem>>, vector<16xf32>,
    tpu.vector_store %arg16[%swap3A_35], %broadcast_in_dim3A_1 {strides = array<i32>} : memref<512xf32, #tpu.memory_space<vmem>>, vector<16xf32>,
    %swap3A_37 = arith.constant 288 : index
    %swap3A_38 = tpu.vector_load %arg16[%swap3A_37] {strides = array<i32>} : memref<512xf32, #tpu.memory_space<vmem>>, vector<16xf32>,
    tpu.vector_store %arg16[%swap3A_37], %broadcast_in_dim3A_1 {strides = array<i32>} : memref<512xf32, #tpu.memory_space<vmem>>, vector<16xf32>,
    %swap3A_39 = arith.constant 304 : index
    %swap3A_40 = tpu.vector_load %arg16[%swap3A_39] {strides = array<i32>} : memref<512xf32, #tpu.memory_space<vmem>>, vector<16xf32>,
    tpu.vector_store %arg16[%swap3A_39], %broadcast_in_dim3A_1 {strides = array<i32>} : memref<512xf32, #tpu.memory_space<vmem>>, vector<16xf32>,
    %swap3A_41 = arith.constant 320 : index
    %swap3A_42 = tpu.vector_load %arg16[%swap3A_41] {strides = array<i32>} : memref<512xf32, #tpu.memory_space<vmem>>, vector<16xf32>,
    tpu.vector_store %arg16[%swap3A_41], %broadcast_in_dim3A_1 {strides = array<i32>} : memref<512xf32, #tpu.memory_space<vmem>>, vector<16xf32>,
    %swap3A_43 = arith.constant 336 : index
    %swap3A_44 = tpu.vector_load %arg16[%swap3A_43] {strides = array<i32>} : memref<512xf32, #tpu.memory_space<vmem>>, vector<16xf32>,
    tpu.vector_store %arg16[%swap3A_43], %broadcast_in_dim3A_1 {strides = array<i32>} : memref<512xf32, #tpu.memory_space<vmem>>, vector<16xf32>,
    %swap3A_45 = arith.constant 352 : index
    %swap3A_46 = tpu.vector_load %arg16[%swap3A_45] {strides = array<i32>} : memref<512xf32, #tpu.memory_space<vmem>>, vector<16xf32>,
    tpu.vector_store %arg16[%swap3A_45], %broadcast_in_dim3A_1 {strides = array<i32>} : memref<512xf32, #tpu.memory_space<vmem>>, vector<16xf32>,
    %swap3A_47 = arith.constant 368 : index
    %swap3A_48 = tpu.vector_load %arg16[%swap3A_47] {strides = array<i32>} : memref<512xf32, #tpu.memory_space<vmem>>, vector<16xf32>,
    tpu.vector_store %arg16[%swap3A_47], %broadcast_in_dim3A_1 {strides = array<i32>} : memref<512xf32, #tpu.memory_space<vmem>>, vector<16xf32>,
    %swap3A_49 = arith.constant 384 : index
    %swap3A_50 = tpu.vector_load %arg16[%swap3A_49] {strides = array<i32>} : memref<512xf32, #tpu.memory_space<vmem>>, vector<16xf32>,
    tpu.vector_store %arg16[%swap3A_49], %broadcast_in_dim3A_1 {strides = array<i32>} : memref<512xf32, #tpu.memory_space<vmem>>, vector<16xf32>,
    %swap3A_51 = arith.constant 400 : index
    %swap3A_52 = tpu.vector_load %arg16[%swap3A_51] {strides = array<i32>} : memref<512xf32, #tpu.memory_space<vmem>>, vector<16xf32>,
    tpu.vector_store %arg16[%swap3A_51], %broadcast_in_dim3A_1 {strides = array<i32>} : memref<512xf32, #tpu.memory_space<vmem>>, vector<16xf32>,
    %swap3A_53 = arith.constant 416 : index
    %swap3A_54 = tpu.vector_load %arg16[%swap3A_53] {strides = array<i32>} : memref<512xf32, #tpu.memory_space<vmem>>, vector<16xf32>,
    tpu.vector_store %arg16[%swap3A_53], %broadcast_in_dim3A_1 {strides = array<i32>} : memref<512xf32, #tpu.memory_space<vmem>>, vector<16xf32>,
    %swap3A_55 = arith.constant 432 : index
    %swap3A_56 = tpu.vector_load %arg16[%swap3A_55] {strides = array<i32>} : memref<512xf32, #tpu.memory_space<vmem>>, vector<16xf32>,
    tpu.vector_store %arg16[%swap3A_55], %broadcast_in_dim3A_1 {strides = array<i32>} : memref<512xf32, #tpu.memory_space<vmem>>, vector<16xf32>,
    %swap3A_57 = arith.constant 448 : index
    %swap3A_58 = tpu.vector_load %arg16[%swap3A_57] {strides = array<i32>} : memref<512xf32, #tpu.memory_space<vmem>>, vector<16xf32>,
    tpu.vector_store %arg16[%swap3A_57], %broadcast_in_dim3A_1 {strides = array<i32>} : memref<512xf32, #tpu.memory_space<vmem>>, vector<16xf32>,
    %swap3A_59 = arith.constant 464 : index
    %swap3A_60 = tpu.vector_load %arg16[%swap3A_59] {strides = array<i32>} : memref<512xf32, #tpu.memory_space<vmem>>, vector<16xf32>,
    tpu.vector_store %arg16[%swap3A_59], %broadcast_in_dim3A_1 {strides = array<i32>} : memref<512xf32, #tpu.memory_space<vmem>>, vector<16xf32>,
    %swap3A_61 = arith.constant 480 : index
    %swap3A_62 = tpu.vector_load %arg16[%swap3A_61] {strides = array<i32>} : memref<512xf32, #tpu.memory_space<vmem>>, vector<16xf32>,
    tpu.vector_store %arg16[%swap3A_61], %broadcast_in_dim3A_1 {strides = array<i32>} : memref<512xf32, #tpu.memory_space<vmem>>, vector<16xf32>,
    %swap3A_63 = arith.constant 496 : index
    %swap3A_64 = tpu.vector_load %arg16[%swap3A_63] {strides = array<i32>} : memref<512xf32, #tpu.memory_space<vmem>>, vector<16xf32>,
    tpu.vector_store %arg16[%swap3A_63], %broadcast_in_dim3A_1 {strides = array<i32>} : memref<512xf32, #tpu.memory_space<vmem>>, vector<16xf32>,
    %swap3A_65 = arith.constant 0 : i32
    %swap3A_66 = arith.index_cast %swap3A_65 : i32 to index
    %swap3A_67 = arith.constant 0 : index
    %swap3A_68 = tpu.vector_load %arg13[%swap3A_66, %swap3A_67] {strides = array<i32>} : memref<24x16xf32, #tpu.memory_space<vmem>>, vector<16xf32>,
    tpu.vector_store %arg13[%swap3A_66, %swap3A_67], %broadcast_in_dim3A_1 {strides = array<i32>} : memref<24x16xf32, #tpu.memory_space<vmem>>, vector<16xf32>,
    %swap3A_69 = arith.constant 1 : i32
    %swap3A_70 = arith.index_cast %swap3A_69 : i32 to index
    %swap3A_71 = arith.constant 0 : index
    %swap3A_72 = tpu.vector_load %arg13[%swap3A_70, %swap3A_71] {strides = array<i32>} : memref<24x16xf32, #tpu.memory_space<vmem>>, vector<16xf32>,
    tpu.vector_store %arg13[%swap3A_70, %swap3A_71], %broadcast_in_dim3A_1 {strides = array<i32>} : memref<24x16xf32, #tpu.memory_space<vmem>>, vector<16xf32>,
    %swap3A_73 = arith.constant 2 : i32
    %swap3A_74 = arith.index_cast %swap3A_73 : i32 to index
    %swap3A_75 = arith.constant 0 : index
    %swap3A_76 = tpu.vector_load %arg13[%swap3A_74, %swap3A_75] {strides = array<i32>} : memref<24x16xf32, #tpu.memory_space<vmem>>, vector<16xf32>,
    tpu.vector_store %arg13[%swap3A_74, %swap3A_75], %broadcast_in_dim3A_1 {strides = array<i32>} : memref<24x16xf32, #tpu.memory_space<vmem>>, vector<16xf32>,
    %swap3A_77 = arith.constant 3 : i32
    %swap3A_78 = arith.index_cast %swap3A_77 : i32 to index
    %swap3A_79 = arith.constant 0 : index
    %swap3A_80 = tpu.vector_load %arg13[%swap3A_78, %swap3A_79] {strides = array<i32>} : memref<24x16xf32, #tpu.memory_space<vmem>>, vector<16xf32>,
    tpu.vector_store %arg13[%swap3A_78, %swap3A_79], %broadcast_in_dim3A_1 {strides = array<i32>} : memref<24x16xf32, #tpu.memory_space<vmem>>, vector<16xf32>,
    %swap3A_81 = arith.constant 4 : i32
    %swap3A_82 = arith.index_cast %swap3A_81 : i32 to index
    %swap3A_83 = arith.constant 0 : index
    %swap3A_84 = tpu.vector_load %arg13[%swap3A_82, %swap3A_83] {strides = array<i32>} : memref<24x16xf32, #tpu.memory_space<vmem>>, vector<16xf32>,
    tpu.vector_store %arg13[%swap3A_82, %swap3A_83], %broadcast_in_dim3A_1 {strides = array<i32>} : memref<24x16xf32, #tpu.memory_space<vmem>>, vector<16xf32>,
    %swap3A_85 = arith.constant 5 : i32
    %swap3A_86 = arith.index_cast %swap3A_85 : i32 to index
    %swap3A_87 = arith.constant 0 : index
    %swap3A_88 = tpu.vector_load %arg13[%swap3A_86, %swap3A_87] {strides = array<i32>} : memref<24x16xf32, #tpu.memory_space<vmem>>, vector<16xf32>,
    tpu.vector_store %arg13[%swap3A_86, %swap3A_87], %broadcast_in_dim3A_1 {strides = array<i32>} : memref<24x16xf32, #tpu.memory_space<vmem>>, vector<16xf32>,
    %swap3A_89 = arith.constant 6 : i32
    %swap3A_90 = arith.index_cast %swap3A_89 : i32 to index
    %swap3A_91 = arith.constant 0 : index
    %swap3A_92 = tpu.vector_load %arg13[%swap3A_90, %swap3A_91] {strides = array<i32>} : memref<24x16xf32, #tpu.memory_space<vmem>>, vector<16xf32>,
    tpu.vector_store %arg13[%swap3A_90, %swap3A_91], %broadcast_in_dim3A_1 {strides = array<i32>} : memref<24x16xf32, #tpu.memory_space<vmem>>, vector<16xf32>,
    %swap3A_93 = arith.constant 7 : i32
    %swap3A_94 = arith.index_cast %swap3A_93 : i32 to index
    %swap3A_95 = arith.constant 0 : index
    %swap3A_96 = tpu.vector_load %arg13[%swap3A_94, %swap3A_95] {strides = array<i32>} : memref<24x16xf32, #tpu.memory_space<vmem>>, vector<16xf32>,
    tpu.vector_store %arg13[%swap3A_94, %swap3A_95], %broadcast_in_dim3A_1 {strides = array<i32>} : memref<24x16xf32, #tpu.memory_space<vmem>>, vector<16xf32>,
    %swap3A_97 = arith.constant 8 : i32
    %swap3A_98 = arith.index_cast %swap3A_97 : i32 to index
    %swap3A_99 = arith.constant 0 : index
    %swap3A_100 = tpu.vector_load %arg13[%swap3A_98, %swap3A_99] {strides = array<i32>} : memref<24x16xf32, #tpu.memory_space<vmem>>, vector<16xf32>,
    tpu.vector_store %arg13[%swap3A_98, %swap3A_99], %broadcast_in_dim3A_1 {strides = array<i32>} : memref<24x16xf32, #tpu.memory_space<vmem>>, vector<16xf32>,
    %swap3A_101 = arith.constant 9 : i32
    %swap3A_102 = arith.index_cast %swap3A_101 : i32 to index
    %swap3A_103 = arith.constant 0 : index
    %swap3A_104 = tpu.vector_load %arg13[%swap3A_102, %swap3A_103] {strides = array<i32>} : memref<24x16xf32, #tpu.memory_space<vmem>>, vector<16xf32>,
    tpu.vector_store %arg13[%swap3A_102, %swap3A_103], %broadcast_in_dim3A_1 {strides = array<i32>} : memref<24x16xf32, #tpu.memory_space<vmem>>, vector<16xf32>,
    %swap3A_105 = arith.constant 10 : i32
    %swap3A_106 = arith.index_cast %swap3A_105 : i32 to index
    %swap3A_107 = arith.constant 0 : index
    %swap3A_108 = tpu.vector_load %arg13[%swap3A_106, %swap3A_107] {strides = array<i32>} : memref<24x16xf32, #tpu.memory_space<vmem>>, vector<16xf32>,
    tpu.vector_store %arg13[%swap3A_106, %swap3A_107], %broadcast_in_dim3A_1 {strides = array<i32>} : memref<24x16xf32, #tpu.memory_space<vmem>>, vector<16xf32>,
    %swap3A_109 = arith.constant 11 : i32
    %swap3A_110 = arith.index_cast %swap3A_109 : i32 to index
    %swap3A_111 = arith.constant 0 : index
    %swap3A_112 = tpu.vector_load %arg13[%swap3A_110, %swap3A_111] {strides = array<i32>} : memref<24x16xf32, #tpu.memory_space<vmem>>, vector<16xf32>,
    tpu.vector_store %arg13[%swap3A_110, %swap3A_111], %broadcast_in_dim3A_1 {strides = array<i32>} : memref<24x16xf32, #tpu.memory_space<vmem>>, vector<16xf32>,
    %swap3A_113 = arith.constant 12 : i32
    %swap3A_114 = arith.index_cast %swap3A_113 : i32 to index
    %swap3A_115 = arith.constant 0 : index
    %swap3A_116 = tpu.vector_load %arg13[%swap3A_114, %swap3A_115] {strides = array<i32>} : memref<24x16xf32, #tpu.memory_space<vmem>>, vector<16xf32>,
    tpu.vector_store %arg13[%swap3A_114, %swap3A_115], %broadcast_in_dim3A_1 {strides = array<i32>} : memref<24x16xf32, #tpu.memory_space<vmem>>, vector<16xf32>,
    %swap3A_117 = arith.constant 13 : i32
    %swap3A_118 = arith.index_cast %swap3A_117 : i32 to index
    %swap3A_119 = arith.constant 0 : index
    %swap3A_120 = tpu.vector_load %arg13[%swap3A_118, %swap3A_119] {strides = array<i32>} : memref<24x16xf32, #tpu.memory_space<vmem>>, vector<16xf32>,
    tpu.vector_store %arg13[%swap3A_118, %swap3A_119], %broadcast_in_dim3A_1 {strides = array<i32>} : memref<24x16xf32, #tpu.memory_space<vmem>>, vector<16xf32>,
    %swap3A_121 = arith.constant 14 : i32
    %swap3A_122 = arith.index_cast %swap3A_121 : i32 to index
    %swap3A_123 = arith.constant 0 : index
    %swap3A_124 = tpu.vector_load %arg13[%swap3A_122, %swap3A_123] {strides = array<i32>} : memref<24x16xf32, #tpu.memory_space<vmem>>, vector<16xf32>,
    tpu.vector_store %arg13[%swap3A_122, %swap3A_123], %broadcast_in_dim3A_1 {strides = array<i32>} : memref<24x16xf32, #tpu.memory_space<vmem>>, vector<16xf32>,
    %swap3A_125 = arith.constant 15 : i32
    %swap3A_126 = arith.index_cast %swap3A_125 : i32 to index
    %swap3A_127 = arith.constant 0 : index
    %swap3A_128 = tpu.vector_load %arg13[%swap3A_126, %swap3A_127] {strides = array<i32>} : memref<24x16xf32, #tpu.memory_space<vmem>>, vector<16xf32>,
    tpu.vector_store %arg13[%swap3A_126, %swap3A_127], %broadcast_in_dim3A_1 {strides = array<i32>} : memref<24x16xf32, #tpu.memory_space<vmem>>, vector<16xf32>,
    %swap3A_129 = arith.constant 16 : i32
    %swap3A_130 = arith.index_cast %swap3A_129 : i32 to index
    %swap3A_131 = arith.constant 0 : index
    %swap3A_132 = tpu.vector_load %arg13[%swap3A_130, %swap3A_131] {strides = array<i32>} : memref<24x16xf32, #tpu.memory_space<vmem>>, vector<16xf32>,
    tpu.vector_store %arg13[%swap3A_130, %swap3A_131], %broadcast_in_dim3A_1 {strides = array<i32>} : memref<24x16xf32, #tpu.memory_space<vmem>>, vector<16xf32>,
    %swap3A_133 = arith.constant 17 : i32
    %swap3A_134 = arith.index_cast %swap3A_133 : i32 to index
    %swap3A_135 = arith.constant 0 : index
    %swap3A_136 = tpu.vector_load %arg13[%swap3A_134, %swap3A_135] {strides = array<i32>} : memref<24x16xf32, #tpu.memory_space<vmem>>, vector<16xf32>,
    tpu.vector_store %arg13[%swap3A_134, %swap3A_135], %broadcast_in_dim3A_1 {strides = array<i32>} : memref<24x16xf32, #tpu.memory_space<vmem>>, vector<16xf32>,
    %swap3A_137 = arith.constant 18 : i32
    %swap3A_138 = arith.index_cast %swap3A_137 : i32 to index
    %swap3A_139 = arith.constant 0 : index
    %swap3A_140 = tpu.vector_load %arg13[%swap3A_138, %swap3A_139] {strides = array<i32>} : memref<24x16xf32, #tpu.memory_space<vmem>>, vector<16xf32>,
    tpu.vector_store %arg13[%swap3A_138, %swap3A_139], %broadcast_in_dim3A_1 {strides = array<i32>} : memref<24x16xf32, #tpu.memory_space<vmem>>, vector<16xf32>,
    %swap3A_141 = arith.constant 19 : i32
    %swap3A_142 = arith.index_cast %swap3A_141 : i32 to index
    %swap3A_143 = arith.constant 0 : index
    %swap3A_144 = tpu.vector_load %arg13[%swap3A_142, %swap3A_143] {strides = array<i32>} : memref<24x16xf32, #tpu.memory_space<vmem>>, vector<16xf32>,
    tpu.vector_store %arg13[%swap3A_142, %swap3A_143], %broadcast_in_dim3A_1 {strides = array<i32>} : memref<24x16xf32, #tpu.memory_space<vmem>>, vector<16xf32>,
    %swap3A_145 = arith.constant 20 : i32
    %swap3A_146 = arith.index_cast %swap3A_145 : i32 to index
    %swap3A_147 = arith.constant 0 : index
    %swap3A_148 = tpu.vector_load %arg13[%swap3A_146, %swap3A_147] {strides = array<i32>} : memref<24x16xf32, #tpu.memory_space<vmem>>, vector<16xf32>,
    tpu.vector_store %arg13[%swap3A_146, %swap3A_147], %broadcast_in_dim3A_1 {strides = array<i32>} : memref<24x16xf32, #tpu.memory_space<vmem>>, vector<16xf32>,
    %swap3A_149 = arith.constant 21 : i32
    %swap3A_150 = arith.index_cast %swap3A_149 : i32 to index
    %swap3A_151 = arith.constant 0 : index
    %swap3A_152 = tpu.vector_load %arg13[%swap3A_150, %swap3A_151] {strides = array<i32>} : memref<24x16xf32, #tpu.memory_space<vmem>>, vector<16xf32>,
    tpu.vector_store %arg13[%swap3A_150, %swap3A_151], %broadcast_in_dim3A_1 {strides = array<i32>} : memref<24x16xf32, #tpu.memory_space<vmem>>, vector<16xf32>,
    %swap3A_153 = arith.constant 22 : i32
    %swap3A_154 = arith.index_cast %swap3A_153 : i32 to index
    %swap3A_155 = arith.constant 0 : index
    %swap3A_156 = tpu.vector_load %arg13[%swap3A_154, %swap3A_155] {strides = array<i32>} : memref<24x16xf32, #tpu.memory_space<vmem>>, vector<16xf32>,
    tpu.vector_store %arg13[%swap3A_154, %swap3A_155], %broadcast_in_dim3A_1 {strides = array<i32>} : memref<24x16xf32, #tpu.memory_space<vmem>>, vector<16xf32>,
    %swap3A_157 = arith.constant 23 : i32
    %swap3A_158 = arith.index_cast %swap3A_157 : i32 to index
    %swap3A_159 = arith.constant 0 : index
    %swap3A_160 = tpu.vector_load %arg13[%swap3A_158, %swap3A_159] {strides = array<i32>} : memref<24x16xf32, #tpu.memory_space<vmem>>, vector<16xf32>,
    tpu.vector_store %arg13[%swap3A_158, %swap3A_159], %broadcast_in_dim3A_1 {strides = array<i32>} : memref<24x16xf32, #tpu.memory_space<vmem>>, vector<16xf32>,
    %scan3A = arith.constant 0 : i32
    %scan3A_161 = arith.constant 0 : i32
    %scan3A_162 = arith.constant 160 : i32
    %scan3A_163 = arith.addi %scan3A_161, %scan3A_162 : i32
    %scan3A_164 = arith.constant 1 : i32
    %scan3A_165 = scf.for %scan3A_195 = %scan3A_161 to %scan3A_163 step %scan3A_164 iter_args(%scan3A_196 = %scan3A) -> (i32)  : i32 {
      %mul3A_197 = arith.constant 160 : i32
      %mul3A_198 = arith.muli %arg1, %mul3A_197 : i32
      %add3A_199 = arith.addi %mul3A_198, %scan3A_195 : i32
      "tpu.region"() ({
        %run_scoped3A = tpu.sem_alloc : memref<!tpu.dma_semaphore, #tpu.memory_space<semaphore_mem>>
        %dma_start3A_201 = arith.constant 0 : i32
        %dma_start3A_202 = tpu.memref_slice %arg17[%add3A_199, %dma_start3A_201] : memref<2560x512xf32, #tpu.memory_space<vmem_shared>> -> memref<1x512xf32, #tpu.memory_space<vmem_shared>>
        %dma_start3A_203 = tpu.memref_squeeze %dma_start3A_202 : memref<1x512xf32, #tpu.memory_space<vmem_shared>> -> memref<512xf32, #tpu.memory_space<vmem_shared>>
        %dma_start3A_204 = arith.constant 0 : i32
        %dma_start3A_205 = tpu.memref_slice %arg17[%add3A_199, %dma_start3A_204] : memref<2560x512xf32, #tpu.memory_space<vmem_shared>> -> memref<1x512xf32, #tpu.memory_space<vmem_shared>>
        %dma_start3A_206 = tpu.memref_squeeze %dma_start3A_205 : memref<1x512xf32, #tpu.memory_space<vmem_shared>> -> memref<512xf32, #tpu.memory_space<vmem_shared>>
        tpu.enqueue_dma source(%arg16 : memref<512xf32, #tpu.memory_space<vmem>>) target(%dma_start3A_206 : memref<512xf32, #tpu.memory_space<vmem_shared>>) target_semaphore(%run_scoped3A : memref<!tpu.dma_semaphore, #tpu.memory_space<semaphore_mem>>)
        %dma_wait3A = arith.constant 0 : i32
        %dma_wait3A_207 = tpu.memref_slice %arg17[%add3A_199, %dma_wait3A] : memref<2560x512xf32, #tpu.memory_space<vmem_shared>> -> memref<1x512xf32, #tpu.memory_space<vmem_shared>>
        %dma_wait3A_208 = tpu.memref_squeeze %dma_wait3A_207 : memref<1x512xf32, #tpu.memory_space<vmem_shared>> -> memref<512xf32, #tpu.memory_space<vmem_shared>>
        %dma_wait3A_209 = arith.constant 0 : i32
        %dma_wait3A_210 = tpu.memref_slice %arg17[%add3A_199, %dma_wait3A_209] : memref<2560x512xf32, #tpu.memory_space<vmem_shared>> -> memref<1x512xf32, #tpu.memory_space<vmem_shared>>
        %dma_wait3A_211 = tpu.memref_squeeze %dma_wait3A_210 : memref<1x512xf32, #tpu.memory_space<vmem_shared>> -> memref<512xf32, #tpu.memory_space<vmem_shared>>
        tpu.wait_dma2 semaphore(%run_scoped3A : memref<!tpu.dma_semaphore, #tpu.memory_space<semaphore_mem>>) src(%arg16 : memref<512xf32, #tpu.memory_space<vmem>>) dst(%dma_wait3A_211 : memref<512xf32, #tpu.memory_space<vmem_shared>>)
        tpu.yield
      }) : () -> ()
      %scan3A_200 = arith.constant 0 : i32
      scf.yield %scan3A_200 : i32
    }
    %scan3A_166 = arith.constant 160 : i32
    %scan3A_167 = arith.constant 0 : i32
    %scan3A_168 = arith.constant 0 : i32
    %scan3A_169 = arith.constant 10 : i32
    %scan3A_170 = arith.addi %scan3A_168, %scan3A_169 : i32
    %scan3A_171 = arith.constant 1 : i32
    %scan3A_172 = scf.for %scan3A_195 = %scan3A_168 to %scan3A_170 step %scan3A_171 iter_args(%scan3A_196 = %scan3A_167) -> (i32)  : i32 {
      %mul3A_197 = arith.constant 160 : i32
      %mul3A_198 = arith.muli %arg1, %mul3A_197 : i32
      %mul3A_199 = arith.constant 16 : i32
      %mul3A_200 = arith.muli %scan3A_195, %mul3A_199 : i32
      %add3A_201 = arith.addi %mul3A_198, %mul3A_200 : i32
      "tpu.region"() ({
        %run_scoped3A = tpu.sem_alloc : memref<!tpu.dma_semaphore, #tpu.memory_space<semaphore_mem>>
        %dma_start3A_203 = arith.constant 0 : i32
        %dma_start3A_204 = arith.constant 0 : i32
        %dma_start3A_205 = tpu.memref_slice %arg13[%dma_start3A_203, %dma_start3A_204] : memref<24x16xf32, #tpu.memory_space<vmem>> -> memref<16x16xf32, #tpu.memory_space<vmem>>
        %dma_start3A_206 = arith.constant 0 : i32
        %dma_start3A_207 = tpu.memref_slice %arg18[%add3A_201, %dma_start3A_206] : memref<2560x16xf32, #tpu.memory_space<vmem_shared>> -> memref<16x16xf32, #tpu.memory_space<vmem_shared>>
        %dma_start3A_208 = arith.constant 0 : i32
        %dma_start3A_209 = tpu.memref_slice %arg18[%add3A_201, %dma_start3A_208] : memref<2560x16xf32, #tpu.memory_space<vmem_shared>> -> memref<16x16xf32, #tpu.memory_space<vmem_shared>>
        %dma_start3A_210 = arith.constant 0 : i32
        %dma_start3A_211 = arith.constant 0 : i32
        %dma_start3A_212 = tpu.memref_slice %arg13[%dma_start3A_210, %dma_start3A_211] : memref<24x16xf32, #tpu.memory_space<vmem>> -> memref<16x16xf32, #tpu.memory_space<vmem>>
        tpu.enqueue_dma source(%dma_start3A_212 : memref<16x16xf32, #tpu.memory_space<vmem>>) target(%dma_start3A_209 : memref<16x16xf32, #tpu.memory_space<vmem_shared>>) target_semaphore(%run_scoped3A : memref<!tpu.dma_semaphore, #tpu.memory_space<semaphore_mem>>)
        %dma_wait3A = arith.constant 0 : i32
        %dma_wait3A_213 = arith.constant 0 : i32
        %dma_wait3A_214 = tpu.memref_slice %arg13[%dma_wait3A, %dma_wait3A_213] : memref<24x16xf32, #tpu.memory_space<vmem>> -> memref<16x16xf32, #tpu.memory_space<vmem>>
        %dma_wait3A_215 = arith.constant 0 : i32
        %dma_wait3A_216 = tpu.memref_slice %arg18[%add3A_201, %dma_wait3A_215] : memref<2560x16xf32, #tpu.memory_space<vmem_shared>> -> memref<16x16xf32, #tpu.memory_space<vmem_shared>>
        %dma_wait3A_217 = arith.constant 0 : i32
        %dma_wait3A_218 = tpu.memref_slice %arg18[%add3A_201, %dma_wait3A_217] : memref<2560x16xf32, #tpu.memory_space<vmem_shared>> -> memref<16x16xf32, #tpu.memory_space<vmem_shared>>
        %dma_wait3A_219 = arith.constant 0 : i32
        %dma_wait3A_220 = arith.constant 0 : i32
        %dma_wait3A_221 = tpu.memref_slice %arg13[%dma_wait3A_219, %dma_wait3A_220] : memref<24x16xf32, #tpu.memory_space<vmem>> -> memref<16x16xf32, #tpu.memory_space<vmem>>
        tpu.wait_dma2 semaphore(%run_scoped3A : memref<!tpu.dma_semaphore, #tpu.memory_space<semaphore_mem>>) src(%dma_wait3A_221 : memref<16x16xf32, #tpu.memory_space<vmem>>) dst(%dma_wait3A_218 : memref<16x16xf32, #tpu.memory_space<vmem_shared>>)
        tpu.yield
      }) : () -> ()
      %scan3A_202 = arith.constant 0 : i32
      scf.yield %scan3A_202 : i32
    }
    %scan3A_173 = arith.constant 10 : i32
    %barrier3A = arith.constant 0 : index
    tpu.barrier barrier_id(%barrier3A)
    %dma_start3A = arith.constant 0 : i32
    %dma_start3A_174 = arith.constant 0 : i32
    %dma_start3A_175 = tpu.memref_slice %arg9[%dma_start3A, %dma_start3A_174] : memref<110x24xi32, #tpu.memory_space<vmem>> -> memref<1x24xi32, #tpu.memory_space<vmem>>
    %dma_start3A_176 = tpu.memref_squeeze %dma_start3A_175 : memref<1x24xi32, #tpu.memory_space<vmem>> -> memref<24xi32, #tpu.memory_space<vmem>>
    %dma_start3A_177 = arith.constant 0 : i32
    %dma_start3A_178 = arith.constant 0 : i32
    %dma_start3A_179 = tpu.memref_slice %arg2[%dma_start3A_177, %dma_start3A_178] : memref<2560x512xf32, #tpu.memory_space<hbm>> -> memref<2560x512xf32, #tpu.memory_space<hbm>>
    tpu.enqueue_indirect_dma source(%dma_start3A_179 : memref<2560x512xf32, #tpu.memory_space<hbm>>) target(%arg11 : memref<24x512xf32, #tpu.memory_space<vmem>>) offsets(%dma_start3A_176 : memref<24xi32, #tpu.memory_space<vmem>>) semaphore(%arg19 : memref<!tpu.dma_semaphore, #tpu.memory_space<semaphore_mem>>)
    %scan3A_180 = arith.constant 0 : i32
    %scan3A_181 = arith.constant 0 : i32
    %scan3A_182 = arith.constant 55 : i32
    %scan3A_183 = arith.addi %scan3A_181, %scan3A_182 : i32
    %scan3A_184 = arith.constant 1 : i32
    %scan3A_185 = scf.for %scan3A_195 = %scan3A_181 to %scan3A_183 step %scan3A_184 iter_args(%scan3A_196 = %scan3A_180) -> (i32)  : i32 {
      %mul3A_197 = arith.constant 2 : i32
      %mul3A_198 = arith.muli %scan3A_195, %mul3A_197 : i32
      %add3A_199 = arith.constant 1 : i32
      %add3A_200 = arith.addi %mul3A_198, %add3A_199 : i32
      %dma_start3A_201 = arith.constant 0 : i32
      %dma_start3A_202 = tpu.memref_slice %arg9[%add3A_200, %dma_start3A_201] : memref<110x24xi32, #tpu.memory_space<vmem>> -> memref<1x24xi32, #tpu.memory_space<vmem>>
      %dma_start3A_203 = tpu.memref_squeeze %dma_start3A_202 : memref<1x24xi32, #tpu.memory_space<vmem>> -> memref<24xi32, #tpu.memory_space<vmem>>
      %dma_start3A_204 = arith.constant 0 : i32
      %dma_start3A_205 = arith.constant 0 : i32
      %dma_start3A_206 = tpu.memref_slice %arg2[%dma_start3A_204, %dma_start3A_205] : memref<2560x512xf32, #tpu.memory_space<hbm>> -> memref<2560x512xf32, #tpu.memory_space<hbm>>
      tpu.enqueue_indirect_dma source(%dma_start3A_206 : memref<2560x512xf32, #tpu.memory_space<hbm>>) target(%arg12 : memref<24x512xf32, #tpu.memory_space<vmem>>) offsets(%dma_start3A_203 : memref<24xi32, #tpu.memory_space<vmem>>) semaphore(%arg20 : memref<!tpu.dma_semaphore, #tpu.memory_space<semaphore_mem>>)
      %dma_start3A_207 = arith.constant 0 : i32
      %dma_start3A_208 = tpu.memref_slice %arg9[%mul3A_198, %dma_start3A_207] : memref<110x24xi32, #tpu.memory_space<vmem>> -> memref<1x24xi32, #tpu.memory_space<vmem>>
      %dma_start3A_209 = tpu.memref_squeeze %dma_start3A_208 : memref<1x24xi32, #tpu.memory_space<vmem>> -> memref<24xi32, #tpu.memory_space<vmem>>
      %dma_start3A_210 = arith.constant 0 : i32
      %dma_start3A_211 = arith.constant 0 : i32
      %dma_start3A_212 = tpu.memref_slice %arg3[%dma_start3A_210, %dma_start3A_211] : memref<2560x16xf32, #tpu.memory_space<hbm>> -> memref<2560x16xf32, #tpu.memory_space<hbm>>
      tpu.enqueue_indirect_dma source(%dma_start3A_212 : memref<2560x16xf32, #tpu.memory_space<hbm>>) target(%arg14 : memref<24x16xf32, #tpu.memory_space<vmem>>) offsets(%dma_start3A_209 : memref<24xi32, #tpu.memory_space<vmem>>) semaphore(%arg21 : memref<!tpu.dma_semaphore, #tpu.memory_space<semaphore_mem>>)
      %dma_start3A_213 = arith.constant 0 : i32
      %dma_start3A_214 = tpu.memref_slice %arg10[%mul3A_198, %dma_start3A_213] : memref<110x24xi32, #tpu.memory_space<vmem>> -> memref<1x24xi32, #tpu.memory_space<vmem>>
      %dma_start3A_215 = tpu.memref_squeeze %dma_start3A_214 : memref<1x24xi32, #tpu.memory_space<vmem>> -> memref<24xi32, #tpu.memory_space<vmem>>
      %dma_start3A_216 = arith.constant 0 : i32
      %dma_start3A_217 = arith.constant 0 : i32
      %dma_start3A_218 = tpu.memref_slice %arg4[%dma_start3A_216, %dma_start3A_217] : memref<2560x16xf32, #tpu.memory_space<hbm>> -> memref<2560x16xf32, #tpu.memory_space<hbm>>
      tpu.enqueue_indirect_dma source(%dma_start3A_218 : memref<2560x16xf32, #tpu.memory_space<hbm>>) target(%arg15 : memref<24x16xf32, #tpu.memory_space<vmem>>) offsets(%dma_start3A_215 : memref<24xi32, #tpu.memory_space<vmem>>) semaphore(%arg21 : memref<!tpu.dma_semaphore, #tpu.memory_space<semaphore_mem>>)
      %dma_wait3A = arith.constant 0 : i32
      %dma_wait3A_219 = tpu.memref_slice %arg9[%mul3A_198, %dma_wait3A] : memref<110x24xi32, #tpu.memory_space<vmem>> -> memref<1x24xi32, #tpu.memory_space<vmem>>
      %dma_wait3A_220 = tpu.memref_squeeze %dma_wait3A_219 : memref<1x24xi32, #tpu.memory_space<vmem>> -> memref<24xi32, #tpu.memory_space<vmem>>
      %dma_wait3A_221 = arith.constant 0 : i32
      %dma_wait3A_222 = arith.constant 0 : i32
      %dma_wait3A_223 = tpu.memref_slice %arg3[%dma_wait3A_221, %dma_wait3A_222] : memref<2560x16xf32, #tpu.memory_space<hbm>> -> memref<2560x16xf32, #tpu.memory_space<hbm>>
      tpu.wait_indirect_dma semaphore(%arg21 : memref<!tpu.dma_semaphore, #tpu.memory_space<semaphore_mem>>) src(%dma_wait3A_223 : memref<2560x16xf32, #tpu.memory_space<hbm>>) dst(%arg14 : memref<24x16xf32, #tpu.memory_space<vmem>>)
      %dma_wait3A_224 = arith.constant 0 : i32
      %dma_wait3A_225 = tpu.memref_slice %arg10[%mul3A_198, %dma_wait3A_224] : memref<110x24xi32, #tpu.memory_space<vmem>> -> memref<1x24xi32, #tpu.memory_space<vmem>>
      %dma_wait3A_226 = tpu.memref_squeeze %dma_wait3A_225 : memref<1x24xi32, #tpu.memory_space<vmem>> -> memref<24xi32, #tpu.memory_space<vmem>>
      %dma_wait3A_227 = arith.constant 0 : i32
      %dma_wait3A_228 = arith.constant 0 : i32
      %dma_wait3A_229 = tpu.memref_slice %arg4[%dma_wait3A_227, %dma_wait3A_228] : memref<2560x16xf32, #tpu.memory_space<hbm>> -> memref<2560x16xf32, #tpu.memory_space<hbm>>
      tpu.wait_indirect_dma semaphore(%arg21 : memref<!tpu.dma_semaphore, #tpu.memory_space<semaphore_mem>>) src(%dma_wait3A_229 : memref<2560x16xf32, #tpu.memory_space<hbm>>) dst(%arg15 : memref<24x16xf32, #tpu.memory_space<vmem>>)
      %scan3A_230 = arith.constant 0 : i32
      %scan3A_231 = arith.constant 0 : i32
      %scan3A_232 = arith.constant 24 : i32
      %scan3A_233 = arith.addi %scan3A_231, %scan3A_232 : i32
      %scan3A_234 = arith.constant 1 : i32
      %scan3A_235 = scf.for %scan3A_301 = %scan3A_231 to %scan3A_233 step %scan3A_234 iter_args(%scan3A_302 = %scan3A_230) -> (i32)  : i32 {
        %get3A = arith.index_cast %scan3A_301 : i32 to index
        %get3A_303 = arith.constant 0 : index
        %get3A_304 = tpu.vector_load %arg14[%get3A, %get3A_303] {strides = array<i32>} : memref<24x16xf32, #tpu.memory_space<vmem>>, vector<16xf32>,
        %get3A_305 = arith.index_cast %scan3A_301 : i32 to index
        %get3A_306 = arith.constant 0 : index
        %get3A_307 = tpu.vector_load %arg15[%get3A_305, %get3A_306] {strides = array<i32>} : memref<24x16xf32, #tpu.memory_space<vmem>>, vector<16xf32>,
        %add3A_308 = arith.addf %get3A_304, %get3A_307 : vector<16xf32>
        %mul3A_309 = arith.constant 2.000000e-01 : f32
        %mul3A_310 = vector.broadcast %mul3A_309 : f32 to vector<16xf32>
        %mul3A_311 = arith.mulf %add3A_308, %mul3A_310 : vector<16xf32>
        %max3A = arith.maximumf %add3A_308, %mul3A_311 : vector<16xf32>
        %exp3A = math.exp %max3A : vector<16xf32>
        %swap3A_312 = arith.index_cast %scan3A_301 : i32 to index
        %swap3A_313 = arith.constant 0 : index
        %swap3A_314 = tpu.vector_load %arg13[%swap3A_312, %swap3A_313] {strides = array<i32>} : memref<24x16xf32, #tpu.memory_space<vmem>>, vector<16xf32>,
        tpu.vector_store %arg13[%swap3A_312, %swap3A_313], %exp3A {strides = array<i32>} : memref<24x16xf32, #tpu.memory_space<vmem>>, vector<16xf32>,
        %scan3A_315 = arith.constant 0 : i32
        scf.yield %scan3A_315 : i32
      }
      %scan3A_236 = arith.constant 24 : i32
      %dma_wait3A_237 = arith.constant 0 : i32
      %dma_wait3A_238 = tpu.memref_slice %arg9[%mul3A_198, %dma_wait3A_237] : memref<110x24xi32, #tpu.memory_space<vmem>> -> memref<1x24xi32, #tpu.memory_space<vmem>>
      %dma_wait3A_239 = tpu.memref_squeeze %dma_wait3A_238 : memref<1x24xi32, #tpu.memory_space<vmem>> -> memref<24xi32, #tpu.memory_space<vmem>>
      %dma_wait3A_240 = arith.constant 0 : i32
      %dma_wait3A_241 = arith.constant 0 : i32
      %dma_wait3A_242 = tpu.memref_slice %arg2[%dma_wait3A_240, %dma_wait3A_241] : memref<2560x512xf32, #tpu.memory_space<hbm>> -> memref<2560x512xf32, #tpu.memory_space<hbm>>
      tpu.wait_indirect_dma semaphore(%arg19 : memref<!tpu.dma_semaphore, #tpu.memory_space<semaphore_mem>>) src(%dma_wait3A_242 : memref<2560x512xf32, #tpu.memory_space<hbm>>) dst(%arg11 : memref<24x512xf32, #tpu.memory_space<vmem>>)
      %scan3A_243 = arith.constant 0 : i32
      %scan3A_244 = arith.constant 0 : i32
      %scan3A_245 = arith.constant 24 : i32
      %scan3A_246 = arith.addi %scan3A_244, %scan3A_245 : i32
      %scan3A_247 = arith.constant 1 : i32
      %scan3A_248 = scf.for %scan3A_301 = %scan3A_244 to %scan3A_246 step %scan3A_247 iter_args(%scan3A_302 = %scan3A_243) -> (i32)  : i32 {
        %get3A = arith.index_cast %scan3A_301 : i32 to index
        %get3A_303 = arith.constant 0 : index
        %get3A_304 = tpu.vector_load %arg13[%get3A, %get3A_303] {strides = array<i32>} : memref<24x16xf32, #tpu.memory_space<vmem>>, vector<16xf32>,
        %broadcast_in_dim3A_305 = arith.constant 0 : i32
        %broadcast_in_dim3A_306 = vector.broadcast %broadcast_in_dim3A_305 : i32 to vector<16xi32>
        %lt3A_307 = arith.constant 0 : i32
        %lt3A_308 = vector.broadcast %lt3A_307 : i32 to vector<16xi32>
        %lt3A_309 = arith.cmpi slt, %broadcast_in_dim3A_306, %lt3A_308 : vector<16xi32>
        %add3A_310 = arith.constant 16 : i32
        %add3A_311 = vector.broadcast %add3A_310 : i32 to vector<16xi32>
        %add3A_312 = arith.addi %broadcast_in_dim3A_306, %add3A_311 : vector<16xi32>
        %select_n3A = arith.select %lt3A_309, %add3A_312, %broadcast_in_dim3A_306 : vector<16xi1>, vector<16xi32>
        %broadcast_in_dim3A_313 = vector.shape_cast %select_n3A : vector<16xi32> to vector<16x1xi32>
        %gather3A = vector.shape_cast %broadcast_in_dim3A_313 : vector<16x1xi32> to vector<16xi32>
        %gather3A_314 = tpu.dynamic_gather %get3A_304[%gather3A] in [0] : vector<16xf32>, vector<16xi32> -> vector<16xf32>
        %get3A_315 = arith.index_cast %scan3A_301 : i32 to index
        %get3A_316 = arith.constant 0 : index
        %get3A_317 = tpu.vector_load %arg11[%get3A_315, %get3A_316] {strides = array<i32>} : memref<24x512xf32, #tpu.memory_space<vmem>>, vector<16xf32>,
        %mul3A_318 = arith.mulf %get3A_317, %gather3A_314 : vector<16xf32>
        %swap3A_319 = arith.index_cast %scan3A_301 : i32 to index
        %swap3A_320 = arith.constant 0 : index
        %swap3A_321 = tpu.vector_load %arg11[%swap3A_319, %swap3A_320] {strides = array<i32>} : memref<24x512xf32, #tpu.memory_space<vmem>>, vector<16xf32>,
        tpu.vector_store %arg11[%swap3A_319, %swap3A_320], %mul3A_318 {strides = array<i32>} : memref<24x512xf32, #tpu.memory_space<vmem>>, vector<16xf32>,
        %get3A_322 = arith.index_cast %scan3A_301 : i32 to index
        %get3A_323 = arith.constant 16 : index
        %get3A_324 = tpu.vector_load %arg11[%get3A_322, %get3A_323] {strides = array<i32>} : memref<24x512xf32, #tpu.memory_space<vmem>>, vector<16xf32>,
        %mul3A_325 = arith.mulf %get3A_324, %gather3A_314 : vector<16xf32>
        %swap3A_326 = arith.index_cast %scan3A_301 : i32 to index
        %swap3A_327 = arith.constant 16 : index
        %swap3A_328 = tpu.vector_load %arg11[%swap3A_326, %swap3A_327] {strides = array<i32>} : memref<24x512xf32, #tpu.memory_space<vmem>>, vector<16xf32>,
        tpu.vector_store %arg11[%swap3A_326, %swap3A_327], %mul3A_325 {strides = array<i32>} : memref<24x512xf32, #tpu.memory_space<vmem>>, vector<16xf32>,
        %get3A_329 = arith.index_cast %scan3A_301 : i32 to index
        %get3A_330 = arith.constant 32 : index
        %get3A_331 = tpu.vector_load %arg11[%get3A_329, %get3A_330] {strides = array<i32>} : memref<24x512xf32, #tpu.memory_space<vmem>>, vector<16xf32>,
        %mul3A_332 = arith.mulf %get3A_331, %gather3A_314 : vector<16xf32>
        %swap3A_333 = arith.index_cast %scan3A_301 : i32 to index
        %swap3A_334 = arith.constant 32 : index
        %swap3A_335 = tpu.vector_load %arg11[%swap3A_333, %swap3A_334] {strides = array<i32>} : memref<24x512xf32, #tpu.memory_space<vmem>>, vector<16xf32>,
        tpu.vector_store %arg11[%swap3A_333, %swap3A_334], %mul3A_332 {strides = array<i32>} : memref<24x512xf32, #tpu.memory_space<vmem>>, vector<16xf32>,
        %get3A_336 = arith.index_cast %scan3A_301 : i32 to index
        %get3A_337 = arith.constant 48 : index
        %get3A_338 = tpu.vector_load %arg11[%get3A_336, %get3A_337] {strides = array<i32>} : memref<24x512xf32, #tpu.memory_space<vmem>>, vector<16xf32>,
        %mul3A_339 = arith.mulf %get3A_338, %gather3A_314 : vector<16xf32>
        %swap3A_340 = arith.index_cast %scan3A_301 : i32 to index
        %swap3A_341 = arith.constant 48 : index
        %swap3A_342 = tpu.vector_load %arg11[%swap3A_340, %swap3A_341] {strides = array<i32>} : memref<24x512xf32, #tpu.memory_space<vmem>>, vector<16xf32>,
        tpu.vector_store %arg11[%swap3A_340, %swap3A_341], %mul3A_339 {strides = array<i32>} : memref<24x512xf32, #tpu.memory_space<vmem>>, vector<16xf32>,
        %get3A_343 = arith.index_cast %scan3A_301 : i32 to index
        %get3A_344 = arith.constant 64 : index
        %get3A_345 = tpu.vector_load %arg11[%get3A_343, %get3A_344] {strides = array<i32>} : memref<24x512xf32, #tpu.memory_space<vmem>>, vector<16xf32>,
        %mul3A_346 = arith.mulf %get3A_345, %gather3A_314 : vector<16xf32>
        %swap3A_347 = arith.index_cast %scan3A_301 : i32 to index
        %swap3A_348 = arith.constant 64 : index
        %swap3A_349 = tpu.vector_load %arg11[%swap3A_347, %swap3A_348] {strides = array<i32>} : memref<24x512xf32, #tpu.memory_space<vmem>>, vector<16xf32>,
        tpu.vector_store %arg11[%swap3A_347, %swap3A_348], %mul3A_346 {strides = array<i32>} : memref<24x512xf32, #tpu.memory_space<vmem>>, vector<16xf32>,
        %get3A_350 = arith.index_cast %scan3A_301 : i32 to index
        %get3A_351 = arith.constant 80 : index
        %get3A_352 = tpu.vector_load %arg11[%get3A_350, %get3A_351] {strides = array<i32>} : memref<24x512xf32, #tpu.memory_space<vmem>>, vector<16xf32>,
        %mul3A_353 = arith.mulf %get3A_352, %gather3A_314 : vector<16xf32>
        %swap3A_354 = arith.index_cast %scan3A_301 : i32 to index
        %swap3A_355 = arith.constant 80 : index
        %swap3A_356 = tpu.vector_load %arg11[%swap3A_354, %swap3A_355] {strides = array<i32>} : memref<24x512xf32, #tpu.memory_space<vmem>>, vector<16xf32>,
        tpu.vector_store %arg11[%swap3A_354, %swap3A_355], %mul3A_353 {strides = array<i32>} : memref<24x512xf32, #tpu.memory_space<vmem>>, vector<16xf32>,
        %get3A_357 = arith.index_cast %scan3A_301 : i32 to index
        %get3A_358 = arith.constant 96 : index
        %get3A_359 = tpu.vector_load %arg11[%get3A_357, %get3A_358] {strides = array<i32>} : memref<24x512xf32, #tpu.memory_space<vmem>>, vector<16xf32>,
        %mul3A_360 = arith.mulf %get3A_359, %gather3A_314 : vector<16xf32>
        %swap3A_361 = arith.index_cast %scan3A_301 : i32 to index
        %swap3A_362 = arith.constant 96 : index
        %swap3A_363 = tpu.vector_load %arg11[%swap3A_361, %swap3A_362] {strides = array<i32>} : memref<24x512xf32, #tpu.memory_space<vmem>>, vector<16xf32>,
        tpu.vector_store %arg11[%swap3A_361, %swap3A_362], %mul3A_360 {strides = array<i32>} : memref<24x512xf32, #tpu.memory_space<vmem>>, vector<16xf32>,
        %get3A_364 = arith.index_cast %scan3A_301 : i32 to index
        %get3A_365 = arith.constant 112 : index
        %get3A_366 = tpu.vector_load %arg11[%get3A_364, %get3A_365] {strides = array<i32>} : memref<24x512xf32, #tpu.memory_space<vmem>>, vector<16xf32>,
        %mul3A_367 = arith.mulf %get3A_366, %gather3A_314 : vector<16xf32>
        %swap3A_368 = arith.index_cast %scan3A_301 : i32 to index
        %swap3A_369 = arith.constant 112 : index
        %swap3A_370 = tpu.vector_load %arg11[%swap3A_368, %swap3A_369] {strides = array<i32>} : memref<24x512xf32, #tpu.memory_space<vmem>>, vector<16xf32>,
        tpu.vector_store %arg11[%swap3A_368, %swap3A_369], %mul3A_367 {strides = array<i32>} : memref<24x512xf32, #tpu.memory_space<vmem>>, vector<16xf32>,
        %broadcast_in_dim3A_371 = arith.constant 1 : i32
        %broadcast_in_dim3A_372 = vector.broadcast %broadcast_in_dim3A_371 : i32 to vector<16xi32>
        %lt3A_373 = arith.constant 0 : i32
        %lt3A_374 = vector.broadcast %lt3A_373 : i32 to vector<16xi32>
        %lt3A_375 = arith.cmpi slt, %broadcast_in_dim3A_372, %lt3A_374 : vector<16xi32>
        %add3A_376 = arith.constant 16 : i32
        %add3A_377 = vector.broadcast %add3A_376 : i32 to vector<16xi32>
        %add3A_378 = arith.addi %broadcast_in_dim3A_372, %add3A_377 : vector<16xi32>
        %select_n3A_379 = arith.select %lt3A_375, %add3A_378, %broadcast_in_dim3A_372 : vector<16xi1>, vector<16xi32>
        %broadcast_in_dim3A_380 = vector.shape_cast %select_n3A_379 : vector<16xi32> to vector<16x1xi32>
        %gather3A_381 = vector.shape_cast %broadcast_in_dim3A_380 : vector<16x1xi32> to vector<16xi32>
        %gather3A_382 = tpu.dynamic_gather %get3A_304[%gather3A_381] in [0] : vector<16xf32>, vector<16xi32> -> vector<16xf32>
        %get3A_383 = arith.index_cast %scan3A_301 : i32 to index
        %get3A_384 = arith.constant 128 : index
        %get3A_385 = tpu.vector_load %arg11[%get3A_383, %get3A_384] {strides = array<i32>} : memref<24x512xf32, #tpu.memory_space<vmem>>, vector<16xf32>,
        %mul3A_386 = arith.mulf %get3A_385, %gather3A_382 : vector<16xf32>
        %swap3A_387 = arith.index_cast %scan3A_301 : i32 to index
        %swap3A_388 = arith.constant 128 : index
        %swap3A_389 = tpu.vector_load %arg11[%swap3A_387, %swap3A_388] {strides = array<i32>} : memref<24x512xf32, #tpu.memory_space<vmem>>, vector<16xf32>,
        tpu.vector_store %arg11[%swap3A_387, %swap3A_388], %mul3A_386 {strides = array<i32>} : memref<24x512xf32, #tpu.memory_space<vmem>>, vector<16xf32>,
        %get3A_390 = arith.index_cast %scan3A_301 : i32 to index
        %get3A_391 = arith.constant 144 : index
        %get3A_392 = tpu.vector_load %arg11[%get3A_390, %get3A_391] {strides = array<i32>} : memref<24x512xf32, #tpu.memory_space<vmem>>, vector<16xf32>,
        %mul3A_393 = arith.mulf %get3A_392, %gather3A_382 : vector<16xf32>
        %swap3A_394 = arith.index_cast %scan3A_301 : i32 to index
        %swap3A_395 = arith.constant 144 : index
        %swap3A_396 = tpu.vector_load %arg11[%swap3A_394, %swap3A_395] {strides = array<i32>} : memref<24x512xf32, #tpu.memory_space<vmem>>, vector<16xf32>,
        tpu.vector_store %arg11[%swap3A_394, %swap3A_395], %mul3A_393 {strides = array<i32>} : memref<24x512xf32, #tpu.memory_space<vmem>>, vector<16xf32>,
        %get3A_397 = arith.index_cast %scan3A_301 : i32 to index
        %get3A_398 = arith.constant 160 : index
        %get3A_399 = tpu.vector_load %arg11[%get3A_397, %get3A_398] {strides = array<i32>} : memref<24x512xf32, #tpu.memory_space<vmem>>, vector<16xf32>,
        %mul3A_400 = arith.mulf %get3A_399, %gather3A_382 : vector<16xf32>
        %swap3A_401 = arith.index_cast %scan3A_301 : i32 to index
        %swap3A_402 = arith.constant 160 : index
        %swap3A_403 = tpu.vector_load %arg11[%swap3A_401, %swap3A_402] {strides = array<i32>} : memref<24x512xf32, #tpu.memory_space<vmem>>, vector<16xf32>,
        tpu.vector_store %arg11[%swap3A_401, %swap3A_402], %mul3A_400 {strides = array<i32>} : memref<24x512xf32, #tpu.memory_space<vmem>>, vector<16xf32>,
        %get3A_404 = arith.index_cast %scan3A_301 : i32 to index
        %get3A_405 = arith.constant 176 : index
        %get3A_406 = tpu.vector_load %arg11[%get3A_404, %get3A_405] {strides = array<i32>} : memref<24x512xf32, #tpu.memory_space<vmem>>, vector<16xf32>,
        %mul3A_407 = arith.mulf %get3A_406, %gather3A_382 : vector<16xf32>
        %swap3A_408 = arith.index_cast %scan3A_301 : i32 to index
        %swap3A_409 = arith.constant 176 : index
        %swap3A_410 = tpu.vector_load %arg11[%swap3A_408, %swap3A_409] {strides = array<i32>} : memref<24x512xf32, #tpu.memory_space<vmem>>, vector<16xf32>,
        tpu.vector_store %arg11[%swap3A_408, %swap3A_409], %mul3A_407 {strides = array<i32>} : memref<24x512xf32, #tpu.memory_space<vmem>>, vector<16xf32>,
        %get3A_411 = arith.index_cast %scan3A_301 : i32 to index
        %get3A_412 = arith.constant 192 : index
        %get3A_413 = tpu.vector_load %arg11[%get3A_411, %get3A_412] {strides = array<i32>} : memref<24x512xf32, #tpu.memory_space<vmem>>, vector<16xf32>,
        %mul3A_414 = arith.mulf %get3A_413, %gather3A_382 : vector<16xf32>
        %swap3A_415 = arith.index_cast %scan3A_301 : i32 to index
        %swap3A_416 = arith.constant 192 : index
        %swap3A_417 = tpu.vector_load %arg11[%swap3A_415, %swap3A_416] {strides = array<i32>} : memref<24x512xf32, #tpu.memory_space<vmem>>, vector<16xf32>,
        tpu.vector_store %arg11[%swap3A_415, %swap3A_416], %mul3A_414 {strides = array<i32>} : memref<24x512xf32, #tpu.memory_space<vmem>>, vector<16xf32>,
        %get3A_418 = arith.index_cast %scan3A_301 : i32 to index
        %get3A_419 = arith.constant 208 : index
        %get3A_420 = tpu.vector_load %arg11[%get3A_418, %get3A_419] {strides = array<i32>} : memref<24x512xf32, #tpu.memory_space<vmem>>, vector<16xf32>,
        %mul3A_421 = arith.mulf %get3A_420, %gather3A_382 : vector<16xf32>
        %swap3A_422 = arith.index_cast %scan3A_301 : i32 to index
        %swap3A_423 = arith.constant 208 : index
        %swap3A_424 = tpu.vector_load %arg11[%swap3A_422, %swap3A_423] {strides = array<i32>} : memref<24x512xf32, #tpu.memory_space<vmem>>, vector<16xf32>,
        tpu.vector_store %arg11[%swap3A_422, %swap3A_423], %mul3A_421 {strides = array<i32>} : memref<24x512xf32, #tpu.memory_space<vmem>>, vector<16xf32>,
        %get3A_425 = arith.index_cast %scan3A_301 : i32 to index
        %get3A_426 = arith.constant 224 : index
        %get3A_427 = tpu.vector_load %arg11[%get3A_425, %get3A_426] {strides = array<i32>} : memref<24x512xf32, #tpu.memory_space<vmem>>, vector<16xf32>,
        %mul3A_428 = arith.mulf %get3A_427, %gather3A_382 : vector<16xf32>
        %swap3A_429 = arith.index_cast %scan3A_301 : i32 to index
        %swap3A_430 = arith.constant 224 : index
        %swap3A_431 = tpu.vector_load %arg11[%swap3A_429, %swap3A_430] {strides = array<i32>} : memref<24x512xf32, #tpu.memory_space<vmem>>, vector<16xf32>,
        tpu.vector_store %arg11[%swap3A_429, %swap3A_430], %mul3A_428 {strides = array<i32>} : memref<24x512xf32, #tpu.memory_space<vmem>>, vector<16xf32>,
        %get3A_432 = arith.index_cast %scan3A_301 : i32 to index
        %get3A_433 = arith.constant 240 : index
        %get3A_434 = tpu.vector_load %arg11[%get3A_432, %get3A_433] {strides = array<i32>} : memref<24x512xf32, #tpu.memory_space<vmem>>, vector<16xf32>,
        %mul3A_435 = arith.mulf %get3A_434, %gather3A_382 : vector<16xf32>
        %swap3A_436 = arith.index_cast %scan3A_301 : i32 to index
        %swap3A_437 = arith.constant 240 : index
        %swap3A_438 = tpu.vector_load %arg11[%swap3A_436, %swap3A_437] {strides = array<i32>} : memref<24x512xf32, #tpu.memory_space<vmem>>, vector<16xf32>,
        tpu.vector_store %arg11[%swap3A_436, %swap3A_437], %mul3A_435 {strides = array<i32>} : memref<24x512xf32, #tpu.memory_space<vmem>>, vector<16xf32>,
        %broadcast_in_dim3A_439 = arith.constant 2 : i32
        %broadcast_in_dim3A_440 = vector.broadcast %broadcast_in_dim3A_439 : i32 to vector<16xi32>
        %lt3A_441 = arith.constant 0 : i32
        %lt3A_442 = vector.broadcast %lt3A_441 : i32 to vector<16xi32>
        %lt3A_443 = arith.cmpi slt, %broadcast_in_dim3A_440, %lt3A_442 : vector<16xi32>
        %add3A_444 = arith.constant 16 : i32
        %add3A_445 = vector.broadcast %add3A_444 : i32 to vector<16xi32>
        %add3A_446 = arith.addi %broadcast_in_dim3A_440, %add3A_445 : vector<16xi32>
        %select_n3A_447 = arith.select %lt3A_443, %add3A_446, %broadcast_in_dim3A_440 : vector<16xi1>, vector<16xi32>
        %broadcast_in_dim3A_448 = vector.shape_cast %select_n3A_447 : vector<16xi32> to vector<16x1xi32>
        %gather3A_449 = vector.shape_cast %broadcast_in_dim3A_448 : vector<16x1xi32> to vector<16xi32>
        %gather3A_450 = tpu.dynamic_gather %get3A_304[%gather3A_449] in [0] : vector<16xf32>, vector<16xi32> -> vector<16xf32>
        %get3A_451 = arith.index_cast %scan3A_301 : i32 to index
        %get3A_452 = arith.constant 256 : index
        %get3A_453 = tpu.vector_load %arg11[%get3A_451, %get3A_452] {strides = array<i32>} : memref<24x512xf32, #tpu.memory_space<vmem>>, vector<16xf32>,
        %mul3A_454 = arith.mulf %get3A_453, %gather3A_450 : vector<16xf32>
        %swap3A_455 = arith.index_cast %scan3A_301 : i32 to index
        %swap3A_456 = arith.constant 256 : index
        %swap3A_457 = tpu.vector_load %arg11[%swap3A_455, %swap3A_456] {strides = array<i32>} : memref<24x512xf32, #tpu.memory_space<vmem>>, vector<16xf32>,
        tpu.vector_store %arg11[%swap3A_455, %swap3A_456], %mul3A_454 {strides = array<i32>} : memref<24x512xf32, #tpu.memory_space<vmem>>, vector<16xf32>,
        %get3A_458 = arith.index_cast %scan3A_301 : i32 to index
        %get3A_459 = arith.constant 272 : index
        %get3A_460 = tpu.vector_load %arg11[%get3A_458, %get3A_459] {strides = array<i32>} : memref<24x512xf32, #tpu.memory_space<vmem>>, vector<16xf32>,
        %mul3A_461 = arith.mulf %get3A_460, %gather3A_450 : vector<16xf32>
        %swap3A_462 = arith.index_cast %scan3A_301 : i32 to index
        %swap3A_463 = arith.constant 272 : index
        %swap3A_464 = tpu.vector_load %arg11[%swap3A_462, %swap3A_463] {strides = array<i32>} : memref<24x512xf32, #tpu.memory_space<vmem>>, vector<16xf32>,
        tpu.vector_store %arg11[%swap3A_462, %swap3A_463], %mul3A_461 {strides = array<i32>} : memref<24x512xf32, #tpu.memory_space<vmem>>, vector<16xf32>,
        %get3A_465 = arith.index_cast %scan3A_301 : i32 to index
        %get3A_466 = arith.constant 288 : index
        %get3A_467 = tpu.vector_load %arg11[%get3A_465, %get3A_466] {strides = array<i32>} : memref<24x512xf32, #tpu.memory_space<vmem>>, vector<16xf32>,
        %mul3A_468 = arith.mulf %get3A_467, %gather3A_450 : vector<16xf32>
        %swap3A_469 = arith.index_cast %scan3A_301 : i32 to index
        %swap3A_470 = arith.constant 288 : index
        %swap3A_471 = tpu.vector_load %arg11[%swap3A_469, %swap3A_470] {strides = array<i32>} : memref<24x512xf32, #tpu.memory_space<vmem>>, vector<16xf32>,
        tpu.vector_store %arg11[%swap3A_469, %swap3A_470], %mul3A_468 {strides = array<i32>} : memref<24x512xf32, #tpu.memory_space<vmem>>, vector<16xf32>,
        %get3A_472 = arith.index_cast %scan3A_301 : i32 to index
        %get3A_473 = arith.constant 304 : index
        %get3A_474 = tpu.vector_load %arg11[%get3A_472, %get3A_473] {strides = array<i32>} : memref<24x512xf32, #tpu.memory_space<vmem>>, vector<16xf32>,
        %mul3A_475 = arith.mulf %get3A_474, %gather3A_450 : vector<16xf32>
        %swap3A_476 = arith.index_cast %scan3A_301 : i32 to index
        %swap3A_477 = arith.constant 304 : index
        %swap3A_478 = tpu.vector_load %arg11[%swap3A_476, %swap3A_477] {strides = array<i32>} : memref<24x512xf32, #tpu.memory_space<vmem>>, vector<16xf32>,
        tpu.vector_store %arg11[%swap3A_476, %swap3A_477], %mul3A_475 {strides = array<i32>} : memref<24x512xf32, #tpu.memory_space<vmem>>, vector<16xf32>,
        %get3A_479 = arith.index_cast %scan3A_301 : i32 to index
        %get3A_480 = arith.constant 320 : index
        %get3A_481 = tpu.vector_load %arg11[%get3A_479, %get3A_480] {strides = array<i32>} : memref<24x512xf32, #tpu.memory_space<vmem>>, vector<16xf32>,
        %mul3A_482 = arith.mulf %get3A_481, %gather3A_450 : vector<16xf32>
        %swap3A_483 = arith.index_cast %scan3A_301 : i32 to index
        %swap3A_484 = arith.constant 320 : index
        %swap3A_485 = tpu.vector_load %arg11[%swap3A_483, %swap3A_484] {strides = array<i32>} : memref<24x512xf32, #tpu.memory_space<vmem>>, vector<16xf32>,
        tpu.vector_store %arg11[%swap3A_483, %swap3A_484], %mul3A_482 {strides = array<i32>} : memref<24x512xf32, #tpu.memory_space<vmem>>, vector<16xf32>,
        %get3A_486 = arith.index_cast %scan3A_301 : i32 to index
        %get3A_487 = arith.constant 336 : index
        %get3A_488 = tpu.vector_load %arg11[%get3A_486, %get3A_487] {strides = array<i32>} : memref<24x512xf32, #tpu.memory_space<vmem>>, vector<16xf32>,
        %mul3A_489 = arith.mulf %get3A_488, %gather3A_450 : vector<16xf32>
        %swap3A_490 = arith.index_cast %scan3A_301 : i32 to index
        %swap3A_491 = arith.constant 336 : index
        %swap3A_492 = tpu.vector_load %arg11[%swap3A_490, %swap3A_491] {strides = array<i32>} : memref<24x512xf32, #tpu.memory_space<vmem>>, vector<16xf32>,
        tpu.vector_store %arg11[%swap3A_490, %swap3A_491], %mul3A_489 {strides = array<i32>} : memref<24x512xf32, #tpu.memory_space<vmem>>, vector<16xf32>,
        %get3A_493 = arith.index_cast %scan3A_301 : i32 to index
        %get3A_494 = arith.constant 352 : index
        %get3A_495 = tpu.vector_load %arg11[%get3A_493, %get3A_494] {strides = array<i32>} : memref<24x512xf32, #tpu.memory_space<vmem>>, vector<16xf32>,
        %mul3A_496 = arith.mulf %get3A_495, %gather3A_450 : vector<16xf32>
        %swap3A_497 = arith.index_cast %scan3A_301 : i32 to index
        %swap3A_498 = arith.constant 352 : index
        %swap3A_499 = tpu.vector_load %arg11[%swap3A_497, %swap3A_498] {strides = array<i32>} : memref<24x512xf32, #tpu.memory_space<vmem>>, vector<16xf32>,
        tpu.vector_store %arg11[%swap3A_497, %swap3A_498], %mul3A_496 {strides = array<i32>} : memref<24x512xf32, #tpu.memory_space<vmem>>, vector<16xf32>,
        %get3A_500 = arith.index_cast %scan3A_301 : i32 to index
        %get3A_501 = arith.constant 368 : index
        %get3A_502 = tpu.vector_load %arg11[%get3A_500, %get3A_501] {strides = array<i32>} : memref<24x512xf32, #tpu.memory_space<vmem>>, vector<16xf32>,
        %mul3A_503 = arith.mulf %get3A_502, %gather3A_450 : vector<16xf32>
        %swap3A_504 = arith.index_cast %scan3A_301 : i32 to index
        %swap3A_505 = arith.constant 368 : index
        %swap3A_506 = tpu.vector_load %arg11[%swap3A_504, %swap3A_505] {strides = array<i32>} : memref<24x512xf32, #tpu.memory_space<vmem>>, vector<16xf32>,
        tpu.vector_store %arg11[%swap3A_504, %swap3A_505], %mul3A_503 {strides = array<i32>} : memref<24x512xf32, #tpu.memory_space<vmem>>, vector<16xf32>,
        %broadcast_in_dim3A_507 = arith.constant 3 : i32
        %broadcast_in_dim3A_508 = vector.broadcast %broadcast_in_dim3A_507 : i32 to vector<16xi32>
        %lt3A_509 = arith.constant 0 : i32
        %lt3A_510 = vector.broadcast %lt3A_509 : i32 to vector<16xi32>
        %lt3A_511 = arith.cmpi slt, %broadcast_in_dim3A_508, %lt3A_510 : vector<16xi32>
        %add3A_512 = arith.constant 16 : i32
        %add3A_513 = vector.broadcast %add3A_512 : i32 to vector<16xi32>
        %add3A_514 = arith.addi %broadcast_in_dim3A_508, %add3A_513 : vector<16xi32>
        %select_n3A_515 = arith.select %lt3A_511, %add3A_514, %broadcast_in_dim3A_508 : vector<16xi1>, vector<16xi32>
        %broadcast_in_dim3A_516 = vector.shape_cast %select_n3A_515 : vector<16xi32> to vector<16x1xi32>
        %gather3A_517 = vector.shape_cast %broadcast_in_dim3A_516 : vector<16x1xi32> to vector<16xi32>
        %gather3A_518 = tpu.dynamic_gather %get3A_304[%gather3A_517] in [0] : vector<16xf32>, vector<16xi32> -> vector<16xf32>
        %get3A_519 = arith.index_cast %scan3A_301 : i32 to index
        %get3A_520 = arith.constant 384 : index
        %get3A_521 = tpu.vector_load %arg11[%get3A_519, %get3A_520] {strides = array<i32>} : memref<24x512xf32, #tpu.memory_space<vmem>>, vector<16xf32>,
        %mul3A_522 = arith.mulf %get3A_521, %gather3A_518 : vector<16xf32>
        %swap3A_523 = arith.index_cast %scan3A_301 : i32 to index
        %swap3A_524 = arith.constant 384 : index
        %swap3A_525 = tpu.vector_load %arg11[%swap3A_523, %swap3A_524] {strides = array<i32>} : memref<24x512xf32, #tpu.memory_space<vmem>>, vector<16xf32>,
        tpu.vector_store %arg11[%swap3A_523, %swap3A_524], %mul3A_522 {strides = array<i32>} : memref<24x512xf32, #tpu.memory_space<vmem>>, vector<16xf32>,
        %get3A_526 = arith.index_cast %scan3A_301 : i32 to index
        %get3A_527 = arith.constant 400 : index
        %get3A_528 = tpu.vector_load %arg11[%get3A_526, %get3A_527] {strides = array<i32>} : memref<24x512xf32, #tpu.memory_space<vmem>>, vector<16xf32>,
        %mul3A_529 = arith.mulf %get3A_528, %gather3A_518 : vector<16xf32>
        %swap3A_530 = arith.index_cast %scan3A_301 : i32 to index
        %swap3A_531 = arith.constant 400 : index
        %swap3A_532 = tpu.vector_load %arg11[%swap3A_530, %swap3A_531] {strides = array<i32>} : memref<24x512xf32, #tpu.memory_space<vmem>>, vector<16xf32>,
        tpu.vector_store %arg11[%swap3A_530, %swap3A_531], %mul3A_529 {strides = array<i32>} : memref<24x512xf32, #tpu.memory_space<vmem>>, vector<16xf32>,
        %get3A_533 = arith.index_cast %scan3A_301 : i32 to index
        %get3A_534 = arith.constant 416 : index
        %get3A_535 = tpu.vector_load %arg11[%get3A_533, %get3A_534] {strides = array<i32>} : memref<24x512xf32, #tpu.memory_space<vmem>>, vector<16xf32>,
        %mul3A_536 = arith.mulf %get3A_535, %gather3A_518 : vector<16xf32>
        %swap3A_537 = arith.index_cast %scan3A_301 : i32 to index
        %swap3A_538 = arith.constant 416 : index
        %swap3A_539 = tpu.vector_load %arg11[%swap3A_537, %swap3A_538] {strides = array<i32>} : memref<24x512xf32, #tpu.memory_space<vmem>>, vector<16xf32>,
        tpu.vector_store %arg11[%swap3A_537, %swap3A_538], %mul3A_536 {strides = array<i32>} : memref<24x512xf32, #tpu.memory_space<vmem>>, vector<16xf32>,
        %get3A_540 = arith.index_cast %scan3A_301 : i32 to index
        %get3A_541 = arith.constant 432 : index
        %get3A_542 = tpu.vector_load %arg11[%get3A_540, %get3A_541] {strides = array<i32>} : memref<24x512xf32, #tpu.memory_space<vmem>>, vector<16xf32>,
        %mul3A_543 = arith.mulf %get3A_542, %gather3A_518 : vector<16xf32>
        %swap3A_544 = arith.index_cast %scan3A_301 : i32 to index
        %swap3A_545 = arith.constant 432 : index
        %swap3A_546 = tpu.vector_load %arg11[%swap3A_544, %swap3A_545] {strides = array<i32>} : memref<24x512xf32, #tpu.memory_space<vmem>>, vector<16xf32>,
        tpu.vector_store %arg11[%swap3A_544, %swap3A_545], %mul3A_543 {strides = array<i32>} : memref<24x512xf32, #tpu.memory_space<vmem>>, vector<16xf32>,
        %get3A_547 = arith.index_cast %scan3A_301 : i32 to index
        %get3A_548 = arith.constant 448 : index
        %get3A_549 = tpu.vector_load %arg11[%get3A_547, %get3A_548] {strides = array<i32>} : memref<24x512xf32, #tpu.memory_space<vmem>>, vector<16xf32>,
        %mul3A_550 = arith.mulf %get3A_549, %gather3A_518 : vector<16xf32>
        %swap3A_551 = arith.index_cast %scan3A_301 : i32 to index
        %swap3A_552 = arith.constant 448 : index
        %swap3A_553 = tpu.vector_load %arg11[%swap3A_551, %swap3A_552] {strides = array<i32>} : memref<24x512xf32, #tpu.memory_space<vmem>>, vector<16xf32>,
        tpu.vector_store %arg11[%swap3A_551, %swap3A_552], %mul3A_550 {strides = array<i32>} : memref<24x512xf32, #tpu.memory_space<vmem>>, vector<16xf32>,
        %get3A_554 = arith.index_cast %scan3A_301 : i32 to index
        %get3A_555 = arith.constant 464 : index
        %get3A_556 = tpu.vector_load %arg11[%get3A_554, %get3A_555] {strides = array<i32>} : memref<24x512xf32, #tpu.memory_space<vmem>>, vector<16xf32>,
        %mul3A_557 = arith.mulf %get3A_556, %gather3A_518 : vector<16xf32>
        %swap3A_558 = arith.index_cast %scan3A_301 : i32 to index
        %swap3A_559 = arith.constant 464 : index
        %swap3A_560 = tpu.vector_load %arg11[%swap3A_558, %swap3A_559] {strides = array<i32>} : memref<24x512xf32, #tpu.memory_space<vmem>>, vector<16xf32>,
        tpu.vector_store %arg11[%swap3A_558, %swap3A_559], %mul3A_557 {strides = array<i32>} : memref<24x512xf32, #tpu.memory_space<vmem>>, vector<16xf32>,
        %get3A_561 = arith.index_cast %scan3A_301 : i32 to index
        %get3A_562 = arith.constant 480 : index
        %get3A_563 = tpu.vector_load %arg11[%get3A_561, %get3A_562] {strides = array<i32>} : memref<24x512xf32, #tpu.memory_space<vmem>>, vector<16xf32>,
        %mul3A_564 = arith.mulf %get3A_563, %gather3A_518 : vector<16xf32>
        %swap3A_565 = arith.index_cast %scan3A_301 : i32 to index
        %swap3A_566 = arith.constant 480 : index
        %swap3A_567 = tpu.vector_load %arg11[%swap3A_565, %swap3A_566] {strides = array<i32>} : memref<24x512xf32, #tpu.memory_space<vmem>>, vector<16xf32>,
        tpu.vector_store %arg11[%swap3A_565, %swap3A_566], %mul3A_564 {strides = array<i32>} : memref<24x512xf32, #tpu.memory_space<vmem>>, vector<16xf32>,
        %get3A_568 = arith.index_cast %scan3A_301 : i32 to index
        %get3A_569 = arith.constant 496 : index
        %get3A_570 = tpu.vector_load %arg11[%get3A_568, %get3A_569] {strides = array<i32>} : memref<24x512xf32, #tpu.memory_space<vmem>>, vector<16xf32>,
        %mul3A_571 = arith.mulf %get3A_570, %gather3A_518 : vector<16xf32>
        %swap3A_572 = arith.index_cast %scan3A_301 : i32 to index
        %swap3A_573 = arith.constant 496 : index
        %swap3A_574 = tpu.vector_load %arg11[%swap3A_572, %swap3A_573] {strides = array<i32>} : memref<24x512xf32, #tpu.memory_space<vmem>>, vector<16xf32>,
        tpu.vector_store %arg11[%swap3A_572, %swap3A_573], %mul3A_571 {strides = array<i32>} : memref<24x512xf32, #tpu.memory_space<vmem>>, vector<16xf32>,
        %scan3A_575 = arith.constant 0 : i32
        scf.yield %scan3A_575 : i32
      }
      %scan3A_249 = arith.constant 24 : i32
      "tpu.region"() ({
        %run_scoped3A = tpu.sem_alloc : memref<!tpu.dma_semaphore, #tpu.memory_space<semaphore_mem>>
        %dma_start3A_301 = arith.constant 0 : i32
        %dma_start3A_302 = tpu.memref_slice %arg10[%mul3A_198, %dma_start3A_301] : memref<110x24xi32, #tpu.memory_space<vmem>> -> memref<1x24xi32, #tpu.memory_space<vmem>>
        %dma_start3A_303 = tpu.memref_squeeze %dma_start3A_302 : memref<1x24xi32, #tpu.memory_space<vmem>> -> memref<24xi32, #tpu.memory_space<vmem>>
        %dma_start3A_304 = arith.constant 0 : i32
        %dma_start3A_305 = arith.constant 0 : i32
        %dma_start3A_306 = tpu.memref_slice %arg17[%dma_start3A_304, %dma_start3A_305] : memref<2560x512xf32, #tpu.memory_space<vmem_shared>> -> memref<2560x512xf32, #tpu.memory_space<vmem_shared>>
        tpu.enqueue_indirect_dma source(%arg11 : memref<24x512xf32, #tpu.memory_space<vmem>>) target(%dma_start3A_306 : memref<2560x512xf32, #tpu.memory_space<vmem_shared>>) offsets(%dma_start3A_303 : memref<24xi32, #tpu.memory_space<vmem>>) semaphore(%run_scoped3A : memref<!tpu.dma_semaphore, #tpu.memory_space<semaphore_mem>>) {add = true}
        %dma_wait3A_307 = arith.constant 0 : i32
        %dma_wait3A_308 = tpu.memref_slice %arg10[%mul3A_198, %dma_wait3A_307] : memref<110x24xi32, #tpu.memory_space<vmem>> -> memref<1x24xi32, #tpu.memory_space<vmem>>
        %dma_wait3A_309 = tpu.memref_squeeze %dma_wait3A_308 : memref<1x24xi32, #tpu.memory_space<vmem>> -> memref<24xi32, #tpu.memory_space<vmem>>
        %dma_wait3A_310 = arith.constant 0 : i32
        %dma_wait3A_311 = arith.constant 0 : i32
        %dma_wait3A_312 = tpu.memref_slice %arg17[%dma_wait3A_310, %dma_wait3A_311] : memref<2560x512xf32, #tpu.memory_space<vmem_shared>> -> memref<2560x512xf32, #tpu.memory_space<vmem_shared>>
        tpu.wait_indirect_dma semaphore(%run_scoped3A : memref<!tpu.dma_semaphore, #tpu.memory_space<semaphore_mem>>) src(%arg11 : memref<24x512xf32, #tpu.memory_space<vmem>>) dst(%dma_wait3A_312 : memref<2560x512xf32, #tpu.memory_space<vmem_shared>>)
        tpu.yield
      }) : () -> ()
      "tpu.region"() ({
        %run_scoped3A = tpu.sem_alloc : memref<!tpu.dma_semaphore, #tpu.memory_space<semaphore_mem>>
        %dma_start3A_301 = arith.constant 0 : i32
        %dma_start3A_302 = tpu.memref_slice %arg10[%mul3A_198, %dma_start3A_301] : memref<110x24xi32, #tpu.memory_space<vmem>> -> memref<1x24xi32, #tpu.memory_space<vmem>>
        %dma_start3A_303 = tpu.memref_squeeze %dma_start3A_302 : memref<1x24xi32, #tpu.memory_space<vmem>> -> memref<24xi32, #tpu.memory_space<vmem>>
        %dma_start3A_304 = arith.constant 0 : i32
        %dma_start3A_305 = arith.constant 0 : i32
        %dma_start3A_306 = tpu.memref_slice %arg18[%dma_start3A_304, %dma_start3A_305] : memref<2560x16xf32, #tpu.memory_space<vmem_shared>> -> memref<2560x16xf32, #tpu.memory_space<vmem_shared>>
        tpu.enqueue_indirect_dma source(%arg13 : memref<24x16xf32, #tpu.memory_space<vmem>>) target(%dma_start3A_306 : memref<2560x16xf32, #tpu.memory_space<vmem_shared>>) offsets(%dma_start3A_303 : memref<24xi32, #tpu.memory_space<vmem>>) semaphore(%run_scoped3A : memref<!tpu.dma_semaphore, #tpu.memory_space<semaphore_mem>>) {add = true}
        %dma_wait3A_307 = arith.constant 0 : i32
        %dma_wait3A_308 = tpu.memref_slice %arg10[%mul3A_198, %dma_wait3A_307] : memref<110x24xi32, #tpu.memory_space<vmem>> -> memref<1x24xi32, #tpu.memory_space<vmem>>
        %dma_wait3A_309 = tpu.memref_squeeze %dma_wait3A_308 : memref<1x24xi32, #tpu.memory_space<vmem>> -> memref<24xi32, #tpu.memory_space<vmem>>
        %dma_wait3A_310 = arith.constant 0 : i32
        %dma_wait3A_311 = arith.constant 0 : i32
        %dma_wait3A_312 = tpu.memref_slice %arg18[%dma_wait3A_310, %dma_wait3A_311] : memref<2560x16xf32, #tpu.memory_space<vmem_shared>> -> memref<2560x16xf32, #tpu.memory_space<vmem_shared>>
        tpu.wait_indirect_dma semaphore(%run_scoped3A : memref<!tpu.dma_semaphore, #tpu.memory_space<semaphore_mem>>) src(%arg13 : memref<24x16xf32, #tpu.memory_space<vmem>>) dst(%dma_wait3A_312 : memref<2560x16xf32, #tpu.memory_space<vmem_shared>>)
        tpu.yield
      }) : () -> ()
      %add3A_250 = arith.constant 2 : i32
      %add3A_251 = arith.addi %mul3A_198, %add3A_250 : i32
      %lt3A = arith.constant 110 : i32
      %lt3A_252 = arith.cmpi slt, %add3A_251, %lt3A : i32
      %convert_element_type3A = arith.extui %lt3A_252 : i1 to i32
      %cond3A = arith.constant 0 : i32
      %cond3A_253 = arith.cmpi ne, %convert_element_type3A, %cond3A : i32
      scf.if %cond3A_253 {
        %add3A_301 = arith.constant 2 : i32
        %add3A_302 = arith.addi %mul3A_198, %add3A_301 : i32
        %dma_start3A_303 = arith.constant 0 : i32
        %dma_start3A_304 = tpu.memref_slice %arg9[%add3A_302, %dma_start3A_303] : memref<110x24xi32, #tpu.memory_space<vmem>> -> memref<1x24xi32, #tpu.memory_space<vmem>>
        %dma_start3A_305 = tpu.memref_squeeze %dma_start3A_304 : memref<1x24xi32, #tpu.memory_space<vmem>> -> memref<24xi32, #tpu.memory_space<vmem>>
        %dma_start3A_306 = arith.constant 0 : i32
        %dma_start3A_307 = arith.constant 0 : i32
        %dma_start3A_308 = tpu.memref_slice %arg2[%dma_start3A_306, %dma_start3A_307] : memref<2560x512xf32, #tpu.memory_space<hbm>> -> memref<2560x512xf32, #tpu.memory_space<hbm>>
        tpu.enqueue_indirect_dma source(%dma_start3A_308 : memref<2560x512xf32, #tpu.memory_space<hbm>>) target(%arg11 : memref<24x512xf32, #tpu.memory_space<vmem>>) offsets(%dma_start3A_305 : memref<24xi32, #tpu.memory_space<vmem>>) semaphore(%arg19 : memref<!tpu.dma_semaphore, #tpu.memory_space<semaphore_mem>>)
      } else {
      }
      %add3A_254 = arith.constant 1 : i32
      %add3A_255 = arith.addi %mul3A_198, %add3A_254 : i32
      %dma_start3A_256 = arith.constant 0 : i32
      %dma_start3A_257 = tpu.memref_slice %arg9[%add3A_255, %dma_start3A_256] : memref<110x24xi32, #tpu.memory_space<vmem>> -> memref<1x24xi32, #tpu.memory_space<vmem>>
      %dma_start3A_258 = tpu.memref_squeeze %dma_start3A_257 : memref<1x24xi32, #tpu.memory_space<vmem>> -> memref<24xi32, #tpu.memory_space<vmem>>
      %dma_start3A_259 = arith.constant 0 : i32
      %dma_start3A_260 = arith.constant 0 : i32
      %dma_start3A_261 = tpu.memref_slice %arg3[%dma_start3A_259, %dma_start3A_260] : memref<2560x16xf32, #tpu.memory_space<hbm>> -> memref<2560x16xf32, #tpu.memory_space<hbm>>
      tpu.enqueue_indirect_dma source(%dma_start3A_261 : memref<2560x16xf32, #tpu.memory_space<hbm>>) target(%arg14 : memref<24x16xf32, #tpu.memory_space<vmem>>) offsets(%dma_start3A_258 : memref<24xi32, #tpu.memory_space<vmem>>) semaphore(%arg21 : memref<!tpu.dma_semaphore, #tpu.memory_space<semaphore_mem>>)
      %dma_start3A_262 = arith.constant 0 : i32
      %dma_start3A_263 = tpu.memref_slice %arg10[%add3A_255, %dma_start3A_262] : memref<110x24xi32, #tpu.memory_space<vmem>> -> memref<1x24xi32, #tpu.memory_space<vmem>>
      %dma_start3A_264 = tpu.memref_squeeze %dma_start3A_263 : memref<1x24xi32, #tpu.memory_space<vmem>> -> memref<24xi32, #tpu.memory_space<vmem>>
      %dma_start3A_265 = arith.constant 0 : i32
      %dma_start3A_266 = arith.constant 0 : i32
      %dma_start3A_267 = tpu.memref_slice %arg4[%dma_start3A_265, %dma_start3A_266] : memref<2560x16xf32, #tpu.memory_space<hbm>> -> memref<2560x16xf32, #tpu.memory_space<hbm>>
      tpu.enqueue_indirect_dma source(%dma_start3A_267 : memref<2560x16xf32, #tpu.memory_space<hbm>>) target(%arg15 : memref<24x16xf32, #tpu.memory_space<vmem>>) offsets(%dma_start3A_264 : memref<24xi32, #tpu.memory_space<vmem>>) semaphore(%arg21 : memref<!tpu.dma_semaphore, #tpu.memory_space<semaphore_mem>>)
      %dma_wait3A_268 = arith.constant 0 : i32
      %dma_wait3A_269 = tpu.memref_slice %arg9[%add3A_255, %dma_wait3A_268] : memref<110x24xi32, #tpu.memory_space<vmem>> -> memref<1x24xi32, #tpu.memory_space<vmem>>
      %dma_wait3A_270 = tpu.memref_squeeze %dma_wait3A_269 : memref<1x24xi32, #tpu.memory_space<vmem>> -> memref<24xi32, #tpu.memory_space<vmem>>
      %dma_wait3A_271 = arith.constant 0 : i32
      %dma_wait3A_272 = arith.constant 0 : i32
      %dma_wait3A_273 = tpu.memref_slice %arg3[%dma_wait3A_271, %dma_wait3A_272] : memref<2560x16xf32, #tpu.memory_space<hbm>> -> memref<2560x16xf32, #tpu.memory_space<hbm>>
      tpu.wait_indirect_dma semaphore(%arg21 : memref<!tpu.dma_semaphore, #tpu.memory_space<semaphore_mem>>) src(%dma_wait3A_273 : memref<2560x16xf32, #tpu.memory_space<hbm>>) dst(%arg14 : memref<24x16xf32, #tpu.memory_space<vmem>>)
      %dma_wait3A_274 = arith.constant 0 : i32
      %dma_wait3A_275 = tpu.memref_slice %arg10[%add3A_255, %dma_wait3A_274] : memref<110x24xi32, #tpu.memory_space<vmem>> -> memref<1x24xi32, #tpu.memory_space<vmem>>
      %dma_wait3A_276 = tpu.memref_squeeze %dma_wait3A_275 : memref<1x24xi32, #tpu.memory_space<vmem>> -> memref<24xi32, #tpu.memory_space<vmem>>
      %dma_wait3A_277 = arith.constant 0 : i32
      %dma_wait3A_278 = arith.constant 0 : i32
      %dma_wait3A_279 = tpu.memref_slice %arg4[%dma_wait3A_277, %dma_wait3A_278] : memref<2560x16xf32, #tpu.memory_space<hbm>> -> memref<2560x16xf32, #tpu.memory_space<hbm>>
      tpu.wait_indirect_dma semaphore(%arg21 : memref<!tpu.dma_semaphore, #tpu.memory_space<semaphore_mem>>) src(%dma_wait3A_279 : memref<2560x16xf32, #tpu.memory_space<hbm>>) dst(%arg15 : memref<24x16xf32, #tpu.memory_space<vmem>>)
      %scan3A_280 = arith.constant 0 : i32
      %scan3A_281 = arith.constant 0 : i32
      %scan3A_282 = arith.constant 24 : i32
      %scan3A_283 = arith.addi %scan3A_281, %scan3A_282 : i32
      %scan3A_284 = arith.constant 1 : i32
      %scan3A_285 = scf.for %scan3A_301 = %scan3A_281 to %scan3A_283 step %scan3A_284 iter_args(%scan3A_302 = %scan3A_280) -> (i32)  : i32 {
        %get3A = arith.index_cast %scan3A_301 : i32 to index
        %get3A_303 = arith.constant 0 : index
        %get3A_304 = tpu.vector_load %arg14[%get3A, %get3A_303] {strides = array<i32>} : memref<24x16xf32, #tpu.memory_space<vmem>>, vector<16xf32>,
        %get3A_305 = arith.index_cast %scan3A_301 : i32 to index
        %get3A_306 = arith.constant 0 : index
        %get3A_307 = tpu.vector_load %arg15[%get3A_305, %get3A_306] {strides = array<i32>} : memref<24x16xf32, #tpu.memory_space<vmem>>, vector<16xf32>,
        %add3A_308 = arith.addf %get3A_304, %get3A_307 : vector<16xf32>
        %mul3A_309 = arith.constant 2.000000e-01 : f32
        %mul3A_310 = vector.broadcast %mul3A_309 : f32 to vector<16xf32>
        %mul3A_311 = arith.mulf %add3A_308, %mul3A_310 : vector<16xf32>
        %max3A = arith.maximumf %add3A_308, %mul3A_311 : vector<16xf32>
        %exp3A = math.exp %max3A : vector<16xf32>
        %swap3A_312 = arith.index_cast %scan3A_301 : i32 to index
        %swap3A_313 = arith.constant 0 : index
        %swap3A_314 = tpu.vector_load %arg13[%swap3A_312, %swap3A_313] {strides = array<i32>} : memref<24x16xf32, #tpu.memory_space<vmem>>, vector<16xf32>,
        tpu.vector_store %arg13[%swap3A_312, %swap3A_313], %exp3A {strides = array<i32>} : memref<24x16xf32, #tpu.memory_space<vmem>>, vector<16xf32>,
        %scan3A_315 = arith.constant 0 : i32
        scf.yield %scan3A_315 : i32
      }
      %scan3A_286 = arith.constant 24 : i32
      %dma_wait3A_287 = arith.constant 0 : i32
      %dma_wait3A_288 = tpu.memref_slice %arg9[%add3A_255, %dma_wait3A_287] : memref<110x24xi32, #tpu.memory_space<vmem>> -> memref<1x24xi32, #tpu.memory_space<vmem>>
      %dma_wait3A_289 = tpu.memref_squeeze %dma_wait3A_288 : memref<1x24xi32, #tpu.memory_space<vmem>> -> memref<24xi32, #tpu.memory_space<vmem>>
      %dma_wait3A_290 = arith.constant 0 : i32
      %dma_wait3A_291 = arith.constant 0 : i32
      %dma_wait3A_292 = tpu.memref_slice %arg2[%dma_wait3A_290, %dma_wait3A_291] : memref<2560x512xf32, #tpu.memory_space<hbm>> -> memref<2560x512xf32, #tpu.memory_space<hbm>>
      tpu.wait_indirect_dma semaphore(%arg20 : memref<!tpu.dma_semaphore, #tpu.memory_space<semaphore_mem>>) src(%dma_wait3A_292 : memref<2560x512xf32, #tpu.memory_space<hbm>>) dst(%arg12 : memref<24x512xf32, #tpu.memory_space<vmem>>)
      %scan3A_293 = arith.constant 0 : i32
      %scan3A_294 = arith.constant 0 : i32
      %scan3A_295 = arith.constant 24 : i32
      %scan3A_296 = arith.addi %scan3A_294, %scan3A_295 : i32
      %scan3A_297 = arith.constant 1 : i32
      %scan3A_298 = scf.for %scan3A_301 = %scan3A_294 to %scan3A_296 step %scan3A_297 iter_args(%scan3A_302 = %scan3A_293) -> (i32)  : i32 {
        %get3A = arith.index_cast %scan3A_301 : i32 to index
        %get3A_303 = arith.constant 0 : index
        %get3A_304 = tpu.vector_load %arg13[%get3A, %get3A_303] {strides = array<i32>} : memref<24x16xf32, #tpu.memory_space<vmem>>, vector<16xf32>,
        %broadcast_in_dim3A_305 = arith.constant 0 : i32
        %broadcast_in_dim3A_306 = vector.broadcast %broadcast_in_dim3A_305 : i32 to vector<16xi32>
        %lt3A_307 = arith.constant 0 : i32
        %lt3A_308 = vector.broadcast %lt3A_307 : i32 to vector<16xi32>
        %lt3A_309 = arith.cmpi slt, %broadcast_in_dim3A_306, %lt3A_308 : vector<16xi32>
        %add3A_310 = arith.constant 16 : i32
        %add3A_311 = vector.broadcast %add3A_310 : i32 to vector<16xi32>
        %add3A_312 = arith.addi %broadcast_in_dim3A_306, %add3A_311 : vector<16xi32>
        %select_n3A = arith.select %lt3A_309, %add3A_312, %broadcast_in_dim3A_306 : vector<16xi1>, vector<16xi32>
        %broadcast_in_dim3A_313 = vector.shape_cast %select_n3A : vector<16xi32> to vector<16x1xi32>
        %gather3A = vector.shape_cast %broadcast_in_dim3A_313 : vector<16x1xi32> to vector<16xi32>
        %gather3A_314 = tpu.dynamic_gather %get3A_304[%gather3A] in [0] : vector<16xf32>, vector<16xi32> -> vector<16xf32>
        %get3A_315 = arith.index_cast %scan3A_301 : i32 to index
        %get3A_316 = arith.constant 0 : index
        %get3A_317 = tpu.vector_load %arg12[%get3A_315, %get3A_316] {strides = array<i32>} : memref<24x512xf32, #tpu.memory_space<vmem>>, vector<16xf32>,
        %mul3A_318 = arith.mulf %get3A_317, %gather3A_314 : vector<16xf32>
        %swap3A_319 = arith.index_cast %scan3A_301 : i32 to index
        %swap3A_320 = arith.constant 0 : index
        %swap3A_321 = tpu.vector_load %arg12[%swap3A_319, %swap3A_320] {strides = array<i32>} : memref<24x512xf32, #tpu.memory_space<vmem>>, vector<16xf32>,
        tpu.vector_store %arg12[%swap3A_319, %swap3A_320], %mul3A_318 {strides = array<i32>} : memref<24x512xf32, #tpu.memory_space<vmem>>, vector<16xf32>,
        %get3A_322 = arith.index_cast %scan3A_301 : i32 to index
        %get3A_323 = arith.constant 16 : index
        %get3A_324 = tpu.vector_load %arg12[%get3A_322, %get3A_323] {strides = array<i32>} : memref<24x512xf32, #tpu.memory_space<vmem>>, vector<16xf32>,
        %mul3A_325 = arith.mulf %get3A_324, %gather3A_314 : vector<16xf32>
        %swap3A_326 = arith.index_cast %scan3A_301 : i32 to index
        %swap3A_327 = arith.constant 16 : index
        %swap3A_328 = tpu.vector_load %arg12[%swap3A_326, %swap3A_327] {strides = array<i32>} : memref<24x512xf32, #tpu.memory_space<vmem>>, vector<16xf32>,
        tpu.vector_store %arg12[%swap3A_326, %swap3A_327], %mul3A_325 {strides = array<i32>} : memref<24x512xf32, #tpu.memory_space<vmem>>, vector<16xf32>,
        %get3A_329 = arith.index_cast %scan3A_301 : i32 to index
        %get3A_330 = arith.constant 32 : index
        %get3A_331 = tpu.vector_load %arg12[%get3A_329, %get3A_330] {strides = array<i32>} : memref<24x512xf32, #tpu.memory_space<vmem>>, vector<16xf32>,
        %mul3A_332 = arith.mulf %get3A_331, %gather3A_314 : vector<16xf32>
        %swap3A_333 = arith.index_cast %scan3A_301 : i32 to index
        %swap3A_334 = arith.constant 32 : index
        %swap3A_335 = tpu.vector_load %arg12[%swap3A_333, %swap3A_334] {strides = array<i32>} : memref<24x512xf32, #tpu.memory_space<vmem>>, vector<16xf32>,
        tpu.vector_store %arg12[%swap3A_333, %swap3A_334], %mul3A_332 {strides = array<i32>} : memref<24x512xf32, #tpu.memory_space<vmem>>, vector<16xf32>,
        %get3A_336 = arith.index_cast %scan3A_301 : i32 to index
        %get3A_337 = arith.constant 48 : index
        %get3A_338 = tpu.vector_load %arg12[%get3A_336, %get3A_337] {strides = array<i32>} : memref<24x512xf32, #tpu.memory_space<vmem>>, vector<16xf32>,
        %mul3A_339 = arith.mulf %get3A_338, %gather3A_314 : vector<16xf32>
        %swap3A_340 = arith.index_cast %scan3A_301 : i32 to index
        %swap3A_341 = arith.constant 48 : index
        %swap3A_342 = tpu.vector_load %arg12[%swap3A_340, %swap3A_341] {strides = array<i32>} : memref<24x512xf32, #tpu.memory_space<vmem>>, vector<16xf32>,
        tpu.vector_store %arg12[%swap3A_340, %swap3A_341], %mul3A_339 {strides = array<i32>} : memref<24x512xf32, #tpu.memory_space<vmem>>, vector<16xf32>,
        %get3A_343 = arith.index_cast %scan3A_301 : i32 to index
        %get3A_344 = arith.constant 64 : index
        %get3A_345 = tpu.vector_load %arg12[%get3A_343, %get3A_344] {strides = array<i32>} : memref<24x512xf32, #tpu.memory_space<vmem>>, vector<16xf32>,
        %mul3A_346 = arith.mulf %get3A_345, %gather3A_314 : vector<16xf32>
        %swap3A_347 = arith.index_cast %scan3A_301 : i32 to index
        %swap3A_348 = arith.constant 64 : index
        %swap3A_349 = tpu.vector_load %arg12[%swap3A_347, %swap3A_348] {strides = array<i32>} : memref<24x512xf32, #tpu.memory_space<vmem>>, vector<16xf32>,
        tpu.vector_store %arg12[%swap3A_347, %swap3A_348], %mul3A_346 {strides = array<i32>} : memref<24x512xf32, #tpu.memory_space<vmem>>, vector<16xf32>,
        %get3A_350 = arith.index_cast %scan3A_301 : i32 to index
        %get3A_351 = arith.constant 80 : index
        %get3A_352 = tpu.vector_load %arg12[%get3A_350, %get3A_351] {strides = array<i32>} : memref<24x512xf32, #tpu.memory_space<vmem>>, vector<16xf32>,
        %mul3A_353 = arith.mulf %get3A_352, %gather3A_314 : vector<16xf32>
        %swap3A_354 = arith.index_cast %scan3A_301 : i32 to index
        %swap3A_355 = arith.constant 80 : index
        %swap3A_356 = tpu.vector_load %arg12[%swap3A_354, %swap3A_355] {strides = array<i32>} : memref<24x512xf32, #tpu.memory_space<vmem>>, vector<16xf32>,
        tpu.vector_store %arg12[%swap3A_354, %swap3A_355], %mul3A_353 {strides = array<i32>} : memref<24x512xf32, #tpu.memory_space<vmem>>, vector<16xf32>,
        %get3A_357 = arith.index_cast %scan3A_301 : i32 to index
        %get3A_358 = arith.constant 96 : index
        %get3A_359 = tpu.vector_load %arg12[%get3A_357, %get3A_358] {strides = array<i32>} : memref<24x512xf32, #tpu.memory_space<vmem>>, vector<16xf32>,
        %mul3A_360 = arith.mulf %get3A_359, %gather3A_314 : vector<16xf32>
        %swap3A_361 = arith.index_cast %scan3A_301 : i32 to index
        %swap3A_362 = arith.constant 96 : index
        %swap3A_363 = tpu.vector_load %arg12[%swap3A_361, %swap3A_362] {strides = array<i32>} : memref<24x512xf32, #tpu.memory_space<vmem>>, vector<16xf32>,
        tpu.vector_store %arg12[%swap3A_361, %swap3A_362], %mul3A_360 {strides = array<i32>} : memref<24x512xf32, #tpu.memory_space<vmem>>, vector<16xf32>,
        %get3A_364 = arith.index_cast %scan3A_301 : i32 to index
        %get3A_365 = arith.constant 112 : index
        %get3A_366 = tpu.vector_load %arg12[%get3A_364, %get3A_365] {strides = array<i32>} : memref<24x512xf32, #tpu.memory_space<vmem>>, vector<16xf32>,
        %mul3A_367 = arith.mulf %get3A_366, %gather3A_314 : vector<16xf32>
        %swap3A_368 = arith.index_cast %scan3A_301 : i32 to index
        %swap3A_369 = arith.constant 112 : index
        %swap3A_370 = tpu.vector_load %arg12[%swap3A_368, %swap3A_369] {strides = array<i32>} : memref<24x512xf32, #tpu.memory_space<vmem>>, vector<16xf32>,
        tpu.vector_store %arg12[%swap3A_368, %swap3A_369], %mul3A_367 {strides = array<i32>} : memref<24x512xf32, #tpu.memory_space<vmem>>, vector<16xf32>,
        %broadcast_in_dim3A_371 = arith.constant 1 : i32
        %broadcast_in_dim3A_372 = vector.broadcast %broadcast_in_dim3A_371 : i32 to vector<16xi32>
        %lt3A_373 = arith.constant 0 : i32
        %lt3A_374 = vector.broadcast %lt3A_373 : i32 to vector<16xi32>
        %lt3A_375 = arith.cmpi slt, %broadcast_in_dim3A_372, %lt3A_374 : vector<16xi32>
        %add3A_376 = arith.constant 16 : i32
        %add3A_377 = vector.broadcast %add3A_376 : i32 to vector<16xi32>
        %add3A_378 = arith.addi %broadcast_in_dim3A_372, %add3A_377 : vector<16xi32>
        %select_n3A_379 = arith.select %lt3A_375, %add3A_378, %broadcast_in_dim3A_372 : vector<16xi1>, vector<16xi32>
        %broadcast_in_dim3A_380 = vector.shape_cast %select_n3A_379 : vector<16xi32> to vector<16x1xi32>
        %gather3A_381 = vector.shape_cast %broadcast_in_dim3A_380 : vector<16x1xi32> to vector<16xi32>
        %gather3A_382 = tpu.dynamic_gather %get3A_304[%gather3A_381] in [0] : vector<16xf32>, vector<16xi32> -> vector<16xf32>
        %get3A_383 = arith.index_cast %scan3A_301 : i32 to index
        %get3A_384 = arith.constant 128 : index
        %get3A_385 = tpu.vector_load %arg12[%get3A_383, %get3A_384] {strides = array<i32>} : memref<24x512xf32, #tpu.memory_space<vmem>>, vector<16xf32>,
        %mul3A_386 = arith.mulf %get3A_385, %gather3A_382 : vector<16xf32>
        %swap3A_387 = arith.index_cast %scan3A_301 : i32 to index
        %swap3A_388 = arith.constant 128 : index
        %swap3A_389 = tpu.vector_load %arg12[%swap3A_387, %swap3A_388] {strides = array<i32>} : memref<24x512xf32, #tpu.memory_space<vmem>>, vector<16xf32>,
        tpu.vector_store %arg12[%swap3A_387, %swap3A_388], %mul3A_386 {strides = array<i32>} : memref<24x512xf32, #tpu.memory_space<vmem>>, vector<16xf32>,
        %get3A_390 = arith.index_cast %scan3A_301 : i32 to index
        %get3A_391 = arith.constant 144 : index
        %get3A_392 = tpu.vector_load %arg12[%get3A_390, %get3A_391] {strides = array<i32>} : memref<24x512xf32, #tpu.memory_space<vmem>>, vector<16xf32>,
        %mul3A_393 = arith.mulf %get3A_392, %gather3A_382 : vector<16xf32>
        %swap3A_394 = arith.index_cast %scan3A_301 : i32 to index
        %swap3A_395 = arith.constant 144 : index
        %swap3A_396 = tpu.vector_load %arg12[%swap3A_394, %swap3A_395] {strides = array<i32>} : memref<24x512xf32, #tpu.memory_space<vmem>>, vector<16xf32>,
        tpu.vector_store %arg12[%swap3A_394, %swap3A_395], %mul3A_393 {strides = array<i32>} : memref<24x512xf32, #tpu.memory_space<vmem>>, vector<16xf32>,
        %get3A_397 = arith.index_cast %scan3A_301 : i32 to index
        %get3A_398 = arith.constant 160 : index
        %get3A_399 = tpu.vector_load %arg12[%get3A_397, %get3A_398] {strides = array<i32>} : memref<24x512xf32, #tpu.memory_space<vmem>>, vector<16xf32>,
        %mul3A_400 = arith.mulf %get3A_399, %gather3A_382 : vector<16xf32>
        %swap3A_401 = arith.index_cast %scan3A_301 : i32 to index
        %swap3A_402 = arith.constant 160 : index
        %swap3A_403 = tpu.vector_load %arg12[%swap3A_401, %swap3A_402] {strides = array<i32>} : memref<24x512xf32, #tpu.memory_space<vmem>>, vector<16xf32>,
        tpu.vector_store %arg12[%swap3A_401, %swap3A_402], %mul3A_400 {strides = array<i32>} : memref<24x512xf32, #tpu.memory_space<vmem>>, vector<16xf32>,
        %get3A_404 = arith.index_cast %scan3A_301 : i32 to index
        %get3A_405 = arith.constant 176 : index
        %get3A_406 = tpu.vector_load %arg12[%get3A_404, %get3A_405] {strides = array<i32>} : memref<24x512xf32, #tpu.memory_space<vmem>>, vector<16xf32>,
        %mul3A_407 = arith.mulf %get3A_406, %gather3A_382 : vector<16xf32>
        %swap3A_408 = arith.index_cast %scan3A_301 : i32 to index
        %swap3A_409 = arith.constant 176 : index
        %swap3A_410 = tpu.vector_load %arg12[%swap3A_408, %swap3A_409] {strides = array<i32>} : memref<24x512xf32, #tpu.memory_space<vmem>>, vector<16xf32>,
        tpu.vector_store %arg12[%swap3A_408, %swap3A_409], %mul3A_407 {strides = array<i32>} : memref<24x512xf32, #tpu.memory_space<vmem>>, vector<16xf32>,
        %get3A_411 = arith.index_cast %scan3A_301 : i32 to index
        %get3A_412 = arith.constant 192 : index
        %get3A_413 = tpu.vector_load %arg12[%get3A_411, %get3A_412] {strides = array<i32>} : memref<24x512xf32, #tpu.memory_space<vmem>>, vector<16xf32>,
        %mul3A_414 = arith.mulf %get3A_413, %gather3A_382 : vector<16xf32>
        %swap3A_415 = arith.index_cast %scan3A_301 : i32 to index
        %swap3A_416 = arith.constant 192 : index
        %swap3A_417 = tpu.vector_load %arg12[%swap3A_415, %swap3A_416] {strides = array<i32>} : memref<24x512xf32, #tpu.memory_space<vmem>>, vector<16xf32>,
        tpu.vector_store %arg12[%swap3A_415, %swap3A_416], %mul3A_414 {strides = array<i32>} : memref<24x512xf32, #tpu.memory_space<vmem>>, vector<16xf32>,
        %get3A_418 = arith.index_cast %scan3A_301 : i32 to index
        %get3A_419 = arith.constant 208 : index
        %get3A_420 = tpu.vector_load %arg12[%get3A_418, %get3A_419] {strides = array<i32>} : memref<24x512xf32, #tpu.memory_space<vmem>>, vector<16xf32>,
        %mul3A_421 = arith.mulf %get3A_420, %gather3A_382 : vector<16xf32>
        %swap3A_422 = arith.index_cast %scan3A_301 : i32 to index
        %swap3A_423 = arith.constant 208 : index
        %swap3A_424 = tpu.vector_load %arg12[%swap3A_422, %swap3A_423] {strides = array<i32>} : memref<24x512xf32, #tpu.memory_space<vmem>>, vector<16xf32>,
        tpu.vector_store %arg12[%swap3A_422, %swap3A_423], %mul3A_421 {strides = array<i32>} : memref<24x512xf32, #tpu.memory_space<vmem>>, vector<16xf32>,
        %get3A_425 = arith.index_cast %scan3A_301 : i32 to index
        %get3A_426 = arith.constant 224 : index
        %get3A_427 = tpu.vector_load %arg12[%get3A_425, %get3A_426] {strides = array<i32>} : memref<24x512xf32, #tpu.memory_space<vmem>>, vector<16xf32>,
        %mul3A_428 = arith.mulf %get3A_427, %gather3A_382 : vector<16xf32>
        %swap3A_429 = arith.index_cast %scan3A_301 : i32 to index
        %swap3A_430 = arith.constant 224 : index
        %swap3A_431 = tpu.vector_load %arg12[%swap3A_429, %swap3A_430] {strides = array<i32>} : memref<24x512xf32, #tpu.memory_space<vmem>>, vector<16xf32>,
        tpu.vector_store %arg12[%swap3A_429, %swap3A_430], %mul3A_428 {strides = array<i32>} : memref<24x512xf32, #tpu.memory_space<vmem>>, vector<16xf32>,
        %get3A_432 = arith.index_cast %scan3A_301 : i32 to index
        %get3A_433 = arith.constant 240 : index
        %get3A_434 = tpu.vector_load %arg12[%get3A_432, %get3A_433] {strides = array<i32>} : memref<24x512xf32, #tpu.memory_space<vmem>>, vector<16xf32>,
        %mul3A_435 = arith.mulf %get3A_434, %gather3A_382 : vector<16xf32>
        %swap3A_436 = arith.index_cast %scan3A_301 : i32 to index
        %swap3A_437 = arith.constant 240 : index
        %swap3A_438 = tpu.vector_load %arg12[%swap3A_436, %swap3A_437] {strides = array<i32>} : memref<24x512xf32, #tpu.memory_space<vmem>>, vector<16xf32>,
        tpu.vector_store %arg12[%swap3A_436, %swap3A_437], %mul3A_435 {strides = array<i32>} : memref<24x512xf32, #tpu.memory_space<vmem>>, vector<16xf32>,
        %broadcast_in_dim3A_439 = arith.constant 2 : i32
        %broadcast_in_dim3A_440 = vector.broadcast %broadcast_in_dim3A_439 : i32 to vector<16xi32>
        %lt3A_441 = arith.constant 0 : i32
        %lt3A_442 = vector.broadcast %lt3A_441 : i32 to vector<16xi32>
        %lt3A_443 = arith.cmpi slt, %broadcast_in_dim3A_440, %lt3A_442 : vector<16xi32>
        %add3A_444 = arith.constant 16 : i32
        %add3A_445 = vector.broadcast %add3A_444 : i32 to vector<16xi32>
        %add3A_446 = arith.addi %broadcast_in_dim3A_440, %add3A_445 : vector<16xi32>
        %select_n3A_447 = arith.select %lt3A_443, %add3A_446, %broadcast_in_dim3A_440 : vector<16xi1>, vector<16xi32>
        %broadcast_in_dim3A_448 = vector.shape_cast %select_n3A_447 : vector<16xi32> to vector<16x1xi32>
        %gather3A_449 = vector.shape_cast %broadcast_in_dim3A_448 : vector<16x1xi32> to vector<16xi32>
        %gather3A_450 = tpu.dynamic_gather %get3A_304[%gather3A_449] in [0] : vector<16xf32>, vector<16xi32> -> vector<16xf32>
        %get3A_451 = arith.index_cast %scan3A_301 : i32 to index
        %get3A_452 = arith.constant 256 : index
        %get3A_453 = tpu.vector_load %arg12[%get3A_451, %get3A_452] {strides = array<i32>} : memref<24x512xf32, #tpu.memory_space<vmem>>, vector<16xf32>,
        %mul3A_454 = arith.mulf %get3A_453, %gather3A_450 : vector<16xf32>
        %swap3A_455 = arith.index_cast %scan3A_301 : i32 to index
        %swap3A_456 = arith.constant 256 : index
        %swap3A_457 = tpu.vector_load %arg12[%swap3A_455, %swap3A_456] {strides = array<i32>} : memref<24x512xf32, #tpu.memory_space<vmem>>, vector<16xf32>,
        tpu.vector_store %arg12[%swap3A_455, %swap3A_456], %mul3A_454 {strides = array<i32>} : memref<24x512xf32, #tpu.memory_space<vmem>>, vector<16xf32>,
        %get3A_458 = arith.index_cast %scan3A_301 : i32 to index
        %get3A_459 = arith.constant 272 : index
        %get3A_460 = tpu.vector_load %arg12[%get3A_458, %get3A_459] {strides = array<i32>} : memref<24x512xf32, #tpu.memory_space<vmem>>, vector<16xf32>,
        %mul3A_461 = arith.mulf %get3A_460, %gather3A_450 : vector<16xf32>
        %swap3A_462 = arith.index_cast %scan3A_301 : i32 to index
        %swap3A_463 = arith.constant 272 : index
        %swap3A_464 = tpu.vector_load %arg12[%swap3A_462, %swap3A_463] {strides = array<i32>} : memref<24x512xf32, #tpu.memory_space<vmem>>, vector<16xf32>,
        tpu.vector_store %arg12[%swap3A_462, %swap3A_463], %mul3A_461 {strides = array<i32>} : memref<24x512xf32, #tpu.memory_space<vmem>>, vector<16xf32>,
        %get3A_465 = arith.index_cast %scan3A_301 : i32 to index
        %get3A_466 = arith.constant 288 : index
        %get3A_467 = tpu.vector_load %arg12[%get3A_465, %get3A_466] {strides = array<i32>} : memref<24x512xf32, #tpu.memory_space<vmem>>, vector<16xf32>,
        %mul3A_468 = arith.mulf %get3A_467, %gather3A_450 : vector<16xf32>
        %swap3A_469 = arith.index_cast %scan3A_301 : i32 to index
        %swap3A_470 = arith.constant 288 : index
        %swap3A_471 = tpu.vector_load %arg12[%swap3A_469, %swap3A_470] {strides = array<i32>} : memref<24x512xf32, #tpu.memory_space<vmem>>, vector<16xf32>,
        tpu.vector_store %arg12[%swap3A_469, %swap3A_470], %mul3A_468 {strides = array<i32>} : memref<24x512xf32, #tpu.memory_space<vmem>>, vector<16xf32>,
        %get3A_472 = arith.index_cast %scan3A_301 : i32 to index
        %get3A_473 = arith.constant 304 : index
        %get3A_474 = tpu.vector_load %arg12[%get3A_472, %get3A_473] {strides = array<i32>} : memref<24x512xf32, #tpu.memory_space<vmem>>, vector<16xf32>,
        %mul3A_475 = arith.mulf %get3A_474, %gather3A_450 : vector<16xf32>
        %swap3A_476 = arith.index_cast %scan3A_301 : i32 to index
        %swap3A_477 = arith.constant 304 : index
        %swap3A_478 = tpu.vector_load %arg12[%swap3A_476, %swap3A_477] {strides = array<i32>} : memref<24x512xf32, #tpu.memory_space<vmem>>, vector<16xf32>,
        tpu.vector_store %arg12[%swap3A_476, %swap3A_477], %mul3A_475 {strides = array<i32>} : memref<24x512xf32, #tpu.memory_space<vmem>>, vector<16xf32>,
        %get3A_479 = arith.index_cast %scan3A_301 : i32 to index
        %get3A_480 = arith.constant 320 : index
        %get3A_481 = tpu.vector_load %arg12[%get3A_479, %get3A_480] {strides = array<i32>} : memref<24x512xf32, #tpu.memory_space<vmem>>, vector<16xf32>,
        %mul3A_482 = arith.mulf %get3A_481, %gather3A_450 : vector<16xf32>
        %swap3A_483 = arith.index_cast %scan3A_301 : i32 to index
        %swap3A_484 = arith.constant 320 : index
        %swap3A_485 = tpu.vector_load %arg12[%swap3A_483, %swap3A_484] {strides = array<i32>} : memref<24x512xf32, #tpu.memory_space<vmem>>, vector<16xf32>,
        tpu.vector_store %arg12[%swap3A_483, %swap3A_484], %mul3A_482 {strides = array<i32>} : memref<24x512xf32, #tpu.memory_space<vmem>>, vector<16xf32>,
        %get3A_486 = arith.index_cast %scan3A_301 : i32 to index
        %get3A_487 = arith.constant 336 : index
        %get3A_488 = tpu.vector_load %arg12[%get3A_486, %get3A_487] {strides = array<i32>} : memref<24x512xf32, #tpu.memory_space<vmem>>, vector<16xf32>,
        %mul3A_489 = arith.mulf %get3A_488, %gather3A_450 : vector<16xf32>
        %swap3A_490 = arith.index_cast %scan3A_301 : i32 to index
        %swap3A_491 = arith.constant 336 : index
        %swap3A_492 = tpu.vector_load %arg12[%swap3A_490, %swap3A_491] {strides = array<i32>} : memref<24x512xf32, #tpu.memory_space<vmem>>, vector<16xf32>,
        tpu.vector_store %arg12[%swap3A_490, %swap3A_491], %mul3A_489 {strides = array<i32>} : memref<24x512xf32, #tpu.memory_space<vmem>>, vector<16xf32>,
        %get3A_493 = arith.index_cast %scan3A_301 : i32 to index
        %get3A_494 = arith.constant 352 : index
        %get3A_495 = tpu.vector_load %arg12[%get3A_493, %get3A_494] {strides = array<i32>} : memref<24x512xf32, #tpu.memory_space<vmem>>, vector<16xf32>,
        %mul3A_496 = arith.mulf %get3A_495, %gather3A_450 : vector<16xf32>
        %swap3A_497 = arith.index_cast %scan3A_301 : i32 to index
        %swap3A_498 = arith.constant 352 : index
        %swap3A_499 = tpu.vector_load %arg12[%swap3A_497, %swap3A_498] {strides = array<i32>} : memref<24x512xf32, #tpu.memory_space<vmem>>, vector<16xf32>,
        tpu.vector_store %arg12[%swap3A_497, %swap3A_498], %mul3A_496 {strides = array<i32>} : memref<24x512xf32, #tpu.memory_space<vmem>>, vector<16xf32>,
        %get3A_500 = arith.index_cast %scan3A_301 : i32 to index
        %get3A_501 = arith.constant 368 : index
        %get3A_502 = tpu.vector_load %arg12[%get3A_500, %get3A_501] {strides = array<i32>} : memref<24x512xf32, #tpu.memory_space<vmem>>, vector<16xf32>,
        %mul3A_503 = arith.mulf %get3A_502, %gather3A_450 : vector<16xf32>
        %swap3A_504 = arith.index_cast %scan3A_301 : i32 to index
        %swap3A_505 = arith.constant 368 : index
        %swap3A_506 = tpu.vector_load %arg12[%swap3A_504, %swap3A_505] {strides = array<i32>} : memref<24x512xf32, #tpu.memory_space<vmem>>, vector<16xf32>,
        tpu.vector_store %arg12[%swap3A_504, %swap3A_505], %mul3A_503 {strides = array<i32>} : memref<24x512xf32, #tpu.memory_space<vmem>>, vector<16xf32>,
        %broadcast_in_dim3A_507 = arith.constant 3 : i32
        %broadcast_in_dim3A_508 = vector.broadcast %broadcast_in_dim3A_507 : i32 to vector<16xi32>
        %lt3A_509 = arith.constant 0 : i32
        %lt3A_510 = vector.broadcast %lt3A_509 : i32 to vector<16xi32>
        %lt3A_511 = arith.cmpi slt, %broadcast_in_dim3A_508, %lt3A_510 : vector<16xi32>
        %add3A_512 = arith.constant 16 : i32
        %add3A_513 = vector.broadcast %add3A_512 : i32 to vector<16xi32>
        %add3A_514 = arith.addi %broadcast_in_dim3A_508, %add3A_513 : vector<16xi32>
        %select_n3A_515 = arith.select %lt3A_511, %add3A_514, %broadcast_in_dim3A_508 : vector<16xi1>, vector<16xi32>
        %broadcast_in_dim3A_516 = vector.shape_cast %select_n3A_515 : vector<16xi32> to vector<16x1xi32>
        %gather3A_517 = vector.shape_cast %broadcast_in_dim3A_516 : vector<16x1xi32> to vector<16xi32>
        %gather3A_518 = tpu.dynamic_gather %get3A_304[%gather3A_517] in [0] : vector<16xf32>, vector<16xi32> -> vector<16xf32>
        %get3A_519 = arith.index_cast %scan3A_301 : i32 to index
        %get3A_520 = arith.constant 384 : index
        %get3A_521 = tpu.vector_load %arg12[%get3A_519, %get3A_520] {strides = array<i32>} : memref<24x512xf32, #tpu.memory_space<vmem>>, vector<16xf32>,
        %mul3A_522 = arith.mulf %get3A_521, %gather3A_518 : vector<16xf32>
        %swap3A_523 = arith.index_cast %scan3A_301 : i32 to index
        %swap3A_524 = arith.constant 384 : index
        %swap3A_525 = tpu.vector_load %arg12[%swap3A_523, %swap3A_524] {strides = array<i32>} : memref<24x512xf32, #tpu.memory_space<vmem>>, vector<16xf32>,
        tpu.vector_store %arg12[%swap3A_523, %swap3A_524], %mul3A_522 {strides = array<i32>} : memref<24x512xf32, #tpu.memory_space<vmem>>, vector<16xf32>,
        %get3A_526 = arith.index_cast %scan3A_301 : i32 to index
        %get3A_527 = arith.constant 400 : index
        %get3A_528 = tpu.vector_load %arg12[%get3A_526, %get3A_527] {strides = array<i32>} : memref<24x512xf32, #tpu.memory_space<vmem>>, vector<16xf32>,
        %mul3A_529 = arith.mulf %get3A_528, %gather3A_518 : vector<16xf32>
        %swap3A_530 = arith.index_cast %scan3A_301 : i32 to index
        %swap3A_531 = arith.constant 400 : index
        %swap3A_532 = tpu.vector_load %arg12[%swap3A_530, %swap3A_531] {strides = array<i32>} : memref<24x512xf32, #tpu.memory_space<vmem>>, vector<16xf32>,
        tpu.vector_store %arg12[%swap3A_530, %swap3A_531], %mul3A_529 {strides = array<i32>} : memref<24x512xf32, #tpu.memory_space<vmem>>, vector<16xf32>,
        %get3A_533 = arith.index_cast %scan3A_301 : i32 to index
        %get3A_534 = arith.constant 416 : index
        %get3A_535 = tpu.vector_load %arg12[%get3A_533, %get3A_534] {strides = array<i32>} : memref<24x512xf32, #tpu.memory_space<vmem>>, vector<16xf32>,
        %mul3A_536 = arith.mulf %get3A_535, %gather3A_518 : vector<16xf32>
        %swap3A_537 = arith.index_cast %scan3A_301 : i32 to index
        %swap3A_538 = arith.constant 416 : index
        %swap3A_539 = tpu.vector_load %arg12[%swap3A_537, %swap3A_538] {strides = array<i32>} : memref<24x512xf32, #tpu.memory_space<vmem>>, vector<16xf32>,
        tpu.vector_store %arg12[%swap3A_537, %swap3A_538], %mul3A_536 {strides = array<i32>} : memref<24x512xf32, #tpu.memory_space<vmem>>, vector<16xf32>,
        %get3A_540 = arith.index_cast %scan3A_301 : i32 to index
        %get3A_541 = arith.constant 432 : index
        %get3A_542 = tpu.vector_load %arg12[%get3A_540, %get3A_541] {strides = array<i32>} : memref<24x512xf32, #tpu.memory_space<vmem>>, vector<16xf32>,
        %mul3A_543 = arith.mulf %get3A_542, %gather3A_518 : vector<16xf32>
        %swap3A_544 = arith.index_cast %scan3A_301 : i32 to index
        %swap3A_545 = arith.constant 432 : index
        %swap3A_546 = tpu.vector_load %arg12[%swap3A_544, %swap3A_545] {strides = array<i32>} : memref<24x512xf32, #tpu.memory_space<vmem>>, vector<16xf32>,
        tpu.vector_store %arg12[%swap3A_544, %swap3A_545], %mul3A_543 {strides = array<i32>} : memref<24x512xf32, #tpu.memory_space<vmem>>, vector<16xf32>,
        %get3A_547 = arith.index_cast %scan3A_301 : i32 to index
        %get3A_548 = arith.constant 448 : index
        %get3A_549 = tpu.vector_load %arg12[%get3A_547, %get3A_548] {strides = array<i32>} : memref<24x512xf32, #tpu.memory_space<vmem>>, vector<16xf32>,
        %mul3A_550 = arith.mulf %get3A_549, %gather3A_518 : vector<16xf32>
        %swap3A_551 = arith.index_cast %scan3A_301 : i32 to index
        %swap3A_552 = arith.constant 448 : index
        %swap3A_553 = tpu.vector_load %arg12[%swap3A_551, %swap3A_552] {strides = array<i32>} : memref<24x512xf32, #tpu.memory_space<vmem>>, vector<16xf32>,
        tpu.vector_store %arg12[%swap3A_551, %swap3A_552], %mul3A_550 {strides = array<i32>} : memref<24x512xf32, #tpu.memory_space<vmem>>, vector<16xf32>,
        %get3A_554 = arith.index_cast %scan3A_301 : i32 to index
        %get3A_555 = arith.constant 464 : index
        %get3A_556 = tpu.vector_load %arg12[%get3A_554, %get3A_555] {strides = array<i32>} : memref<24x512xf32, #tpu.memory_space<vmem>>, vector<16xf32>,
        %mul3A_557 = arith.mulf %get3A_556, %gather3A_518 : vector<16xf32>
        %swap3A_558 = arith.index_cast %scan3A_301 : i32 to index
        %swap3A_559 = arith.constant 464 : index
        %swap3A_560 = tpu.vector_load %arg12[%swap3A_558, %swap3A_559] {strides = array<i32>} : memref<24x512xf32, #tpu.memory_space<vmem>>, vector<16xf32>,
        tpu.vector_store %arg12[%swap3A_558, %swap3A_559], %mul3A_557 {strides = array<i32>} : memref<24x512xf32, #tpu.memory_space<vmem>>, vector<16xf32>,
        %get3A_561 = arith.index_cast %scan3A_301 : i32 to index
        %get3A_562 = arith.constant 480 : index
        %get3A_563 = tpu.vector_load %arg12[%get3A_561, %get3A_562] {strides = array<i32>} : memref<24x512xf32, #tpu.memory_space<vmem>>, vector<16xf32>,
        %mul3A_564 = arith.mulf %get3A_563, %gather3A_518 : vector<16xf32>
        %swap3A_565 = arith.index_cast %scan3A_301 : i32 to index
        %swap3A_566 = arith.constant 480 : index
        %swap3A_567 = tpu.vector_load %arg12[%swap3A_565, %swap3A_566] {strides = array<i32>} : memref<24x512xf32, #tpu.memory_space<vmem>>, vector<16xf32>,
        tpu.vector_store %arg12[%swap3A_565, %swap3A_566], %mul3A_564 {strides = array<i32>} : memref<24x512xf32, #tpu.memory_space<vmem>>, vector<16xf32>,
        %get3A_568 = arith.index_cast %scan3A_301 : i32 to index
        %get3A_569 = arith.constant 496 : index
        %get3A_570 = tpu.vector_load %arg12[%get3A_568, %get3A_569] {strides = array<i32>} : memref<24x512xf32, #tpu.memory_space<vmem>>, vector<16xf32>,
        %mul3A_571 = arith.mulf %get3A_570, %gather3A_518 : vector<16xf32>
        %swap3A_572 = arith.index_cast %scan3A_301 : i32 to index
        %swap3A_573 = arith.constant 496 : index
        %swap3A_574 = tpu.vector_load %arg12[%swap3A_572, %swap3A_573] {strides = array<i32>} : memref<24x512xf32, #tpu.memory_space<vmem>>, vector<16xf32>,
        tpu.vector_store %arg12[%swap3A_572, %swap3A_573], %mul3A_571 {strides = array<i32>} : memref<24x512xf32, #tpu.memory_space<vmem>>, vector<16xf32>,
        %scan3A_575 = arith.constant 0 : i32
        scf.yield %scan3A_575 : i32
      }
      %scan3A_299 = arith.constant 24 : i32
      "tpu.region"() ({
        %run_scoped3A = tpu.sem_alloc : memref<!tpu.dma_semaphore, #tpu.memory_space<semaphore_mem>>
        %dma_start3A_301 = arith.constant 0 : i32
        %dma_start3A_302 = tpu.memref_slice %arg10[%add3A_255, %dma_start3A_301] : memref<110x24xi32, #tpu.memory_space<vmem>> -> memref<1x24xi32, #tpu.memory_space<vmem>>
        %dma_start3A_303 = tpu.memref_squeeze %dma_start3A_302 : memref<1x24xi32, #tpu.memory_space<vmem>> -> memref<24xi32, #tpu.memory_space<vmem>>
        %dma_start3A_304 = arith.constant 0 : i32
        %dma_start3A_305 = arith.constant 0 : i32
        %dma_start3A_306 = tpu.memref_slice %arg17[%dma_start3A_304, %dma_start3A_305] : memref<2560x512xf32, #tpu.memory_space<vmem_shared>> -> memref<2560x512xf32, #tpu.memory_space<vmem_shared>>
        tpu.enqueue_indirect_dma source(%arg12 : memref<24x512xf32, #tpu.memory_space<vmem>>) target(%dma_start3A_306 : memref<2560x512xf32, #tpu.memory_space<vmem_shared>>) offsets(%dma_start3A_303 : memref<24xi32, #tpu.memory_space<vmem>>) semaphore(%run_scoped3A : memref<!tpu.dma_semaphore, #tpu.memory_space<semaphore_mem>>) {add = true}
        %dma_wait3A_307 = arith.constant 0 : i32
        %dma_wait3A_308 = tpu.memref_slice %arg10[%add3A_255, %dma_wait3A_307] : memref<110x24xi32, #tpu.memory_space<vmem>> -> memref<1x24xi32, #tpu.memory_space<vmem>>
        %dma_wait3A_309 = tpu.memref_squeeze %dma_wait3A_308 : memref<1x24xi32, #tpu.memory_space<vmem>> -> memref<24xi32, #tpu.memory_space<vmem>>
        %dma_wait3A_310 = arith.constant 0 : i32
        %dma_wait3A_311 = arith.constant 0 : i32
        %dma_wait3A_312 = tpu.memref_slice %arg17[%dma_wait3A_310, %dma_wait3A_311] : memref<2560x512xf32, #tpu.memory_space<vmem_shared>> -> memref<2560x512xf32, #tpu.memory_space<vmem_shared>>
        tpu.wait_indirect_dma semaphore(%run_scoped3A : memref<!tpu.dma_semaphore, #tpu.memory_space<semaphore_mem>>) src(%arg12 : memref<24x512xf32, #tpu.memory_space<vmem>>) dst(%dma_wait3A_312 : memref<2560x512xf32, #tpu.memory_space<vmem_shared>>)
        tpu.yield
      }) : () -> ()
      "tpu.region"() ({
        %run_scoped3A = tpu.sem_alloc : memref<!tpu.dma_semaphore, #tpu.memory_space<semaphore_mem>>
        %dma_start3A_301 = arith.constant 0 : i32
        %dma_start3A_302 = tpu.memref_slice %arg10[%add3A_255, %dma_start3A_301] : memref<110x24xi32, #tpu.memory_space<vmem>> -> memref<1x24xi32, #tpu.memory_space<vmem>>
        %dma_start3A_303 = tpu.memref_squeeze %dma_start3A_302 : memref<1x24xi32, #tpu.memory_space<vmem>> -> memref<24xi32, #tpu.memory_space<vmem>>
        %dma_start3A_304 = arith.constant 0 : i32
        %dma_start3A_305 = arith.constant 0 : i32
        %dma_start3A_306 = tpu.memref_slice %arg18[%dma_start3A_304, %dma_start3A_305] : memref<2560x16xf32, #tpu.memory_space<vmem_shared>> -> memref<2560x16xf32, #tpu.memory_space<vmem_shared>>
        tpu.enqueue_indirect_dma source(%arg13 : memref<24x16xf32, #tpu.memory_space<vmem>>) target(%dma_start3A_306 : memref<2560x16xf32, #tpu.memory_space<vmem_shared>>) offsets(%dma_start3A_303 : memref<24xi32, #tpu.memory_space<vmem>>) semaphore(%run_scoped3A : memref<!tpu.dma_semaphore, #tpu.memory_space<semaphore_mem>>) {add = true}
        %dma_wait3A_307 = arith.constant 0 : i32
        %dma_wait3A_308 = tpu.memref_slice %arg10[%add3A_255, %dma_wait3A_307] : memref<110x24xi32, #tpu.memory_space<vmem>> -> memref<1x24xi32, #tpu.memory_space<vmem>>
        %dma_wait3A_309 = tpu.memref_squeeze %dma_wait3A_308 : memref<1x24xi32, #tpu.memory_space<vmem>> -> memref<24xi32, #tpu.memory_space<vmem>>
        %dma_wait3A_310 = arith.constant 0 : i32
        %dma_wait3A_311 = arith.constant 0 : i32
        %dma_wait3A_312 = tpu.memref_slice %arg18[%dma_wait3A_310, %dma_wait3A_311] : memref<2560x16xf32, #tpu.memory_space<vmem_shared>> -> memref<2560x16xf32, #tpu.memory_space<vmem_shared>>
        tpu.wait_indirect_dma semaphore(%run_scoped3A : memref<!tpu.dma_semaphore, #tpu.memory_space<semaphore_mem>>) src(%arg13 : memref<24x16xf32, #tpu.memory_space<vmem>>) dst(%dma_wait3A_312 : memref<2560x16xf32, #tpu.memory_space<vmem_shared>>)
        tpu.yield
      }) : () -> ()
      %scan3A_300 = arith.constant 0 : i32
      scf.yield %scan3A_300 : i32
    }
    %scan3A_186 = arith.constant 55 : i32
    %barrier3A_187 = arith.constant 0 : index
    tpu.barrier barrier_id(%barrier3A_187)
    %scan3A_188 = arith.constant 0 : i32
    %scan3A_189 = arith.constant 0 : i32
    %scan3A_190 = arith.constant 10 : i32
    %scan3A_191 = arith.addi %scan3A_189, %scan3A_190 : i32
    %scan3A_192 = arith.constant 1 : i32
    %scan3A_193 = scf.for %scan3A_195 = %scan3A_189 to %scan3A_191 step %scan3A_192 iter_args(%scan3A_196 = %scan3A_188) -> (i32)  : i32 {
      %mul3A_197 = arith.constant 160 : i32
      %mul3A_198 = arith.muli %arg1, %mul3A_197 : i32
      %mul3A_199 = arith.constant 16 : i32
      %mul3A_200 = arith.muli %scan3A_195, %mul3A_199 : i32
      %add3A_201 = arith.addi %mul3A_198, %mul3A_200 : i32
      %mul3A_202 = arith.constant 2560 : i32
      %mul3A_203 = arith.muli %arg0, %mul3A_202 : i32
      %add3A_204 = arith.addi %mul3A_203, %add3A_201 : i32
      "tpu.region"() ({
        %run_scoped3A = tpu.sem_alloc : memref<!tpu.dma_semaphore, #tpu.memory_space<semaphore_mem>>
        %dma_start3A_209 = arith.constant 0 : i32
        %dma_start3A_210 = tpu.memref_slice %arg7[%add3A_204, %dma_start3A_209] : memref<5120x512xf32, #tpu.memory_space<hbm>> -> memref<16x512xf32, #tpu.memory_space<hbm>>
        %dma_start3A_211 = arith.constant 0 : i32
        %dma_start3A_212 = tpu.memref_slice %arg17[%add3A_201, %dma_start3A_211] : memref<2560x512xf32, #tpu.memory_space<vmem_shared>> -> memref<16x512xf32, #tpu.memory_space<vmem_shared>>
        tpu.enqueue_dma source(%dma_start3A_212 : memref<16x512xf32, #tpu.memory_space<vmem_shared>>) target(%dma_start3A_210 : memref<16x512xf32, #tpu.memory_space<hbm>>) target_semaphore(%run_scoped3A : memref<!tpu.dma_semaphore, #tpu.memory_space<semaphore_mem>>)
        %dma_wait3A = arith.constant 0 : i32
        %dma_wait3A_213 = tpu.memref_slice %arg7[%add3A_204, %dma_wait3A] : memref<5120x512xf32, #tpu.memory_space<hbm>> -> memref<16x512xf32, #tpu.memory_space<hbm>>
        %dma_wait3A_214 = arith.constant 0 : i32
        %dma_wait3A_215 = tpu.memref_slice %arg17[%add3A_201, %dma_wait3A_214] : memref<2560x512xf32, #tpu.memory_space<vmem_shared>> -> memref<16x512xf32, #tpu.memory_space<vmem_shared>>
        tpu.wait_dma2 semaphore(%run_scoped3A : memref<!tpu.dma_semaphore, #tpu.memory_space<semaphore_mem>>) src(%dma_wait3A_215 : memref<16x512xf32, #tpu.memory_space<vmem_shared>>) dst(%dma_wait3A_213 : memref<16x512xf32, #tpu.memory_space<hbm>>)
        tpu.yield
      }) : () -> ()
      %mul3A_205 = arith.constant 2560 : i32
      %mul3A_206 = arith.muli %arg0, %mul3A_205 : i32
      %add3A_207 = arith.addi %mul3A_206, %add3A_201 : i32
      "tpu.region"() ({
        %run_scoped3A = tpu.sem_alloc : memref<!tpu.dma_semaphore, #tpu.memory_space<semaphore_mem>>
        %dma_start3A_209 = arith.constant 0 : i32
        %dma_start3A_210 = tpu.memref_slice %arg8[%add3A_207, %dma_start3A_209] : memref<5120x16xf32, #tpu.memory_space<hbm>> -> memref<16x16xf32, #tpu.memory_space<hbm>>
        %dma_start3A_211 = arith.constant 0 : i32
        %dma_start3A_212 = tpu.memref_slice %arg18[%add3A_201, %dma_start3A_211] : memref<2560x16xf32, #tpu.memory_space<vmem_shared>> -> memref<16x16xf32, #tpu.memory_space<vmem_shared>>
        tpu.enqueue_dma source(%dma_start3A_212 : memref<16x16xf32, #tpu.memory_space<vmem_shared>>) target(%dma_start3A_210 : memref<16x16xf32, #tpu.memory_space<hbm>>) target_semaphore(%run_scoped3A : memref<!tpu.dma_semaphore, #tpu.memory_space<semaphore_mem>>)
        %dma_wait3A = arith.constant 0 : i32
        %dma_wait3A_213 = tpu.memref_slice %arg8[%add3A_207, %dma_wait3A] : memref<5120x16xf32, #tpu.memory_space<hbm>> -> memref<16x16xf32, #tpu.memory_space<hbm>>
        %dma_wait3A_214 = arith.constant 0 : i32
        %dma_wait3A_215 = tpu.memref_slice %arg18[%add3A_201, %dma_wait3A_214] : memref<2560x16xf32, #tpu.memory_space<vmem_shared>> -> memref<16x16xf32, #tpu.memory_space<vmem_shared>>
        tpu.wait_dma2 semaphore(%run_scoped3A : memref<!tpu.dma_semaphore, #tpu.memory_space<semaphore_mem>>) src(%dma_wait3A_215 : memref<16x16xf32, #tpu.memory_space<vmem_shared>>) dst(%dma_wait3A_213 : memref<16x16xf32, #tpu.memory_space<hbm>>)
        tpu.yield
      }) : () -> ()
      %scan3A_208 = arith.constant 0 : i32
      scf.yield %scan3A_208 : i32
    }
    %scan3A_194 = arith.constant 10 : i32
    return
  }
}

#map = affine_map<(d0, d1) -> (0, 0)>
#map1 = affine_map<(d0, d1) -> (0, 0, 0)>
module attributes {stable_mosaic.version = 14 : i64} {
  func.func @_mp_body(%arg0: i32, %arg1: i32, %arg2: memref<2560x512xf32, #tpu.memory_space<hbm>>, %arg3: memref<2560x16xf32, #tpu.memory_space<hbm>>, %arg4: memref<2560x16xf32, #tpu.memory_space<hbm>>, %arg5: memref<32x110x24xi32, #tpu.memory_space<hbm>>, %arg6: memref<32x110x24xi32, #tpu.memory_space<hbm>>, %arg7: memref<5120x512xf32, #tpu.memory_space<hbm>>, %arg8: memref<5120x16xf32, #tpu.memory_space<hbm>>, %arg9: memref<110x24xi32, #tpu.memory_space<vmem>>, %arg10: memref<110x24xi32, #tpu.memory_space<vmem>>, %arg11: memref<24x512xf32, #tpu.memory_space<vmem>>, %arg12: memref<24x512xf32, #tpu.memory_space<vmem>>, %arg13: memref<24x16xf32, #tpu.memory_space<vmem>>, %arg14: memref<24x16xf32, #tpu.memory_space<vmem>>, %arg15: memref<24x16xf32, #tpu.memory_space<vmem>>, %arg16: memref<512xf32, #tpu.memory_space<vmem>>, %arg17: memref<2560x512xf32, #tpu.memory_space<vmem_shared>>, %arg18: memref<2560x16xf32, #tpu.memory_space<vmem_shared>>, %arg19: memref<!tpu.dma_semaphore, #tpu.memory_space<semaphore_mem>>, %arg20: memref<!tpu.dma_semaphore, #tpu.memory_space<semaphore_mem>>, %arg21: memref<!tpu.dma_semaphore, #tpu.memory_space<semaphore_mem>>) attributes {dimension_semantics = [#tpu.dimension_semantics<core_parallel>, #tpu.dimension_semantics<subcore_parallel>], iteration_bounds = array<i64: 2, 16>, scalar_prefetch = 0 : i64, scratch_operands = 13 : i64, tpu.core_type = #tpu.core_type<sc_vector_subcore>, window_params = [{transform_indices = #map}, {transform_indices = #map}, {transform_indices = #map}, {transform_indices = #map1}, {transform_indices = #map1}, {transform_indices = #map}, {transform_indices = #map}]} {
    %mul3A = arith.constant 16 : i32
    %mul3A_0 = arith.muli %arg0, %mul3A : i32
    %add3A = arith.addi %mul3A_0, %arg1 : i32
    %broadcast_in_dim3A = arith.constant 0.000000e+00 : f32
    %broadcast_in_dim3A_1 = vector.broadcast %broadcast_in_dim3A : f32 to vector<16xf32>
    "tpu.region"() ({
      %run_scoped3A = tpu.sem_alloc : memref<!tpu.dma_semaphore, #tpu.memory_space<semaphore_mem>>
      %dma_start3A_195 = arith.constant 0 : i32
      %dma_start3A_196 = arith.constant 0 : i32
      %dma_start3A_197 = tpu.memref_slice %arg5[%add3A, %dma_start3A_195, %dma_start3A_196] : memref<32x110x24xi32, #tpu.memory_space<hbm>> -> memref<1x110x24xi32, #tpu.memory_space<hbm>>
      %dma_start3A_198 = tpu.memref_squeeze %dma_start3A_197 : memref<1x110x24xi32, #tpu.memory_space<hbm>> -> memref<110x24xi32, #tpu.memory_space<hbm>>
      %dma_start3A_199 = arith.constant 0 : i32
      %dma_start3A_200 = arith.constant 0 : i32
      %dma_start3A_201 = tpu.memref_slice %arg5[%add3A, %dma_start3A_199, %dma_start3A_200] : memref<32x110x24xi32, #tpu.memory_space<hbm>> -> memref<1x110x24xi32, #tpu.memory_space<hbm>>
      %dma_start3A_202 = tpu.memref_squeeze %dma_start3A_201 : memref<1x110x24xi32, #tpu.memory_space<hbm>> -> memref<110x24xi32, #tpu.memory_space<hbm>>
      tpu.enqueue_dma source(%dma_start3A_202 : memref<110x24xi32, #tpu.memory_space<hbm>>) target(%arg9 : memref<110x24xi32, #tpu.memory_space<vmem>>) target_semaphore(%run_scoped3A : memref<!tpu.dma_semaphore, #tpu.memory_space<semaphore_mem>>)
      %dma_wait3A = arith.constant 0 : i32
      %dma_wait3A_203 = arith.constant 0 : i32
      %dma_wait3A_204 = tpu.memref_slice %arg5[%add3A, %dma_wait3A, %dma_wait3A_203] : memref<32x110x24xi32, #tpu.memory_space<hbm>> -> memref<1x110x24xi32, #tpu.memory_space<hbm>>
      %dma_wait3A_205 = tpu.memref_squeeze %dma_wait3A_204 : memref<1x110x24xi32, #tpu.memory_space<hbm>> -> memref<110x24xi32, #tpu.memory_space<hbm>>
      %dma_wait3A_206 = arith.constant 0 : i32
      %dma_wait3A_207 = arith.constant 0 : i32
      %dma_wait3A_208 = tpu.memref_slice %arg5[%add3A, %dma_wait3A_206, %dma_wait3A_207] : memref<32x110x24xi32, #tpu.memory_space<hbm>> -> memref<1x110x24xi32, #tpu.memory_space<hbm>>
      %dma_wait3A_209 = tpu.memref_squeeze %dma_wait3A_208 : memref<1x110x24xi32, #tpu.memory_space<hbm>> -> memref<110x24xi32, #tpu.memory_space<hbm>>
      tpu.wait_dma2 semaphore(%run_scoped3A : memref<!tpu.dma_semaphore, #tpu.memory_space<semaphore_mem>>) src(%dma_wait3A_209 : memref<110x24xi32, #tpu.memory_space<hbm>>) dst(%arg9 : memref<110x24xi32, #tpu.memory_space<vmem>>)
      tpu.yield
    }) : () -> ()
    "tpu.region"() ({
      %run_scoped3A = tpu.sem_alloc : memref<!tpu.dma_semaphore, #tpu.memory_space<semaphore_mem>>
      %dma_start3A_195 = arith.constant 0 : i32
      %dma_start3A_196 = arith.constant 0 : i32
      %dma_start3A_197 = tpu.memref_slice %arg6[%add3A, %dma_start3A_195, %dma_start3A_196] : memref<32x110x24xi32, #tpu.memory_space<hbm>> -> memref<1x110x24xi32, #tpu.memory_space<hbm>>
      %dma_start3A_198 = tpu.memref_squeeze %dma_start3A_197 : memref<1x110x24xi32, #tpu.memory_space<hbm>> -> memref<110x24xi32, #tpu.memory_space<hbm>>
      %dma_start3A_199 = arith.constant 0 : i32
      %dma_start3A_200 = arith.constant 0 : i32
      %dma_start3A_201 = tpu.memref_slice %arg6[%add3A, %dma_start3A_199, %dma_start3A_200] : memref<32x110x24xi32, #tpu.memory_space<hbm>> -> memref<1x110x24xi32, #tpu.memory_space<hbm>>
      %dma_start3A_202 = tpu.memref_squeeze %dma_start3A_201 : memref<1x110x24xi32, #tpu.memory_space<hbm>> -> memref<110x24xi32, #tpu.memory_space<hbm>>
      tpu.enqueue_dma source(%dma_start3A_202 : memref<110x24xi32, #tpu.memory_space<hbm>>) target(%arg10 : memref<110x24xi32, #tpu.memory_space<vmem>>) target_semaphore(%run_scoped3A : memref<!tpu.dma_semaphore, #tpu.memory_space<semaphore_mem>>)
      %dma_wait3A = arith.constant 0 : i32
      %dma_wait3A_203 = arith.constant 0 : i32
      %dma_wait3A_204 = tpu.memref_slice %arg6[%add3A, %dma_wait3A, %dma_wait3A_203] : memref<32x110x24xi32, #tpu.memory_space<hbm>> -> memref<1x110x24xi32, #tpu.memory_space<hbm>>
      %dma_wait3A_205 = tpu.memref_squeeze %dma_wait3A_204 : memref<1x110x24xi32, #tpu.memory_space<hbm>> -> memref<110x24xi32, #tpu.memory_space<hbm>>
      %dma_wait3A_206 = arith.constant 0 : i32
      %dma_wait3A_207 = arith.constant 0 : i32
      %dma_wait3A_208 = tpu.memref_slice %arg6[%add3A, %dma_wait3A_206, %dma_wait3A_207] : memref<32x110x24xi32, #tpu.memory_space<hbm>> -> memref<1x110x24xi32, #tpu.memory_space<hbm>>
      %dma_wait3A_209 = tpu.memref_squeeze %dma_wait3A_208 : memref<1x110x24xi32, #tpu.memory_space<hbm>> -> memref<110x24xi32, #tpu.memory_space<hbm>>
      tpu.wait_dma2 semaphore(%run_scoped3A : memref<!tpu.dma_semaphore, #tpu.memory_space<semaphore_mem>>) src(%dma_wait3A_209 : memref<110x24xi32, #tpu.memory_space<hbm>>) dst(%arg10 : memref<110x24xi32, #tpu.memory_space<vmem>>)
      tpu.yield
    }) : () -> ()
    %swap3A = arith.constant 0 : index
    %swap3A_2 = tpu.vector_load %arg16[%swap3A] {strides = array<i32>} : memref<512xf32, #tpu.memory_space<vmem>>, vector<16xf32>,
    tpu.vector_store %arg16[%swap3A], %broadcast_in_dim3A_1 {strides = array<i32>} : memref<512xf32, #tpu.memory_space<vmem>>, vector<16xf32>,
    %swap3A_3 = arith.constant 16 : index
    %swap3A_4 = tpu.vector_load %arg16[%swap3A_3] {strides = array<i32>} : memref<512xf32, #tpu.memory_space<vmem>>, vector<16xf32>,
    tpu.vector_store %arg16[%swap3A_3], %broadcast_in_dim3A_1 {strides = array<i32>} : memref<512xf32, #tpu.memory_space<vmem>>, vector<16xf32>,
    %swap3A_5 = arith.constant 32 : index
    %swap3A_6 = tpu.vector_load %arg16[%swap3A_5] {strides = array<i32>} : memref<512xf32, #tpu.memory_space<vmem>>, vector<16xf32>,
    tpu.vector_store %arg16[%swap3A_5], %broadcast_in_dim3A_1 {strides = array<i32>} : memref<512xf32, #tpu.memory_space<vmem>>, vector<16xf32>,
    %swap3A_7 = arith.constant 48 : index
    %swap3A_8 = tpu.vector_load %arg16[%swap3A_7] {strides = array<i32>} : memref<512xf32, #tpu.memory_space<vmem>>, vector<16xf32>,
    tpu.vector_store %arg16[%swap3A_7], %broadcast_in_dim3A_1 {strides = array<i32>} : memref<512xf32, #tpu.memory_space<vmem>>, vector<16xf32>,
    %swap3A_9 = arith.constant 64 : index
    %swap3A_10 = tpu.vector_load %arg16[%swap3A_9] {strides = array<i32>} : memref<512xf32, #tpu.memory_space<vmem>>, vector<16xf32>,
    tpu.vector_store %arg16[%swap3A_9], %broadcast_in_dim3A_1 {strides = array<i32>} : memref<512xf32, #tpu.memory_space<vmem>>, vector<16xf32>,
    %swap3A_11 = arith.constant 80 : index
    %swap3A_12 = tpu.vector_load %arg16[%swap3A_11] {strides = array<i32>} : memref<512xf32, #tpu.memory_space<vmem>>, vector<16xf32>,
    tpu.vector_store %arg16[%swap3A_11], %broadcast_in_dim3A_1 {strides = array<i32>} : memref<512xf32, #tpu.memory_space<vmem>>, vector<16xf32>,
    %swap3A_13 = arith.constant 96 : index
    %swap3A_14 = tpu.vector_load %arg16[%swap3A_13] {strides = array<i32>} : memref<512xf32, #tpu.memory_space<vmem>>, vector<16xf32>,
    tpu.vector_store %arg16[%swap3A_13], %broadcast_in_dim3A_1 {strides = array<i32>} : memref<512xf32, #tpu.memory_space<vmem>>, vector<16xf32>,
    %swap3A_15 = arith.constant 112 : index
    %swap3A_16 = tpu.vector_load %arg16[%swap3A_15] {strides = array<i32>} : memref<512xf32, #tpu.memory_space<vmem>>, vector<16xf32>,
    tpu.vector_store %arg16[%swap3A_15], %broadcast_in_dim3A_1 {strides = array<i32>} : memref<512xf32, #tpu.memory_space<vmem>>, vector<16xf32>,
    %swap3A_17 = arith.constant 128 : index
    %swap3A_18 = tpu.vector_load %arg16[%swap3A_17] {strides = array<i32>} : memref<512xf32, #tpu.memory_space<vmem>>, vector<16xf32>,
    tpu.vector_store %arg16[%swap3A_17], %broadcast_in_dim3A_1 {strides = array<i32>} : memref<512xf32, #tpu.memory_space<vmem>>, vector<16xf32>,
    %swap3A_19 = arith.constant 144 : index
    %swap3A_20 = tpu.vector_load %arg16[%swap3A_19] {strides = array<i32>} : memref<512xf32, #tpu.memory_space<vmem>>, vector<16xf32>,
    tpu.vector_store %arg16[%swap3A_19], %broadcast_in_dim3A_1 {strides = array<i32>} : memref<512xf32, #tpu.memory_space<vmem>>, vector<16xf32>,
    %swap3A_21 = arith.constant 160 : index
    %swap3A_22 = tpu.vector_load %arg16[%swap3A_21] {strides = array<i32>} : memref<512xf32, #tpu.memory_space<vmem>>, vector<16xf32>,
    tpu.vector_store %arg16[%swap3A_21], %broadcast_in_dim3A_1 {strides = array<i32>} : memref<512xf32, #tpu.memory_space<vmem>>, vector<16xf32>,
    %swap3A_23 = arith.constant 176 : index
    %swap3A_24 = tpu.vector_load %arg16[%swap3A_23] {strides = array<i32>} : memref<512xf32, #tpu.memory_space<vmem>>, vector<16xf32>,
    tpu.vector_store %arg16[%swap3A_23], %broadcast_in_dim3A_1 {strides = array<i32>} : memref<512xf32, #tpu.memory_space<vmem>>, vector<16xf32>,
    %swap3A_25 = arith.constant 192 : index
    %swap3A_26 = tpu.vector_load %arg16[%swap3A_25] {strides = array<i32>} : memref<512xf32, #tpu.memory_space<vmem>>, vector<16xf32>,
    tpu.vector_store %arg16[%swap3A_25], %broadcast_in_dim3A_1 {strides = array<i32>} : memref<512xf32, #tpu.memory_space<vmem>>, vector<16xf32>,
    %swap3A_27 = arith.constant 208 : index
    %swap3A_28 = tpu.vector_load %arg16[%swap3A_27] {strides = array<i32>} : memref<512xf32, #tpu.memory_space<vmem>>, vector<16xf32>,
    tpu.vector_store %arg16[%swap3A_27], %broadcast_in_dim3A_1 {strides = array<i32>} : memref<512xf32, #tpu.memory_space<vmem>>, vector<16xf32>,
    %swap3A_29 = arith.constant 224 : index
    %swap3A_30 = tpu.vector_load %arg16[%swap3A_29] {strides = array<i32>} : memref<512xf32, #tpu.memory_space<vmem>>, vector<16xf32>,
    tpu.vector_store %arg16[%swap3A_29], %broadcast_in_dim3A_1 {strides = array<i32>} : memref<512xf32, #tpu.memory_space<vmem>>, vector<16xf32>,
    %swap3A_31 = arith.constant 240 : index
    %swap3A_32 = tpu.vector_load %arg16[%swap3A_31] {strides = array<i32>} : memref<512xf32, #tpu.memory_space<vmem>>, vector<16xf32>,
    tpu.vector_store %arg16[%swap3A_31], %broadcast_in_dim3A_1 {strides = array<i32>} : memref<512xf32, #tpu.memory_space<vmem>>, vector<16xf32>,
    %swap3A_33 = arith.constant 256 : index
    %swap3A_34 = tpu.vector_load %arg16[%swap3A_33] {strides = array<i32>} : memref<512xf32, #tpu.memory_space<vmem>>, vector<16xf32>,
    tpu.vector_store %arg16[%swap3A_33], %broadcast_in_dim3A_1 {strides = array<i32>} : memref<512xf32, #tpu.memory_space<vmem>>, vector<16xf32>,
    %swap3A_35 = arith.constant 272 : index
    %swap3A_36 = tpu.vector_load %arg16[%swap3A_35] {strides = array<i32>} : memref<512xf32, #tpu.memory_space<vmem>>, vector<16xf32>,
    tpu.vector_store %arg16[%swap3A_35], %broadcast_in_dim3A_1 {strides = array<i32>} : memref<512xf32, #tpu.memory_space<vmem>>, vector<16xf32>,
    %swap3A_37 = arith.constant 288 : index
    %swap3A_38 = tpu.vector_load %arg16[%swap3A_37] {strides = array<i32>} : memref<512xf32, #tpu.memory_space<vmem>>, vector<16xf32>,
    tpu.vector_store %arg16[%swap3A_37], %broadcast_in_dim3A_1 {strides = array<i32>} : memref<512xf32, #tpu.memory_space<vmem>>, vector<16xf32>,
    %swap3A_39 = arith.constant 304 : index
    %swap3A_40 = tpu.vector_load %arg16[%swap3A_39] {strides = array<i32>} : memref<512xf32, #tpu.memory_space<vmem>>, vector<16xf32>,
    tpu.vector_store %arg16[%swap3A_39], %broadcast_in_dim3A_1 {strides = array<i32>} : memref<512xf32, #tpu.memory_space<vmem>>, vector<16xf32>,
    %swap3A_41 = arith.constant 320 : index
    %swap3A_42 = tpu.vector_load %arg16[%swap3A_41] {strides = array<i32>} : memref<512xf32, #tpu.memory_space<vmem>>, vector<16xf32>,
    tpu.vector_store %arg16[%swap3A_41], %broadcast_in_dim3A_1 {strides = array<i32>} : memref<512xf32, #tpu.memory_space<vmem>>, vector<16xf32>,
    %swap3A_43 = arith.constant 336 : index
    %swap3A_44 = tpu.vector_load %arg16[%swap3A_43] {strides = array<i32>} : memref<512xf32, #tpu.memory_space<vmem>>, vector<16xf32>,
    tpu.vector_store %arg16[%swap3A_43], %broadcast_in_dim3A_1 {strides = array<i32>} : memref<512xf32, #tpu.memory_space<vmem>>, vector<16xf32>,
    %swap3A_45 = arith.constant 352 : index
    %swap3A_46 = tpu.vector_load %arg16[%swap3A_45] {strides = array<i32>} : memref<512xf32, #tpu.memory_space<vmem>>, vector<16xf32>,
    tpu.vector_store %arg16[%swap3A_45], %broadcast_in_dim3A_1 {strides = array<i32>} : memref<512xf32, #tpu.memory_space<vmem>>, vector<16xf32>,
    %swap3A_47 = arith.constant 368 : index
    %swap3A_48 = tpu.vector_load %arg16[%swap3A_47] {strides = array<i32>} : memref<512xf32, #tpu.memory_space<vmem>>, vector<16xf32>,
    tpu.vector_store %arg16[%swap3A_47], %broadcast_in_dim3A_1 {strides = array<i32>} : memref<512xf32, #tpu.memory_space<vmem>>, vector<16xf32>,
    %swap3A_49 = arith.constant 384 : index
    %swap3A_50 = tpu.vector_load %arg16[%swap3A_49] {strides = array<i32>} : memref<512xf32, #tpu.memory_space<vmem>>, vector<16xf32>,
    tpu.vector_store %arg16[%swap3A_49], %broadcast_in_dim3A_1 {strides = array<i32>} : memref<512xf32, #tpu.memory_space<vmem>>, vector<16xf32>,
    %swap3A_51 = arith.constant 400 : index
    %swap3A_52 = tpu.vector_load %arg16[%swap3A_51] {strides = array<i32>} : memref<512xf32, #tpu.memory_space<vmem>>, vector<16xf32>,
    tpu.vector_store %arg16[%swap3A_51], %broadcast_in_dim3A_1 {strides = array<i32>} : memref<512xf32, #tpu.memory_space<vmem>>, vector<16xf32>,
    %swap3A_53 = arith.constant 416 : index
    %swap3A_54 = tpu.vector_load %arg16[%swap3A_53] {strides = array<i32>} : memref<512xf32, #tpu.memory_space<vmem>>, vector<16xf32>,
    tpu.vector_store %arg16[%swap3A_53], %broadcast_in_dim3A_1 {strides = array<i32>} : memref<512xf32, #tpu.memory_space<vmem>>, vector<16xf32>,
    %swap3A_55 = arith.constant 432 : index
    %swap3A_56 = tpu.vector_load %arg16[%swap3A_55] {strides = array<i32>} : memref<512xf32, #tpu.memory_space<vmem>>, vector<16xf32>,
    tpu.vector_store %arg16[%swap3A_55], %broadcast_in_dim3A_1 {strides = array<i32>} : memref<512xf32, #tpu.memory_space<vmem>>, vector<16xf32>,
    %swap3A_57 = arith.constant 448 : index
    %swap3A_58 = tpu.vector_load %arg16[%swap3A_57] {strides = array<i32>} : memref<512xf32, #tpu.memory_space<vmem>>, vector<16xf32>,
    tpu.vector_store %arg16[%swap3A_57], %broadcast_in_dim3A_1 {strides = array<i32>} : memref<512xf32, #tpu.memory_space<vmem>>, vector<16xf32>,
    %swap3A_59 = arith.constant 464 : index
    %swap3A_60 = tpu.vector_load %arg16[%swap3A_59] {strides = array<i32>} : memref<512xf32, #tpu.memory_space<vmem>>, vector<16xf32>,
    tpu.vector_store %arg16[%swap3A_59], %broadcast_in_dim3A_1 {strides = array<i32>} : memref<512xf32, #tpu.memory_space<vmem>>, vector<16xf32>,
    %swap3A_61 = arith.constant 480 : index
    %swap3A_62 = tpu.vector_load %arg16[%swap3A_61] {strides = array<i32>} : memref<512xf32, #tpu.memory_space<vmem>>, vector<16xf32>,
    tpu.vector_store %arg16[%swap3A_61], %broadcast_in_dim3A_1 {strides = array<i32>} : memref<512xf32, #tpu.memory_space<vmem>>, vector<16xf32>,
    %swap3A_63 = arith.constant 496 : index
    %swap3A_64 = tpu.vector_load %arg16[%swap3A_63] {strides = array<i32>} : memref<512xf32, #tpu.memory_space<vmem>>, vector<16xf32>,
    tpu.vector_store %arg16[%swap3A_63], %broadcast_in_dim3A_1 {strides = array<i32>} : memref<512xf32, #tpu.memory_space<vmem>>, vector<16xf32>,
    %swap3A_65 = arith.constant 0 : i32
    %swap3A_66 = arith.index_cast %swap3A_65 : i32 to index
    %swap3A_67 = arith.constant 0 : index
    %swap3A_68 = tpu.vector_load %arg13[%swap3A_66, %swap3A_67] {strides = array<i32>} : memref<24x16xf32, #tpu.memory_space<vmem>>, vector<16xf32>,
    tpu.vector_store %arg13[%swap3A_66, %swap3A_67], %broadcast_in_dim3A_1 {strides = array<i32>} : memref<24x16xf32, #tpu.memory_space<vmem>>, vector<16xf32>,
    %swap3A_69 = arith.constant 1 : i32
    %swap3A_70 = arith.index_cast %swap3A_69 : i32 to index
    %swap3A_71 = arith.constant 0 : index
    %swap3A_72 = tpu.vector_load %arg13[%swap3A_70, %swap3A_71] {strides = array<i32>} : memref<24x16xf32, #tpu.memory_space<vmem>>, vector<16xf32>,
    tpu.vector_store %arg13[%swap3A_70, %swap3A_71], %broadcast_in_dim3A_1 {strides = array<i32>} : memref<24x16xf32, #tpu.memory_space<vmem>>, vector<16xf32>,
    %swap3A_73 = arith.constant 2 : i32
    %swap3A_74 = arith.index_cast %swap3A_73 : i32 to index
    %swap3A_75 = arith.constant 0 : index
    %swap3A_76 = tpu.vector_load %arg13[%swap3A_74, %swap3A_75] {strides = array<i32>} : memref<24x16xf32, #tpu.memory_space<vmem>>, vector<16xf32>,
    tpu.vector_store %arg13[%swap3A_74, %swap3A_75], %broadcast_in_dim3A_1 {strides = array<i32>} : memref<24x16xf32, #tpu.memory_space<vmem>>, vector<16xf32>,
    %swap3A_77 = arith.constant 3 : i32
    %swap3A_78 = arith.index_cast %swap3A_77 : i32 to index
    %swap3A_79 = arith.constant 0 : index
    %swap3A_80 = tpu.vector_load %arg13[%swap3A_78, %swap3A_79] {strides = array<i32>} : memref<24x16xf32, #tpu.memory_space<vmem>>, vector<16xf32>,
    tpu.vector_store %arg13[%swap3A_78, %swap3A_79], %broadcast_in_dim3A_1 {strides = array<i32>} : memref<24x16xf32, #tpu.memory_space<vmem>>, vector<16xf32>,
    %swap3A_81 = arith.constant 4 : i32
    %swap3A_82 = arith.index_cast %swap3A_81 : i32 to index
    %swap3A_83 = arith.constant 0 : index
    %swap3A_84 = tpu.vector_load %arg13[%swap3A_82, %swap3A_83] {strides = array<i32>} : memref<24x16xf32, #tpu.memory_space<vmem>>, vector<16xf32>,
    tpu.vector_store %arg13[%swap3A_82, %swap3A_83], %broadcast_in_dim3A_1 {strides = array<i32>} : memref<24x16xf32, #tpu.memory_space<vmem>>, vector<16xf32>,
    %swap3A_85 = arith.constant 5 : i32
    %swap3A_86 = arith.index_cast %swap3A_85 : i32 to index
    %swap3A_87 = arith.constant 0 : index
    %swap3A_88 = tpu.vector_load %arg13[%swap3A_86, %swap3A_87] {strides = array<i32>} : memref<24x16xf32, #tpu.memory_space<vmem>>, vector<16xf32>,
    tpu.vector_store %arg13[%swap3A_86, %swap3A_87], %broadcast_in_dim3A_1 {strides = array<i32>} : memref<24x16xf32, #tpu.memory_space<vmem>>, vector<16xf32>,
    %swap3A_89 = arith.constant 6 : i32
    %swap3A_90 = arith.index_cast %swap3A_89 : i32 to index
    %swap3A_91 = arith.constant 0 : index
    %swap3A_92 = tpu.vector_load %arg13[%swap3A_90, %swap3A_91] {strides = array<i32>} : memref<24x16xf32, #tpu.memory_space<vmem>>, vector<16xf32>,
    tpu.vector_store %arg13[%swap3A_90, %swap3A_91], %broadcast_in_dim3A_1 {strides = array<i32>} : memref<24x16xf32, #tpu.memory_space<vmem>>, vector<16xf32>,
    %swap3A_93 = arith.constant 7 : i32
    %swap3A_94 = arith.index_cast %swap3A_93 : i32 to index
    %swap3A_95 = arith.constant 0 : index
    %swap3A_96 = tpu.vector_load %arg13[%swap3A_94, %swap3A_95] {strides = array<i32>} : memref<24x16xf32, #tpu.memory_space<vmem>>, vector<16xf32>,
    tpu.vector_store %arg13[%swap3A_94, %swap3A_95], %broadcast_in_dim3A_1 {strides = array<i32>} : memref<24x16xf32, #tpu.memory_space<vmem>>, vector<16xf32>,
    %swap3A_97 = arith.constant 8 : i32
    %swap3A_98 = arith.index_cast %swap3A_97 : i32 to index
    %swap3A_99 = arith.constant 0 : index
    %swap3A_100 = tpu.vector_load %arg13[%swap3A_98, %swap3A_99] {strides = array<i32>} : memref<24x16xf32, #tpu.memory_space<vmem>>, vector<16xf32>,
    tpu.vector_store %arg13[%swap3A_98, %swap3A_99], %broadcast_in_dim3A_1 {strides = array<i32>} : memref<24x16xf32, #tpu.memory_space<vmem>>, vector<16xf32>,
    %swap3A_101 = arith.constant 9 : i32
    %swap3A_102 = arith.index_cast %swap3A_101 : i32 to index
    %swap3A_103 = arith.constant 0 : index
    %swap3A_104 = tpu.vector_load %arg13[%swap3A_102, %swap3A_103] {strides = array<i32>} : memref<24x16xf32, #tpu.memory_space<vmem>>, vector<16xf32>,
    tpu.vector_store %arg13[%swap3A_102, %swap3A_103], %broadcast_in_dim3A_1 {strides = array<i32>} : memref<24x16xf32, #tpu.memory_space<vmem>>, vector<16xf32>,
    %swap3A_105 = arith.constant 10 : i32
    %swap3A_106 = arith.index_cast %swap3A_105 : i32 to index
    %swap3A_107 = arith.constant 0 : index
    %swap3A_108 = tpu.vector_load %arg13[%swap3A_106, %swap3A_107] {strides = array<i32>} : memref<24x16xf32, #tpu.memory_space<vmem>>, vector<16xf32>,
    tpu.vector_store %arg13[%swap3A_106, %swap3A_107], %broadcast_in_dim3A_1 {strides = array<i32>} : memref<24x16xf32, #tpu.memory_space<vmem>>, vector<16xf32>,
    %swap3A_109 = arith.constant 11 : i32
    %swap3A_110 = arith.index_cast %swap3A_109 : i32 to index
    %swap3A_111 = arith.constant 0 : index
    %swap3A_112 = tpu.vector_load %arg13[%swap3A_110, %swap3A_111] {strides = array<i32>} : memref<24x16xf32, #tpu.memory_space<vmem>>, vector<16xf32>,
    tpu.vector_store %arg13[%swap3A_110, %swap3A_111], %broadcast_in_dim3A_1 {strides = array<i32>} : memref<24x16xf32, #tpu.memory_space<vmem>>, vector<16xf32>,
    %swap3A_113 = arith.constant 12 : i32
    %swap3A_114 = arith.index_cast %swap3A_113 : i32 to index
    %swap3A_115 = arith.constant 0 : index
    %swap3A_116 = tpu.vector_load %arg13[%swap3A_114, %swap3A_115] {strides = array<i32>} : memref<24x16xf32, #tpu.memory_space<vmem>>, vector<16xf32>,
    tpu.vector_store %arg13[%swap3A_114, %swap3A_115], %broadcast_in_dim3A_1 {strides = array<i32>} : memref<24x16xf32, #tpu.memory_space<vmem>>, vector<16xf32>,
    %swap3A_117 = arith.constant 13 : i32
    %swap3A_118 = arith.index_cast %swap3A_117 : i32 to index
    %swap3A_119 = arith.constant 0 : index
    %swap3A_120 = tpu.vector_load %arg13[%swap3A_118, %swap3A_119] {strides = array<i32>} : memref<24x16xf32, #tpu.memory_space<vmem>>, vector<16xf32>,
    tpu.vector_store %arg13[%swap3A_118, %swap3A_119], %broadcast_in_dim3A_1 {strides = array<i32>} : memref<24x16xf32, #tpu.memory_space<vmem>>, vector<16xf32>,
    %swap3A_121 = arith.constant 14 : i32
    %swap3A_122 = arith.index_cast %swap3A_121 : i32 to index
    %swap3A_123 = arith.constant 0 : index
    %swap3A_124 = tpu.vector_load %arg13[%swap3A_122, %swap3A_123] {strides = array<i32>} : memref<24x16xf32, #tpu.memory_space<vmem>>, vector<16xf32>,
    tpu.vector_store %arg13[%swap3A_122, %swap3A_123], %broadcast_in_dim3A_1 {strides = array<i32>} : memref<24x16xf32, #tpu.memory_space<vmem>>, vector<16xf32>,
    %swap3A_125 = arith.constant 15 : i32
    %swap3A_126 = arith.index_cast %swap3A_125 : i32 to index
    %swap3A_127 = arith.constant 0 : index
    %swap3A_128 = tpu.vector_load %arg13[%swap3A_126, %swap3A_127] {strides = array<i32>} : memref<24x16xf32, #tpu.memory_space<vmem>>, vector<16xf32>,
    tpu.vector_store %arg13[%swap3A_126, %swap3A_127], %broadcast_in_dim3A_1 {strides = array<i32>} : memref<24x16xf32, #tpu.memory_space<vmem>>, vector<16xf32>,
    %swap3A_129 = arith.constant 16 : i32
    %swap3A_130 = arith.index_cast %swap3A_129 : i32 to index
    %swap3A_131 = arith.constant 0 : index
    %swap3A_132 = tpu.vector_load %arg13[%swap3A_130, %swap3A_131] {strides = array<i32>} : memref<24x16xf32, #tpu.memory_space<vmem>>, vector<16xf32>,
    tpu.vector_store %arg13[%swap3A_130, %swap3A_131], %broadcast_in_dim3A_1 {strides = array<i32>} : memref<24x16xf32, #tpu.memory_space<vmem>>, vector<16xf32>,
    %swap3A_133 = arith.constant 17 : i32
    %swap3A_134 = arith.index_cast %swap3A_133 : i32 to index
    %swap3A_135 = arith.constant 0 : index
    %swap3A_136 = tpu.vector_load %arg13[%swap3A_134, %swap3A_135] {strides = array<i32>} : memref<24x16xf32, #tpu.memory_space<vmem>>, vector<16xf32>,
    tpu.vector_store %arg13[%swap3A_134, %swap3A_135], %broadcast_in_dim3A_1 {strides = array<i32>} : memref<24x16xf32, #tpu.memory_space<vmem>>, vector<16xf32>,
    %swap3A_137 = arith.constant 18 : i32
    %swap3A_138 = arith.index_cast %swap3A_137 : i32 to index
    %swap3A_139 = arith.constant 0 : index
    %swap3A_140 = tpu.vector_load %arg13[%swap3A_138, %swap3A_139] {strides = array<i32>} : memref<24x16xf32, #tpu.memory_space<vmem>>, vector<16xf32>,
    tpu.vector_store %arg13[%swap3A_138, %swap3A_139], %broadcast_in_dim3A_1 {strides = array<i32>} : memref<24x16xf32, #tpu.memory_space<vmem>>, vector<16xf32>,
    %swap3A_141 = arith.constant 19 : i32
    %swap3A_142 = arith.index_cast %swap3A_141 : i32 to index
    %swap3A_143 = arith.constant 0 : index
    %swap3A_144 = tpu.vector_load %arg13[%swap3A_142, %swap3A_143] {strides = array<i32>} : memref<24x16xf32, #tpu.memory_space<vmem>>, vector<16xf32>,
    tpu.vector_store %arg13[%swap3A_142, %swap3A_143], %broadcast_in_dim3A_1 {strides = array<i32>} : memref<24x16xf32, #tpu.memory_space<vmem>>, vector<16xf32>,
    %swap3A_145 = arith.constant 20 : i32
    %swap3A_146 = arith.index_cast %swap3A_145 : i32 to index
    %swap3A_147 = arith.constant 0 : index
    %swap3A_148 = tpu.vector_load %arg13[%swap3A_146, %swap3A_147] {strides = array<i32>} : memref<24x16xf32, #tpu.memory_space<vmem>>, vector<16xf32>,
    tpu.vector_store %arg13[%swap3A_146, %swap3A_147], %broadcast_in_dim3A_1 {strides = array<i32>} : memref<24x16xf32, #tpu.memory_space<vmem>>, vector<16xf32>,
    %swap3A_149 = arith.constant 21 : i32
    %swap3A_150 = arith.index_cast %swap3A_149 : i32 to index
    %swap3A_151 = arith.constant 0 : index
    %swap3A_152 = tpu.vector_load %arg13[%swap3A_150, %swap3A_151] {strides = array<i32>} : memref<24x16xf32, #tpu.memory_space<vmem>>, vector<16xf32>,
    tpu.vector_store %arg13[%swap3A_150, %swap3A_151], %broadcast_in_dim3A_1 {strides = array<i32>} : memref<24x16xf32, #tpu.memory_space<vmem>>, vector<16xf32>,
    %swap3A_153 = arith.constant 22 : i32
    %swap3A_154 = arith.index_cast %swap3A_153 : i32 to index
    %swap3A_155 = arith.constant 0 : index
    %swap3A_156 = tpu.vector_load %arg13[%swap3A_154, %swap3A_155] {strides = array<i32>} : memref<24x16xf32, #tpu.memory_space<vmem>>, vector<16xf32>,
    tpu.vector_store %arg13[%swap3A_154, %swap3A_155], %broadcast_in_dim3A_1 {strides = array<i32>} : memref<24x16xf32, #tpu.memory_space<vmem>>, vector<16xf32>,
    %swap3A_157 = arith.constant 23 : i32
    %swap3A_158 = arith.index_cast %swap3A_157 : i32 to index
    %swap3A_159 = arith.constant 0 : index
    %swap3A_160 = tpu.vector_load %arg13[%swap3A_158, %swap3A_159] {strides = array<i32>} : memref<24x16xf32, #tpu.memory_space<vmem>>, vector<16xf32>,
    tpu.vector_store %arg13[%swap3A_158, %swap3A_159], %broadcast_in_dim3A_1 {strides = array<i32>} : memref<24x16xf32, #tpu.memory_space<vmem>>, vector<16xf32>,
    %scan3A = arith.constant 0 : i32
    %scan3A_161 = arith.constant 0 : i32
    %scan3A_162 = arith.constant 160 : i32
    %scan3A_163 = arith.addi %scan3A_161, %scan3A_162 : i32
    %scan3A_164 = arith.constant 1 : i32
    %scan3A_165 = scf.for %scan3A_195 = %scan3A_161 to %scan3A_163 step %scan3A_164 iter_args(%scan3A_196 = %scan3A) -> (i32)  : i32 {
      %mul3A_197 = arith.constant 160 : i32
      %mul3A_198 = arith.muli %arg1, %mul3A_197 : i32
      %add3A_199 = arith.addi %mul3A_198, %scan3A_195 : i32
      "tpu.region"() ({
        %run_scoped3A = tpu.sem_alloc : memref<!tpu.dma_semaphore, #tpu.memory_space<semaphore_mem>>
        %dma_start3A_201 = arith.constant 0 : i32
        %dma_start3A_202 = tpu.memref_slice %arg17[%add3A_199, %dma_start3A_201] : memref<2560x512xf32, #tpu.memory_space<vmem_shared>> -> memref<1x512xf32, #tpu.memory_space<vmem_shared>>
        %dma_start3A_203 = tpu.memref_squeeze %dma_start3A_202 : memref<1x512xf32, #tpu.memory_space<vmem_shared>> -> memref<512xf32, #tpu.memory_space<vmem_shared>>
        %dma_start3A_204 = arith.constant 0 : i32
        %dma_start3A_205 = tpu.memref_slice %arg17[%add3A_199, %dma_start3A_204] : memref<2560x512xf32, #tpu.memory_space<vmem_shared>> -> memref<1x512xf32, #tpu.memory_space<vmem_shared>>
        %dma_start3A_206 = tpu.memref_squeeze %dma_start3A_205 : memref<1x512xf32, #tpu.memory_space<vmem_shared>> -> memref<512xf32, #tpu.memory_space<vmem_shared>>
        tpu.enqueue_dma source(%arg16 : memref<512xf32, #tpu.memory_space<vmem>>) target(%dma_start3A_206 : memref<512xf32, #tpu.memory_space<vmem_shared>>) target_semaphore(%run_scoped3A : memref<!tpu.dma_semaphore, #tpu.memory_space<semaphore_mem>>)
        %dma_wait3A = arith.constant 0 : i32
        %dma_wait3A_207 = tpu.memref_slice %arg17[%add3A_199, %dma_wait3A] : memref<2560x512xf32, #tpu.memory_space<vmem_shared>> -> memref<1x512xf32, #tpu.memory_space<vmem_shared>>
        %dma_wait3A_208 = tpu.memref_squeeze %dma_wait3A_207 : memref<1x512xf32, #tpu.memory_space<vmem_shared>> -> memref<512xf32, #tpu.memory_space<vmem_shared>>
        %dma_wait3A_209 = arith.constant 0 : i32
        %dma_wait3A_210 = tpu.memref_slice %arg17[%add3A_199, %dma_wait3A_209] : memref<2560x512xf32, #tpu.memory_space<vmem_shared>> -> memref<1x512xf32, #tpu.memory_space<vmem_shared>>
        %dma_wait3A_211 = tpu.memref_squeeze %dma_wait3A_210 : memref<1x512xf32, #tpu.memory_space<vmem_shared>> -> memref<512xf32, #tpu.memory_space<vmem_shared>>
        tpu.wait_dma2 semaphore(%run_scoped3A : memref<!tpu.dma_semaphore, #tpu.memory_space<semaphore_mem>>) src(%arg16 : memref<512xf32, #tpu.memory_space<vmem>>) dst(%dma_wait3A_211 : memref<512xf32, #tpu.memory_space<vmem_shared>>)
        tpu.yield
      }) : () -> ()
      %scan3A_200 = arith.constant 0 : i32
      scf.yield %scan3A_200 : i32
    }
    %scan3A_166 = arith.constant 160 : i32
    %scan3A_167 = arith.constant 0 : i32
    %scan3A_168 = arith.constant 0 : i32
    %scan3A_169 = arith.constant 10 : i32
    %scan3A_170 = arith.addi %scan3A_168, %scan3A_169 : i32
    %scan3A_171 = arith.constant 1 : i32
    %scan3A_172 = scf.for %scan3A_195 = %scan3A_168 to %scan3A_170 step %scan3A_171 iter_args(%scan3A_196 = %scan3A_167) -> (i32)  : i32 {
      %mul3A_197 = arith.constant 160 : i32
      %mul3A_198 = arith.muli %arg1, %mul3A_197 : i32
      %mul3A_199 = arith.constant 16 : i32
      %mul3A_200 = arith.muli %scan3A_195, %mul3A_199 : i32
      %add3A_201 = arith.addi %mul3A_198, %mul3A_200 : i32
      "tpu.region"() ({
        %run_scoped3A = tpu.sem_alloc : memref<!tpu.dma_semaphore, #tpu.memory_space<semaphore_mem>>
        %dma_start3A_203 = arith.constant 0 : i32
        %dma_start3A_204 = arith.constant 0 : i32
        %dma_start3A_205 = tpu.memref_slice %arg13[%dma_start3A_203, %dma_start3A_204] : memref<24x16xf32, #tpu.memory_space<vmem>> -> memref<16x16xf32, #tpu.memory_space<vmem>>
        %dma_start3A_206 = arith.constant 0 : i32
        %dma_start3A_207 = tpu.memref_slice %arg18[%add3A_201, %dma_start3A_206] : memref<2560x16xf32, #tpu.memory_space<vmem_shared>> -> memref<16x16xf32, #tpu.memory_space<vmem_shared>>
        %dma_start3A_208 = arith.constant 0 : i32
        %dma_start3A_209 = tpu.memref_slice %arg18[%add3A_201, %dma_start3A_208] : memref<2560x16xf32, #tpu.memory_space<vmem_shared>> -> memref<16x16xf32, #tpu.memory_space<vmem_shared>>
        %dma_start3A_210 = arith.constant 0 : i32
        %dma_start3A_211 = arith.constant 0 : i32
        %dma_start3A_212 = tpu.memref_slice %arg13[%dma_start3A_210, %dma_start3A_211] : memref<24x16xf32, #tpu.memory_space<vmem>> -> memref<16x16xf32, #tpu.memory_space<vmem>>
        tpu.enqueue_dma source(%dma_start3A_212 : memref<16x16xf32, #tpu.memory_space<vmem>>) target(%dma_start3A_209 : memref<16x16xf32, #tpu.memory_space<vmem_shared>>) target_semaphore(%run_scoped3A : memref<!tpu.dma_semaphore, #tpu.memory_space<semaphore_mem>>)
        %dma_wait3A = arith.constant 0 : i32
        %dma_wait3A_213 = arith.constant 0 : i32
        %dma_wait3A_214 = tpu.memref_slice %arg13[%dma_wait3A, %dma_wait3A_213] : memref<24x16xf32, #tpu.memory_space<vmem>> -> memref<16x16xf32, #tpu.memory_space<vmem>>
        %dma_wait3A_215 = arith.constant 0 : i32
        %dma_wait3A_216 = tpu.memref_slice %arg18[%add3A_201, %dma_wait3A_215] : memref<2560x16xf32, #tpu.memory_space<vmem_shared>> -> memref<16x16xf32, #tpu.memory_space<vmem_shared>>
        %dma_wait3A_217 = arith.constant 0 : i32
        %dma_wait3A_218 = tpu.memref_slice %arg18[%add3A_201, %dma_wait3A_217] : memref<2560x16xf32, #tpu.memory_space<vmem_shared>> -> memref<16x16xf32, #tpu.memory_space<vmem_shared>>
        %dma_wait3A_219 = arith.constant 0 : i32
        %dma_wait3A_220 = arith.constant 0 : i32
        %dma_wait3A_221 = tpu.memref_slice %arg13[%dma_wait3A_219, %dma_wait3A_220] : memref<24x16xf32, #tpu.memory_space<vmem>> -> memref<16x16xf32, #tpu.memory_space<vmem>>
        tpu.wait_dma2 semaphore(%run_scoped3A : memref<!tpu.dma_semaphore, #tpu.memory_space<semaphore_mem>>) src(%dma_wait3A_221 : memref<16x16xf32, #tpu.memory_space<vmem>>) dst(%dma_wait3A_218 : memref<16x16xf32, #tpu.memory_space<vmem_shared>>)
        tpu.yield
      }) : () -> ()
      %scan3A_202 = arith.constant 0 : i32
      scf.yield %scan3A_202 : i32
    }
    %scan3A_173 = arith.constant 10 : i32
    %barrier3A = arith.constant 0 : index
    tpu.barrier barrier_id(%barrier3A)
    %dma_start3A = arith.constant 0 : i32
    %dma_start3A_174 = arith.constant 0 : i32
    %dma_start3A_175 = tpu.memref_slice %arg9[%dma_start3A, %dma_start3A_174] : memref<110x24xi32, #tpu.memory_space<vmem>> -> memref<1x24xi32, #tpu.memory_space<vmem>>
    %dma_start3A_176 = tpu.memref_squeeze %dma_start3A_175 : memref<1x24xi32, #tpu.memory_space<vmem>> -> memref<24xi32, #tpu.memory_space<vmem>>
    %dma_start3A_177 = arith.constant 0 : i32
    %dma_start3A_178 = arith.constant 0 : i32
    %dma_start3A_179 = tpu.memref_slice %arg2[%dma_start3A_177, %dma_start3A_178] : memref<2560x512xf32, #tpu.memory_space<hbm>> -> memref<2560x512xf32, #tpu.memory_space<hbm>>
    tpu.enqueue_indirect_dma source(%dma_start3A_179 : memref<2560x512xf32, #tpu.memory_space<hbm>>) target(%arg11 : memref<24x512xf32, #tpu.memory_space<vmem>>) offsets(%dma_start3A_176 : memref<24xi32, #tpu.memory_space<vmem>>) semaphore(%arg19 : memref<!tpu.dma_semaphore, #tpu.memory_space<semaphore_mem>>)
    %scan3A_180 = arith.constant 0 : i32
    %scan3A_181 = arith.constant 0 : i32
    %scan3A_182 = arith.constant 55 : i32
    %scan3A_183 = arith.addi %scan3A_181, %scan3A_182 : i32
    %scan3A_184 = arith.constant 1 : i32
    %scan3A_185 = scf.for %scan3A_195 = %scan3A_181 to %scan3A_183 step %scan3A_184 iter_args(%scan3A_196 = %scan3A_180) -> (i32)  : i32 {
      %mul3A_197 = arith.constant 2 : i32
      %mul3A_198 = arith.muli %scan3A_195, %mul3A_197 : i32
      %add3A_199 = arith.constant 1 : i32
      %add3A_200 = arith.addi %mul3A_198, %add3A_199 : i32
      %dma_start3A_201 = arith.constant 0 : i32
      %dma_start3A_202 = tpu.memref_slice %arg9[%add3A_200, %dma_start3A_201] : memref<110x24xi32, #tpu.memory_space<vmem>> -> memref<1x24xi32, #tpu.memory_space<vmem>>
      %dma_start3A_203 = tpu.memref_squeeze %dma_start3A_202 : memref<1x24xi32, #tpu.memory_space<vmem>> -> memref<24xi32, #tpu.memory_space<vmem>>
      %dma_start3A_204 = arith.constant 0 : i32
      %dma_start3A_205 = arith.constant 0 : i32
      %dma_start3A_206 = tpu.memref_slice %arg2[%dma_start3A_204, %dma_start3A_205] : memref<2560x512xf32, #tpu.memory_space<hbm>> -> memref<2560x512xf32, #tpu.memory_space<hbm>>
      tpu.enqueue_indirect_dma source(%dma_start3A_206 : memref<2560x512xf32, #tpu.memory_space<hbm>>) target(%arg12 : memref<24x512xf32, #tpu.memory_space<vmem>>) offsets(%dma_start3A_203 : memref<24xi32, #tpu.memory_space<vmem>>) semaphore(%arg20 : memref<!tpu.dma_semaphore, #tpu.memory_space<semaphore_mem>>)
      %dma_start3A_207 = arith.constant 0 : i32
      %dma_start3A_208 = tpu.memref_slice %arg9[%mul3A_198, %dma_start3A_207] : memref<110x24xi32, #tpu.memory_space<vmem>> -> memref<1x24xi32, #tpu.memory_space<vmem>>
      %dma_start3A_209 = tpu.memref_squeeze %dma_start3A_208 : memref<1x24xi32, #tpu.memory_space<vmem>> -> memref<24xi32, #tpu.memory_space<vmem>>
      %dma_start3A_210 = arith.constant 0 : i32
      %dma_start3A_211 = arith.constant 0 : i32
      %dma_start3A_212 = tpu.memref_slice %arg3[%dma_start3A_210, %dma_start3A_211] : memref<2560x16xf32, #tpu.memory_space<hbm>> -> memref<2560x16xf32, #tpu.memory_space<hbm>>
      tpu.enqueue_indirect_dma source(%dma_start3A_212 : memref<2560x16xf32, #tpu.memory_space<hbm>>) target(%arg14 : memref<24x16xf32, #tpu.memory_space<vmem>>) offsets(%dma_start3A_209 : memref<24xi32, #tpu.memory_space<vmem>>) semaphore(%arg21 : memref<!tpu.dma_semaphore, #tpu.memory_space<semaphore_mem>>)
      %dma_start3A_213 = arith.constant 0 : i32
      %dma_start3A_214 = tpu.memref_slice %arg10[%mul3A_198, %dma_start3A_213] : memref<110x24xi32, #tpu.memory_space<vmem>> -> memref<1x24xi32, #tpu.memory_space<vmem>>
      %dma_start3A_215 = tpu.memref_squeeze %dma_start3A_214 : memref<1x24xi32, #tpu.memory_space<vmem>> -> memref<24xi32, #tpu.memory_space<vmem>>
      %dma_start3A_216 = arith.constant 0 : i32
      %dma_start3A_217 = arith.constant 0 : i32
      %dma_start3A_218 = tpu.memref_slice %arg4[%dma_start3A_216, %dma_start3A_217] : memref<2560x16xf32, #tpu.memory_space<hbm>> -> memref<2560x16xf32, #tpu.memory_space<hbm>>
      tpu.enqueue_indirect_dma source(%dma_start3A_218 : memref<2560x16xf32, #tpu.memory_space<hbm>>) target(%arg15 : memref<24x16xf32, #tpu.memory_space<vmem>>) offsets(%dma_start3A_215 : memref<24xi32, #tpu.memory_space<vmem>>) semaphore(%arg21 : memref<!tpu.dma_semaphore, #tpu.memory_space<semaphore_mem>>)
      %dma_wait3A = arith.constant 0 : i32
      %dma_wait3A_219 = tpu.memref_slice %arg9[%mul3A_198, %dma_wait3A] : memref<110x24xi32, #tpu.memory_space<vmem>> -> memref<1x24xi32, #tpu.memory_space<vmem>>
      %dma_wait3A_220 = tpu.memref_squeeze %dma_wait3A_219 : memref<1x24xi32, #tpu.memory_space<vmem>> -> memref<24xi32, #tpu.memory_space<vmem>>
      %dma_wait3A_221 = arith.constant 0 : i32
      %dma_wait3A_222 = arith.constant 0 : i32
      %dma_wait3A_223 = tpu.memref_slice %arg3[%dma_wait3A_221, %dma_wait3A_222] : memref<2560x16xf32, #tpu.memory_space<hbm>> -> memref<2560x16xf32, #tpu.memory_space<hbm>>
      tpu.wait_indirect_dma semaphore(%arg21 : memref<!tpu.dma_semaphore, #tpu.memory_space<semaphore_mem>>) src(%dma_wait3A_223 : memref<2560x16xf32, #tpu.memory_space<hbm>>) dst(%arg14 : memref<24x16xf32, #tpu.memory_space<vmem>>)
      %dma_wait3A_224 = arith.constant 0 : i32
      %dma_wait3A_225 = tpu.memref_slice %arg10[%mul3A_198, %dma_wait3A_224] : memref<110x24xi32, #tpu.memory_space<vmem>> -> memref<1x24xi32, #tpu.memory_space<vmem>>
      %dma_wait3A_226 = tpu.memref_squeeze %dma_wait3A_225 : memref<1x24xi32, #tpu.memory_space<vmem>> -> memref<24xi32, #tpu.memory_space<vmem>>
      %dma_wait3A_227 = arith.constant 0 : i32
      %dma_wait3A_228 = arith.constant 0 : i32
      %dma_wait3A_229 = tpu.memref_slice %arg4[%dma_wait3A_227, %dma_wait3A_228] : memref<2560x16xf32, #tpu.memory_space<hbm>> -> memref<2560x16xf32, #tpu.memory_space<hbm>>
      tpu.wait_indirect_dma semaphore(%arg21 : memref<!tpu.dma_semaphore, #tpu.memory_space<semaphore_mem>>) src(%dma_wait3A_229 : memref<2560x16xf32, #tpu.memory_space<hbm>>) dst(%arg15 : memref<24x16xf32, #tpu.memory_space<vmem>>)
      %scan3A_230 = arith.constant 0 : i32
      %scan3A_231 = arith.constant 0 : i32
      %scan3A_232 = arith.constant 24 : i32
      %scan3A_233 = arith.addi %scan3A_231, %scan3A_232 : i32
      %scan3A_234 = arith.constant 1 : i32
      %scan3A_235 = scf.for %scan3A_301 = %scan3A_231 to %scan3A_233 step %scan3A_234 iter_args(%scan3A_302 = %scan3A_230) -> (i32)  : i32 {
        %get3A = arith.index_cast %scan3A_301 : i32 to index
        %get3A_303 = arith.constant 0 : index
        %get3A_304 = tpu.vector_load %arg14[%get3A, %get3A_303] {strides = array<i32>} : memref<24x16xf32, #tpu.memory_space<vmem>>, vector<16xf32>,
        %get3A_305 = arith.index_cast %scan3A_301 : i32 to index
        %get3A_306 = arith.constant 0 : index
        %get3A_307 = tpu.vector_load %arg15[%get3A_305, %get3A_306] {strides = array<i32>} : memref<24x16xf32, #tpu.memory_space<vmem>>, vector<16xf32>,
        %add3A_308 = arith.addf %get3A_304, %get3A_307 : vector<16xf32>
        %mul3A_309 = arith.constant 2.000000e-01 : f32
        %mul3A_310 = vector.broadcast %mul3A_309 : f32 to vector<16xf32>
        %mul3A_311 = arith.mulf %add3A_308, %mul3A_310 : vector<16xf32>
        %max3A = arith.maximumf %add3A_308, %mul3A_311 : vector<16xf32>
        %exp3A = math.exp %max3A : vector<16xf32>
        %swap3A_312 = arith.index_cast %scan3A_301 : i32 to index
        %swap3A_313 = arith.constant 0 : index
        %swap3A_314 = tpu.vector_load %arg13[%swap3A_312, %swap3A_313] {strides = array<i32>} : memref<24x16xf32, #tpu.memory_space<vmem>>, vector<16xf32>,
        tpu.vector_store %arg13[%swap3A_312, %swap3A_313], %exp3A {strides = array<i32>} : memref<24x16xf32, #tpu.memory_space<vmem>>, vector<16xf32>,
        %scan3A_315 = arith.constant 0 : i32
        scf.yield %scan3A_315 : i32
      }
      %scan3A_236 = arith.constant 24 : i32
      %dma_wait3A_237 = arith.constant 0 : i32
      %dma_wait3A_238 = tpu.memref_slice %arg9[%mul3A_198, %dma_wait3A_237] : memref<110x24xi32, #tpu.memory_space<vmem>> -> memref<1x24xi32, #tpu.memory_space<vmem>>
      %dma_wait3A_239 = tpu.memref_squeeze %dma_wait3A_238 : memref<1x24xi32, #tpu.memory_space<vmem>> -> memref<24xi32, #tpu.memory_space<vmem>>
      %dma_wait3A_240 = arith.constant 0 : i32
      %dma_wait3A_241 = arith.constant 0 : i32
      %dma_wait3A_242 = tpu.memref_slice %arg2[%dma_wait3A_240, %dma_wait3A_241] : memref<2560x512xf32, #tpu.memory_space<hbm>> -> memref<2560x512xf32, #tpu.memory_space<hbm>>
      tpu.wait_indirect_dma semaphore(%arg19 : memref<!tpu.dma_semaphore, #tpu.memory_space<semaphore_mem>>) src(%dma_wait3A_242 : memref<2560x512xf32, #tpu.memory_space<hbm>>) dst(%arg11 : memref<24x512xf32, #tpu.memory_space<vmem>>)
      %scan3A_243 = arith.constant 0 : i32
      %scan3A_244 = arith.constant 0 : i32
      %scan3A_245 = arith.constant 24 : i32
      %scan3A_246 = arith.addi %scan3A_244, %scan3A_245 : i32
      %scan3A_247 = arith.constant 1 : i32
      %scan3A_248 = scf.for %scan3A_301 = %scan3A_244 to %scan3A_246 step %scan3A_247 iter_args(%scan3A_302 = %scan3A_243) -> (i32)  : i32 {
        %get3A = arith.index_cast %scan3A_301 : i32 to index
        %get3A_303 = arith.constant 0 : index
        %get3A_304 = tpu.vector_load %arg13[%get3A, %get3A_303] {strides = array<i32>} : memref<24x16xf32, #tpu.memory_space<vmem>>, vector<16xf32>,
        %broadcast_in_dim3A_305 = arith.constant 0 : i32
        %broadcast_in_dim3A_306 = vector.broadcast %broadcast_in_dim3A_305 : i32 to vector<16xi32>
        %lt3A_307 = arith.constant 0 : i32
        %lt3A_308 = vector.broadcast %lt3A_307 : i32 to vector<16xi32>
        %lt3A_309 = arith.cmpi slt, %broadcast_in_dim3A_306, %lt3A_308 : vector<16xi32>
        %add3A_310 = arith.constant 16 : i32
        %add3A_311 = vector.broadcast %add3A_310 : i32 to vector<16xi32>
        %add3A_312 = arith.addi %broadcast_in_dim3A_306, %add3A_311 : vector<16xi32>
        %select_n3A = arith.select %lt3A_309, %add3A_312, %broadcast_in_dim3A_306 : vector<16xi1>, vector<16xi32>
        %broadcast_in_dim3A_313 = vector.shape_cast %select_n3A : vector<16xi32> to vector<16x1xi32>
        %gather3A = vector.shape_cast %broadcast_in_dim3A_313 : vector<16x1xi32> to vector<16xi32>
        %gather3A_314 = tpu.dynamic_gather %get3A_304[%gather3A] in [0] : vector<16xf32>, vector<16xi32> -> vector<16xf32>
        %get3A_315 = arith.index_cast %scan3A_301 : i32 to index
        %get3A_316 = arith.constant 0 : index
        %get3A_317 = tpu.vector_load %arg11[%get3A_315, %get3A_316] {strides = array<i32>} : memref<24x512xf32, #tpu.memory_space<vmem>>, vector<16xf32>,
        %mul3A_318 = arith.mulf %get3A_317, %gather3A_314 : vector<16xf32>
        %swap3A_319 = arith.index_cast %scan3A_301 : i32 to index
        %swap3A_320 = arith.constant 0 : index
        %swap3A_321 = tpu.vector_load %arg11[%swap3A_319, %swap3A_320] {strides = array<i32>} : memref<24x512xf32, #tpu.memory_space<vmem>>, vector<16xf32>,
        tpu.vector_store %arg11[%swap3A_319, %swap3A_320], %mul3A_318 {strides = array<i32>} : memref<24x512xf32, #tpu.memory_space<vmem>>, vector<16xf32>,
        %get3A_322 = arith.index_cast %scan3A_301 : i32 to index
        %get3A_323 = arith.constant 16 : index
        %get3A_324 = tpu.vector_load %arg11[%get3A_322, %get3A_323] {strides = array<i32>} : memref<24x512xf32, #tpu.memory_space<vmem>>, vector<16xf32>,
        %mul3A_325 = arith.mulf %get3A_324, %gather3A_314 : vector<16xf32>
        %swap3A_326 = arith.index_cast %scan3A_301 : i32 to index
        %swap3A_327 = arith.constant 16 : index
        %swap3A_328 = tpu.vector_load %arg11[%swap3A_326, %swap3A_327] {strides = array<i32>} : memref<24x512xf32, #tpu.memory_space<vmem>>, vector<16xf32>,
        tpu.vector_store %arg11[%swap3A_326, %swap3A_327], %mul3A_325 {strides = array<i32>} : memref<24x512xf32, #tpu.memory_space<vmem>>, vector<16xf32>,
        %get3A_329 = arith.index_cast %scan3A_301 : i32 to index
        %get3A_330 = arith.constant 32 : index
        %get3A_331 = tpu.vector_load %arg11[%get3A_329, %get3A_330] {strides = array<i32>} : memref<24x512xf32, #tpu.memory_space<vmem>>, vector<16xf32>,
        %mul3A_332 = arith.mulf %get3A_331, %gather3A_314 : vector<16xf32>
        %swap3A_333 = arith.index_cast %scan3A_301 : i32 to index
        %swap3A_334 = arith.constant 32 : index
        %swap3A_335 = tpu.vector_load %arg11[%swap3A_333, %swap3A_334] {strides = array<i32>} : memref<24x512xf32, #tpu.memory_space<vmem>>, vector<16xf32>,
        tpu.vector_store %arg11[%swap3A_333, %swap3A_334], %mul3A_332 {strides = array<i32>} : memref<24x512xf32, #tpu.memory_space<vmem>>, vector<16xf32>,
        %get3A_336 = arith.index_cast %scan3A_301 : i32 to index
        %get3A_337 = arith.constant 48 : index
        %get3A_338 = tpu.vector_load %arg11[%get3A_336, %get3A_337] {strides = array<i32>} : memref<24x512xf32, #tpu.memory_space<vmem>>, vector<16xf32>,
        %mul3A_339 = arith.mulf %get3A_338, %gather3A_314 : vector<16xf32>
        %swap3A_340 = arith.index_cast %scan3A_301 : i32 to index
        %swap3A_341 = arith.constant 48 : index
        %swap3A_342 = tpu.vector_load %arg11[%swap3A_340, %swap3A_341] {strides = array<i32>} : memref<24x512xf32, #tpu.memory_space<vmem>>, vector<16xf32>,
        tpu.vector_store %arg11[%swap3A_340, %swap3A_341], %mul3A_339 {strides = array<i32>} : memref<24x512xf32, #tpu.memory_space<vmem>>, vector<16xf32>,
        %get3A_343 = arith.index_cast %scan3A_301 : i32 to index
        %get3A_344 = arith.constant 64 : index
        %get3A_345 = tpu.vector_load %arg11[%get3A_343, %get3A_344] {strides = array<i32>} : memref<24x512xf32, #tpu.memory_space<vmem>>, vector<16xf32>,
        %mul3A_346 = arith.mulf %get3A_345, %gather3A_314 : vector<16xf32>
        %swap3A_347 = arith.index_cast %scan3A_301 : i32 to index
        %swap3A_348 = arith.constant 64 : index
        %swap3A_349 = tpu.vector_load %arg11[%swap3A_347, %swap3A_348] {strides = array<i32>} : memref<24x512xf32, #tpu.memory_space<vmem>>, vector<16xf32>,
        tpu.vector_store %arg11[%swap3A_347, %swap3A_348], %mul3A_346 {strides = array<i32>} : memref<24x512xf32, #tpu.memory_space<vmem>>, vector<16xf32>,
        %get3A_350 = arith.index_cast %scan3A_301 : i32 to index
        %get3A_351 = arith.constant 80 : index
        %get3A_352 = tpu.vector_load %arg11[%get3A_350, %get3A_351] {strides = array<i32>} : memref<24x512xf32, #tpu.memory_space<vmem>>, vector<16xf32>,
        %mul3A_353 = arith.mulf %get3A_352, %gather3A_314 : vector<16xf32>
        %swap3A_354 = arith.index_cast %scan3A_301 : i32 to index
        %swap3A_355 = arith.constant 80 : index
        %swap3A_356 = tpu.vector_load %arg11[%swap3A_354, %swap3A_355] {strides = array<i32>} : memref<24x512xf32, #tpu.memory_space<vmem>>, vector<16xf32>,
        tpu.vector_store %arg11[%swap3A_354, %swap3A_355], %mul3A_353 {strides = array<i32>} : memref<24x512xf32, #tpu.memory_space<vmem>>, vector<16xf32>,
        %get3A_357 = arith.index_cast %scan3A_301 : i32 to index
        %get3A_358 = arith.constant 96 : index
        %get3A_359 = tpu.vector_load %arg11[%get3A_357, %get3A_358] {strides = array<i32>} : memref<24x512xf32, #tpu.memory_space<vmem>>, vector<16xf32>,
        %mul3A_360 = arith.mulf %get3A_359, %gather3A_314 : vector<16xf32>
        %swap3A_361 = arith.index_cast %scan3A_301 : i32 to index
        %swap3A_362 = arith.constant 96 : index
        %swap3A_363 = tpu.vector_load %arg11[%swap3A_361, %swap3A_362] {strides = array<i32>} : memref<24x512xf32, #tpu.memory_space<vmem>>, vector<16xf32>,
        tpu.vector_store %arg11[%swap3A_361, %swap3A_362], %mul3A_360 {strides = array<i32>} : memref<24x512xf32, #tpu.memory_space<vmem>>, vector<16xf32>,
        %get3A_364 = arith.index_cast %scan3A_301 : i32 to index
        %get3A_365 = arith.constant 112 : index
        %get3A_366 = tpu.vector_load %arg11[%get3A_364, %get3A_365] {strides = array<i32>} : memref<24x512xf32, #tpu.memory_space<vmem>>, vector<16xf32>,
        %mul3A_367 = arith.mulf %get3A_366, %gather3A_314 : vector<16xf32>
        %swap3A_368 = arith.index_cast %scan3A_301 : i32 to index
        %swap3A_369 = arith.constant 112 : index
        %swap3A_370 = tpu.vector_load %arg11[%swap3A_368, %swap3A_369] {strides = array<i32>} : memref<24x512xf32, #tpu.memory_space<vmem>>, vector<16xf32>,
        tpu.vector_store %arg11[%swap3A_368, %swap3A_369], %mul3A_367 {strides = array<i32>} : memref<24x512xf32, #tpu.memory_space<vmem>>, vector<16xf32>,
        %broadcast_in_dim3A_371 = arith.constant 1 : i32
        %broadcast_in_dim3A_372 = vector.broadcast %broadcast_in_dim3A_371 : i32 to vector<16xi32>
        %lt3A_373 = arith.constant 0 : i32
        %lt3A_374 = vector.broadcast %lt3A_373 : i32 to vector<16xi32>
        %lt3A_375 = arith.cmpi slt, %broadcast_in_dim3A_372, %lt3A_374 : vector<16xi32>
        %add3A_376 = arith.constant 16 : i32
        %add3A_377 = vector.broadcast %add3A_376 : i32 to vector<16xi32>
        %add3A_378 = arith.addi %broadcast_in_dim3A_372, %add3A_377 : vector<16xi32>
        %select_n3A_379 = arith.select %lt3A_375, %add3A_378, %broadcast_in_dim3A_372 : vector<16xi1>, vector<16xi32>
        %broadcast_in_dim3A_380 = vector.shape_cast %select_n3A_379 : vector<16xi32> to vector<16x1xi32>
        %gather3A_381 = vector.shape_cast %broadcast_in_dim3A_380 : vector<16x1xi32> to vector<16xi32>
        %gather3A_382 = tpu.dynamic_gather %get3A_304[%gather3A_381] in [0] : vector<16xf32>, vector<16xi32> -> vector<16xf32>
        %get3A_383 = arith.index_cast %scan3A_301 : i32 to index
        %get3A_384 = arith.constant 128 : index
        %get3A_385 = tpu.vector_load %arg11[%get3A_383, %get3A_384] {strides = array<i32>} : memref<24x512xf32, #tpu.memory_space<vmem>>, vector<16xf32>,
        %mul3A_386 = arith.mulf %get3A_385, %gather3A_382 : vector<16xf32>
        %swap3A_387 = arith.index_cast %scan3A_301 : i32 to index
        %swap3A_388 = arith.constant 128 : index
        %swap3A_389 = tpu.vector_load %arg11[%swap3A_387, %swap3A_388] {strides = array<i32>} : memref<24x512xf32, #tpu.memory_space<vmem>>, vector<16xf32>,
        tpu.vector_store %arg11[%swap3A_387, %swap3A_388], %mul3A_386 {strides = array<i32>} : memref<24x512xf32, #tpu.memory_space<vmem>>, vector<16xf32>,
        %get3A_390 = arith.index_cast %scan3A_301 : i32 to index
        %get3A_391 = arith.constant 144 : index
        %get3A_392 = tpu.vector_load %arg11[%get3A_390, %get3A_391] {strides = array<i32>} : memref<24x512xf32, #tpu.memory_space<vmem>>, vector<16xf32>,
        %mul3A_393 = arith.mulf %get3A_392, %gather3A_382 : vector<16xf32>
        %swap3A_394 = arith.index_cast %scan3A_301 : i32 to index
        %swap3A_395 = arith.constant 144 : index
        %swap3A_396 = tpu.vector_load %arg11[%swap3A_394, %swap3A_395] {strides = array<i32>} : memref<24x512xf32, #tpu.memory_space<vmem>>, vector<16xf32>,
        tpu.vector_store %arg11[%swap3A_394, %swap3A_395], %mul3A_393 {strides = array<i32>} : memref<24x512xf32, #tpu.memory_space<vmem>>, vector<16xf32>,
        %get3A_397 = arith.index_cast %scan3A_301 : i32 to index
        %get3A_398 = arith.constant 160 : index
        %get3A_399 = tpu.vector_load %arg11[%get3A_397, %get3A_398] {strides = array<i32>} : memref<24x512xf32, #tpu.memory_space<vmem>>, vector<16xf32>,
        %mul3A_400 = arith.mulf %get3A_399, %gather3A_382 : vector<16xf32>
        %swap3A_401 = arith.index_cast %scan3A_301 : i32 to index
        %swap3A_402 = arith.constant 160 : index
        %swap3A_403 = tpu.vector_load %arg11[%swap3A_401, %swap3A_402] {strides = array<i32>} : memref<24x512xf32, #tpu.memory_space<vmem>>, vector<16xf32>,
        tpu.vector_store %arg11[%swap3A_401, %swap3A_402], %mul3A_400 {strides = array<i32>} : memref<24x512xf32, #tpu.memory_space<vmem>>, vector<16xf32>,
        %get3A_404 = arith.index_cast %scan3A_301 : i32 to index
        %get3A_405 = arith.constant 176 : index
        %get3A_406 = tpu.vector_load %arg11[%get3A_404, %get3A_405] {strides = array<i32>} : memref<24x512xf32, #tpu.memory_space<vmem>>, vector<16xf32>,
        %mul3A_407 = arith.mulf %get3A_406, %gather3A_382 : vector<16xf32>
        %swap3A_408 = arith.index_cast %scan3A_301 : i32 to index
        %swap3A_409 = arith.constant 176 : index
        %swap3A_410 = tpu.vector_load %arg11[%swap3A_408, %swap3A_409] {strides = array<i32>} : memref<24x512xf32, #tpu.memory_space<vmem>>, vector<16xf32>,
        tpu.vector_store %arg11[%swap3A_408, %swap3A_409], %mul3A_407 {strides = array<i32>} : memref<24x512xf32, #tpu.memory_space<vmem>>, vector<16xf32>,
        %get3A_411 = arith.index_cast %scan3A_301 : i32 to index
        %get3A_412 = arith.constant 192 : index
        %get3A_413 = tpu.vector_load %arg11[%get3A_411, %get3A_412] {strides = array<i32>} : memref<24x512xf32, #tpu.memory_space<vmem>>, vector<16xf32>,
        %mul3A_414 = arith.mulf %get3A_413, %gather3A_382 : vector<16xf32>
        %swap3A_415 = arith.index_cast %scan3A_301 : i32 to index
        %swap3A_416 = arith.constant 192 : index
        %swap3A_417 = tpu.vector_load %arg11[%swap3A_415, %swap3A_416] {strides = array<i32>} : memref<24x512xf32, #tpu.memory_space<vmem>>, vector<16xf32>,
        tpu.vector_store %arg11[%swap3A_415, %swap3A_416], %mul3A_414 {strides = array<i32>} : memref<24x512xf32, #tpu.memory_space<vmem>>, vector<16xf32>,
        %get3A_418 = arith.index_cast %scan3A_301 : i32 to index
        %get3A_419 = arith.constant 208 : index
        %get3A_420 = tpu.vector_load %arg11[%get3A_418, %get3A_419] {strides = array<i32>} : memref<24x512xf32, #tpu.memory_space<vmem>>, vector<16xf32>,
        %mul3A_421 = arith.mulf %get3A_420, %gather3A_382 : vector<16xf32>
        %swap3A_422 = arith.index_cast %scan3A_301 : i32 to index
        %swap3A_423 = arith.constant 208 : index
        %swap3A_424 = tpu.vector_load %arg11[%swap3A_422, %swap3A_423] {strides = array<i32>} : memref<24x512xf32, #tpu.memory_space<vmem>>, vector<16xf32>,
        tpu.vector_store %arg11[%swap3A_422, %swap3A_423], %mul3A_421 {strides = array<i32>} : memref<24x512xf32, #tpu.memory_space<vmem>>, vector<16xf32>,
        %get3A_425 = arith.index_cast %scan3A_301 : i32 to index
        %get3A_426 = arith.constant 224 : index
        %get3A_427 = tpu.vector_load %arg11[%get3A_425, %get3A_426] {strides = array<i32>} : memref<24x512xf32, #tpu.memory_space<vmem>>, vector<16xf32>,
        %mul3A_428 = arith.mulf %get3A_427, %gather3A_382 : vector<16xf32>
        %swap3A_429 = arith.index_cast %scan3A_301 : i32 to index
        %swap3A_430 = arith.constant 224 : index
        %swap3A_431 = tpu.vector_load %arg11[%swap3A_429, %swap3A_430] {strides = array<i32>} : memref<24x512xf32, #tpu.memory_space<vmem>>, vector<16xf32>,
        tpu.vector_store %arg11[%swap3A_429, %swap3A_430], %mul3A_428 {strides = array<i32>} : memref<24x512xf32, #tpu.memory_space<vmem>>, vector<16xf32>,
        %get3A_432 = arith.index_cast %scan3A_301 : i32 to index
        %get3A_433 = arith.constant 240 : index
        %get3A_434 = tpu.vector_load %arg11[%get3A_432, %get3A_433] {strides = array<i32>} : memref<24x512xf32, #tpu.memory_space<vmem>>, vector<16xf32>,
        %mul3A_435 = arith.mulf %get3A_434, %gather3A_382 : vector<16xf32>
        %swap3A_436 = arith.index_cast %scan3A_301 : i32 to index
        %swap3A_437 = arith.constant 240 : index
        %swap3A_438 = tpu.vector_load %arg11[%swap3A_436, %swap3A_437] {strides = array<i32>} : memref<24x512xf32, #tpu.memory_space<vmem>>, vector<16xf32>,
        tpu.vector_store %arg11[%swap3A_436, %swap3A_437], %mul3A_435 {strides = array<i32>} : memref<24x512xf32, #tpu.memory_space<vmem>>, vector<16xf32>,
        %broadcast_in_dim3A_439 = arith.constant 2 : i32
        %broadcast_in_dim3A_440 = vector.broadcast %broadcast_in_dim3A_439 : i32 to vector<16xi32>
        %lt3A_441 = arith.constant 0 : i32
        %lt3A_442 = vector.broadcast %lt3A_441 : i32 to vector<16xi32>
        %lt3A_443 = arith.cmpi slt, %broadcast_in_dim3A_440, %lt3A_442 : vector<16xi32>
        %add3A_444 = arith.constant 16 : i32
        %add3A_445 = vector.broadcast %add3A_444 : i32 to vector<16xi32>
        %add3A_446 = arith.addi %broadcast_in_dim3A_440, %add3A_445 : vector<16xi32>
        %select_n3A_447 = arith.select %lt3A_443, %add3A_446, %broadcast_in_dim3A_440 : vector<16xi1>, vector<16xi32>
        %broadcast_in_dim3A_448 = vector.shape_cast %select_n3A_447 : vector<16xi32> to vector<16x1xi32>
        %gather3A_449 = vector.shape_cast %broadcast_in_dim3A_448 : vector<16x1xi32> to vector<16xi32>
        %gather3A_450 = tpu.dynamic_gather %get3A_304[%gather3A_449] in [0] : vector<16xf32>, vector<16xi32> -> vector<16xf32>
        %get3A_451 = arith.index_cast %scan3A_301 : i32 to index
        %get3A_452 = arith.constant 256 : index
        %get3A_453 = tpu.vector_load %arg11[%get3A_451, %get3A_452] {strides = array<i32>} : memref<24x512xf32, #tpu.memory_space<vmem>>, vector<16xf32>,
        %mul3A_454 = arith.mulf %get3A_453, %gather3A_450 : vector<16xf32>
        %swap3A_455 = arith.index_cast %scan3A_301 : i32 to index
        %swap3A_456 = arith.constant 256 : index
        %swap3A_457 = tpu.vector_load %arg11[%swap3A_455, %swap3A_456] {strides = array<i32>} : memref<24x512xf32, #tpu.memory_space<vmem>>, vector<16xf32>,
        tpu.vector_store %arg11[%swap3A_455, %swap3A_456], %mul3A_454 {strides = array<i32>} : memref<24x512xf32, #tpu.memory_space<vmem>>, vector<16xf32>,
        %get3A_458 = arith.index_cast %scan3A_301 : i32 to index
        %get3A_459 = arith.constant 272 : index
        %get3A_460 = tpu.vector_load %arg11[%get3A_458, %get3A_459] {strides = array<i32>} : memref<24x512xf32, #tpu.memory_space<vmem>>, vector<16xf32>,
        %mul3A_461 = arith.mulf %get3A_460, %gather3A_450 : vector<16xf32>
        %swap3A_462 = arith.index_cast %scan3A_301 : i32 to index
        %swap3A_463 = arith.constant 272 : index
        %swap3A_464 = tpu.vector_load %arg11[%swap3A_462, %swap3A_463] {strides = array<i32>} : memref<24x512xf32, #tpu.memory_space<vmem>>, vector<16xf32>,
        tpu.vector_store %arg11[%swap3A_462, %swap3A_463], %mul3A_461 {strides = array<i32>} : memref<24x512xf32, #tpu.memory_space<vmem>>, vector<16xf32>,
        %get3A_465 = arith.index_cast %scan3A_301 : i32 to index
        %get3A_466 = arith.constant 288 : index
        %get3A_467 = tpu.vector_load %arg11[%get3A_465, %get3A_466] {strides = array<i32>} : memref<24x512xf32, #tpu.memory_space<vmem>>, vector<16xf32>,
        %mul3A_468 = arith.mulf %get3A_467, %gather3A_450 : vector<16xf32>
        %swap3A_469 = arith.index_cast %scan3A_301 : i32 to index
        %swap3A_470 = arith.constant 288 : index
        %swap3A_471 = tpu.vector_load %arg11[%swap3A_469, %swap3A_470] {strides = array<i32>} : memref<24x512xf32, #tpu.memory_space<vmem>>, vector<16xf32>,
        tpu.vector_store %arg11[%swap3A_469, %swap3A_470], %mul3A_468 {strides = array<i32>} : memref<24x512xf32, #tpu.memory_space<vmem>>, vector<16xf32>,
        %get3A_472 = arith.index_cast %scan3A_301 : i32 to index
        %get3A_473 = arith.constant 304 : index
        %get3A_474 = tpu.vector_load %arg11[%get3A_472, %get3A_473] {strides = array<i32>} : memref<24x512xf32, #tpu.memory_space<vmem>>, vector<16xf32>,
        %mul3A_475 = arith.mulf %get3A_474, %gather3A_450 : vector<16xf32>
        %swap3A_476 = arith.index_cast %scan3A_301 : i32 to index
        %swap3A_477 = arith.constant 304 : index
        %swap3A_478 = tpu.vector_load %arg11[%swap3A_476, %swap3A_477] {strides = array<i32>} : memref<24x512xf32, #tpu.memory_space<vmem>>, vector<16xf32>,
        tpu.vector_store %arg11[%swap3A_476, %swap3A_477], %mul3A_475 {strides = array<i32>} : memref<24x512xf32, #tpu.memory_space<vmem>>, vector<16xf32>,
        %get3A_479 = arith.index_cast %scan3A_301 : i32 to index
        %get3A_480 = arith.constant 320 : index
        %get3A_481 = tpu.vector_load %arg11[%get3A_479, %get3A_480] {strides = array<i32>} : memref<24x512xf32, #tpu.memory_space<vmem>>, vector<16xf32>,
        %mul3A_482 = arith.mulf %get3A_481, %gather3A_450 : vector<16xf32>
        %swap3A_483 = arith.index_cast %scan3A_301 : i32 to index
        %swap3A_484 = arith.constant 320 : index
        %swap3A_485 = tpu.vector_load %arg11[%swap3A_483, %swap3A_484] {strides = array<i32>} : memref<24x512xf32, #tpu.memory_space<vmem>>, vector<16xf32>,
        tpu.vector_store %arg11[%swap3A_483, %swap3A_484], %mul3A_482 {strides = array<i32>} : memref<24x512xf32, #tpu.memory_space<vmem>>, vector<16xf32>,
        %get3A_486 = arith.index_cast %scan3A_301 : i32 to index
        %get3A_487 = arith.constant 336 : index
        %get3A_488 = tpu.vector_load %arg11[%get3A_486, %get3A_487] {strides = array<i32>} : memref<24x512xf32, #tpu.memory_space<vmem>>, vector<16xf32>,
        %mul3A_489 = arith.mulf %get3A_488, %gather3A_450 : vector<16xf32>
        %swap3A_490 = arith.index_cast %scan3A_301 : i32 to index
        %swap3A_491 = arith.constant 336 : index
        %swap3A_492 = tpu.vector_load %arg11[%swap3A_490, %swap3A_491] {strides = array<i32>} : memref<24x512xf32, #tpu.memory_space<vmem>>, vector<16xf32>,
        tpu.vector_store %arg11[%swap3A_490, %swap3A_491], %mul3A_489 {strides = array<i32>} : memref<24x512xf32, #tpu.memory_space<vmem>>, vector<16xf32>,
        %get3A_493 = arith.index_cast %scan3A_301 : i32 to index
        %get3A_494 = arith.constant 352 : index
        %get3A_495 = tpu.vector_load %arg11[%get3A_493, %get3A_494] {strides = array<i32>} : memref<24x512xf32, #tpu.memory_space<vmem>>, vector<16xf32>,
        %mul3A_496 = arith.mulf %get3A_495, %gather3A_450 : vector<16xf32>
        %swap3A_497 = arith.index_cast %scan3A_301 : i32 to index
        %swap3A_498 = arith.constant 352 : index
        %swap3A_499 = tpu.vector_load %arg11[%swap3A_497, %swap3A_498] {strides = array<i32>} : memref<24x512xf32, #tpu.memory_space<vmem>>, vector<16xf32>,
        tpu.vector_store %arg11[%swap3A_497, %swap3A_498], %mul3A_496 {strides = array<i32>} : memref<24x512xf32, #tpu.memory_space<vmem>>, vector<16xf32>,
        %get3A_500 = arith.index_cast %scan3A_301 : i32 to index
        %get3A_501 = arith.constant 368 : index
        %get3A_502 = tpu.vector_load %arg11[%get3A_500, %get3A_501] {strides = array<i32>} : memref<24x512xf32, #tpu.memory_space<vmem>>, vector<16xf32>,
        %mul3A_503 = arith.mulf %get3A_502, %gather3A_450 : vector<16xf32>
        %swap3A_504 = arith.index_cast %scan3A_301 : i32 to index
        %swap3A_505 = arith.constant 368 : index
        %swap3A_506 = tpu.vector_load %arg11[%swap3A_504, %swap3A_505] {strides = array<i32>} : memref<24x512xf32, #tpu.memory_space<vmem>>, vector<16xf32>,
        tpu.vector_store %arg11[%swap3A_504, %swap3A_505], %mul3A_503 {strides = array<i32>} : memref<24x512xf32, #tpu.memory_space<vmem>>, vector<16xf32>,
        %broadcast_in_dim3A_507 = arith.constant 3 : i32
        %broadcast_in_dim3A_508 = vector.broadcast %broadcast_in_dim3A_507 : i32 to vector<16xi32>
        %lt3A_509 = arith.constant 0 : i32
        %lt3A_510 = vector.broadcast %lt3A_509 : i32 to vector<16xi32>
        %lt3A_511 = arith.cmpi slt, %broadcast_in_dim3A_508, %lt3A_510 : vector<16xi32>
        %add3A_512 = arith.constant 16 : i32
        %add3A_513 = vector.broadcast %add3A_512 : i32 to vector<16xi32>
        %add3A_514 = arith.addi %broadcast_in_dim3A_508, %add3A_513 : vector<16xi32>
        %select_n3A_515 = arith.select %lt3A_511, %add3A_514, %broadcast_in_dim3A_508 : vector<16xi1>, vector<16xi32>
        %broadcast_in_dim3A_516 = vector.shape_cast %select_n3A_515 : vector<16xi32> to vector<16x1xi32>
        %gather3A_517 = vector.shape_cast %broadcast_in_dim3A_516 : vector<16x1xi32> to vector<16xi32>
        %gather3A_518 = tpu.dynamic_gather %get3A_304[%gather3A_517] in [0] : vector<16xf32>, vector<16xi32> -> vector<16xf32>
        %get3A_519 = arith.index_cast %scan3A_301 : i32 to index
        %get3A_520 = arith.constant 384 : index
        %get3A_521 = tpu.vector_load %arg11[%get3A_519, %get3A_520] {strides = array<i32>} : memref<24x512xf32, #tpu.memory_space<vmem>>, vector<16xf32>,
        %mul3A_522 = arith.mulf %get3A_521, %gather3A_518 : vector<16xf32>
        %swap3A_523 = arith.index_cast %scan3A_301 : i32 to index
        %swap3A_524 = arith.constant 384 : index
        %swap3A_525 = tpu.vector_load %arg11[%swap3A_523, %swap3A_524] {strides = array<i32>} : memref<24x512xf32, #tpu.memory_space<vmem>>, vector<16xf32>,
        tpu.vector_store %arg11[%swap3A_523, %swap3A_524], %mul3A_522 {strides = array<i32>} : memref<24x512xf32, #tpu.memory_space<vmem>>, vector<16xf32>,
        %get3A_526 = arith.index_cast %scan3A_301 : i32 to index
        %get3A_527 = arith.constant 400 : index
        %get3A_528 = tpu.vector_load %arg11[%get3A_526, %get3A_527] {strides = array<i32>} : memref<24x512xf32, #tpu.memory_space<vmem>>, vector<16xf32>,
        %mul3A_529 = arith.mulf %get3A_528, %gather3A_518 : vector<16xf32>
        %swap3A_530 = arith.index_cast %scan3A_301 : i32 to index
        %swap3A_531 = arith.constant 400 : index
        %swap3A_532 = tpu.vector_load %arg11[%swap3A_530, %swap3A_531] {strides = array<i32>} : memref<24x512xf32, #tpu.memory_space<vmem>>, vector<16xf32>,
        tpu.vector_store %arg11[%swap3A_530, %swap3A_531], %mul3A_529 {strides = array<i32>} : memref<24x512xf32, #tpu.memory_space<vmem>>, vector<16xf32>,
        %get3A_533 = arith.index_cast %scan3A_301 : i32 to index
        %get3A_534 = arith.constant 416 : index
        %get3A_535 = tpu.vector_load %arg11[%get3A_533, %get3A_534] {strides = array<i32>} : memref<24x512xf32, #tpu.memory_space<vmem>>, vector<16xf32>,
        %mul3A_536 = arith.mulf %get3A_535, %gather3A_518 : vector<16xf32>
        %swap3A_537 = arith.index_cast %scan3A_301 : i32 to index
        %swap3A_538 = arith.constant 416 : index
        %swap3A_539 = tpu.vector_load %arg11[%swap3A_537, %swap3A_538] {strides = array<i32>} : memref<24x512xf32, #tpu.memory_space<vmem>>, vector<16xf32>,
        tpu.vector_store %arg11[%swap3A_537, %swap3A_538], %mul3A_536 {strides = array<i32>} : memref<24x512xf32, #tpu.memory_space<vmem>>, vector<16xf32>,
        %get3A_540 = arith.index_cast %scan3A_301 : i32 to index
        %get3A_541 = arith.constant 432 : index
        %get3A_542 = tpu.vector_load %arg11[%get3A_540, %get3A_541] {strides = array<i32>} : memref<24x512xf32, #tpu.memory_space<vmem>>, vector<16xf32>,
        %mul3A_543 = arith.mulf %get3A_542, %gather3A_518 : vector<16xf32>
        %swap3A_544 = arith.index_cast %scan3A_301 : i32 to index
        %swap3A_545 = arith.constant 432 : index
        %swap3A_546 = tpu.vector_load %arg11[%swap3A_544, %swap3A_545] {strides = array<i32>} : memref<24x512xf32, #tpu.memory_space<vmem>>, vector<16xf32>,
        tpu.vector_store %arg11[%swap3A_544, %swap3A_545], %mul3A_543 {strides = array<i32>} : memref<24x512xf32, #tpu.memory_space<vmem>>, vector<16xf32>,
        %get3A_547 = arith.index_cast %scan3A_301 : i32 to index
        %get3A_548 = arith.constant 448 : index
        %get3A_549 = tpu.vector_load %arg11[%get3A_547, %get3A_548] {strides = array<i32>} : memref<24x512xf32, #tpu.memory_space<vmem>>, vector<16xf32>,
        %mul3A_550 = arith.mulf %get3A_549, %gather3A_518 : vector<16xf32>
        %swap3A_551 = arith.index_cast %scan3A_301 : i32 to index
        %swap3A_552 = arith.constant 448 : index
        %swap3A_553 = tpu.vector_load %arg11[%swap3A_551, %swap3A_552] {strides = array<i32>} : memref<24x512xf32, #tpu.memory_space<vmem>>, vector<16xf32>,
        tpu.vector_store %arg11[%swap3A_551, %swap3A_552], %mul3A_550 {strides = array<i32>} : memref<24x512xf32, #tpu.memory_space<vmem>>, vector<16xf32>,
        %get3A_554 = arith.index_cast %scan3A_301 : i32 to index
        %get3A_555 = arith.constant 464 : index
        %get3A_556 = tpu.vector_load %arg11[%get3A_554, %get3A_555] {strides = array<i32>} : memref<24x512xf32, #tpu.memory_space<vmem>>, vector<16xf32>,
        %mul3A_557 = arith.mulf %get3A_556, %gather3A_518 : vector<16xf32>
        %swap3A_558 = arith.index_cast %scan3A_301 : i32 to index
        %swap3A_559 = arith.constant 464 : index
        %swap3A_560 = tpu.vector_load %arg11[%swap3A_558, %swap3A_559] {strides = array<i32>} : memref<24x512xf32, #tpu.memory_space<vmem>>, vector<16xf32>,
        tpu.vector_store %arg11[%swap3A_558, %swap3A_559], %mul3A_557 {strides = array<i32>} : memref<24x512xf32, #tpu.memory_space<vmem>>, vector<16xf32>,
        %get3A_561 = arith.index_cast %scan3A_301 : i32 to index
        %get3A_562 = arith.constant 480 : index
        %get3A_563 = tpu.vector_load %arg11[%get3A_561, %get3A_562] {strides = array<i32>} : memref<24x512xf32, #tpu.memory_space<vmem>>, vector<16xf32>,
        %mul3A_564 = arith.mulf %get3A_563, %gather3A_518 : vector<16xf32>
        %swap3A_565 = arith.index_cast %scan3A_301 : i32 to index
        %swap3A_566 = arith.constant 480 : index
        %swap3A_567 = tpu.vector_load %arg11[%swap3A_565, %swap3A_566] {strides = array<i32>} : memref<24x512xf32, #tpu.memory_space<vmem>>, vector<16xf32>,
        tpu.vector_store %arg11[%swap3A_565, %swap3A_566], %mul3A_564 {strides = array<i32>} : memref<24x512xf32, #tpu.memory_space<vmem>>, vector<16xf32>,
        %get3A_568 = arith.index_cast %scan3A_301 : i32 to index
        %get3A_569 = arith.constant 496 : index
        %get3A_570 = tpu.vector_load %arg11[%get3A_568, %get3A_569] {strides = array<i32>} : memref<24x512xf32, #tpu.memory_space<vmem>>, vector<16xf32>,
        %mul3A_571 = arith.mulf %get3A_570, %gather3A_518 : vector<16xf32>
        %swap3A_572 = arith.index_cast %scan3A_301 : i32 to index
        %swap3A_573 = arith.constant 496 : index
        %swap3A_574 = tpu.vector_load %arg11[%swap3A_572, %swap3A_573] {strides = array<i32>} : memref<24x512xf32, #tpu.memory_space<vmem>>, vector<16xf32>,
        tpu.vector_store %arg11[%swap3A_572, %swap3A_573], %mul3A_571 {strides = array<i32>} : memref<24x512xf32, #tpu.memory_space<vmem>>, vector<16xf32>,
        %scan3A_575 = arith.constant 0 : i32
        scf.yield %scan3A_575 : i32
      }
      %scan3A_249 = arith.constant 24 : i32
      "tpu.region"() ({
        %run_scoped3A = tpu.sem_alloc : memref<!tpu.dma_semaphore, #tpu.memory_space<semaphore_mem>>
        %dma_start3A_301 = arith.constant 0 : i32
        %dma_start3A_302 = tpu.memref_slice %arg10[%mul3A_198, %dma_start3A_301] : memref<110x24xi32, #tpu.memory_space<vmem>> -> memref<1x24xi32, #tpu.memory_space<vmem>>
        %dma_start3A_303 = tpu.memref_squeeze %dma_start3A_302 : memref<1x24xi32, #tpu.memory_space<vmem>> -> memref<24xi32, #tpu.memory_space<vmem>>
        %dma_start3A_304 = arith.constant 0 : i32
        %dma_start3A_305 = arith.constant 0 : i32
        %dma_start3A_306 = tpu.memref_slice %arg17[%dma_start3A_304, %dma_start3A_305] : memref<2560x512xf32, #tpu.memory_space<vmem_shared>> -> memref<2560x512xf32, #tpu.memory_space<vmem_shared>>
        tpu.enqueue_indirect_dma source(%arg11 : memref<24x512xf32, #tpu.memory_space<vmem>>) target(%dma_start3A_306 : memref<2560x512xf32, #tpu.memory_space<vmem_shared>>) offsets(%dma_start3A_303 : memref<24xi32, #tpu.memory_space<vmem>>) semaphore(%run_scoped3A : memref<!tpu.dma_semaphore, #tpu.memory_space<semaphore_mem>>) {add = true}
        %dma_wait3A_307 = arith.constant 0 : i32
        %dma_wait3A_308 = tpu.memref_slice %arg10[%mul3A_198, %dma_wait3A_307] : memref<110x24xi32, #tpu.memory_space<vmem>> -> memref<1x24xi32, #tpu.memory_space<vmem>>
        %dma_wait3A_309 = tpu.memref_squeeze %dma_wait3A_308 : memref<1x24xi32, #tpu.memory_space<vmem>> -> memref<24xi32, #tpu.memory_space<vmem>>
        %dma_wait3A_310 = arith.constant 0 : i32
        %dma_wait3A_311 = arith.constant 0 : i32
        %dma_wait3A_312 = tpu.memref_slice %arg17[%dma_wait3A_310, %dma_wait3A_311] : memref<2560x512xf32, #tpu.memory_space<vmem_shared>> -> memref<2560x512xf32, #tpu.memory_space<vmem_shared>>
        tpu.wait_indirect_dma semaphore(%run_scoped3A : memref<!tpu.dma_semaphore, #tpu.memory_space<semaphore_mem>>) src(%arg11 : memref<24x512xf32, #tpu.memory_space<vmem>>) dst(%dma_wait3A_312 : memref<2560x512xf32, #tpu.memory_space<vmem_shared>>)
        tpu.yield
      }) : () -> ()
      "tpu.region"() ({
        %run_scoped3A = tpu.sem_alloc : memref<!tpu.dma_semaphore, #tpu.memory_space<semaphore_mem>>
        %dma_start3A_301 = arith.constant 0 : i32
        %dma_start3A_302 = tpu.memref_slice %arg10[%mul3A_198, %dma_start3A_301] : memref<110x24xi32, #tpu.memory_space<vmem>> -> memref<1x24xi32, #tpu.memory_space<vmem>>
        %dma_start3A_303 = tpu.memref_squeeze %dma_start3A_302 : memref<1x24xi32, #tpu.memory_space<vmem>> -> memref<24xi32, #tpu.memory_space<vmem>>
        %dma_start3A_304 = arith.constant 0 : i32
        %dma_start3A_305 = arith.constant 0 : i32
        %dma_start3A_306 = tpu.memref_slice %arg18[%dma_start3A_304, %dma_start3A_305] : memref<2560x16xf32, #tpu.memory_space<vmem_shared>> -> memref<2560x16xf32, #tpu.memory_space<vmem_shared>>
        tpu.enqueue_indirect_dma source(%arg13 : memref<24x16xf32, #tpu.memory_space<vmem>>) target(%dma_start3A_306 : memref<2560x16xf32, #tpu.memory_space<vmem_shared>>) offsets(%dma_start3A_303 : memref<24xi32, #tpu.memory_space<vmem>>) semaphore(%run_scoped3A : memref<!tpu.dma_semaphore, #tpu.memory_space<semaphore_mem>>) {add = true}
        %dma_wait3A_307 = arith.constant 0 : i32
        %dma_wait3A_308 = tpu.memref_slice %arg10[%mul3A_198, %dma_wait3A_307] : memref<110x24xi32, #tpu.memory_space<vmem>> -> memref<1x24xi32, #tpu.memory_space<vmem>>
        %dma_wait3A_309 = tpu.memref_squeeze %dma_wait3A_308 : memref<1x24xi32, #tpu.memory_space<vmem>> -> memref<24xi32, #tpu.memory_space<vmem>>
        %dma_wait3A_310 = arith.constant 0 : i32
        %dma_wait3A_311 = arith.constant 0 : i32
        %dma_wait3A_312 = tpu.memref_slice %arg18[%dma_wait3A_310, %dma_wait3A_311] : memref<2560x16xf32, #tpu.memory_space<vmem_shared>> -> memref<2560x16xf32, #tpu.memory_space<vmem_shared>>
        tpu.wait_indirect_dma semaphore(%run_scoped3A : memref<!tpu.dma_semaphore, #tpu.memory_space<semaphore_mem>>) src(%arg13 : memref<24x16xf32, #tpu.memory_space<vmem>>) dst(%dma_wait3A_312 : memref<2560x16xf32, #tpu.memory_space<vmem_shared>>)
        tpu.yield
      }) : () -> ()
      %add3A_250 = arith.constant 2 : i32
      %add3A_251 = arith.addi %mul3A_198, %add3A_250 : i32
      %lt3A = arith.constant 110 : i32
      %lt3A_252 = arith.cmpi slt, %add3A_251, %lt3A : i32
      %convert_element_type3A = arith.extui %lt3A_252 : i1 to i32
      %cond3A = arith.constant 0 : i32
      %cond3A_253 = arith.cmpi ne, %convert_element_type3A, %cond3A : i32
      scf.if %cond3A_253 {
        %add3A_301 = arith.constant 2 : i32
        %add3A_302 = arith.addi %mul3A_198, %add3A_301 : i32
        %dma_start3A_303 = arith.constant 0 : i32
        %dma_start3A_304 = tpu.memref_slice %arg9[%add3A_302, %dma_start3A_303] : memref<110x24xi32, #tpu.memory_space<vmem>> -> memref<1x24xi32, #tpu.memory_space<vmem>>
        %dma_start3A_305 = tpu.memref_squeeze %dma_start3A_304 : memref<1x24xi32, #tpu.memory_space<vmem>> -> memref<24xi32, #tpu.memory_space<vmem>>
        %dma_start3A_306 = arith.constant 0 : i32
        %dma_start3A_307 = arith.constant 0 : i32
        %dma_start3A_308 = tpu.memref_slice %arg2[%dma_start3A_306, %dma_start3A_307] : memref<2560x512xf32, #tpu.memory_space<hbm>> -> memref<2560x512xf32, #tpu.memory_space<hbm>>
        tpu.enqueue_indirect_dma source(%dma_start3A_308 : memref<2560x512xf32, #tpu.memory_space<hbm>>) target(%arg11 : memref<24x512xf32, #tpu.memory_space<vmem>>) offsets(%dma_start3A_305 : memref<24xi32, #tpu.memory_space<vmem>>) semaphore(%arg19 : memref<!tpu.dma_semaphore, #tpu.memory_space<semaphore_mem>>)
      } else {
      }
      %add3A_254 = arith.constant 1 : i32
      %add3A_255 = arith.addi %mul3A_198, %add3A_254 : i32
      %dma_start3A_256 = arith.constant 0 : i32
      %dma_start3A_257 = tpu.memref_slice %arg9[%add3A_255, %dma_start3A_256] : memref<110x24xi32, #tpu.memory_space<vmem>> -> memref<1x24xi32, #tpu.memory_space<vmem>>
      %dma_start3A_258 = tpu.memref_squeeze %dma_start3A_257 : memref<1x24xi32, #tpu.memory_space<vmem>> -> memref<24xi32, #tpu.memory_space<vmem>>
      %dma_start3A_259 = arith.constant 0 : i32
      %dma_start3A_260 = arith.constant 0 : i32
      %dma_start3A_261 = tpu.memref_slice %arg3[%dma_start3A_259, %dma_start3A_260] : memref<2560x16xf32, #tpu.memory_space<hbm>> -> memref<2560x16xf32, #tpu.memory_space<hbm>>
      tpu.enqueue_indirect_dma source(%dma_start3A_261 : memref<2560x16xf32, #tpu.memory_space<hbm>>) target(%arg14 : memref<24x16xf32, #tpu.memory_space<vmem>>) offsets(%dma_start3A_258 : memref<24xi32, #tpu.memory_space<vmem>>) semaphore(%arg21 : memref<!tpu.dma_semaphore, #tpu.memory_space<semaphore_mem>>)
      %dma_start3A_262 = arith.constant 0 : i32
      %dma_start3A_263 = tpu.memref_slice %arg10[%add3A_255, %dma_start3A_262] : memref<110x24xi32, #tpu.memory_space<vmem>> -> memref<1x24xi32, #tpu.memory_space<vmem>>
      %dma_start3A_264 = tpu.memref_squeeze %dma_start3A_263 : memref<1x24xi32, #tpu.memory_space<vmem>> -> memref<24xi32, #tpu.memory_space<vmem>>
      %dma_start3A_265 = arith.constant 0 : i32
      %dma_start3A_266 = arith.constant 0 : i32
      %dma_start3A_267 = tpu.memref_slice %arg4[%dma_start3A_265, %dma_start3A_266] : memref<2560x16xf32, #tpu.memory_space<hbm>> -> memref<2560x16xf32, #tpu.memory_space<hbm>>
      tpu.enqueue_indirect_dma source(%dma_start3A_267 : memref<2560x16xf32, #tpu.memory_space<hbm>>) target(%arg15 : memref<24x16xf32, #tpu.memory_space<vmem>>) offsets(%dma_start3A_264 : memref<24xi32, #tpu.memory_space<vmem>>) semaphore(%arg21 : memref<!tpu.dma_semaphore, #tpu.memory_space<semaphore_mem>>)
      %dma_wait3A_268 = arith.constant 0 : i32
      %dma_wait3A_269 = tpu.memref_slice %arg9[%add3A_255, %dma_wait3A_268] : memref<110x24xi32, #tpu.memory_space<vmem>> -> memref<1x24xi32, #tpu.memory_space<vmem>>
      %dma_wait3A_270 = tpu.memref_squeeze %dma_wait3A_269 : memref<1x24xi32, #tpu.memory_space<vmem>> -> memref<24xi32, #tpu.memory_space<vmem>>
      %dma_wait3A_271 = arith.constant 0 : i32
      %dma_wait3A_272 = arith.constant 0 : i32
      %dma_wait3A_273 = tpu.memref_slice %arg3[%dma_wait3A_271, %dma_wait3A_272] : memref<2560x16xf32, #tpu.memory_space<hbm>> -> memref<2560x16xf32, #tpu.memory_space<hbm>>
      tpu.wait_indirect_dma semaphore(%arg21 : memref<!tpu.dma_semaphore, #tpu.memory_space<semaphore_mem>>) src(%dma_wait3A_273 : memref<2560x16xf32, #tpu.memory_space<hbm>>) dst(%arg14 : memref<24x16xf32, #tpu.memory_space<vmem>>)
      %dma_wait3A_274 = arith.constant 0 : i32
      %dma_wait3A_275 = tpu.memref_slice %arg10[%add3A_255, %dma_wait3A_274] : memref<110x24xi32, #tpu.memory_space<vmem>> -> memref<1x24xi32, #tpu.memory_space<vmem>>
      %dma_wait3A_276 = tpu.memref_squeeze %dma_wait3A_275 : memref<1x24xi32, #tpu.memory_space<vmem>> -> memref<24xi32, #tpu.memory_space<vmem>>
      %dma_wait3A_277 = arith.constant 0 : i32
      %dma_wait3A_278 = arith.constant 0 : i32
      %dma_wait3A_279 = tpu.memref_slice %arg4[%dma_wait3A_277, %dma_wait3A_278] : memref<2560x16xf32, #tpu.memory_space<hbm>> -> memref<2560x16xf32, #tpu.memory_space<hbm>>
      tpu.wait_indirect_dma semaphore(%arg21 : memref<!tpu.dma_semaphore, #tpu.memory_space<semaphore_mem>>) src(%dma_wait3A_279 : memref<2560x16xf32, #tpu.memory_space<hbm>>) dst(%arg15 : memref<24x16xf32, #tpu.memory_space<vmem>>)
      %scan3A_280 = arith.constant 0 : i32
      %scan3A_281 = arith.constant 0 : i32
      %scan3A_282 = arith.constant 24 : i32
      %scan3A_283 = arith.addi %scan3A_281, %scan3A_282 : i32
      %scan3A_284 = arith.constant 1 : i32
      %scan3A_285 = scf.for %scan3A_301 = %scan3A_281 to %scan3A_283 step %scan3A_284 iter_args(%scan3A_302 = %scan3A_280) -> (i32)  : i32 {
        %get3A = arith.index_cast %scan3A_301 : i32 to index
        %get3A_303 = arith.constant 0 : index
        %get3A_304 = tpu.vector_load %arg14[%get3A, %get3A_303] {strides = array<i32>} : memref<24x16xf32, #tpu.memory_space<vmem>>, vector<16xf32>,
        %get3A_305 = arith.index_cast %scan3A_301 : i32 to index
        %get3A_306 = arith.constant 0 : index
        %get3A_307 = tpu.vector_load %arg15[%get3A_305, %get3A_306] {strides = array<i32>} : memref<24x16xf32, #tpu.memory_space<vmem>>, vector<16xf32>,
        %add3A_308 = arith.addf %get3A_304, %get3A_307 : vector<16xf32>
        %mul3A_309 = arith.constant 2.000000e-01 : f32
        %mul3A_310 = vector.broadcast %mul3A_309 : f32 to vector<16xf32>
        %mul3A_311 = arith.mulf %add3A_308, %mul3A_310 : vector<16xf32>
        %max3A = arith.maximumf %add3A_308, %mul3A_311 : vector<16xf32>
        %exp3A = math.exp %max3A : vector<16xf32>
        %swap3A_312 = arith.index_cast %scan3A_301 : i32 to index
        %swap3A_313 = arith.constant 0 : index
        %swap3A_314 = tpu.vector_load %arg13[%swap3A_312, %swap3A_313] {strides = array<i32>} : memref<24x16xf32, #tpu.memory_space<vmem>>, vector<16xf32>,
        tpu.vector_store %arg13[%swap3A_312, %swap3A_313], %exp3A {strides = array<i32>} : memref<24x16xf32, #tpu.memory_space<vmem>>, vector<16xf32>,
        %scan3A_315 = arith.constant 0 : i32
        scf.yield %scan3A_315 : i32
      }
      %scan3A_286 = arith.constant 24 : i32
      %dma_wait3A_287 = arith.constant 0 : i32
      %dma_wait3A_288 = tpu.memref_slice %arg9[%add3A_255, %dma_wait3A_287] : memref<110x24xi32, #tpu.memory_space<vmem>> -> memref<1x24xi32, #tpu.memory_space<vmem>>
      %dma_wait3A_289 = tpu.memref_squeeze %dma_wait3A_288 : memref<1x24xi32, #tpu.memory_space<vmem>> -> memref<24xi32, #tpu.memory_space<vmem>>
      %dma_wait3A_290 = arith.constant 0 : i32
      %dma_wait3A_291 = arith.constant 0 : i32
      %dma_wait3A_292 = tpu.memref_slice %arg2[%dma_wait3A_290, %dma_wait3A_291] : memref<2560x512xf32, #tpu.memory_space<hbm>> -> memref<2560x512xf32, #tpu.memory_space<hbm>>
      tpu.wait_indirect_dma semaphore(%arg20 : memref<!tpu.dma_semaphore, #tpu.memory_space<semaphore_mem>>) src(%dma_wait3A_292 : memref<2560x512xf32, #tpu.memory_space<hbm>>) dst(%arg12 : memref<24x512xf32, #tpu.memory_space<vmem>>)
      %scan3A_293 = arith.constant 0 : i32
      %scan3A_294 = arith.constant 0 : i32
      %scan3A_295 = arith.constant 24 : i32
      %scan3A_296 = arith.addi %scan3A_294, %scan3A_295 : i32
      %scan3A_297 = arith.constant 1 : i32
      %scan3A_298 = scf.for %scan3A_301 = %scan3A_294 to %scan3A_296 step %scan3A_297 iter_args(%scan3A_302 = %scan3A_293) -> (i32)  : i32 {
        %get3A = arith.index_cast %scan3A_301 : i32 to index
        %get3A_303 = arith.constant 0 : index
        %get3A_304 = tpu.vector_load %arg13[%get3A, %get3A_303] {strides = array<i32>} : memref<24x16xf32, #tpu.memory_space<vmem>>, vector<16xf32>,
        %broadcast_in_dim3A_305 = arith.constant 0 : i32
        %broadcast_in_dim3A_306 = vector.broadcast %broadcast_in_dim3A_305 : i32 to vector<16xi32>
        %lt3A_307 = arith.constant 0 : i32
        %lt3A_308 = vector.broadcast %lt3A_307 : i32 to vector<16xi32>
        %lt3A_309 = arith.cmpi slt, %broadcast_in_dim3A_306, %lt3A_308 : vector<16xi32>
        %add3A_310 = arith.constant 16 : i32
        %add3A_311 = vector.broadcast %add3A_310 : i32 to vector<16xi32>
        %add3A_312 = arith.addi %broadcast_in_dim3A_306, %add3A_311 : vector<16xi32>
        %select_n3A = arith.select %lt3A_309, %add3A_312, %broadcast_in_dim3A_306 : vector<16xi1>, vector<16xi32>
        %broadcast_in_dim3A_313 = vector.shape_cast %select_n3A : vector<16xi32> to vector<16x1xi32>
        %gather3A = vector.shape_cast %broadcast_in_dim3A_313 : vector<16x1xi32> to vector<16xi32>
        %gather3A_314 = tpu.dynamic_gather %get3A_304[%gather3A] in [0] : vector<16xf32>, vector<16xi32> -> vector<16xf32>
        %get3A_315 = arith.index_cast %scan3A_301 : i32 to index
        %get3A_316 = arith.constant 0 : index
        %get3A_317 = tpu.vector_load %arg12[%get3A_315, %get3A_316] {strides = array<i32>} : memref<24x512xf32, #tpu.memory_space<vmem>>, vector<16xf32>,
        %mul3A_318 = arith.mulf %get3A_317, %gather3A_314 : vector<16xf32>
        %swap3A_319 = arith.index_cast %scan3A_301 : i32 to index
        %swap3A_320 = arith.constant 0 : index
        %swap3A_321 = tpu.vector_load %arg12[%swap3A_319, %swap3A_320] {strides = array<i32>} : memref<24x512xf32, #tpu.memory_space<vmem>>, vector<16xf32>,
        tpu.vector_store %arg12[%swap3A_319, %swap3A_320], %mul3A_318 {strides = array<i32>} : memref<24x512xf32, #tpu.memory_space<vmem>>, vector<16xf32>,
        %get3A_322 = arith.index_cast %scan3A_301 : i32 to index
        %get3A_323 = arith.constant 16 : index
        %get3A_324 = tpu.vector_load %arg12[%get3A_322, %get3A_323] {strides = array<i32>} : memref<24x512xf32, #tpu.memory_space<vmem>>, vector<16xf32>,
        %mul3A_325 = arith.mulf %get3A_324, %gather3A_314 : vector<16xf32>
        %swap3A_326 = arith.index_cast %scan3A_301 : i32 to index
        %swap3A_327 = arith.constant 16 : index
        %swap3A_328 = tpu.vector_load %arg12[%swap3A_326, %swap3A_327] {strides = array<i32>} : memref<24x512xf32, #tpu.memory_space<vmem>>, vector<16xf32>,
        tpu.vector_store %arg12[%swap3A_326, %swap3A_327], %mul3A_325 {strides = array<i32>} : memref<24x512xf32, #tpu.memory_space<vmem>>, vector<16xf32>,
        %get3A_329 = arith.index_cast %scan3A_301 : i32 to index
        %get3A_330 = arith.constant 32 : index
        %get3A_331 = tpu.vector_load %arg12[%get3A_329, %get3A_330] {strides = array<i32>} : memref<24x512xf32, #tpu.memory_space<vmem>>, vector<16xf32>,
        %mul3A_332 = arith.mulf %get3A_331, %gather3A_314 : vector<16xf32>
        %swap3A_333 = arith.index_cast %scan3A_301 : i32 to index
        %swap3A_334 = arith.constant 32 : index
        %swap3A_335 = tpu.vector_load %arg12[%swap3A_333, %swap3A_334] {strides = array<i32>} : memref<24x512xf32, #tpu.memory_space<vmem>>, vector<16xf32>,
        tpu.vector_store %arg12[%swap3A_333, %swap3A_334], %mul3A_332 {strides = array<i32>} : memref<24x512xf32, #tpu.memory_space<vmem>>, vector<16xf32>,
        %get3A_336 = arith.index_cast %scan3A_301 : i32 to index
        %get3A_337 = arith.constant 48 : index
        %get3A_338 = tpu.vector_load %arg12[%get3A_336, %get3A_337] {strides = array<i32>} : memref<24x512xf32, #tpu.memory_space<vmem>>, vector<16xf32>,
        %mul3A_339 = arith.mulf %get3A_338, %gather3A_314 : vector<16xf32>
        %swap3A_340 = arith.index_cast %scan3A_301 : i32 to index
        %swap3A_341 = arith.constant 48 : index
        %swap3A_342 = tpu.vector_load %arg12[%swap3A_340, %swap3A_341] {strides = array<i32>} : memref<24x512xf32, #tpu.memory_space<vmem>>, vector<16xf32>,
        tpu.vector_store %arg12[%swap3A_340, %swap3A_341], %mul3A_339 {strides = array<i32>} : memref<24x512xf32, #tpu.memory_space<vmem>>, vector<16xf32>,
        %get3A_343 = arith.index_cast %scan3A_301 : i32 to index
        %get3A_344 = arith.constant 64 : index
        %get3A_345 = tpu.vector_load %arg12[%get3A_343, %get3A_344] {strides = array<i32>} : memref<24x512xf32, #tpu.memory_space<vmem>>, vector<16xf32>,
        %mul3A_346 = arith.mulf %get3A_345, %gather3A_314 : vector<16xf32>
        %swap3A_347 = arith.index_cast %scan3A_301 : i32 to index
        %swap3A_348 = arith.constant 64 : index
        %swap3A_349 = tpu.vector_load %arg12[%swap3A_347, %swap3A_348] {strides = array<i32>} : memref<24x512xf32, #tpu.memory_space<vmem>>, vector<16xf32>,
        tpu.vector_store %arg12[%swap3A_347, %swap3A_348], %mul3A_346 {strides = array<i32>} : memref<24x512xf32, #tpu.memory_space<vmem>>, vector<16xf32>,
        %get3A_350 = arith.index_cast %scan3A_301 : i32 to index
        %get3A_351 = arith.constant 80 : index
        %get3A_352 = tpu.vector_load %arg12[%get3A_350, %get3A_351] {strides = array<i32>} : memref<24x512xf32, #tpu.memory_space<vmem>>, vector<16xf32>,
        %mul3A_353 = arith.mulf %get3A_352, %gather3A_314 : vector<16xf32>
        %swap3A_354 = arith.index_cast %scan3A_301 : i32 to index
        %swap3A_355 = arith.constant 80 : index
        %swap3A_356 = tpu.vector_load %arg12[%swap3A_354, %swap3A_355] {strides = array<i32>} : memref<24x512xf32, #tpu.memory_space<vmem>>, vector<16xf32>,
        tpu.vector_store %arg12[%swap3A_354, %swap3A_355], %mul3A_353 {strides = array<i32>} : memref<24x512xf32, #tpu.memory_space<vmem>>, vector<16xf32>,
        %get3A_357 = arith.index_cast %scan3A_301 : i32 to index
        %get3A_358 = arith.constant 96 : index
        %get3A_359 = tpu.vector_load %arg12[%get3A_357, %get3A_358] {strides = array<i32>} : memref<24x512xf32, #tpu.memory_space<vmem>>, vector<16xf32>,
        %mul3A_360 = arith.mulf %get3A_359, %gather3A_314 : vector<16xf32>
        %swap3A_361 = arith.index_cast %scan3A_301 : i32 to index
        %swap3A_362 = arith.constant 96 : index
        %swap3A_363 = tpu.vector_load %arg12[%swap3A_361, %swap3A_362] {strides = array<i32>} : memref<24x512xf32, #tpu.memory_space<vmem>>, vector<16xf32>,
        tpu.vector_store %arg12[%swap3A_361, %swap3A_362], %mul3A_360 {strides = array<i32>} : memref<24x512xf32, #tpu.memory_space<vmem>>, vector<16xf32>,
        %get3A_364 = arith.index_cast %scan3A_301 : i32 to index
        %get3A_365 = arith.constant 112 : index
        %get3A_366 = tpu.vector_load %arg12[%get3A_364, %get3A_365] {strides = array<i32>} : memref<24x512xf32, #tpu.memory_space<vmem>>, vector<16xf32>,
        %mul3A_367 = arith.mulf %get3A_366, %gather3A_314 : vector<16xf32>
        %swap3A_368 = arith.index_cast %scan3A_301 : i32 to index
        %swap3A_369 = arith.constant 112 : index
        %swap3A_370 = tpu.vector_load %arg12[%swap3A_368, %swap3A_369] {strides = array<i32>} : memref<24x512xf32, #tpu.memory_space<vmem>>, vector<16xf32>,
        tpu.vector_store %arg12[%swap3A_368, %swap3A_369], %mul3A_367 {strides = array<i32>} : memref<24x512xf32, #tpu.memory_space<vmem>>, vector<16xf32>,
        %broadcast_in_dim3A_371 = arith.constant 1 : i32
        %broadcast_in_dim3A_372 = vector.broadcast %broadcast_in_dim3A_371 : i32 to vector<16xi32>
        %lt3A_373 = arith.constant 0 : i32
        %lt3A_374 = vector.broadcast %lt3A_373 : i32 to vector<16xi32>
        %lt3A_375 = arith.cmpi slt, %broadcast_in_dim3A_372, %lt3A_374 : vector<16xi32>
        %add3A_376 = arith.constant 16 : i32
        %add3A_377 = vector.broadcast %add3A_376 : i32 to vector<16xi32>
        %add3A_378 = arith.addi %broadcast_in_dim3A_372, %add3A_377 : vector<16xi32>
        %select_n3A_379 = arith.select %lt3A_375, %add3A_378, %broadcast_in_dim3A_372 : vector<16xi1>, vector<16xi32>
        %broadcast_in_dim3A_380 = vector.shape_cast %select_n3A_379 : vector<16xi32> to vector<16x1xi32>
        %gather3A_381 = vector.shape_cast %broadcast_in_dim3A_380 : vector<16x1xi32> to vector<16xi32>
        %gather3A_382 = tpu.dynamic_gather %get3A_304[%gather3A_381] in [0] : vector<16xf32>, vector<16xi32> -> vector<16xf32>
        %get3A_383 = arith.index_cast %scan3A_301 : i32 to index
        %get3A_384 = arith.constant 128 : index
        %get3A_385 = tpu.vector_load %arg12[%get3A_383, %get3A_384] {strides = array<i32>} : memref<24x512xf32, #tpu.memory_space<vmem>>, vector<16xf32>,
        %mul3A_386 = arith.mulf %get3A_385, %gather3A_382 : vector<16xf32>
        %swap3A_387 = arith.index_cast %scan3A_301 : i32 to index
        %swap3A_388 = arith.constant 128 : index
        %swap3A_389 = tpu.vector_load %arg12[%swap3A_387, %swap3A_388] {strides = array<i32>} : memref<24x512xf32, #tpu.memory_space<vmem>>, vector<16xf32>,
        tpu.vector_store %arg12[%swap3A_387, %swap3A_388], %mul3A_386 {strides = array<i32>} : memref<24x512xf32, #tpu.memory_space<vmem>>, vector<16xf32>,
        %get3A_390 = arith.index_cast %scan3A_301 : i32 to index
        %get3A_391 = arith.constant 144 : index
        %get3A_392 = tpu.vector_load %arg12[%get3A_390, %get3A_391] {strides = array<i32>} : memref<24x512xf32, #tpu.memory_space<vmem>>, vector<16xf32>,
        %mul3A_393 = arith.mulf %get3A_392, %gather3A_382 : vector<16xf32>
        %swap3A_394 = arith.index_cast %scan3A_301 : i32 to index
        %swap3A_395 = arith.constant 144 : index
        %swap3A_396 = tpu.vector_load %arg12[%swap3A_394, %swap3A_395] {strides = array<i32>} : memref<24x512xf32, #tpu.memory_space<vmem>>, vector<16xf32>,
        tpu.vector_store %arg12[%swap3A_394, %swap3A_395], %mul3A_393 {strides = array<i32>} : memref<24x512xf32, #tpu.memory_space<vmem>>, vector<16xf32>,
        %get3A_397 = arith.index_cast %scan3A_301 : i32 to index
        %get3A_398 = arith.constant 160 : index
        %get3A_399 = tpu.vector_load %arg12[%get3A_397, %get3A_398] {strides = array<i32>} : memref<24x512xf32, #tpu.memory_space<vmem>>, vector<16xf32>,
        %mul3A_400 = arith.mulf %get3A_399, %gather3A_382 : vector<16xf32>
        %swap3A_401 = arith.index_cast %scan3A_301 : i32 to index
        %swap3A_402 = arith.constant 160 : index
        %swap3A_403 = tpu.vector_load %arg12[%swap3A_401, %swap3A_402] {strides = array<i32>} : memref<24x512xf32, #tpu.memory_space<vmem>>, vector<16xf32>,
        tpu.vector_store %arg12[%swap3A_401, %swap3A_402], %mul3A_400 {strides = array<i32>} : memref<24x512xf32, #tpu.memory_space<vmem>>, vector<16xf32>,
        %get3A_404 = arith.index_cast %scan3A_301 : i32 to index
        %get3A_405 = arith.constant 176 : index
        %get3A_406 = tpu.vector_load %arg12[%get3A_404, %get3A_405] {strides = array<i32>} : memref<24x512xf32, #tpu.memory_space<vmem>>, vector<16xf32>,
        %mul3A_407 = arith.mulf %get3A_406, %gather3A_382 : vector<16xf32>
        %swap3A_408 = arith.index_cast %scan3A_301 : i32 to index
        %swap3A_409 = arith.constant 176 : index
        %swap3A_410 = tpu.vector_load %arg12[%swap3A_408, %swap3A_409] {strides = array<i32>} : memref<24x512xf32, #tpu.memory_space<vmem>>, vector<16xf32>,
        tpu.vector_store %arg12[%swap3A_408, %swap3A_409], %mul3A_407 {strides = array<i32>} : memref<24x512xf32, #tpu.memory_space<vmem>>, vector<16xf32>,
        %get3A_411 = arith.index_cast %scan3A_301 : i32 to index
        %get3A_412 = arith.constant 192 : index
        %get3A_413 = tpu.vector_load %arg12[%get3A_411, %get3A_412] {strides = array<i32>} : memref<24x512xf32, #tpu.memory_space<vmem>>, vector<16xf32>,
        %mul3A_414 = arith.mulf %get3A_413, %gather3A_382 : vector<16xf32>
        %swap3A_415 = arith.index_cast %scan3A_301 : i32 to index
        %swap3A_416 = arith.constant 192 : index
        %swap3A_417 = tpu.vector_load %arg12[%swap3A_415, %swap3A_416] {strides = array<i32>} : memref<24x512xf32, #tpu.memory_space<vmem>>, vector<16xf32>,
        tpu.vector_store %arg12[%swap3A_415, %swap3A_416], %mul3A_414 {strides = array<i32>} : memref<24x512xf32, #tpu.memory_space<vmem>>, vector<16xf32>,
        %get3A_418 = arith.index_cast %scan3A_301 : i32 to index
        %get3A_419 = arith.constant 208 : index
        %get3A_420 = tpu.vector_load %arg12[%get3A_418, %get3A_419] {strides = array<i32>} : memref<24x512xf32, #tpu.memory_space<vmem>>, vector<16xf32>,
        %mul3A_421 = arith.mulf %get3A_420, %gather3A_382 : vector<16xf32>
        %swap3A_422 = arith.index_cast %scan3A_301 : i32 to index
        %swap3A_423 = arith.constant 208 : index
        %swap3A_424 = tpu.vector_load %arg12[%swap3A_422, %swap3A_423] {strides = array<i32>} : memref<24x512xf32, #tpu.memory_space<vmem>>, vector<16xf32>,
        tpu.vector_store %arg12[%swap3A_422, %swap3A_423], %mul3A_421 {strides = array<i32>} : memref<24x512xf32, #tpu.memory_space<vmem>>, vector<16xf32>,
        %get3A_425 = arith.index_cast %scan3A_301 : i32 to index
        %get3A_426 = arith.constant 224 : index
        %get3A_427 = tpu.vector_load %arg12[%get3A_425, %get3A_426] {strides = array<i32>} : memref<24x512xf32, #tpu.memory_space<vmem>>, vector<16xf32>,
        %mul3A_428 = arith.mulf %get3A_427, %gather3A_382 : vector<16xf32>
        %swap3A_429 = arith.index_cast %scan3A_301 : i32 to index
        %swap3A_430 = arith.constant 224 : index
        %swap3A_431 = tpu.vector_load %arg12[%swap3A_429, %swap3A_430] {strides = array<i32>} : memref<24x512xf32, #tpu.memory_space<vmem>>, vector<16xf32>,
        tpu.vector_store %arg12[%swap3A_429, %swap3A_430], %mul3A_428 {strides = array<i32>} : memref<24x512xf32, #tpu.memory_space<vmem>>, vector<16xf32>,
        %get3A_432 = arith.index_cast %scan3A_301 : i32 to index
        %get3A_433 = arith.constant 240 : index
        %get3A_434 = tpu.vector_load %arg12[%get3A_432, %get3A_433] {strides = array<i32>} : memref<24x512xf32, #tpu.memory_space<vmem>>, vector<16xf32>,
        %mul3A_435 = arith.mulf %get3A_434, %gather3A_382 : vector<16xf32>
        %swap3A_436 = arith.index_cast %scan3A_301 : i32 to index
        %swap3A_437 = arith.constant 240 : index
        %swap3A_438 = tpu.vector_load %arg12[%swap3A_436, %swap3A_437] {strides = array<i32>} : memref<24x512xf32, #tpu.memory_space<vmem>>, vector<16xf32>,
        tpu.vector_store %arg12[%swap3A_436, %swap3A_437], %mul3A_435 {strides = array<i32>} : memref<24x512xf32, #tpu.memory_space<vmem>>, vector<16xf32>,
        %broadcast_in_dim3A_439 = arith.constant 2 : i32
        %broadcast_in_dim3A_440 = vector.broadcast %broadcast_in_dim3A_439 : i32 to vector<16xi32>
        %lt3A_441 = arith.constant 0 : i32
        %lt3A_442 = vector.broadcast %lt3A_441 : i32 to vector<16xi32>
        %lt3A_443 = arith.cmpi slt, %broadcast_in_dim3A_440, %lt3A_442 : vector<16xi32>
        %add3A_444 = arith.constant 16 : i32
        %add3A_445 = vector.broadcast %add3A_444 : i32 to vector<16xi32>
        %add3A_446 = arith.addi %broadcast_in_dim3A_440, %add3A_445 : vector<16xi32>
        %select_n3A_447 = arith.select %lt3A_443, %add3A_446, %broadcast_in_dim3A_440 : vector<16xi1>, vector<16xi32>
        %broadcast_in_dim3A_448 = vector.shape_cast %select_n3A_447 : vector<16xi32> to vector<16x1xi32>
        %gather3A_449 = vector.shape_cast %broadcast_in_dim3A_448 : vector<16x1xi32> to vector<16xi32>
        %gather3A_450 = tpu.dynamic_gather %get3A_304[%gather3A_449] in [0] : vector<16xf32>, vector<16xi32> -> vector<16xf32>
        %get3A_451 = arith.index_cast %scan3A_301 : i32 to index
        %get3A_452 = arith.constant 256 : index
        %get3A_453 = tpu.vector_load %arg12[%get3A_451, %get3A_452] {strides = array<i32>} : memref<24x512xf32, #tpu.memory_space<vmem>>, vector<16xf32>,
        %mul3A_454 = arith.mulf %get3A_453, %gather3A_450 : vector<16xf32>
        %swap3A_455 = arith.index_cast %scan3A_301 : i32 to index
        %swap3A_456 = arith.constant 256 : index
        %swap3A_457 = tpu.vector_load %arg12[%swap3A_455, %swap3A_456] {strides = array<i32>} : memref<24x512xf32, #tpu.memory_space<vmem>>, vector<16xf32>,
        tpu.vector_store %arg12[%swap3A_455, %swap3A_456], %mul3A_454 {strides = array<i32>} : memref<24x512xf32, #tpu.memory_space<vmem>>, vector<16xf32>,
        %get3A_458 = arith.index_cast %scan3A_301 : i32 to index
        %get3A_459 = arith.constant 272 : index
        %get3A_460 = tpu.vector_load %arg12[%get3A_458, %get3A_459] {strides = array<i32>} : memref<24x512xf32, #tpu.memory_space<vmem>>, vector<16xf32>,
        %mul3A_461 = arith.mulf %get3A_460, %gather3A_450 : vector<16xf32>
        %swap3A_462 = arith.index_cast %scan3A_301 : i32 to index
        %swap3A_463 = arith.constant 272 : index
        %swap3A_464 = tpu.vector_load %arg12[%swap3A_462, %swap3A_463] {strides = array<i32>} : memref<24x512xf32, #tpu.memory_space<vmem>>, vector<16xf32>,
        tpu.vector_store %arg12[%swap3A_462, %swap3A_463], %mul3A_461 {strides = array<i32>} : memref<24x512xf32, #tpu.memory_space<vmem>>, vector<16xf32>,
        %get3A_465 = arith.index_cast %scan3A_301 : i32 to index
        %get3A_466 = arith.constant 288 : index
        %get3A_467 = tpu.vector_load %arg12[%get3A_465, %get3A_466] {strides = array<i32>} : memref<24x512xf32, #tpu.memory_space<vmem>>, vector<16xf32>,
        %mul3A_468 = arith.mulf %get3A_467, %gather3A_450 : vector<16xf32>
        %swap3A_469 = arith.index_cast %scan3A_301 : i32 to index
        %swap3A_470 = arith.constant 288 : index
        %swap3A_471 = tpu.vector_load %arg12[%swap3A_469, %swap3A_470] {strides = array<i32>} : memref<24x512xf32, #tpu.memory_space<vmem>>, vector<16xf32>,
        tpu.vector_store %arg12[%swap3A_469, %swap3A_470], %mul3A_468 {strides = array<i32>} : memref<24x512xf32, #tpu.memory_space<vmem>>, vector<16xf32>,
        %get3A_472 = arith.index_cast %scan3A_301 : i32 to index
        %get3A_473 = arith.constant 304 : index
        %get3A_474 = tpu.vector_load %arg12[%get3A_472, %get3A_473] {strides = array<i32>} : memref<24x512xf32, #tpu.memory_space<vmem>>, vector<16xf32>,
        %mul3A_475 = arith.mulf %get3A_474, %gather3A_450 : vector<16xf32>
        %swap3A_476 = arith.index_cast %scan3A_301 : i32 to index
        %swap3A_477 = arith.constant 304 : index
        %swap3A_478 = tpu.vector_load %arg12[%swap3A_476, %swap3A_477] {strides = array<i32>} : memref<24x512xf32, #tpu.memory_space<vmem>>, vector<16xf32>,
        tpu.vector_store %arg12[%swap3A_476, %swap3A_477], %mul3A_475 {strides = array<i32>} : memref<24x512xf32, #tpu.memory_space<vmem>>, vector<16xf32>,
        %get3A_479 = arith.index_cast %scan3A_301 : i32 to index
        %get3A_480 = arith.constant 320 : index
        %get3A_481 = tpu.vector_load %arg12[%get3A_479, %get3A_480] {strides = array<i32>} : memref<24x512xf32, #tpu.memory_space<vmem>>, vector<16xf32>,
        %mul3A_482 = arith.mulf %get3A_481, %gather3A_450 : vector<16xf32>
        %swap3A_483 = arith.index_cast %scan3A_301 : i32 to index
        %swap3A_484 = arith.constant 320 : index
        %swap3A_485 = tpu.vector_load %arg12[%swap3A_483, %swap3A_484] {strides = array<i32>} : memref<24x512xf32, #tpu.memory_space<vmem>>, vector<16xf32>,
        tpu.vector_store %arg12[%swap3A_483, %swap3A_484], %mul3A_482 {strides = array<i32>} : memref<24x512xf32, #tpu.memory_space<vmem>>, vector<16xf32>,
        %get3A_486 = arith.index_cast %scan3A_301 : i32 to index
        %get3A_487 = arith.constant 336 : index
        %get3A_488 = tpu.vector_load %arg12[%get3A_486, %get3A_487] {strides = array<i32>} : memref<24x512xf32, #tpu.memory_space<vmem>>, vector<16xf32>,
        %mul3A_489 = arith.mulf %get3A_488, %gather3A_450 : vector<16xf32>
        %swap3A_490 = arith.index_cast %scan3A_301 : i32 to index
        %swap3A_491 = arith.constant 336 : index
        %swap3A_492 = tpu.vector_load %arg12[%swap3A_490, %swap3A_491] {strides = array<i32>} : memref<24x512xf32, #tpu.memory_space<vmem>>, vector<16xf32>,
        tpu.vector_store %arg12[%swap3A_490, %swap3A_491], %mul3A_489 {strides = array<i32>} : memref<24x512xf32, #tpu.memory_space<vmem>>, vector<16xf32>,
        %get3A_493 = arith.index_cast %scan3A_301 : i32 to index
        %get3A_494 = arith.constant 352 : index
        %get3A_495 = tpu.vector_load %arg12[%get3A_493, %get3A_494] {strides = array<i32>} : memref<24x512xf32, #tpu.memory_space<vmem>>, vector<16xf32>,
        %mul3A_496 = arith.mulf %get3A_495, %gather3A_450 : vector<16xf32>
        %swap3A_497 = arith.index_cast %scan3A_301 : i32 to index
        %swap3A_498 = arith.constant 352 : index
        %swap3A_499 = tpu.vector_load %arg12[%swap3A_497, %swap3A_498] {strides = array<i32>} : memref<24x512xf32, #tpu.memory_space<vmem>>, vector<16xf32>,
        tpu.vector_store %arg12[%swap3A_497, %swap3A_498], %mul3A_496 {strides = array<i32>} : memref<24x512xf32, #tpu.memory_space<vmem>>, vector<16xf32>,
        %get3A_500 = arith.index_cast %scan3A_301 : i32 to index
        %get3A_501 = arith.constant 368 : index
        %get3A_502 = tpu.vector_load %arg12[%get3A_500, %get3A_501] {strides = array<i32>} : memref<24x512xf32, #tpu.memory_space<vmem>>, vector<16xf32>,
        %mul3A_503 = arith.mulf %get3A_502, %gather3A_450 : vector<16xf32>
        %swap3A_504 = arith.index_cast %scan3A_301 : i32 to index
        %swap3A_505 = arith.constant 368 : index
        %swap3A_506 = tpu.vector_load %arg12[%swap3A_504, %swap3A_505] {strides = array<i32>} : memref<24x512xf32, #tpu.memory_space<vmem>>, vector<16xf32>,
        tpu.vector_store %arg12[%swap3A_504, %swap3A_505], %mul3A_503 {strides = array<i32>} : memref<24x512xf32, #tpu.memory_space<vmem>>, vector<16xf32>,
        %broadcast_in_dim3A_507 = arith.constant 3 : i32
        %broadcast_in_dim3A_508 = vector.broadcast %broadcast_in_dim3A_507 : i32 to vector<16xi32>
        %lt3A_509 = arith.constant 0 : i32
        %lt3A_510 = vector.broadcast %lt3A_509 : i32 to vector<16xi32>
        %lt3A_511 = arith.cmpi slt, %broadcast_in_dim3A_508, %lt3A_510 : vector<16xi32>
        %add3A_512 = arith.constant 16 : i32
        %add3A_513 = vector.broadcast %add3A_512 : i32 to vector<16xi32>
        %add3A_514 = arith.addi %broadcast_in_dim3A_508, %add3A_513 : vector<16xi32>
        %select_n3A_515 = arith.select %lt3A_511, %add3A_514, %broadcast_in_dim3A_508 : vector<16xi1>, vector<16xi32>
        %broadcast_in_dim3A_516 = vector.shape_cast %select_n3A_515 : vector<16xi32> to vector<16x1xi32>
        %gather3A_517 = vector.shape_cast %broadcast_in_dim3A_516 : vector<16x1xi32> to vector<16xi32>
        %gather3A_518 = tpu.dynamic_gather %get3A_304[%gather3A_517] in [0] : vector<16xf32>, vector<16xi32> -> vector<16xf32>
        %get3A_519 = arith.index_cast %scan3A_301 : i32 to index
        %get3A_520 = arith.constant 384 : index
        %get3A_521 = tpu.vector_load %arg12[%get3A_519, %get3A_520] {strides = array<i32>} : memref<24x512xf32, #tpu.memory_space<vmem>>, vector<16xf32>,
        %mul3A_522 = arith.mulf %get3A_521, %gather3A_518 : vector<16xf32>
        %swap3A_523 = arith.index_cast %scan3A_301 : i32 to index
        %swap3A_524 = arith.constant 384 : index
        %swap3A_525 = tpu.vector_load %arg12[%swap3A_523, %swap3A_524] {strides = array<i32>} : memref<24x512xf32, #tpu.memory_space<vmem>>, vector<16xf32>,
        tpu.vector_store %arg12[%swap3A_523, %swap3A_524], %mul3A_522 {strides = array<i32>} : memref<24x512xf32, #tpu.memory_space<vmem>>, vector<16xf32>,
        %get3A_526 = arith.index_cast %scan3A_301 : i32 to index
        %get3A_527 = arith.constant 400 : index
        %get3A_528 = tpu.vector_load %arg12[%get3A_526, %get3A_527] {strides = array<i32>} : memref<24x512xf32, #tpu.memory_space<vmem>>, vector<16xf32>,
        %mul3A_529 = arith.mulf %get3A_528, %gather3A_518 : vector<16xf32>
        %swap3A_530 = arith.index_cast %scan3A_301 : i32 to index
        %swap3A_531 = arith.constant 400 : index
        %swap3A_532 = tpu.vector_load %arg12[%swap3A_530, %swap3A_531] {strides = array<i32>} : memref<24x512xf32, #tpu.memory_space<vmem>>, vector<16xf32>,
        tpu.vector_store %arg12[%swap3A_530, %swap3A_531], %mul3A_529 {strides = array<i32>} : memref<24x512xf32, #tpu.memory_space<vmem>>, vector<16xf32>,
        %get3A_533 = arith.index_cast %scan3A_301 : i32 to index
        %get3A_534 = arith.constant 416 : index
        %get3A_535 = tpu.vector_load %arg12[%get3A_533, %get3A_534] {strides = array<i32>} : memref<24x512xf32, #tpu.memory_space<vmem>>, vector<16xf32>,
        %mul3A_536 = arith.mulf %get3A_535, %gather3A_518 : vector<16xf32>
        %swap3A_537 = arith.index_cast %scan3A_301 : i32 to index
        %swap3A_538 = arith.constant 416 : index
        %swap3A_539 = tpu.vector_load %arg12[%swap3A_537, %swap3A_538] {strides = array<i32>} : memref<24x512xf32, #tpu.memory_space<vmem>>, vector<16xf32>,
        tpu.vector_store %arg12[%swap3A_537, %swap3A_538], %mul3A_536 {strides = array<i32>} : memref<24x512xf32, #tpu.memory_space<vmem>>, vector<16xf32>,
        %get3A_540 = arith.index_cast %scan3A_301 : i32 to index
        %get3A_541 = arith.constant 432 : index
        %get3A_542 = tpu.vector_load %arg12[%get3A_540, %get3A_541] {strides = array<i32>} : memref<24x512xf32, #tpu.memory_space<vmem>>, vector<16xf32>,
        %mul3A_543 = arith.mulf %get3A_542, %gather3A_518 : vector<16xf32>
        %swap3A_544 = arith.index_cast %scan3A_301 : i32 to index
        %swap3A_545 = arith.constant 432 : index
        %swap3A_546 = tpu.vector_load %arg12[%swap3A_544, %swap3A_545] {strides = array<i32>} : memref<24x512xf32, #tpu.memory_space<vmem>>, vector<16xf32>,
        tpu.vector_store %arg12[%swap3A_544, %swap3A_545], %mul3A_543 {strides = array<i32>} : memref<24x512xf32, #tpu.memory_space<vmem>>, vector<16xf32>,
        %get3A_547 = arith.index_cast %scan3A_301 : i32 to index
        %get3A_548 = arith.constant 448 : index
        %get3A_549 = tpu.vector_load %arg12[%get3A_547, %get3A_548] {strides = array<i32>} : memref<24x512xf32, #tpu.memory_space<vmem>>, vector<16xf32>,
        %mul3A_550 = arith.mulf %get3A_549, %gather3A_518 : vector<16xf32>
        %swap3A_551 = arith.index_cast %scan3A_301 : i32 to index
        %swap3A_552 = arith.constant 448 : index
        %swap3A_553 = tpu.vector_load %arg12[%swap3A_551, %swap3A_552] {strides = array<i32>} : memref<24x512xf32, #tpu.memory_space<vmem>>, vector<16xf32>,
        tpu.vector_store %arg12[%swap3A_551, %swap3A_552], %mul3A_550 {strides = array<i32>} : memref<24x512xf32, #tpu.memory_space<vmem>>, vector<16xf32>,
        %get3A_554 = arith.index_cast %scan3A_301 : i32 to index
        %get3A_555 = arith.constant 464 : index
        %get3A_556 = tpu.vector_load %arg12[%get3A_554, %get3A_555] {strides = array<i32>} : memref<24x512xf32, #tpu.memory_space<vmem>>, vector<16xf32>,
        %mul3A_557 = arith.mulf %get3A_556, %gather3A_518 : vector<16xf32>
        %swap3A_558 = arith.index_cast %scan3A_301 : i32 to index
        %swap3A_559 = arith.constant 464 : index
        %swap3A_560 = tpu.vector_load %arg12[%swap3A_558, %swap3A_559] {strides = array<i32>} : memref<24x512xf32, #tpu.memory_space<vmem>>, vector<16xf32>,
        tpu.vector_store %arg12[%swap3A_558, %swap3A_559], %mul3A_557 {strides = array<i32>} : memref<24x512xf32, #tpu.memory_space<vmem>>, vector<16xf32>,
        %get3A_561 = arith.index_cast %scan3A_301 : i32 to index
        %get3A_562 = arith.constant 480 : index
        %get3A_563 = tpu.vector_load %arg12[%get3A_561, %get3A_562] {strides = array<i32>} : memref<24x512xf32, #tpu.memory_space<vmem>>, vector<16xf32>,
        %mul3A_564 = arith.mulf %get3A_563, %gather3A_518 : vector<16xf32>
        %swap3A_565 = arith.index_cast %scan3A_301 : i32 to index
        %swap3A_566 = arith.constant 480 : index
        %swap3A_567 = tpu.vector_load %arg12[%swap3A_565, %swap3A_566] {strides = array<i32>} : memref<24x512xf32, #tpu.memory_space<vmem>>, vector<16xf32>,
        tpu.vector_store %arg12[%swap3A_565, %swap3A_566], %mul3A_564 {strides = array<i32>} : memref<24x512xf32, #tpu.memory_space<vmem>>, vector<16xf32>,
        %get3A_568 = arith.index_cast %scan3A_301 : i32 to index
        %get3A_569 = arith.constant 496 : index
        %get3A_570 = tpu.vector_load %arg12[%get3A_568, %get3A_569] {strides = array<i32>} : memref<24x512xf32, #tpu.memory_space<vmem>>, vector<16xf32>,
        %mul3A_571 = arith.mulf %get3A_570, %gather3A_518 : vector<16xf32>
        %swap3A_572 = arith.index_cast %scan3A_301 : i32 to index
        %swap3A_573 = arith.constant 496 : index
        %swap3A_574 = tpu.vector_load %arg12[%swap3A_572, %swap3A_573] {strides = array<i32>} : memref<24x512xf32, #tpu.memory_space<vmem>>, vector<16xf32>,
        tpu.vector_store %arg12[%swap3A_572, %swap3A_573], %mul3A_571 {strides = array<i32>} : memref<24x512xf32, #tpu.memory_space<vmem>>, vector<16xf32>,
        %scan3A_575 = arith.constant 0 : i32
        scf.yield %scan3A_575 : i32
      }
      %scan3A_299 = arith.constant 24 : i32
      "tpu.region"() ({
        %run_scoped3A = tpu.sem_alloc : memref<!tpu.dma_semaphore, #tpu.memory_space<semaphore_mem>>
        %dma_start3A_301 = arith.constant 0 : i32
        %dma_start3A_302 = tpu.memref_slice %arg10[%add3A_255, %dma_start3A_301] : memref<110x24xi32, #tpu.memory_space<vmem>> -> memref<1x24xi32, #tpu.memory_space<vmem>>
        %dma_start3A_303 = tpu.memref_squeeze %dma_start3A_302 : memref<1x24xi32, #tpu.memory_space<vmem>> -> memref<24xi32, #tpu.memory_space<vmem>>
        %dma_start3A_304 = arith.constant 0 : i32
        %dma_start3A_305 = arith.constant 0 : i32
        %dma_start3A_306 = tpu.memref_slice %arg17[%dma_start3A_304, %dma_start3A_305] : memref<2560x512xf32, #tpu.memory_space<vmem_shared>> -> memref<2560x512xf32, #tpu.memory_space<vmem_shared>>
        tpu.enqueue_indirect_dma source(%arg12 : memref<24x512xf32, #tpu.memory_space<vmem>>) target(%dma_start3A_306 : memref<2560x512xf32, #tpu.memory_space<vmem_shared>>) offsets(%dma_start3A_303 : memref<24xi32, #tpu.memory_space<vmem>>) semaphore(%run_scoped3A : memref<!tpu.dma_semaphore, #tpu.memory_space<semaphore_mem>>) {add = true}
        %dma_wait3A_307 = arith.constant 0 : i32
        %dma_wait3A_308 = tpu.memref_slice %arg10[%add3A_255, %dma_wait3A_307] : memref<110x24xi32, #tpu.memory_space<vmem>> -> memref<1x24xi32, #tpu.memory_space<vmem>>
        %dma_wait3A_309 = tpu.memref_squeeze %dma_wait3A_308 : memref<1x24xi32, #tpu.memory_space<vmem>> -> memref<24xi32, #tpu.memory_space<vmem>>
        %dma_wait3A_310 = arith.constant 0 : i32
        %dma_wait3A_311 = arith.constant 0 : i32
        %dma_wait3A_312 = tpu.memref_slice %arg17[%dma_wait3A_310, %dma_wait3A_311] : memref<2560x512xf32, #tpu.memory_space<vmem_shared>> -> memref<2560x512xf32, #tpu.memory_space<vmem_shared>>
        tpu.wait_indirect_dma semaphore(%run_scoped3A : memref<!tpu.dma_semaphore, #tpu.memory_space<semaphore_mem>>) src(%arg12 : memref<24x512xf32, #tpu.memory_space<vmem>>) dst(%dma_wait3A_312 : memref<2560x512xf32, #tpu.memory_space<vmem_shared>>)
        tpu.yield
      }) : () -> ()
      "tpu.region"() ({
        %run_scoped3A = tpu.sem_alloc : memref<!tpu.dma_semaphore, #tpu.memory_space<semaphore_mem>>
        %dma_start3A_301 = arith.constant 0 : i32
        %dma_start3A_302 = tpu.memref_slice %arg10[%add3A_255, %dma_start3A_301] : memref<110x24xi32, #tpu.memory_space<vmem>> -> memref<1x24xi32, #tpu.memory_space<vmem>>
        %dma_start3A_303 = tpu.memref_squeeze %dma_start3A_302 : memref<1x24xi32, #tpu.memory_space<vmem>> -> memref<24xi32, #tpu.memory_space<vmem>>
        %dma_start3A_304 = arith.constant 0 : i32
        %dma_start3A_305 = arith.constant 0 : i32
        %dma_start3A_306 = tpu.memref_slice %arg18[%dma_start3A_304, %dma_start3A_305] : memref<2560x16xf32, #tpu.memory_space<vmem_shared>> -> memref<2560x16xf32, #tpu.memory_space<vmem_shared>>
        tpu.enqueue_indirect_dma source(%arg13 : memref<24x16xf32, #tpu.memory_space<vmem>>) target(%dma_start3A_306 : memref<2560x16xf32, #tpu.memory_space<vmem_shared>>) offsets(%dma_start3A_303 : memref<24xi32, #tpu.memory_space<vmem>>) semaphore(%run_scoped3A : memref<!tpu.dma_semaphore, #tpu.memory_space<semaphore_mem>>) {add = true}
        %dma_wait3A_307 = arith.constant 0 : i32
        %dma_wait3A_308 = tpu.memref_slice %arg10[%add3A_255, %dma_wait3A_307] : memref<110x24xi32, #tpu.memory_space<vmem>> -> memref<1x24xi32, #tpu.memory_space<vmem>>
        %dma_wait3A_309 = tpu.memref_squeeze %dma_wait3A_308 : memref<1x24xi32, #tpu.memory_space<vmem>> -> memref<24xi32, #tpu.memory_space<vmem>>
        %dma_wait3A_310 = arith.constant 0 : i32
        %dma_wait3A_311 = arith.constant 0 : i32
        %dma_wait3A_312 = tpu.memref_slice %arg18[%dma_wait3A_310, %dma_wait3A_311] : memref<2560x16xf32, #tpu.memory_space<vmem_shared>> -> memref<2560x16xf32, #tpu.memory_space<vmem_shared>>
        tpu.wait_indirect_dma semaphore(%run_scoped3A : memref<!tpu.dma_semaphore, #tpu.memory_space<semaphore_mem>>) src(%arg13 : memref<24x16xf32, #tpu.memory_space<vmem>>) dst(%dma_wait3A_312 : memref<2560x16xf32, #tpu.memory_space<vmem_shared>>)
        tpu.yield
      }) : () -> ()
      %scan3A_300 = arith.constant 0 : i32
      scf.yield %scan3A_300 : i32
    }
    %scan3A_186 = arith.constant 55 : i32
    %barrier3A_187 = arith.constant 0 : index
    tpu.barrier barrier_id(%barrier3A_187)
    %scan3A_188 = arith.constant 0 : i32
    %scan3A_189 = arith.constant 0 : i32
    %scan3A_190 = arith.constant 10 : i32
    %scan3A_191 = arith.addi %scan3A_189, %scan3A_190 : i32
    %scan3A_192 = arith.constant 1 : i32
    %scan3A_193 = scf.for %scan3A_195 = %scan3A_189 to %scan3A_191 step %scan3A_192 iter_args(%scan3A_196 = %scan3A_188) -> (i32)  : i32 {
      %mul3A_197 = arith.constant 160 : i32
      %mul3A_198 = arith.muli %arg1, %mul3A_197 : i32
      %mul3A_199 = arith.constant 16 : i32
      %mul3A_200 = arith.muli %scan3A_195, %mul3A_199 : i32
      %add3A_201 = arith.addi %mul3A_198, %mul3A_200 : i32
      %mul3A_202 = arith.constant 2560 : i32
      %mul3A_203 = arith.muli %arg0, %mul3A_202 : i32
      %add3A_204 = arith.addi %mul3A_203, %add3A_201 : i32
      "tpu.region"() ({
        %run_scoped3A = tpu.sem_alloc : memref<!tpu.dma_semaphore, #tpu.memory_space<semaphore_mem>>
        %dma_start3A_209 = arith.constant 0 : i32
        %dma_start3A_210 = tpu.memref_slice %arg7[%add3A_204, %dma_start3A_209] : memref<5120x512xf32, #tpu.memory_space<hbm>> -> memref<16x512xf32, #tpu.memory_space<hbm>>
        %dma_start3A_211 = arith.constant 0 : i32
        %dma_start3A_212 = tpu.memref_slice %arg17[%add3A_201, %dma_start3A_211] : memref<2560x512xf32, #tpu.memory_space<vmem_shared>> -> memref<16x512xf32, #tpu.memory_space<vmem_shared>>
        tpu.enqueue_dma source(%dma_start3A_212 : memref<16x512xf32, #tpu.memory_space<vmem_shared>>) target(%dma_start3A_210 : memref<16x512xf32, #tpu.memory_space<hbm>>) target_semaphore(%run_scoped3A : memref<!tpu.dma_semaphore, #tpu.memory_space<semaphore_mem>>)
        %dma_wait3A = arith.constant 0 : i32
        %dma_wait3A_213 = tpu.memref_slice %arg7[%add3A_204, %dma_wait3A] : memref<5120x512xf32, #tpu.memory_space<hbm>> -> memref<16x512xf32, #tpu.memory_space<hbm>>
        %dma_wait3A_214 = arith.constant 0 : i32
        %dma_wait3A_215 = tpu.memref_slice %arg17[%add3A_201, %dma_wait3A_214] : memref<2560x512xf32, #tpu.memory_space<vmem_shared>> -> memref<16x512xf32, #tpu.memory_space<vmem_shared>>
        tpu.wait_dma2 semaphore(%run_scoped3A : memref<!tpu.dma_semaphore, #tpu.memory_space<semaphore_mem>>) src(%dma_wait3A_215 : memref<16x512xf32, #tpu.memory_space<vmem_shared>>) dst(%dma_wait3A_213 : memref<16x512xf32, #tpu.memory_space<hbm>>)
        tpu.yield
      }) : () -> ()
      %mul3A_205 = arith.constant 2560 : i32
      %mul3A_206 = arith.muli %arg0, %mul3A_205 : i32
      %add3A_207 = arith.addi %mul3A_206, %add3A_201 : i32
      "tpu.region"() ({
        %run_scoped3A = tpu.sem_alloc : memref<!tpu.dma_semaphore, #tpu.memory_space<semaphore_mem>>
        %dma_start3A_209 = arith.constant 0 : i32
        %dma_start3A_210 = tpu.memref_slice %arg8[%add3A_207, %dma_start3A_209] : memref<5120x16xf32, #tpu.memory_space<hbm>> -> memref<16x16xf32, #tpu.memory_space<hbm>>
        %dma_start3A_211 = arith.constant 0 : i32
        %dma_start3A_212 = tpu.memref_slice %arg18[%add3A_201, %dma_start3A_211] : memref<2560x16xf32, #tpu.memory_space<vmem_shared>> -> memref<16x16xf32, #tpu.memory_space<vmem_shared>>
        tpu.enqueue_dma source(%dma_start3A_212 : memref<16x16xf32, #tpu.memory_space<vmem_shared>>) target(%dma_start3A_210 : memref<16x16xf32, #tpu.memory_space<hbm>>) target_semaphore(%run_scoped3A : memref<!tpu.dma_semaphore, #tpu.memory_space<semaphore_mem>>)
        %dma_wait3A = arith.constant 0 : i32
        %dma_wait3A_213 = tpu.memref_slice %arg8[%add3A_207, %dma_wait3A] : memref<5120x16xf32, #tpu.memory_space<hbm>> -> memref<16x16xf32, #tpu.memory_space<hbm>>
        %dma_wait3A_214 = arith.constant 0 : i32
        %dma_wait3A_215 = tpu.memref_slice %arg18[%add3A_201, %dma_wait3A_214] : memref<2560x16xf32, #tpu.memory_space<vmem_shared>> -> memref<16x16xf32, #tpu.memory_space<vmem_shared>>
        tpu.wait_dma2 semaphore(%run_scoped3A : memref<!tpu.dma_semaphore, #tpu.memory_space<semaphore_mem>>) src(%dma_wait3A_215 : memref<16x16xf32, #tpu.memory_space<vmem_shared>>) dst(%dma_wait3A_213 : memref<16x16xf32, #tpu.memory_space<hbm>>)
        tpu.yield
      }) : () -> ()
      %scan3A_208 = arith.constant 0 : i32
      scf.yield %scan3A_208 : i32
    }
    %scan3A_194 = arith.constant 10 : i32
    return
  }
}

module attributes {stable_mosaic.version = 14 : i64} {
  func.func @_tc_a_body(%arg0: memref<2560x256xf32, #tpu.memory_space<vmem>>, %arg1: memref<256x512xf32, #tpu.memory_space<vmem>>, %arg2: memref<512x16xf32, #tpu.memory_space<vmem>>, %arg3: memref<512x16xf32, #tpu.memory_space<vmem>>, %arg4: memref<2560x512xf32, #tpu.memory_space<vmem>>, %arg5: memref<2560x16xf32, #tpu.memory_space<vmem>>, %arg6: memref<2560x16xf32, #tpu.memory_space<vmem>>) attributes {dimension_semantics = [], scalar_prefetch = 0 : i64, scratch_operands = 0 : i64, tpu.core_type = #tpu.core_type<tc>} {
    %get3A = arith.constant 0 : index
    %get3A_0 = arith.constant 0 : index
    %get3A_1 = vector.load %arg0[%get3A, %get3A_0] : memref<2560x256xf32, #tpu.memory_space<vmem>>, vector<2560x256xf32>
    %get3A_2 = arith.constant 0 : index
    %get3A_3 = arith.constant 0 : index
    %get3A_4 = vector.load %arg1[%get3A_2, %get3A_3] : memref<256x512xf32, #tpu.memory_space<vmem>>, vector<256x512xf32>
    %dot_general3A = arith.constant dense<0.000000e+00> : vector<2560x512xf32>
    %dot_general3A_5 = tpu.matmul %get3A_1, %get3A_4, %dot_general3A {dimension_numbers = #tpu.dot_dimension_numbers<[1], [0], [0], [1], [0, 0, 1, 1], [], []>, transpose_lhs_hint = false} : vector<2560x256xf32>, vector<256x512xf32>, vector<2560x512xf32> -> vector<2560x512xf32>
    %swap3A = arith.constant 0 : index
    %swap3A_6 = arith.constant 0 : index
    %swap3A_7 = vector.load %arg4[%swap3A, %swap3A_6] : memref<2560x512xf32, #tpu.memory_space<vmem>>, vector<2560x512xf32>
    tpu.vector_store %arg4[%swap3A, %swap3A_6], %dot_general3A_5 {strides = array<i32>} : memref<2560x512xf32, #tpu.memory_space<vmem>>, vector<2560x512xf32>,
    %get3A_8 = arith.constant 0 : index
    %get3A_9 = arith.constant 0 : index
    %get3A_10 = vector.load %arg2[%get3A_8, %get3A_9] : memref<512x16xf32, #tpu.memory_space<vmem>>, vector<512x16xf32>
    %dot_general3A_11 = arith.constant dense<0.000000e+00> : vector<2560x16xf32>
    %dot_general3A_12 = tpu.matmul %dot_general3A_5, %get3A_10, %dot_general3A_11 {dimension_numbers = #tpu.dot_dimension_numbers<[1], [0], [0], [1], [0, 0, 1, 1], [], []>, transpose_lhs_hint = false} : vector<2560x512xf32>, vector<512x16xf32>, vector<2560x16xf32> -> vector<2560x16xf32>
    %swap3A_13 = arith.constant 0 : index
    %swap3A_14 = arith.constant 0 : index
    %swap3A_15 = vector.load %arg5[%swap3A_13, %swap3A_14] : memref<2560x16xf32, #tpu.memory_space<vmem>>, vector<2560x16xf32>
    tpu.vector_store %arg5[%swap3A_13, %swap3A_14], %dot_general3A_12 {strides = array<i32>} : memref<2560x16xf32, #tpu.memory_space<vmem>>, vector<2560x16xf32>,
    %get3A_16 = arith.constant 0 : index
    %get3A_17 = arith.constant 0 : index
    %get3A_18 = vector.load %arg3[%get3A_16, %get3A_17] : memref<512x16xf32, #tpu.memory_space<vmem>>, vector<512x16xf32>
    %dot_general3A_19 = arith.constant dense<0.000000e+00> : vector<2560x16xf32>
    %dot_general3A_20 = tpu.matmul %dot_general3A_5, %get3A_18, %dot_general3A_19 {dimension_numbers = #tpu.dot_dimension_numbers<[1], [0], [0], [1], [0, 0, 1, 1], [], []>, transpose_lhs_hint = false} : vector<2560x512xf32>, vector<512x16xf32>, vector<2560x16xf32> -> vector<2560x16xf32>
    %swap3A_21 = arith.constant 0 : index
    %swap3A_22 = arith.constant 0 : index
    %swap3A_23 = vector.load %arg6[%swap3A_21, %swap3A_22] : memref<2560x16xf32, #tpu.memory_space<vmem>>, vector<2560x16xf32>
    tpu.vector_store %arg6[%swap3A_21, %swap3A_22], %dot_general3A_20 {strides = array<i32>} : memref<2560x16xf32, #tpu.memory_space<vmem>>, vector<2560x16xf32>,
    return
  }
}

module attributes {stable_mosaic.version = 14 : i64} {
  func.func @_tc_mid_body(%arg0: memref<5120x512xf32, #tpu.memory_space<vmem>>, %arg1: memref<5120x4xf32, #tpu.memory_space<vmem>>, %arg2: memref<512xf32, #tpu.memory_space<vmem>>, %arg3: memref<512xf32, #tpu.memory_space<vmem>>, %arg4: memref<512xf32, #tpu.memory_space<vmem>>, %arg5: memref<512x512xf32, #tpu.memory_space<vmem>>, %arg6: memref<512x16xf32, #tpu.memory_space<vmem>>, %arg7: memref<512x16xf32, #tpu.memory_space<vmem>>, %arg8: memref<2560x512xf32, #tpu.memory_space<vmem>>, %arg9: memref<2560x16xf32, #tpu.memory_space<vmem>>, %arg10: memref<2560x16xf32, #tpu.memory_space<vmem>>) attributes {dimension_semantics = [], scalar_prefetch = 0 : i64, scratch_operands = 0 : i64, tpu.core_type = #tpu.core_type<tc>} {
    %get3A = arith.constant 0 : index
    %get3A_0 = arith.constant 0 : index
    %get3A_1 = vector.load %arg1[%get3A, %get3A_0] : memref<5120x4xf32, #tpu.memory_space<vmem>>, vector<2560x4xf32>
    %get3A_2 = arith.constant 2560 : index
    %get3A_3 = arith.constant 0 : index
    %get3A_4 = vector.load %arg1[%get3A_2, %get3A_3] : memref<5120x4xf32, #tpu.memory_space<vmem>>, vector<2560x4xf32>
    %add3A = arith.addf %get3A_1, %get3A_4 : vector<2560x4xf32>
    %get3A_5 = arith.constant 0 : index
    %get3A_6 = arith.constant 0 : index
    %get3A_7 = vector.load %arg0[%get3A_5, %get3A_6] : memref<5120x512xf32, #tpu.memory_space<vmem>>, vector<2560x128xf32>
    %get3A_8 = arith.constant 2560 : index
    %get3A_9 = arith.constant 0 : index
    %get3A_10 = vector.load %arg0[%get3A_8, %get3A_9] : memref<5120x512xf32, #tpu.memory_space<vmem>>, vector<2560x128xf32>
    %add3A_11 = arith.addf %get3A_7, %get3A_10 : vector<2560x128xf32>
    %slice3A = vector.extract_strided_slice %add3A {offsets = [0, 0], sizes = [2560, 1], strides = [1, 1]} : vector<2560x4xf32> to vector<2560x1xf32>
    %div3A = vector.broadcast %slice3A : vector<2560x1xf32> to vector<2560x128xf32>
    %div3A_12 = arith.divf %add3A_11, %div3A : vector<2560x128xf32>
    %get3A_13 = arith.constant 0 : index
    %get3A_14 = arith.constant 128 : index
    %get3A_15 = vector.load %arg0[%get3A_13, %get3A_14] : memref<5120x512xf32, #tpu.memory_space<vmem>>, vector<2560x128xf32>
    %get3A_16 = arith.constant 2560 : index
    %get3A_17 = arith.constant 128 : index
    %get3A_18 = vector.load %arg0[%get3A_16, %get3A_17] : memref<5120x512xf32, #tpu.memory_space<vmem>>, vector<2560x128xf32>
    %add3A_19 = arith.addf %get3A_15, %get3A_18 : vector<2560x128xf32>
    %slice3A_20 = vector.extract_strided_slice %add3A {offsets = [0, 1], sizes = [2560, 1], strides = [1, 1]} : vector<2560x4xf32> to vector<2560x1xf32>
    %div3A_21 = vector.broadcast %slice3A_20 : vector<2560x1xf32> to vector<2560x128xf32>
    %div3A_22 = arith.divf %add3A_19, %div3A_21 : vector<2560x128xf32>
    %get3A_23 = arith.constant 0 : index
    %get3A_24 = arith.constant 256 : index
    %get3A_25 = vector.load %arg0[%get3A_23, %get3A_24] : memref<5120x512xf32, #tpu.memory_space<vmem>>, vector<2560x128xf32>
    %get3A_26 = arith.constant 2560 : index
    %get3A_27 = arith.constant 256 : index
    %get3A_28 = vector.load %arg0[%get3A_26, %get3A_27] : memref<5120x512xf32, #tpu.memory_space<vmem>>, vector<2560x128xf32>
    %add3A_29 = arith.addf %get3A_25, %get3A_28 : vector<2560x128xf32>
    %slice3A_30 = vector.extract_strided_slice %add3A {offsets = [0, 2], sizes = [2560, 1], strides = [1, 1]} : vector<2560x4xf32> to vector<2560x1xf32>
    %div3A_31 = vector.broadcast %slice3A_30 : vector<2560x1xf32> to vector<2560x128xf32>
    %div3A_32 = arith.divf %add3A_29, %div3A_31 : vector<2560x128xf32>
    %get3A_33 = arith.constant 0 : index
    %get3A_34 = arith.constant 384 : index
    %get3A_35 = vector.load %arg0[%get3A_33, %get3A_34] : memref<5120x512xf32, #tpu.memory_space<vmem>>, vector<2560x128xf32>
    %get3A_36 = arith.constant 2560 : index
    %get3A_37 = arith.constant 384 : index
    %get3A_38 = vector.load %arg0[%get3A_36, %get3A_37] : memref<5120x512xf32, #tpu.memory_space<vmem>>, vector<2560x128xf32>
    %add3A_39 = arith.addf %get3A_35, %get3A_38 : vector<2560x128xf32>
    %slice3A_40 = vector.extract_strided_slice %add3A {offsets = [0, 3], sizes = [2560, 1], strides = [1, 1]} : vector<2560x4xf32> to vector<2560x1xf32>
    %div3A_41 = vector.broadcast %slice3A_40 : vector<2560x1xf32> to vector<2560x128xf32>
    %div3A_42 = arith.divf %add3A_39, %div3A_41 : vector<2560x128xf32>
    %concatenate3A = tpu.concatenate %div3A_12, %div3A_22, %div3A_32, %div3A_42 in 1 : vector<2560x128xf32>, vector<2560x128xf32>, vector<2560x128xf32>, vector<2560x128xf32> -> vector<2560x512xf32>
    %get3A_43 = arith.constant 0 : index
    %get3A_44 = vector.load %arg2[%get3A_43] : memref<512xf32, #tpu.memory_space<vmem>>, vector<512xf32>
    %broadcast_in_dim3A = vector.shape_cast %get3A_44 : vector<512xf32> to vector<1x512xf32>
    %add3A_45 = vector.broadcast %broadcast_in_dim3A : vector<1x512xf32> to vector<2560x512xf32>
    %add3A_46 = arith.addf %concatenate3A, %add3A_45 : vector<2560x512xf32>
    %reduce_sum3A = arith.constant dense<0.000000e+00> : vector<512xf32>
    %reduce_sum3A_47 = vector.multi_reduction <add>, %add3A_46, %reduce_sum3A [0] : vector<2560x512xf32> to vector<512xf32>
    %div3A_48 = arith.constant 2.560000e+03 : f32
    %div3A_49 = vector.broadcast %div3A_48 : f32 to vector<512xf32>
    %div3A_50 = arith.divf %reduce_sum3A_47, %div3A_49 : vector<512xf32>
    %broadcast_in_dim3A_51 = vector.shape_cast %div3A_50 : vector<512xf32> to vector<1x512xf32>
    %sub3A = vector.broadcast %broadcast_in_dim3A_51 : vector<1x512xf32> to vector<2560x512xf32>
    %sub3A_52 = arith.subf %add3A_46, %sub3A : vector<2560x512xf32>
    %integer_pow3A = arith.mulf %sub3A_52, %sub3A_52 : vector<2560x512xf32>
    %reduce_sum3A_53 = arith.constant dense<0.000000e+00> : vector<512xf32>
    %reduce_sum3A_54 = vector.multi_reduction <add>, %integer_pow3A, %reduce_sum3A_53 [0] : vector<2560x512xf32> to vector<512xf32>
    %div3A_55 = arith.constant 2.560000e+03 : f32
    %div3A_56 = vector.broadcast %div3A_55 : f32 to vector<512xf32>
    %div3A_57 = arith.divf %reduce_sum3A_54, %div3A_56 : vector<512xf32>
    %broadcast_in_dim3A_58 = vector.shape_cast %div3A_50 : vector<512xf32> to vector<1x512xf32>
    %sub3A_59 = vector.broadcast %broadcast_in_dim3A_58 : vector<1x512xf32> to vector<2560x512xf32>
    %sub3A_60 = arith.subf %add3A_46, %sub3A_59 : vector<2560x512xf32>
    %add3A_61 = arith.constant 9.99999974E-6 : f32
    %add3A_62 = vector.broadcast %add3A_61 : f32 to vector<512xf32>
    %add3A_63 = arith.addf %div3A_57, %add3A_62 : vector<512xf32>
    %rsqrt3A = math.rsqrt %add3A_63 : vector<512xf32>
    %broadcast_in_dim3A_64 = vector.shape_cast %rsqrt3A : vector<512xf32> to vector<1x512xf32>
    %mul3A = vector.broadcast %broadcast_in_dim3A_64 : vector<1x512xf32> to vector<2560x512xf32>
    %mul3A_65 = arith.mulf %sub3A_60, %mul3A : vector<2560x512xf32>
    %get3A_66 = arith.constant 0 : index
    %get3A_67 = vector.load %arg3[%get3A_66] : memref<512xf32, #tpu.memory_space<vmem>>, vector<512xf32>
    %broadcast_in_dim3A_68 = vector.shape_cast %get3A_67 : vector<512xf32> to vector<1x512xf32>
    %mul3A_69 = vector.broadcast %broadcast_in_dim3A_68 : vector<1x512xf32> to vector<2560x512xf32>
    %mul3A_70 = arith.mulf %mul3A_65, %mul3A_69 : vector<2560x512xf32>
    %get3A_71 = arith.constant 0 : index
    %get3A_72 = vector.load %arg4[%get3A_71] : memref<512xf32, #tpu.memory_space<vmem>>, vector<512xf32>
    %broadcast_in_dim3A_73 = vector.shape_cast %get3A_72 : vector<512xf32> to vector<1x512xf32>
    %add3A_74 = vector.broadcast %broadcast_in_dim3A_73 : vector<1x512xf32> to vector<2560x512xf32>
    %add3A_75 = arith.addf %mul3A_70, %add3A_74 : vector<2560x512xf32>
    %max3A = arith.constant 0.000000e+00 : f32
    %max3A_76 = vector.broadcast %max3A : f32 to vector<2560x512xf32>
    %max3A_77 = arith.maximumf %add3A_75, %max3A_76 : vector<2560x512xf32>
    %get3A_78 = arith.constant 0 : index
    %get3A_79 = arith.constant 0 : index
    %get3A_80 = vector.load %arg5[%get3A_78, %get3A_79] : memref<512x512xf32, #tpu.memory_space<vmem>>, vector<512x512xf32>
    %dot_general3A = arith.constant dense<0.000000e+00> : vector<2560x512xf32>
    %dot_general3A_81 = tpu.matmul %max3A_77, %get3A_80, %dot_general3A {dimension_numbers = #tpu.dot_dimension_numbers<[1], [0], [0], [1], [0, 0, 1, 1], [], []>, transpose_lhs_hint = false} : vector<2560x512xf32>, vector<512x512xf32>, vector<2560x512xf32> -> vector<2560x512xf32>
    %swap3A = arith.constant 0 : index
    %swap3A_82 = arith.constant 0 : index
    %swap3A_83 = vector.load %arg8[%swap3A, %swap3A_82] : memref<2560x512xf32, #tpu.memory_space<vmem>>, vector<2560x512xf32>
    tpu.vector_store %arg8[%swap3A, %swap3A_82], %dot_general3A_81 {strides = array<i32>} : memref<2560x512xf32, #tpu.memory_space<vmem>>, vector<2560x512xf32>,
    %get3A_84 = arith.constant 0 : index
    %get3A_85 = arith.constant 0 : index
    %get3A_86 = vector.load %arg6[%get3A_84, %get3A_85] : memref<512x16xf32, #tpu.memory_space<vmem>>, vector<512x16xf32>
    %dot_general3A_87 = arith.constant dense<0.000000e+00> : vector<2560x16xf32>
    %dot_general3A_88 = tpu.matmul %dot_general3A_81, %get3A_86, %dot_general3A_87 {dimension_numbers = #tpu.dot_dimension_numbers<[1], [0], [0], [1], [0, 0, 1, 1], [], []>, transpose_lhs_hint = false} : vector<2560x512xf32>, vector<512x16xf32>, vector<2560x16xf32> -> vector<2560x16xf32>
    %swap3A_89 = arith.constant 0 : index
    %swap3A_90 = arith.constant 0 : index
    %swap3A_91 = vector.load %arg9[%swap3A_89, %swap3A_90] : memref<2560x16xf32, #tpu.memory_space<vmem>>, vector<2560x16xf32>
    tpu.vector_store %arg9[%swap3A_89, %swap3A_90], %dot_general3A_88 {strides = array<i32>} : memref<2560x16xf32, #tpu.memory_space<vmem>>, vector<2560x16xf32>,
    %get3A_92 = arith.constant 0 : index
    %get3A_93 = arith.constant 0 : index
    %get3A_94 = vector.load %arg7[%get3A_92, %get3A_93] : memref<512x16xf32, #tpu.memory_space<vmem>>, vector<512x16xf32>
    %dot_general3A_95 = arith.constant dense<0.000000e+00> : vector<2560x16xf32>
    %dot_general3A_96 = tpu.matmul %dot_general3A_81, %get3A_94, %dot_general3A_95 {dimension_numbers = #tpu.dot_dimension_numbers<[1], [0], [0], [1], [0, 0, 1, 1], [], []>, transpose_lhs_hint = false} : vector<2560x512xf32>, vector<512x16xf32>, vector<2560x16xf32> -> vector<2560x16xf32>
    %swap3A_97 = arith.constant 0 : index
    %swap3A_98 = arith.constant 0 : index
    %swap3A_99 = vector.load %arg10[%swap3A_97, %swap3A_98] : memref<2560x16xf32, #tpu.memory_space<vmem>>, vector<2560x16xf32>
    tpu.vector_store %arg10[%swap3A_97, %swap3A_98], %dot_general3A_96 {strides = array<i32>} : memref<2560x16xf32, #tpu.memory_space<vmem>>, vector<2560x16xf32>,
    return
  }
}

module attributes {stable_mosaic.version = 14 : i64} {
  func.func @_tc_out_body(%arg0: memref<5120x512xf32, #tpu.memory_space<vmem>>, %arg1: memref<5120x4xf32, #tpu.memory_space<vmem>>, %arg2: memref<512xf32, #tpu.memory_space<vmem>>, %arg3: memref<512xf32, #tpu.memory_space<vmem>>, %arg4: memref<512xf32, #tpu.memory_space<vmem>>, %arg5: memref<512x40xf32, #tpu.memory_space<vmem>>, %arg6: memref<40xf32, #tpu.memory_space<vmem>>, %arg7: memref<2560xf32, #tpu.memory_space<vmem>>, %arg8: memref<2560x40xf32, #tpu.memory_space<vmem>>, %arg9: memref<2560x40xf32, #tpu.memory_space<vmem>>) attributes {dimension_semantics = [], scalar_prefetch = 0 : i64, scratch_operands = 0 : i64, tpu.core_type = #tpu.core_type<tc>} {
    %get3A = arith.constant 0 : index
    %get3A_0 = arith.constant 0 : index
    %get3A_1 = vector.load %arg1[%get3A, %get3A_0] : memref<5120x4xf32, #tpu.memory_space<vmem>>, vector<2560x4xf32>
    %get3A_2 = arith.constant 2560 : index
    %get3A_3 = arith.constant 0 : index
    %get3A_4 = vector.load %arg1[%get3A_2, %get3A_3] : memref<5120x4xf32, #tpu.memory_space<vmem>>, vector<2560x4xf32>
    %add3A = arith.addf %get3A_1, %get3A_4 : vector<2560x4xf32>
    %get3A_5 = arith.constant 0 : index
    %get3A_6 = arith.constant 0 : index
    %get3A_7 = vector.load %arg0[%get3A_5, %get3A_6] : memref<5120x512xf32, #tpu.memory_space<vmem>>, vector<2560x128xf32>
    %get3A_8 = arith.constant 2560 : index
    %get3A_9 = arith.constant 0 : index
    %get3A_10 = vector.load %arg0[%get3A_8, %get3A_9] : memref<5120x512xf32, #tpu.memory_space<vmem>>, vector<2560x128xf32>
    %add3A_11 = arith.addf %get3A_7, %get3A_10 : vector<2560x128xf32>
    %slice3A = vector.extract_strided_slice %add3A {offsets = [0, 0], sizes = [2560, 1], strides = [1, 1]} : vector<2560x4xf32> to vector<2560x1xf32>
    %div3A = vector.broadcast %slice3A : vector<2560x1xf32> to vector<2560x128xf32>
    %div3A_12 = arith.divf %add3A_11, %div3A : vector<2560x128xf32>
    %get3A_13 = arith.constant 0 : index
    %get3A_14 = arith.constant 128 : index
    %get3A_15 = vector.load %arg0[%get3A_13, %get3A_14] : memref<5120x512xf32, #tpu.memory_space<vmem>>, vector<2560x128xf32>
    %get3A_16 = arith.constant 2560 : index
    %get3A_17 = arith.constant 128 : index
    %get3A_18 = vector.load %arg0[%get3A_16, %get3A_17] : memref<5120x512xf32, #tpu.memory_space<vmem>>, vector<2560x128xf32>
    %add3A_19 = arith.addf %get3A_15, %get3A_18 : vector<2560x128xf32>
    %slice3A_20 = vector.extract_strided_slice %add3A {offsets = [0, 1], sizes = [2560, 1], strides = [1, 1]} : vector<2560x4xf32> to vector<2560x1xf32>
    %div3A_21 = vector.broadcast %slice3A_20 : vector<2560x1xf32> to vector<2560x128xf32>
    %div3A_22 = arith.divf %add3A_19, %div3A_21 : vector<2560x128xf32>
    %get3A_23 = arith.constant 0 : index
    %get3A_24 = arith.constant 256 : index
    %get3A_25 = vector.load %arg0[%get3A_23, %get3A_24] : memref<5120x512xf32, #tpu.memory_space<vmem>>, vector<2560x128xf32>
    %get3A_26 = arith.constant 2560 : index
    %get3A_27 = arith.constant 256 : index
    %get3A_28 = vector.load %arg0[%get3A_26, %get3A_27] : memref<5120x512xf32, #tpu.memory_space<vmem>>, vector<2560x128xf32>
    %add3A_29 = arith.addf %get3A_25, %get3A_28 : vector<2560x128xf32>
    %slice3A_30 = vector.extract_strided_slice %add3A {offsets = [0, 2], sizes = [2560, 1], strides = [1, 1]} : vector<2560x4xf32> to vector<2560x1xf32>
    %div3A_31 = vector.broadcast %slice3A_30 : vector<2560x1xf32> to vector<2560x128xf32>
    %div3A_32 = arith.divf %add3A_29, %div3A_31 : vector<2560x128xf32>
    %get3A_33 = arith.constant 0 : index
    %get3A_34 = arith.constant 384 : index
    %get3A_35 = vector.load %arg0[%get3A_33, %get3A_34] : memref<5120x512xf32, #tpu.memory_space<vmem>>, vector<2560x128xf32>
    %get3A_36 = arith.constant 2560 : index
    %get3A_37 = arith.constant 384 : index
    %get3A_38 = vector.load %arg0[%get3A_36, %get3A_37] : memref<5120x512xf32, #tpu.memory_space<vmem>>, vector<2560x128xf32>
    %add3A_39 = arith.addf %get3A_35, %get3A_38 : vector<2560x128xf32>
    %slice3A_40 = vector.extract_strided_slice %add3A {offsets = [0, 3], sizes = [2560, 1], strides = [1, 1]} : vector<2560x4xf32> to vector<2560x1xf32>
    %div3A_41 = vector.broadcast %slice3A_40 : vector<2560x1xf32> to vector<2560x128xf32>
    %div3A_42 = arith.divf %add3A_39, %div3A_41 : vector<2560x128xf32>
    %concatenate3A = tpu.concatenate %div3A_12, %div3A_22, %div3A_32, %div3A_42 in 1 : vector<2560x128xf32>, vector<2560x128xf32>, vector<2560x128xf32>, vector<2560x128xf32> -> vector<2560x512xf32>
    %get3A_43 = arith.constant 0 : index
    %get3A_44 = vector.load %arg2[%get3A_43] : memref<512xf32, #tpu.memory_space<vmem>>, vector<512xf32>
    %broadcast_in_dim3A = vector.shape_cast %get3A_44 : vector<512xf32> to vector<1x512xf32>
    %add3A_45 = vector.broadcast %broadcast_in_dim3A : vector<1x512xf32> to vector<2560x512xf32>
    %add3A_46 = arith.addf %concatenate3A, %add3A_45 : vector<2560x512xf32>
    %reduce_sum3A = arith.constant dense<0.000000e+00> : vector<512xf32>
    %reduce_sum3A_47 = vector.multi_reduction <add>, %add3A_46, %reduce_sum3A [0] : vector<2560x512xf32> to vector<512xf32>
    %div3A_48 = arith.constant 2.560000e+03 : f32
    %div3A_49 = vector.broadcast %div3A_48 : f32 to vector<512xf32>
    %div3A_50 = arith.divf %reduce_sum3A_47, %div3A_49 : vector<512xf32>
    %broadcast_in_dim3A_51 = vector.shape_cast %div3A_50 : vector<512xf32> to vector<1x512xf32>
    %sub3A = vector.broadcast %broadcast_in_dim3A_51 : vector<1x512xf32> to vector<2560x512xf32>
    %sub3A_52 = arith.subf %add3A_46, %sub3A : vector<2560x512xf32>
    %integer_pow3A = arith.mulf %sub3A_52, %sub3A_52 : vector<2560x512xf32>
    %reduce_sum3A_53 = arith.constant dense<0.000000e+00> : vector<512xf32>
    %reduce_sum3A_54 = vector.multi_reduction <add>, %integer_pow3A, %reduce_sum3A_53 [0] : vector<2560x512xf32> to vector<512xf32>
    %div3A_55 = arith.constant 2.560000e+03 : f32
    %div3A_56 = vector.broadcast %div3A_55 : f32 to vector<512xf32>
    %div3A_57 = arith.divf %reduce_sum3A_54, %div3A_56 : vector<512xf32>
    %broadcast_in_dim3A_58 = vector.shape_cast %div3A_50 : vector<512xf32> to vector<1x512xf32>
    %sub3A_59 = vector.broadcast %broadcast_in_dim3A_58 : vector<1x512xf32> to vector<2560x512xf32>
    %sub3A_60 = arith.subf %add3A_46, %sub3A_59 : vector<2560x512xf32>
    %add3A_61 = arith.constant 9.99999974E-6 : f32
    %add3A_62 = vector.broadcast %add3A_61 : f32 to vector<512xf32>
    %add3A_63 = arith.addf %div3A_57, %add3A_62 : vector<512xf32>
    %rsqrt3A = math.rsqrt %add3A_63 : vector<512xf32>
    %broadcast_in_dim3A_64 = vector.shape_cast %rsqrt3A : vector<512xf32> to vector<1x512xf32>
    %mul3A = vector.broadcast %broadcast_in_dim3A_64 : vector<1x512xf32> to vector<2560x512xf32>
    %mul3A_65 = arith.mulf %sub3A_60, %mul3A : vector<2560x512xf32>
    %get3A_66 = arith.constant 0 : index
    %get3A_67 = vector.load %arg3[%get3A_66] : memref<512xf32, #tpu.memory_space<vmem>>, vector<512xf32>
    %broadcast_in_dim3A_68 = vector.shape_cast %get3A_67 : vector<512xf32> to vector<1x512xf32>
    %mul3A_69 = vector.broadcast %broadcast_in_dim3A_68 : vector<1x512xf32> to vector<2560x512xf32>
    %mul3A_70 = arith.mulf %mul3A_65, %mul3A_69 : vector<2560x512xf32>
    %get3A_71 = arith.constant 0 : index
    %get3A_72 = vector.load %arg4[%get3A_71] : memref<512xf32, #tpu.memory_space<vmem>>, vector<512xf32>
    %broadcast_in_dim3A_73 = vector.shape_cast %get3A_72 : vector<512xf32> to vector<1x512xf32>
    %add3A_74 = vector.broadcast %broadcast_in_dim3A_73 : vector<1x512xf32> to vector<2560x512xf32>
    %add3A_75 = arith.addf %mul3A_70, %add3A_74 : vector<2560x512xf32>
    %max3A = arith.constant 0.000000e+00 : f32
    %max3A_76 = vector.broadcast %max3A : f32 to vector<2560x512xf32>
    %max3A_77 = arith.maximumf %add3A_75, %max3A_76 : vector<2560x512xf32>
    %get3A_78 = arith.constant 0 : index
    %get3A_79 = arith.constant 0 : index
    %get3A_80 = vector.load %arg5[%get3A_78, %get3A_79] : memref<512x40xf32, #tpu.memory_space<vmem>>, vector<512x40xf32>
    %dot_general3A = arith.constant dense<0.000000e+00> : vector<2560x40xf32>
    %dot_general3A_81 = tpu.matmul %max3A_77, %get3A_80, %dot_general3A {dimension_numbers = #tpu.dot_dimension_numbers<[1], [0], [0], [1], [0, 0, 1, 1], [], []>, transpose_lhs_hint = false} : vector<2560x512xf32>, vector<512x40xf32>, vector<2560x40xf32> -> vector<2560x40xf32>
    %get3A_82 = arith.constant 0 : index
    %get3A_83 = vector.load %arg6[%get3A_82] : memref<40xf32, #tpu.memory_space<vmem>>, vector<40xf32>
    %broadcast_in_dim3A_84 = vector.shape_cast %get3A_83 : vector<40xf32> to vector<1x40xf32>
    %add3A_85 = vector.broadcast %broadcast_in_dim3A_84 : vector<1x40xf32> to vector<2560x40xf32>
    %add3A_86 = arith.addf %dot_general3A_81, %add3A_85 : vector<2560x40xf32>
    %get3A_87 = arith.constant 0 : index
    %get3A_88 = vector.load %arg7[%get3A_87] : memref<2560xf32, #tpu.memory_space<vmem>>, vector<2560xf32>
    %broadcast_in_dim3A_89 = vector.shape_cast %get3A_88 : vector<2560xf32> to vector<2560x1xf32>
    %mul3A_90 = vector.broadcast %broadcast_in_dim3A_89 : vector<2560x1xf32> to vector<2560x40xf32>
    %mul3A_91 = arith.mulf %add3A_86, %mul3A_90 : vector<2560x40xf32>
    %get3A_92 = arith.constant 0 : index
    %get3A_93 = arith.constant 0 : index
    %get3A_94 = vector.load %arg8[%get3A_92, %get3A_93] : memref<2560x40xf32, #tpu.memory_space<vmem>>, vector<2560x40xf32>
    %add3A_95 = arith.addf %mul3A_91, %get3A_94 : vector<2560x40xf32>
    %swap3A = arith.constant 0 : index
    %swap3A_96 = arith.constant 0 : index
    %swap3A_97 = vector.load %arg9[%swap3A, %swap3A_96] : memref<2560x40xf32, #tpu.memory_space<vmem>>, vector<2560x40xf32>
    tpu.vector_store %arg9[%swap3A, %swap3A_96], %add3A_95 {strides = array<i32>} : memref<2560x40xf32, #tpu.memory_space<vmem>>, vector<2560x40xf32>,
    return
  }
}

</mosaic_0001>

<sc_bundles>
// kernel: kernel.10.cloned.1.call-start
scs
__scs_entry_jumppad:
0x0: {  	(pc) =	sbr.rel $0x88, $3  }
0x1: {  	(tag) =	ssettag $0x0;
	lr =	simm.s32 $0x1  }
0x2: {  	[smem:$0x3F8F] =	sst lr;
	_ =	strace $0xD0000000  }
0x3: {  	_ = 	snop  }
0x4: {  	_ = 	snop  }
0x5: {  	_ = 	snop  }
0x6: {  	_ = 	snop  }
0x7: {  	_ = 	snop  }
__scs_overlays_trampoline_lowered:
0x8: {  	[smem:$0x3F9E] =	sst s0  }
0x9: {  	[smem:$0x3F9F] =	sst s1  }
0xa: {  	[smem:$0x3FA0] =	sst s2  }
0xb: {  	[smem:$0x3FA1] =	sst s3  }
0xc: {  	[smem:$0x3FA2] =	sst s4  }
0xd: {  	[smem:$0x3FA3] =	sst s5  }
0xe: {  	[smem:$0x3FA4] =	sst s6  }
0xf: {  	[smem:$0x3FA5] =	sst s7  }
0x10: {  	[smem:$0x3FA6] =	sst s8  }
0x11: {  	[smem:$0x3FA7] =	sst s9;
	s0 =	simm.s32 @!p0 $0x0  }
0x12: {  	s1 =	sld [smem:$0x3F8D];
	s0 =	simm.s32 @p0 $0x1  }
0x13: {  	[smem:$0x3FA8] =	sst s0;
	s0 =	simm.s32 @!p1 $0x0  }
0x14: {  	s2 =	sld [smem:$0x3F8C];
	s0 =	simm.s32 @p1 $0x1  }
0x15: {  	[smem:$0x3FA9] =	sst s0;
	s0 =	simm.s32 @!p2 $0x0  }
0x16: {  	s3 =	sld [smem:$0x3FDB];
	s0 =	simm.s32 @p2 $0x1  }
0x17: {  	s4 =	simm.s32 $0x1BF5;
	[smem:$0x3FAB] =	sst s0  }
0x18: {  	s0 =	sld [smem:$0x3F8E];
	_ =	swait.ge [sflag:s4], $0x0  }
0x19: {  	s7 =	sld [smem:$0x3F8F]  }
0x1a: {  	s8 =	sadd.s32 $0xFFFFE003, lr  }
0x1b: {  	s9 =	sadd.s32 $0xFFFFFEF7, lr;
	s5 =	simm.s32 $0xFFFFFFFF;
	p2 =	slt.u32 s8, $0xFFFFF086  }
0x1c: {  	p1 =	slt.u32 s9, $0xF7A;
	s5 =	simm.s32 @!p2 $0x0  }
0x1d: {  	s5 =	simm.s32 @p1 $0x1;
	p0 =	seq.s32 s7, s2  }
0x1e: {  	s7 =	smul.u32 @!p0 $0xF7A, s2;
	p2 =	seq.s32 @!p0 s5, $0x0  }
0x1f: {  	s9 =	smul.u32 $0xF7A, s1;
	s8 =	simm.s32 @!p0 $0x1BF5;
	p2 =	por !p2, p0  }
0x20: {  	[sflag:s8] =	ssyncset.s32 @!p0 $0xFFFFF086;
	s6 =	sadd.s32 @!p0 s3, s7;
	s7 =	simm.s32 @!p0 $0x108  }
0x21: {  	s3 =	sadd.s32 s3, s9;
	s6 =	sadd.s32 @!p0 $0x88, s6;
	s7 =	simm.s32 @p2 $0x1082  }
0x22: {  	[simem:s7], [sflag:s8] =	dma.local @!p0 [hbm:s6], $0xF7A  }
0x23: {  	s9 =	sor.u32 $0xD0000000, s2;
	s6 =	simm.s32 $0x108;
	_ =	swait.ge @!p0 [sflag:s8], $0x0  }
0x24: {  	s3 =	sadd.s32 $0x88, s3;
	s6 =	simm.s32 @!p1 $0x1082;
	[sflag:s4] =	ssyncset.s32 $0xFFFFF086  }
0x25: {  	[simem:s6], [sflag:s4] =	dma.local [hbm:s3], $0xF7A  }
0x26: {  	[smem:$0x3F8F] =	sst s1;
	(tag) =	ssettag s2;
	_ =	strace s9  }
0x27: {  	s1 =	sld [smem:$0x3F9F]  }
0x28: {  	s2 =	sld [smem:$0x3FA0]  }
0x29: {  	s4 =	sld [smem:$0x3FA2]  }
0x2a: {  	p0 =	seq.s32 s5, $0x0;
	s5 =	sld [smem:$0x3FA3]  }
0x2b: {  	s6 =	sld [smem:$0x3FA4]  }
0x2c: {  	s7 =	sld [smem:$0x3FA5]  }
0x2d: {  	s3 =	simm.s32 $0x108;
	s8 =	sld [smem:$0x3FA6]  }
0x2e: {  	s3 =	simm.s32 @!p0 $0x1082;
	s9 =	sld [smem:$0x3FA7]  }
0x2f: {  	lr =	sadd.s32 s0, s3;
	s0 =	sld [smem:$0x3F9E]  }
0x30: {  	s3 =	sld [smem:$0x3FA1]  }
0x31: {  	[smem:$0x3FAA] =	sst s10  }
0x32: {  	s10 =	sld [smem:$0x3FA8];
	_ =	sdelay $0x3  }
0x33: {  	p0 =	seq.s32 s10, $0x1;
	s10 =	sld [smem:$0x3FAA];
	_ =	sdelay $0x3  }
0x34: {  	[smem:$0x3FAA] =	sst s10  }
0x35: {  	s10 =	sld [smem:$0x3FA9];
	_ =	sdelay $0x3  }
0x36: {  	p1 =	seq.s32 s10, $0x1;
	s10 =	sld [smem:$0x3FAA];
	_ =	sdelay $0x3  }
0x37: {  	[smem:$0x3FAA] =	sst s10  }
0x38: {  	s10 =	sld [smem:$0x3FAB]  }
0x39: {  	_ = 	snop;
	(pc) =	sbr.ind lr, $3  }
0x3a: {  	_ = 	snop  }
0x3b: {  	_ = 	snop  }
0x3c: {  	p2 =	seq.s32 s10, $0x1;
	s10 =	sld [smem:$0x3FAA]  }
0x3d: {  	_ =	shalt  }
0x3e: {  	_ =	shalt  }
0x3f: {  	_ =	shalt  }
0x40: {  	_ =	shalt  }
0x41: {  	_ =	shalt  }
0x42: {  	_ =	shalt  }
0x43: {  	_ =	shalt  }
0x44: {  	_ =	shalt  }
0x45: {  	_ =	shalt  }
0x46: {  	_ =	shalt  }
0x47: {  	_ =	shalt  }
0x48: {  	_ =	shalt  }
0x49: {  	_ =	shalt  }
0x4a: {  	_ =	shalt  }
0x4b: {  	_ =	shalt  }
0x4c: {  	_ =	shalt  }
0x4d: {  	_ =	shalt  }
0x4e: {  	_ =	shalt  }
0x4f: {  	_ =	shalt  }
0x50: {  	_ =	shalt  }
0x51: {  	_ =	shalt  }
0x52: {  	_ =	shalt  }
0x53: {  	_ =	shalt  }
0x54: {  	_ =	shalt  }
0x55: {  	_ =	shalt  }
0x56: {  	_ =	shalt  }
0x57: {  	_ =	shalt  }
0x58: {  	_ =	shalt  }
0x59: {  	_ =	shalt  }
0x5a: {  	_ =	shalt  }
0x5b: {  	_ =	shalt  }
0x5c: {  	_ =	shalt  }
0x5d: {  	_ =	shalt  }
0x5e: {  	_ =	shalt  }
0x5f: {  	_ =	shalt  }
0x60: {  	_ =	shalt  }
0x61: {  	_ =	shalt  }
0x62: {  	_ =	shalt  }
0x63: {  	_ =	shalt  }
0x64: {  	_ =	shalt  }
0x65: {  	_ =	shalt  }
0x66: {  	_ =	shalt  }
0x67: {  	_ =	shalt  }
0x68: {  	_ =	shalt  }
0x69: {  	_ =	shalt  }
0x6a: {  	_ =	shalt  }
0x6b: {  	_ =	shalt  }
0x6c: {  	_ =	shalt  }
0x6d: {  	_ =	shalt  }
0x6e: {  	_ =	shalt  }
0x6f: {  	_ =	shalt  }
0x70: {  	_ =	shalt  }
0x71: {  	_ =	shalt  }
0x72: {  	_ =	shalt  }
0x73: {  	_ =	shalt  }
0x74: {  	_ =	shalt  }
0x75: {  	_ =	shalt  }
0x76: {  	_ =	shalt  }
0x77: {  	_ =	shalt  }
0x78: {  	_ =	shalt  }
0x79: {  	_ =	shalt  }
0x7a: {  	_ =	shalt  }
0x7b: {  	_ =	shalt  }
0x7c: {  	_ =	shalt  }
0x7d: {  	_ =	shalt  }
0x7e: {  	_ =	shalt  }
0x7f: {  	_ =	shalt  }
0x80: {  	_ =	shalt  }
0x81: {  	_ =	shalt  }
0x82: {  	_ =	shalt  }
0x83: {  	_ =	shalt  }
0x84: {  	_ =	shalt  }
0x85: {  	_ =	shalt  }
0x86: {  	_ =	shalt  }
0x87: {  	_ =	shalt  }
.Lfunc_end0:
.L_simem_size_0:
called_computation.1_lowered:
.L_overlay_start_0:
0x88: {  	s2 =	sld [smem:$0x3FD9]  }
0x89: {  	s3 =	sld [smem:$0x3FFE];
	_ =	sdelay $0x1  }
0x8a: {  	s1 =	srdreg.scid  }
0x8b: {  	s0 =	sand.u32 $0x1, s1  }
0x8c: {  	s17 =	sshll.u32 s0, $0xA;
	s2 =	sadd.s32 s3, s2  }
0x8d: {  	s2 =	sadd.s32 s2, s17  }
0x8e: {  	[smem:$0x3FB6] =	sst s2  }
0x8f: {  	_ = 	snop  }
0x90: {  	s2 =	sld [smem:$0x3FD0];
	(tm) =	ssettm $0x1  }
0x91: {  	s18 =	sld [smem:$0x3FFB];
	_ =	sdelay $0x3  }
0x92: {  	_ =	strace s18  }
0x93: {  	s3 =	sld [smem:$0x3FFC];
	_ =	sdelay $0x3  }
0x94: {  	_ =	strace s3  }
0x95: {  	s3 =	sld [smem:$0x3FFD];
	_ =	sdelay $0x3  }
0x96: {  	_ =	strace s3  }
0x97: {  	_ =	strace $0x8FFFFFFF  }
0x98: {  	s19 =	sld [smem:$0x3FDB];
	_ =	sdelay $0x1  }
0x99: {  	s4 =	simm.s32 $_scs_section_size  }
0x9a: {  	s5 =	simm.s32 $_size__tile_overlayer_lowered;
	s6 =	simm.s32 $_tile_overlayer_lowered  }
0x9b: {  	s22 =	simm.s32 $0x1BFF;
	s21 =	sshll.u32 s6, $0x1;
	s3 =	sadd.s32 s4, s19  }
0x9c: {  	s7 =	simm.s32 $0x0;
	s20 =	sshll.u32 s5, $0x1;
	s5 =	sadd.s32 s21, s3  }
0x9d: {  	[timem:s7], [sflag:s22] =	dma.local [hbm:s5], s20  }
0x9e: {  	_ =	swait.ge [sflag:s22], s20  }
0x9f: {  	s4 =	ssub.s32 $0x0, s20;
	[sflag:s22] =	ssyncset.done $0x0  }
0xa0: {  	[sflag:s22] =	ssyncadd.s32 s4;
	_ =	sdelay $0x1  }
0xa1: {  	s23 =	simm.s32 $0x1B8B  }
0xa2: {  	_ =	swait.ge [sflag:s23], $0x1  }
0xa3: {  	[sflag:s23] =	ssyncset.done $0x0  }
0xa4: {  	s25 =	simm.s32 $0x1B8E;
	s24 =	sld [smem:$0x3FFE];
	[sflag:s23] =	ssyncadd.s32 $0xFFFFFFFF  }
0xa5: {  	s26 =	simm.s32 $execute0_lowered;
	[smem:$0x3FD2] =	sst s25  }
0xa6: {  	s5 =	sshll.u32 s26, $0x1;
	_ =	strace $0x80000049;
	[dreg:$0x1] =	wrdreg $0xFFFFFFFF  }
0xa7: {  	s28 =	simm.s32 $_size_execute0_lowered;
	s3 =	sadd.s32 s3, s5;
	[dreg:$0x0] =	wrdreg $0x0  }
0xa8: {  	s5 =	sshll.u32 s28, $0x1;
	[dreg:$0x2] =	wrdreg s3  }
0xa9: {  	[dreg:$0x3] =	wrdreg s5  }
0xaa: {  	[dreg:$0x4] =	wrdreg $0xC0  }
0xab: {  	_ =	task [dreg:s7], $0x5FFFF  }
0xac: {  	[dreg:$0x1] =	wrdreg $0xFFFFFFFF  }
0xad: {  	[dreg:$0x0] =	wrdreg $0x60  }
0xae: {  	[dreg:$0x2] =	wrdreg s24  }
0xaf: {  	[dreg:$0x3] =	wrdreg s2  }
0xb0: {  	[dreg:$0x4] =	wrdreg $0x7B200  }
0xb1: {  	[dreg:$0x5] =	wrdreg $0x1BB200  }
0xb2: {  	[dreg:$0x6] =	wrdreg $0x9  }
0xb3: {  	_ =	task.clear_ibuf [dreg:s7], $0x7FFFF;
	_ =	strace $0x90000049  }
0xb4: {  	s29 =	simm.s32 $0x9;
	_ =	strace $0x8000004B  }
0xb5: {  	_ =	swait.ge [sflag:s29], $0x1  }
0xb6: {  	[sflag:s29] =	ssyncadd.s32 $0xFFFFFFFF  }
0xb7: {  	_ =	strace $0x9000004B  }
0xb8: {  	_ =	sfence  }
0xb9: {  	s30 =	sld [smem:$0x0];
	_ =	sdelay $0x2  }
0xba: {  	s31 =	sshll.u32 s1, $0xD;
	s1 =	sshrl.u32 s1, $0x2  }
0xbb: {  	s3 =	sand.u32 $0x4000, s31;
	s1 =	sadd.s32 s1, s30  }
0xbc: {  	s0 =	sor.u32 s3, s0;
	s1 =	sshll.u32 s1, $0x11  }
0xbd: {  	s0 =	sor.u32 s1, s0  }
0xbe: {  	s0 =	sadd.s32 $0x8F2B, s0  }
0xbf: {  	[sflag:s0] =	ssyncadd.remote.s32 $0x1  }
0xc0: {  	_ =	sfence.sel $0xFFFF  }
0xc1: {  	[dreg:$0x0] =	wrdreg $0xFFFFFFFF;
	(pc) =	sbr.abs _section_cstart, $3  }
0xc2: {  	[dreg:$0x1] =	wrdreg $0xFFFFFFFF  }
0xc3: {  	_ =	task.clear_ibuf [dreg:s7], $0x2FFFF;
	_ =	strace $0x9FFFFFFF  }
0xc4: {  	(tm) =	ssettm $0x7FFFFFFF  }
0xc5: {  	_ =	shalt  }
tec
execute0_lowered:
.L_overlay_start_1:
0x0: {  	(tag) =	ssettag $0x1  }
0x1: {  	s0 =	rddreg [dreg:$0x0]  }
0x2: {  	s1 =	rddreg [dreg:$0x1];
	s3 =	srdreg.scid  }
0x3: {  	s2 =	rddreg [dreg:$0x2];
	s13 =	stileid.u32;
	s6 =	simm.s32 $0x0  }
0x4: {  	s28 =	simm.s32 $0x74A0;
	s29 =	simm.s32 $0x18;
	s30 =	simm.s32 $0x14A0  }
0x5: {  	s4 =	sand.u32 $0x1, s3;
	s3 =	rddreg [dreg:$0x3];
	s12 =	smul.u32 $0x2800, s13  }
0x6: {  	[smem:$0x7FF] =	sst s6;
	s6 =	sadd.s32 $0x2CE00, s0;
	s23 =	smul.u32 $0x140, s13  }
0x7: {  	s7 =	sadd.s32 $0x2BA00, s0;
	s5 =	sshll.u32 s4, $0x4;
	s9 =	smul.u32 $0x28000, s4  }
0x8: {  	s10 =	smul.u32 $0x1400, s4;
	s4 =	ssub.s32 $0x2, s4;
	s5 =	sor.u32 s13, s5  }
0x9: {  	_ =	strace $0x8000004A;
	s25 =	sshrl.u32 s4, $0x1;
	s8 =	smul.u32 $0x14A, s5  }
0xa: {  	s5 =	sadd.s32 $0x3A00, s0;
	s9 =	sadd.s32 s9, s0;
	s4 =	ssub.s32 s4, s25  }
0xb: {  	s14 =	smax.u32 s4, $0x1;
	s11 =	sadd.s32 s8, s0;
	s0 =	sadd.s32 s10, s0  }
0xc: {  	s1 =	sadd.s32 s1, s8;
	[dreg:$0x7] =	wrdreg s14;
	s26 =	sadd.s32 $0x2E200, s11  }
0xd: {  	s11 =	sshrl.u32 s12, $0x2;
	[dreg:$0x6] =	wrdreg s1;
	s0 =	sadd.s32 s23, s0  }
0xe: {  	[dreg:$0x5] =	wrdreg s26;
	s10 =	sadd.s32 s11, s3;
	s0 =	sadd.s32 $0x80C00, s0  }
0xf: {  	s31 =	simm.s32 $0x44A0;
	s15 =	sadd.s32 $0x100, s10;
	[dreg:$0x11] =	wrdreg s0  }
0x10: {  	s20 =	smul.u32 $0x50000, s13;
	s16 =	sadd.s32 $0x200, s10;
	[dreg:$0x8] =	wrdreg s15  }
0x11: {  	s4 =	simm.s32 $0x1;
	s17 =	sadd.s32 $0x300, s10;
	[dreg:$0x9] =	wrdreg s16  }
0x12: {  	s8 =	simm.s32 $0x2;
	s18 =	sadd.s32 $0x400, s10;
	[dreg:$0xa] =	wrdreg s17  }
0x13: {  	s1 =	sshrl.u32 s20, $0x2;
	s19 =	sadd.s32 $0x500, s10;
	[dreg:$0xb] =	wrdreg s18  }
0x14: {  	s26 =	sadd.s32 s12, s9;
	s21 =	sadd.s32 $0x600, s10;
	[dreg:$0xc] =	wrdreg s19  }
0x15: {  	s9 =	simm.s32 $0x0;
	s22 =	sadd.s32 $0x700, s10;
	[dreg:$0xd] =	wrdreg s21  }
0x16: {  	s24 =	sadd.s32 $0x800, s10;
	s25 =	sadd.s32 $0x900, s10;
	[dreg:$0xe] =	wrdreg s22  }
0x17: {  	s23 =	sadd.s32 $0x30C00, s26;
	s26 =	simm.s32 $0x7920;
	[dreg:$0xf] =	wrdreg s24  }
0x18: {  	v0 =	vimm.f32 $0.0e+00;
	v1 =	vimm.s32 $0x0;
	s0 =	simm.s32 $0x7620;
	[dreg:$0x10] =	wrdreg s25;
	s21 =	sadd.s32 s1, s2  }
0x19: {  	v2 =	vimm.s32 $0x1;
	v3 =	vimm.s32 $0x2;
	v4 =	vimm.s32 $0x3;
	s24 =	simm.s32 $0x4;
	s25 =	simm.s32 $0x77A0;
	s1 =	simm.s32 $0x3  }
.LBB2_1:
0x1a: {  	s11 =	simm.s32 $0x0;
	s12 =	rddreg [dreg:$0x5]  }
0x1b: {  	[tilespmem:s11], [sflag:$0x4] =	stream.linear.gather [hbm4b:s12+s11], $0xA50, $0x38;
	[tilespmem:$0x1C520] =	vst v63  }
0x1c: {  	_ =	swait.ge [sflag:s24], $0xA50  }
0x1d: {  	[sflag:s24] =	ssyncset.done $0x0  }
0x1e: {  	s13 =	simm.s32 $0xA50;
	s20 =	rddreg [dreg:$0x6];
	[sflag:s24] =	ssyncadd.s32 $0xFFFFF5B0  }
0x1f: {  	[tilespmem:s13], [sflag:$0x4] =	stream.linear.gather [hbm4b:s20+s11], $0xA50, $0x38;
	[tilespmem:$0x1C520] =	vst v63  }
0x20: {  	_ =	swait.ge [sflag:s24], $0xA50  }
0x21: {  	[sflag:s24] =	ssyncset.done $0x0  }
0x22: {  	[sflag:s24] =	ssyncadd.s32 $0xFFFFF5B0  }
0x23: {  	[tilespmem:$0x7920] =	vst v0  }
0x24: {  	[tilespmem:$0x7930] =	vst v0  }
0x25: {  	[tilespmem:$0x7940] =	vst v0  }
0x26: {  	[tilespmem:$0x7950] =	vst v0  }
0x27: {  	[tilespmem:$0x7960] =	vst v0  }
0x28: {  	[tilespmem:$0x7970] =	vst v0  }
0x29: {  	[tilespmem:$0x7980] =	vst v0  }
0x2a: {  	[tilespmem:$0x7990] =	vst v0  }
0x2b: {  	[tilespmem:$0x79A0] =	vst v0  }
0x2c: {  	[tilespmem:$0x79B0] =	vst v0  }
0x2d: {  	[tilespmem:$0x79C0] =	vst v0  }
0x2e: {  	[tilespmem:$0x79D0] =	vst v0  }
0x2f: {  	[tilespmem:$0x79E0] =	vst v0  }
0x30: {  	[tilespmem:$0x79F0] =	vst v0  }
0x31: {  	[tilespmem:$0x7A00] =	vst v0  }
0x32: {  	[tilespmem:$0x7A10] =	vst v0  }
0x33: {  	[tilespmem:$0x7A20] =	vst v0  }
0x34: {  	[tilespmem:$0x7A30] =	vst v0  }
0x35: {  	[tilespmem:$0x7A40] =	vst v0  }
0x36: {  	[tilespmem:$0x7A50] =	vst v0  }
0x37: {  	[tilespmem:$0x7A60] =	vst v0  }
0x38: {  	[tilespmem:$0x7A70] =	vst v0  }
0x39: {  	[tilespmem:$0x7A80] =	vst v0  }
0x3a: {  	[tilespmem:$0x7A90] =	vst v0  }
0x3b: {  	[tilespmem:$0x7AA0] =	vst v0  }
0x3c: {  	[tilespmem:$0x7AB0] =	vst v0  }
0x3d: {  	[tilespmem:$0x7AC0] =	vst v0  }
0x3e: {  	[tilespmem:$0x7AD0] =	vst v0  }
0x3f: {  	[tilespmem:$0x7AE0] =	vst v0  }
0x40: {  	[tilespmem:$0x7AF0] =	vst v0  }
0x41: {  	[tilespmem:$0x7B00] =	vst v0  }
0x42: {  	[tilespmem:$0x7B10] =	vst v0  }
0x43: {  	[tilespmem:$0x74A0] =	vst v0  }
0x44: {  	[tilespmem:$0x74B0] =	vst v0  }
0x45: {  	[tilespmem:$0x74C0] =	vst v0  }
0x46: {  	[tilespmem:$0x74D0] =	vst v0  }
0x47: {  	[tilespmem:$0x74E0] =	vst v0  }
0x48: {  	[tilespmem:$0x74F0] =	vst v0  }
0x49: {  	[tilespmem:$0x7500] =	vst v0  }
0x4a: {  	[tilespmem:$0x7510] =	vst v0  }
0x4b: {  	[tilespmem:$0x7520] =	vst v0  }
0x4c: {  	[tilespmem:$0x7530] =	vst v0  }
0x4d: {  	[tilespmem:$0x7540] =	vst v0  }
0x4e: {  	[tilespmem:$0x7550] =	vst v0  }
0x4f: {  	[tilespmem:$0x7560] =	vst v0  }
0x50: {  	[tilespmem:$0x7570] =	vst v0  }
0x51: {  	[tilespmem:$0x7580] =	vst v0  }
0x52: {  	[tilespmem:$0x7590] =	vst v0  }
0x53: {  	[tilespmem:$0x75A0] =	vst v0  }
0x54: {  	[tilespmem:$0x75B0] =	vst v0  }
0x55: {  	[tilespmem:$0x75C0] =	vst v0  }
0x56: {  	[tilespmem:$0x75D0] =	vst v0  }
0x57: {  	[tilespmem:$0x75E0] =	vst v0  }
0x58: {  	[tilespmem:$0x75F0] =	vst v0  }
0x59: {  	[tilespmem:$0x7600] =	vst v0  }
0x5a: {  	s22 =	sadd.s32 $0x0, s21;
	[tilespmem:$0x7610] =	vst v0  }
0x5b: {  	[spmem:s22] =	stream.linear.scatter [tilespmem:s26], [sflag:$0x4], $0x200, $0x38;
	[tilespmem:$0x1C520] =	vst v63  }
0x5c: {  	s11 =	simm.s32 $0x800;
	_ =	swait.ge [sflag:s24], $0x200  }
.LBB2_2:
0x5d: {  	s12 =	sshra.s32 s11, $0x2;
	[sflag:s24] =	ssyncset.done $0x0;
	p0 =	sne.s32 s11, $0x4F800  }
.Ltmp0:
0x5e: {  	s12 =	sadd.s32 s12, s21;
	[sflag:s24] =	ssyncadd.s32 $0xFFFFFE00;
	(pc) =	sbr.rel @p0 .LBB2_2-.Ltmp0, $3  }
0x5f: {  	[spmem:s12] =	stream.linear.scatter [tilespmem:s26], [sflag:$0x4], $0x200, $0x38;
	[tilespmem:$0x1C520] =	vst v63  }
0x60: {  	s11 =	sadd.s32 $0x800, s11;
	_ =	sdelay $0x1  }
0x61: {  	_ =	swait.ge [sflag:s24], $0x200  }
0x62: {  	[sflag:s24] =	ssyncset.done $0x0  }
0x63: {  	[sflag:s24] =	ssyncadd.s32 $0xFFFFFE00  }
0x64: {  	[spmem:s10] =	stream.linear.scatter [tilespmem:s28], [sflag:$0x4], $0x100, $0x38;
	[tilespmem:$0x1C520] =	vst v63  }
0x65: {  	_ =	swait.ge [sflag:s24], $0x100  }
0x66: {  	[sflag:s24] =	ssyncset.done $0x0  }
0x67: {  	s11 =	rddreg [dreg:$0x8];
	[sflag:s24] =	ssyncadd.s32 $0xFFFFFF00  }
0x68: {  	[spmem:s11] =	stream.linear.scatter [tilespmem:s28], [sflag:$0x4], $0x100, $0x38;
	[tilespmem:$0x1C520] =	vst v63  }
0x69: {  	_ =	swait.ge [sflag:s24], $0x100  }
0x6a: {  	[sflag:s24] =	ssyncset.done $0x0  }
0x6b: {  	s14 =	rddreg [dreg:$0x9];
	[sflag:s24] =	ssyncadd.s32 $0xFFFFFF00  }
0x6c: {  	[spmem:s14] =	stream.linear.scatter [tilespmem:s28], [sflag:$0x4], $0x100, $0x38;
	[tilespmem:$0x1C520] =	vst v63  }
0x6d: {  	_ =	swait.ge [sflag:s24], $0x100  }
0x6e: {  	[sflag:s24] =	ssyncset.done $0x0  }
0x6f: {  	s15 =	rddreg [dreg:$0xa];
	[sflag:s24] =	ssyncadd.s32 $0xFFFFFF00  }
0x70: {  	[spmem:s15] =	stream.linear.scatter [tilespmem:s28], [sflag:$0x4], $0x100, $0x38;
	[tilespmem:$0x1C520] =	vst v63  }
0x71: {  	_ =	swait.ge [sflag:s24], $0x100  }
0x72: {  	[sflag:s24] =	ssyncset.done $0x0  }
0x73: {  	s16 =	rddreg [dreg:$0xb];
	[sflag:s24] =	ssyncadd.s32 $0xFFFFFF00  }
0x74: {  	[spmem:s16] =	stream.linear.scatter [tilespmem:s28], [sflag:$0x4], $0x100, $0x38;
	[tilespmem:$0x1C520] =	vst v63  }
0x75: {  	_ =	swait.ge [sflag:s24], $0x100  }
0x76: {  	[sflag:s24] =	ssyncset.done $0x0  }
0x77: {  	s17 =	rddreg [dreg:$0xc];
	[sflag:s24] =	ssyncadd.s32 $0xFFFFFF00  }
0x78: {  	[spmem:s17] =	stream.linear.scatter [tilespmem:s28], [sflag:$0x4], $0x100, $0x38;
	[tilespmem:$0x1C520] =	vst v63  }
0x79: {  	_ =	swait.ge [sflag:s24], $0x100  }
0x7a: {  	[sflag:s24] =	ssyncset.done $0x0  }
0x7b: {  	s18 =	rddreg [dreg:$0xd];
	[sflag:s24] =	ssyncadd.s32 $0xFFFFFF00  }
0x7c: {  	[spmem:s18] =	stream.linear.scatter [tilespmem:s28], [sflag:$0x4], $0x100, $0x38;
	[tilespmem:$0x1C520] =	vst v63  }
0x7d: {  	_ =	swait.ge [sflag:s24], $0x100  }
0x7e: {  	[sflag:s24] =	ssyncset.done $0x0  }
0x7f: {  	s19 =	rddreg [dreg:$0xe];
	[sflag:s24] =	ssyncadd.s32 $0xFFFFFF00  }
0x80: {  	[spmem:s19] =	stream.linear.scatter [tilespmem:s28], [sflag:$0x4], $0x100, $0x38;
	[tilespmem:$0x1C520] =	vst v63  }
0x81: {  	_ =	swait.ge [sflag:s24], $0x100  }
0x82: {  	[sflag:s24] =	ssyncset.done $0x0  }
0x83: {  	s20 =	rddreg [dreg:$0xf];
	[sflag:s24] =	ssyncadd.s32 $0xFFFFFF00  }
0x84: {  	[spmem:s20] =	stream.linear.scatter [tilespmem:s28], [sflag:$0x4], $0x100, $0x38;
	[tilespmem:$0x1C520] =	vst v63  }
0x85: {  	_ =	swait.ge [sflag:s24], $0x100  }
0x86: {  	[sflag:s24] =	ssyncset.done $0x0  }
0x87: {  	s22 =	rddreg [dreg:$0x10];
	[sflag:s24] =	ssyncadd.s32 $0xFFFFFF00  }
0x88: {  	[spmem:s22] =	stream.linear.scatter [tilespmem:s28], [sflag:$0x4], $0x100, $0x38;
	[tilespmem:$0x1C520] =	vst v63  }
0x89: {  	_ =	swait.ge [sflag:s24], $0x100  }
0x8a: {  	[sflag:s24] =	ssyncset.done $0x0  }
0x8b: {  	[sflag:s24] =	ssyncadd.s32 $0xFFFFFF00  }
0x8c: {  	s11 =	simm.s32 $0x0;
	[bflag:$0x0] =	sbarrier.arrive $0xFFFF  }
0x8d: {  	[tilespmem:s30], [sflag:$0x1] =	stream.indirect.gather [hbm4b:s5+s29], $0x200, s11, s29, $0xb8;
	[tilespmem:$0x1C520] =	vst v63  }
.LBB2_4:
0x8e: {  	s13 =	smul.u32 $0x30, s11;
	_ =	sdelay $0x1  }
0x8f: {  	s12 =	sadd.s32 $0x18, s13  }
0x90: {  	[tilespmem:s31], [sflag:$0x2] =	stream.indirect.gather [hbm4b:s5+s29], $0x200, s12, s29, $0xb8;
	[tilespmem:$0x1C520] =	vst v63  }
0x91: {  	_ = 	snop  }
0x92: {  	[tilespmem:s0], [sflag:$0x3] =	stream.indirect.gather [hbm4b:s6+s29], $0x10, s13, s29, $0xb8;
	[tilespmem:$0x1C520] =	vst v63  }
0x93: {  	s13 =	sadd.s32 $0xA50, s13  }
0x94: {  	[tilespmem:s25], [sflag:$0x3] =	stream.indirect.gather [hbm4b:s7+s29], $0x10, s13, s29, $0xb8;
	[tilespmem:$0x1C520] =	vst v63  }
0x95: {  	_ =	swait.ge [sflag:s1], $0x180  }
0x96: {  	[sflag:s1] =	ssyncset.done $0x0  }
0x97: {  	[sflag:s1] =	ssyncadd.s32 $0xFFFFFE80  }
0x98: {  	_ =	swait.ge [sflag:s1], $0x180  }
0x99: {  	[sflag:s1] =	ssyncset.done $0x0  }
0x9a: {  	s14 =	simm.s32 $0x0;
	[sflag:s1] =	ssyncadd.s32 $0xFFFFFE80  }
0x9b: {  	v5 =	vld [tilespmem:s14+$0x7620]  }
0x9c: {  	v6 =	vld [tilespmem:s14+$0x77A0];
	_ =	sdelay $0x4  }
0x9d: {  	v5 =	vadd.f32 v6, v5;
	_ =	sdelay $0x1  }
0x9e: {  	s15 =	simm.s32 $0x10;
	v6 =	vmul.f32 $2.000000030e-01, v5  }
0x9f: {  	v7 =	vld [tilespmem:s15+$0x7620]  }
0xa0: {  	v8 =	vld [tilespmem:s15+$0x77A0];
	v5 =	vmax.f32 v5, v6  }
0xa1: {  	s17 =	simm.s32 $0x20;
	v5 =	vmul.f32 $1.442695020e+00, v5  }
0xa2: {  	v6 =	vld [tilespmem:s17+$0x7620]  }
0xa3: {  	(erf) = vpow2.f32 v5;
	v5 =	vld [tilespmem:s17+$0x77A0];
	_ =	sdelay $0x1  }
0xa4: {  	v7 =	vadd.f32 v8, v7;
	_ =	sdelay $0x1  }
0xa5: {  	v8 =	vmul.f32 $2.000000030e-01, v7  }
0xa6: {  	v9 =	vadd.f32 v5, v6  }
0xa7: {  	v5 =	vmax.f32 v7, v8  }
0xa8: {  	s16 =	simm.s32 $0x30;
	v6 =	vmul.f32 $1.442695020e+00, v5;
	v7 =	vmul.f32 $2.000000030e-01, v9  }
0xa9: {  	v5 =	vld [tilespmem:s16+$0x7620]  }
0xaa: {  	(erf) = vpow2.f32 v6;
	v6 =	vld [tilespmem:s16+$0x77A0];
	_ =	sdelay $0x1  }
0xab: {  	s18 =	simm.s32 $0x100;
	v8 =	vmax.f32 v9, v7;
	v7 =	vpop (erf)  }
.LBB2_5:
0xac: {  	s19 =	sshra.s32 s18, $0x2  }
0xad: {  	v8 =	vmul.f32 $1.442695020e+00, v8;
	[tilespmem:s14+$0x74A0] =	vst v7;
	s14 =	smov.u32 s15;
	s15 =	smov.u32 s17;
	p0 =	sne.s32 s18, $0x5C0  }
.Ltmp1:
0xae: {  	s18 =	sadd.s32 $0x40, s18;
	v7 =	vadd.f32 v6, v5;
	v5 =	vld [tilespmem:s19+$0x7620];
	(pc) =	sbr.rel @p0 .LBB2_5-.Ltmp1, $3  }
0xaf: {  	s17 =	smov.u32 s16;
	s16 =	smov.u32 s19;
	v6 =	vld [tilespmem:s19+$0x77A0];
	(erf) = vpow2.f32 v8  }
0xb0: {  	v8 =	vmul.f32 $2.000000030e-01, v7;
	_ =	sdelay $0x1  }
0xb1: {  	v8 =	vmax.f32 v7, v8;
	v7 =	vpop (erf)  }
0xb2: {  	_ = 	snop  }
0xb3: {  	v5 =	vadd.f32 v6, v5;
	_ =	sdelay $0x1  }
0xb4: {  	v6 =	vmul.f32 $2.000000030e-01, v5;
	_ =	sdelay $0x1  }
0xb5: {  	v8 =	vmul.f32 $1.442695020e+00, v8;
	v5 =	vmax.f32 v5, v6  }
0xb6: {  	v5 =	vmul.f32 $1.442695020e+00, v5  }
0xb7: {  	(erf) = vpow2.f32 v8  }
0xb8: {  	(erf) = vpow2.f32 v5;
	_ =	sdelay $0x6  }
0xb9: {  	[tilespmem:s14+$0x74A0] =	vst v7;
	v5 =	vpop (erf)  }
0xba: {  	[tilespmem:s15+$0x74A0] =	vst v5;
	v5 =	vpop (erf)  }
0xbb: {  	[tilespmem:s17+$0x74A0] =	vst v5;
	v5 =	vpop (erf)  }
0xbc: {  	[tilespmem:s16+$0x74A0] =	vst v5  }
0xbd: {  	_ =	swait.ge [sflag:s4], $0x3000  }
0xbe: {  	[sflag:s4] =	ssyncset.done $0x0  }
0xbf: {  	s14 =	simm.s32 $0x15A0;
	[sflag:s4] =	ssyncadd.s32 $0xFFFFD000  }
0xc0: {  	v5 =	vld [tilespmem:s14+$0xFFFFFFF0]  }
0xc1: {  	v8 =	vld [tilespmem:s14+$0x90]  }
0xc2: {  	v12 =	vld [tilespmem:s14+$0xD0]  }
0xc3: {  	v9 =	vld [tilespmem:s14+$0x10]  }
0xc4: {  	v18 =	vld [tilespmem:s14+$0xA0]  }
0xc5: {  	v30 =	vld [tilespmem:s14+$0xE0]  }
0xc6: {  	v27 =	vld [tilespmem:s14+$0x80]  }
0xc7: {  	v10 =	vld [tilespmem:s14+$0x40]  }
0xc8: {  	v6 =	vld [tilespmem:s14+$0xB0]  }
0xc9: {  	v20 =	vld [tilespmem:s14+$0xF0]  }
0xca: {  	v23 =	vld [tilespmem:s14+$0xC0]  }
0xcb: {  	v28 =	vld [tilespmem:s14+$0xFFFFFF80]  }
0xcc: {  	v21 =	vld [tilespmem:s14+$0xFFFFFF00]  }
0xcd: {  	v11 =	vld [tilespmem:s14+$0x30]  }
0xce: {  	s22 =	simm.s32 $0x0;
	v16 =	vld [tilespmem:s14+$0x0]  }
0xcf: {  	v13 =	vld [tilespmem:s22+$0x74A0]  }
0xd0: {  	v26 =	vld [tilespmem:s14+$0xFFFFFFA0]  }
0xd1: {  	v14 =	vld [tilespmem:s14+$0x70]  }
0xd2: {  	v19 =	vld [tilespmem:s14+$0xFFFFFF20]  }
0xd3: {  	v24 =	vld [tilespmem:s14+$0xFFFFFFD0]  }
0xd4: {  	v25 =	vld [tilespmem:s14+$0xFFFFFF90];
	v7 =	vperm.xlane v13, v1;
	v15 =	vperm.xlane v13, v4  }
0xd5: {  	v22 =	vld [tilespmem:s14+$0x60];
	v17 =	vperm.xlane v13, v2;
	v13 =	vperm.xlane v13, v3  }
0xd6: {  	v31 =	vmul.f32 v21, v7;
	v21 =	vld [tilespmem:s14+$0x50];
	v29 =	vmul.f32 v27, v15  }
0xd7: {  	s15 =	simm.s32 $0x40;
	s16 =	simm.s32 $0x15A0;
	v28 =	vmul.f32 v28, v17;
	v27 =	vld [tilespmem:s14+$0xFFFFFFC0];
	v30 =	vmul.f32 v30, v15  }
.LBB2_7:
0xd8: {  	p0 =	sne.s32 s15, $0x5C0  }
0xd9: {  	[tilespmem:s14+$0xFFFFFF00] =	vst v31;
	v31 =	vld [tilespmem:s14+$0xFFFFFF40];
	v26 =	vmul.f32 v26, v17;
	v23 =	vmul.f32 v23, v15;
	s16 =	sadd.s32 $0x200, s16;
	s17 =	smov.u32 s15;
	s15 =	sadd.s32 $0x40, s15  }
0xda: {  	v20 =	vmul.f32 v20, v15;
	v32 =	vld [tilespmem:s14+$0xFFFFFF10];
	v25 =	vmul.f32 v25, v17;
	[tilespmem:s14+$0x80] =	vst v29  }
0xdb: {  	v24 =	vmul.f32 v24, v17;
	v29 =	vld [tilespmem:s14+$0xFFFFFFE0];
	v22 =	vmul.f32 v22, v13;
	[tilespmem:s14+$0xE0] =	vst v30  }
0xdc: {  	v18 =	vmul.f32 v18, v15;
	[tilespmem:s14+$0xFFFFFF80] =	vst v28;
	v28 =	vld [tilespmem:s14+$0xFFFFFFB0];
	v21 =	vmul.f32 v21, v13  }
0xdd: {  	v19 =	vmul.f32 v19, v7;
	v30 =	vld [tilespmem:s14+$0xFFFFFF30];
	v27 =	vmul.f32 v27, v17;
	[tilespmem:s14+$0xC0] =	vst v23  }
0xde: {  	v33 =	vmul.f32 v5, v17;
	v10 =	vmul.f32 v10, v13;
	v23 =	vld [tilespmem:s14+$0xFFFFFF60];
	[tilespmem:s14+$0xF0] =	vst v20  }
0xdf: {  	v5 =	vmul.f32 v12, v15;
	v32 =	vmul.f32 v32, v7;
	v20 =	vld [tilespmem:s14+$0xFFFFFF50];
	[tilespmem:s14+$0xA0] =	vst v18  }
0xe0: {  	v8 =	vmul.f32 v8, v15;
	[tilespmem:s14+$0xFFFFFFC0] =	vst v27;
	v27 =	vmul.f32 v29, v17;
	v12 =	vld [tilespmem:s14+$0x20]  }
0xe1: {  	v9 =	vmul.f32 v9, v13;
	v18 =	vld [tilespmem:s14+$0xFFFFFF70];
	v17 =	vmul.f32 v28, v17;
	[tilespmem:s14+$0xD0] =	vst v5  }
0xe2: {  	v16 =	vmul.f32 v16, v13;
	v14 =	vmul.f32 v14, v13;
	v5 =	vld [tilespmem:s16+$0xFFFFFFF0];
	[tilespmem:s14+$0x90] =	vst v8  }
0xe3: {  	v29 =	vmul.f32 v31, v7;
	v28 =	vmul.f32 v30, v7;
	[tilespmem:s14+$0xFFFFFFA0] =	vst v26  }
0xe4: {  	v30 =	vmul.f32 v23, v7;
	v26 =	vmul.f32 v20, v7;
	[tilespmem:s14+$0x10] =	vst v9  }
0xe5: {  	v9 =	vmul.f32 v11, v13;
	[tilespmem:s14+$0xFFFFFFF0] =	vst v33;
	v20 =	vmul.f32 v12, v13  }
0xe6: {  	v6 =	vmul.f32 v6, v15;
	v7 =	vmul.f32 v18, v7;
	[tilespmem:s14+$0xFFFFFF90] =	vst v25  }
0xe7: {  	[tilespmem:s14+$0xFFFFFFD0] =	vst v24  }
0xe8: {  	[tilespmem:s14+$0x0] =	vst v16  }
0xe9: {  	[tilespmem:s14+$0xFFFFFF20] =	vst v19  }
0xea: {  	[tilespmem:s14+$0xB0] =	vst v6  }
0xeb: {  	v8 =	vld [tilespmem:s16+$0x90];
	[tilespmem:s14+$0x30] =	vst v9  }
0xec: {  	v12 =	vld [tilespmem:s16+$0xD0];
	[tilespmem:s14+$0xFFFFFF70] =	vst v7  }
0xed: {  	v9 =	vld [tilespmem:s16+$0x10];
	[tilespmem:s14+$0x60] =	vst v22  }
0xee: {  	v18 =	vld [tilespmem:s16+$0xA0];
	[tilespmem:s14+$0x70] =	vst v14  }
0xef: {  	v33 =	vld [tilespmem:s16+$0xE0];
	[tilespmem:s14+$0x50] =	vst v21  }
0xf0: {  	v34 =	vld [tilespmem:s16+$0x80];
	[tilespmem:s14+$0x40] =	vst v10  }
0xf1: {  	v10 =	vld [tilespmem:s16+$0x40];
	[tilespmem:s14+$0x20] =	vst v20  }
0xf2: {  	v6 =	vld [tilespmem:s16+$0xB0];
	[tilespmem:s14+$0xFFFFFF40] =	vst v29  }
0xf3: {  	v20 =	vld [tilespmem:s16+$0xF0];
	[tilespmem:s14+$0xFFFFFFB0] =	vst v17  }
0xf4: {  	v23 =	vld [tilespmem:s16+$0xC0];
	[tilespmem:s14+$0xFFFFFF30] =	vst v28  }
0xf5: {  	v28 =	vld [tilespmem:s16+$0xFFFFFF80];
	[tilespmem:s14+$0xFFFFFFE0] =	vst v27  }
0xf6: {  	v21 =	vld [tilespmem:s16+$0xFFFFFF00];
	[tilespmem:s14+$0xFFFFFF10] =	vst v32  }
0xf7: {  	v11 =	vld [tilespmem:s16+$0x30];
	[tilespmem:s14+$0xFFFFFF60] =	vst v30  }
0xf8: {  	s17 =	sshra.s32 s17, $0x2;
	v16 =	vld [tilespmem:s16+$0x0];
	[tilespmem:s14+$0xFFFFFF50] =	vst v26;
	s14 =	smov.u32 s16  }
0xf9: {  	v13 =	vld [tilespmem:s17+$0x74A0]  }
0xfa: {  	v26 =	vld [tilespmem:s16+$0xFFFFFFA0]  }
0xfb: {  	v14 =	vld [tilespmem:s16+$0x70]  }
0xfc: {  	v19 =	vld [tilespmem:s16+$0xFFFFFF20]  }
.Ltmp2:
0xfd: {  	v24 =	vld [tilespmem:s16+$0xFFFFFFD0];
	(pc) =	sbr.rel @p0 .LBB2_7-.Ltmp2, $4  }
0xfe: {  	v7 =	vperm.xlane v13, v1;
	v25 =	vld [tilespmem:s16+$0xFFFFFF90];
	v15 =	vperm.xlane v13, v4  }
0xff: {  	v17 =	vperm.xlane v13, v2;
	v13 =	vperm.xlane v13, v3;
	v22 =	vld [tilespmem:s16+$0x60]  }
0x100: {  	v31 =	vmul.f32 v21, v7;
	v21 =	vld [tilespmem:s16+$0x50];
	v29 =	vmul.f32 v34, v15  }
0x101: {  	v28 =	vmul.f32 v28, v17;
	v30 =	vmul.f32 v33, v15;
	v27 =	vld [tilespmem:s16+$0xFFFFFFC0]  }
0x102: {  	[tilespmem:s14+$0xFFFFFF00] =	vst v31  }
0x103: {  	[tilespmem:s14+$0x80] =	vst v29  }
0x104: {  	v23 =	vmul.f32 v23, v15;
	[tilespmem:s14+$0xE0] =	vst v30  }
0x105: {  	v20 =	vmul.f32 v20, v15;
	[tilespmem:s14+$0xFFFFFF80] =	vst v28  }
0x106: {  	v18 =	vmul.f32 v18, v15;
	[tilespmem:s14+$0xC0] =	vst v23  }
0x107: {  	v12 =	vmul.f32 v12, v15;
	[tilespmem:s14+$0xF0] =	vst v20  }
0x108: {  	v8 =	vmul.f32 v8, v15;
	[tilespmem:s14+$0xA0] =	vst v18  }
0x109: {  	v58 =	vmul.f32 v26, v17;
	[tilespmem:s14+$0xD0] =	vst v12  }
0x10a: {  	v9 =	vmul.f32 v9, v13;
	[tilespmem:s14+$0x90] =	vst v8  }
0x10b: {  	v5 =	vmul.f32 v5, v17;
	[tilespmem:s14+$0xFFFFFFA0] =	vst v58  }
0x10c: {  	v16 =	vmul.f32 v16, v13;
	[tilespmem:s14+$0x10] =	vst v9  }
0x10d: {  	v19 =	vmul.f32 v19, v7;
	[tilespmem:s14+$0xFFFFFFF0] =	vst v5  }
0x10e: {  	v6 =	vmul.f32 v6, v15;
	[tilespmem:s14+$0x0] =	vst v16  }
0x10f: {  	v11 =	vmul.f32 v11, v13;
	[tilespmem:s14+$0xFFFFFF20] =	vst v19  }
0x110: {  	v25 =	vmul.f32 v25, v17;
	[tilespmem:s14+$0xB0] =	vst v6  }
0x111: {  	v9 =	vmul.f32 v24, v17;
	[tilespmem:s14+$0x30] =	vst v11  }
0x112: {  	v59 =	vld [tilespmem:s14+$0xFFFFFF70];
	v6 =	vmul.f32 v22, v13;
	[tilespmem:s14+$0xFFFFFF90] =	vst v25  }
0x113: {  	v60 =	vld [tilespmem:s14+$0xFFFFFF40];
	v11 =	vmul.f32 v14, v13;
	[tilespmem:s14+$0xFFFFFFD0] =	vst v9  }
0x114: {  	v57 =	vld [tilespmem:s14+$0xFFFFFFB0];
	v63 =	vmul.f32 v21, v13;
	[tilespmem:s14+$0x60] =	vst v6  }
0x115: {  	v8 =	vld [tilespmem:s14+$0x20];
	v27 =	vmul.f32 v27, v17;
	[tilespmem:s14+$0x70] =	vst v11  }
0x116: {  	v56 =	vld [tilespmem:s14+$0xFFFFFFE0];
	v6 =	vmul.f32 v10, v13;
	[tilespmem:s14+$0x50] =	vst v63  }
0x117: {  	v5 =	vld [tilespmem:s14+$0xFFFFFF10];
	v12 =	vmul.f32 v59, v7;
	[tilespmem:s14+$0xFFFFFFC0] =	vst v27  }
0x118: {  	v61 =	vld [tilespmem:s14+$0xFFFFFF60];
	v10 =	vmul.f32 v60, v7;
	[tilespmem:s14+$0x40] =	vst v6  }
0x119: {  	v62 =	vld [tilespmem:s14+$0xFFFFFF30];
	v6 =	vmul.f32 v57, v17;
	[tilespmem:s14+$0xFFFFFF70] =	vst v12  }
0x11a: {  	v9 =	vld [tilespmem:s14+$0xFFFFFF50];
	v8 =	vmul.f32 v8, v13;
	[tilespmem:s14+$0xFFFFFF40] =	vst v10  }
0x11b: {  	v10 =	vmul.f32 v56, v17;
	[tilespmem:s14+$0xFFFFFFB0] =	vst v6  }
0x11c: {  	v5 =	vmul.f32 v5, v7;
	[tilespmem:s14+$0x20] =	vst v8  }
0x11d: {  	v6 =	vmul.f32 v61, v7;
	[tilespmem:s14+$0xFFFFFFE0] =	vst v10  }
0x11e: {  	v8 =	vmul.f32 v62, v7;
	[tilespmem:s14+$0xFFFFFF10] =	vst v5  }
0x11f: {  	v7 =	vmul.f32 v9, v7;
	[tilespmem:s14+$0xFFFFFF60] =	vst v6  }
0x120: {  	[tilespmem:s14+$0xFFFFFF30] =	vst v8  }
0x121: {  	[tilespmem:s14+$0xFFFFFF50] =	vst v7  }
0x122: {  	[spmem:s2] =	stream.indirect.scatter.add.f32 [tilespmem:s30], [sflag:$0x4], $0x200, s13, s29, $0xb8;
	[tilespmem:$0x1C520] =	vst v63  }
0x123: {  	_ =	swait.ge [sflag:s24], $0x3000  }
0x124: {  	[sflag:s24] =	ssyncset.done $0x0  }
0x125: {  	p0 =	seq.s32 s11, $0x36;
	[sflag:s24] =	ssyncadd.s32 $0xFFFFD000  }
0x126: {  	[spmem:s3] =	stream.indirect.scatter.add.f32 [tilespmem:s28], [sflag:$0x4], $0x10, s13, s29, $0xb8;
	[tilespmem:$0x1C520] =	vst v63  }
0x127: {  	s13 =	smul.u32 @!p0 $0xC0, s11  }
0x128: {  	_ =	swait.ge [sflag:s24], $0x180  }
0x129: {  	s15 =	simm.s32 @!p0 $0x14A0;
	[sflag:s24] =	ssyncset.done $0x0;
	s13 =	sshra.s32 @!p0 s13, $0x2  }
0x12a: {  	s14 =	simm.s32 @!p0 $0x18;
	[sflag:s24] =	ssyncadd.s32 $0xFFFFFE80;
	s13 =	sadd.s32 @!p0 $0x30, s13  }
0x12b: {  	[tilespmem:s15], [sflag:$0x1] =	stream.indirect.gather @!p0 [hbm4b:s5+s14], $0x200, s13, s14, $0xb8;
	[tilespmem:$0x1C520] =	vst v63  }
0x12c: {  	_ = 	snop  }
0x12d: {  	[tilespmem:s0], [sflag:$0x3] =	stream.indirect.gather [hbm4b:s6+s29], $0x10, s12, s29, $0xb8;
	[tilespmem:$0x1C520] =	vst v63  }
0x12e: {  	s12 =	sadd.s32 $0xA50, s12  }
0x12f: {  	[tilespmem:s25], [sflag:$0x3] =	stream.indirect.gather [hbm4b:s7+s29], $0x10, s12, s29, $0xb8;
	[tilespmem:$0x1C520] =	vst v63  }
0x130: {  	_ =	swait.ge [sflag:s1], $0x180  }
0x131: {  	[sflag:s1] =	ssyncset.done $0x0  }
0x132: {  	[sflag:s1] =	ssyncadd.s32 $0xFFFFFE80  }
0x133: {  	_ =	swait.ge [sflag:s1], $0x180  }
0x134: {  	[sflag:s1] =	ssyncset.done $0x0  }
0x135: {  	s13 =	simm.s32 $0x0;
	[sflag:s1] =	ssyncadd.s32 $0xFFFFFE80  }
0x136: {  	v5 =	vld [tilespmem:s13+$0x7620]  }
0x137: {  	v6 =	vld [tilespmem:s13+$0x77A0];
	_ =	sdelay $0x4  }
0x138: {  	s14 =	simm.s32 $0x10;
	v5 =	vadd.f32 v6, v5  }
0x139: {  	v7 =	vld [tilespmem:s14+$0x7620]  }
0x13a: {  	v8 =	vld [tilespmem:s14+$0x77A0];
	v6 =	vmul.f32 $2.000000030e-01, v5;
	_ =	sdelay $0x1  }
0x13b: {  	v5 =	vmax.f32 v5, v6  }
0x13c: {  	s16 =	simm.s32 $0x20;
	v5 =	vmul.f32 $1.442695020e+00, v5  }
0x13d: {  	v9 =	vld [tilespmem:s16+$0x77A0]  }
0x13e: {  	v6 =	vld [tilespmem:s16+$0x7620];
	(erf) = vpow2.f32 v5;
	v5 =	vadd.f32 v8, v7;
	_ =	sdelay $0x1  }
0x13f: {  	v7 =	vmul.f32 $2.000000030e-01, v5;
	_ =	sdelay $0x1  }
0x140: {  	v5 =	vmax.f32 v5, v7  }
0x141: {  	s15 =	simm.s32 $0x30;
	v8 =	vadd.f32 v9, v6;
	v7 =	vmul.f32 $1.442695020e+00, v5  }
0x142: {  	v6 =	vld [tilespmem:s15+$0x77A0]  }
0x143: {  	v9 =	vmul.f32 $2.000000030e-01, v8;
	v5 =	vld [tilespmem:s15+$0x7620];
	(erf) = vpow2.f32 v7;
	_ =	sdelay $0x1  }
0x144: {  	s17 =	simm.s32 $0x100;
	v8 =	vmax.f32 v8, v9;
	v7 =	vpop (erf)  }
.LBB2_9:
0x145: {  	s18 =	sshra.s32 s17, $0x2  }
0x146: {  	v8 =	vmul.f32 $1.442695020e+00, v8;
	[tilespmem:s13+$0x74A0] =	vst v7;
	s13 =	smov.u32 s14;
	s14 =	smov.u32 s16;
	p0 =	sne.s32 s17, $0x5C0  }
.Ltmp3:
0x147: {  	s17 =	sadd.s32 $0x40, s17;
	v7 =	vadd.f32 v6, v5;
	v5 =	vld [tilespmem:s18+$0x7620];
	(pc) =	sbr.rel @p0 .LBB2_9-.Ltmp3, $3  }
0x148: {  	s16 =	smov.u32 s15;
	s15 =	smov.u32 s18;
	v6 =	vld [tilespmem:s18+$0x77A0];
	(erf) = vpow2.f32 v8  }
0x149: {  	v8 =	vmul.f32 $2.000000030e-01, v7;
	_ =	sdelay $0x1  }
0x14a: {  	v8 =	vmax.f32 v7, v8;
	v7 =	vpop (erf)  }
0x14b: {  	_ = 	snop  }
0x14c: {  	v5 =	vadd.f32 v6, v5;
	_ =	sdelay $0x1  }
0x14d: {  	v6 =	vmul.f32 $2.000000030e-01, v5;
	_ =	sdelay $0x1  }
0x14e: {  	v8 =	vmul.f32 $1.442695020e+00, v8;
	v5 =	vmax.f32 v5, v6  }
0x14f: {  	v5 =	vmul.f32 $1.442695020e+00, v5  }
0x150: {  	(erf) = vpow2.f32 v8  }
0x151: {  	(erf) = vpow2.f32 v5;
	_ =	sdelay $0x6  }
0x152: {  	[tilespmem:s13+$0x74A0] =	vst v7;
	v5 =	vpop (erf)  }
0x153: {  	[tilespmem:s14+$0x74A0] =	vst v5;
	v5 =	vpop (erf)  }
0x154: {  	[tilespmem:s16+$0x74A0] =	vst v5;
	v5 =	vpop (erf)  }
0x155: {  	[tilespmem:s15+$0x74A0] =	vst v5  }
0x156: {  	_ =	swait.ge [sflag:s8], $0x3000  }
0x157: {  	[sflag:s8] =	ssyncset.done $0x0  }
0x158: {  	s13 =	simm.s32 $0x45A0;
	[sflag:s8] =	ssyncadd.s32 $0xFFFFD000  }
0x159: {  	v5 =	vld [tilespmem:s13+$0xFFFFFFF0]  }
0x15a: {  	v8 =	vld [tilespmem:s13+$0x90]  }
0x15b: {  	v12 =	vld [tilespmem:s13+$0xD0]  }
0x15c: {  	v9 =	vld [tilespmem:s13+$0x10]  }
0x15d: {  	v18 =	vld [tilespmem:s13+$0xA0]  }
0x15e: {  	v30 =	vld [tilespmem:s13+$0xE0]  }
0x15f: {  	v27 =	vld [tilespmem:s13+$0x80]  }
0x160: {  	v10 =	vld [tilespmem:s13+$0x40]  }
0x161: {  	v6 =	vld [tilespmem:s13+$0xB0]  }
0x162: {  	v20 =	vld [tilespmem:s13+$0xF0]  }
0x163: {  	v23 =	vld [tilespmem:s13+$0xC0]  }
0x164: {  	v28 =	vld [tilespmem:s13+$0xFFFFFF80]  }
0x165: {  	v21 =	vld [tilespmem:s13+$0xFFFFFF00]  }
0x166: {  	v11 =	vld [tilespmem:s13+$0x30]  }
0x167: {  	s22 =	simm.s32 $0x0;
	v16 =	vld [tilespmem:s13+$0x0]  }
0x168: {  	v13 =	vld [tilespmem:s22+$0x74A0]  }
0x169: {  	v26 =	vld [tilespmem:s13+$0xFFFFFFA0]  }
0x16a: {  	v14 =	vld [tilespmem:s13+$0x70]  }
0x16b: {  	v19 =	vld [tilespmem:s13+$0xFFFFFF20]  }
0x16c: {  	v24 =	vld [tilespmem:s13+$0xFFFFFFD0]  }
0x16d: {  	v25 =	vld [tilespmem:s13+$0xFFFFFF90];
	v7 =	vperm.xlane v13, v1;
	v15 =	vperm.xlane v13, v4  }
0x16e: {  	v22 =	vld [tilespmem:s13+$0x60];
	v17 =	vperm.xlane v13, v2;
	v13 =	vperm.xlane v13, v3  }
0x16f: {  	v31 =	vmul.f32 v21, v7;
	v21 =	vld [tilespmem:s13+$0x50];
	v29 =	vmul.f32 v27, v15  }
0x170: {  	s14 =	simm.s32 $0x40;
	s15 =	simm.s32 $0x45A0;
	v28 =	vmul.f32 v28, v17;
	v27 =	vld [tilespmem:s13+$0xFFFFFFC0];
	v30 =	vmul.f32 v30, v15  }
.LBB2_11:
0x171: {  	p0 =	sne.s32 s14, $0x5C0  }
0x172: {  	[tilespmem:s13+$0xFFFFFF00] =	vst v31;
	v31 =	vld [tilespmem:s13+$0xFFFFFF40];
	v26 =	vmul.f32 v26, v17;
	v23 =	vmul.f32 v23, v15;
	s15 =	sadd.s32 $0x200, s15;
	s16 =	smov.u32 s14;
	s14 =	sadd.s32 $0x40, s14  }
0x173: {  	v20 =	vmul.f32 v20, v15;
	v32 =	vld [tilespmem:s13+$0xFFFFFF10];
	v25 =	vmul.f32 v25, v17;
	[tilespmem:s13+$0x80] =	vst v29  }
0x174: {  	v24 =	vmul.f32 v24, v17;
	v29 =	vld [tilespmem:s13+$0xFFFFFFE0];
	v22 =	vmul.f32 v22, v13;
	[tilespmem:s13+$0xE0] =	vst v30  }
0x175: {  	v18 =	vmul.f32 v18, v15;
	[tilespmem:s13+$0xFFFFFF80] =	vst v28;
	v28 =	vld [tilespmem:s13+$0xFFFFFFB0];
	v21 =	vmul.f32 v21, v13  }
0x176: {  	v19 =	vmul.f32 v19, v7;
	v30 =	vld [tilespmem:s13+$0xFFFFFF30];
	v27 =	vmul.f32 v27, v17;
	[tilespmem:s13+$0xC0] =	vst v23  }
0x177: {  	v33 =	vmul.f32 v5, v17;
	v10 =	vmul.f32 v10, v13;
	v23 =	vld [tilespmem:s13+$0xFFFFFF60];
	[tilespmem:s13+$0xF0] =	vst v20  }
0x178: {  	v5 =	vmul.f32 v12, v15;
	v32 =	vmul.f32 v32, v7;
	v20 =	vld [tilespmem:s13+$0xFFFFFF50];
	[tilespmem:s13+$0xA0] =	vst v18  }
0x179: {  	v8 =	vmul.f32 v8, v15;
	[tilespmem:s13+$0xFFFFFFC0] =	vst v27;
	v27 =	vmul.f32 v29, v17;
	v12 =	vld [tilespmem:s13+$0x20]  }
0x17a: {  	v9 =	vmul.f32 v9, v13;
	v18 =	vld [tilespmem:s13+$0xFFFFFF70];
	v17 =	vmul.f32 v28, v17;
	[tilespmem:s13+$0xD0] =	vst v5  }
0x17b: {  	v16 =	vmul.f32 v16, v13;
	v14 =	vmul.f32 v14, v13;
	v5 =	vld [tilespmem:s15+$0xFFFFFFF0];
	[tilespmem:s13+$0x90] =	vst v8  }
0x17c: {  	v29 =	vmul.f32 v31, v7;
	v28 =	vmul.f32 v30, v7;
	[tilespmem:s13+$0xFFFFFFA0] =	vst v26  }
0x17d: {  	v30 =	vmul.f32 v23, v7;
	v26 =	vmul.f32 v20, v7;
	[tilespmem:s13+$0x10] =	vst v9  }
0x17e: {  	v9 =	vmul.f32 v11, v13;
	[tilespmem:s13+$0xFFFFFFF0] =	vst v33;
	v20 =	vmul.f32 v12, v13  }
0x17f: {  	v6 =	vmul.f32 v6, v15;
	v7 =	vmul.f32 v18, v7;
	[tilespmem:s13+$0xFFFFFF90] =	vst v25  }
0x180: {  	[tilespmem:s13+$0xFFFFFFD0] =	vst v24  }
0x181: {  	[tilespmem:s13+$0x0] =	vst v16  }
0x182: {  	[tilespmem:s13+$0xFFFFFF20] =	vst v19  }
0x183: {  	[tilespmem:s13+$0xB0] =	vst v6  }
0x184: {  	v8 =	vld [tilespmem:s15+$0x90];
	[tilespmem:s13+$0x30] =	vst v9  }
0x185: {  	v12 =	vld [tilespmem:s15+$0xD0];
	[tilespmem:s13+$0xFFFFFF70] =	vst v7  }
0x186: {  	v9 =	vld [tilespmem:s15+$0x10];
	[tilespmem:s13+$0x60] =	vst v22  }
0x187: {  	v18 =	vld [tilespmem:s15+$0xA0];
	[tilespmem:s13+$0x70] =	vst v14  }
0x188: {  	v33 =	vld [tilespmem:s15+$0xE0];
	[tilespmem:s13+$0x50] =	vst v21  }
0x189: {  	v34 =	vld [tilespmem:s15+$0x80];
	[tilespmem:s13+$0x40] =	vst v10  }
0x18a: {  	v10 =	vld [tilespmem:s15+$0x40];
	[tilespmem:s13+$0x20] =	vst v20  }
0x18b: {  	v6 =	vld [tilespmem:s15+$0xB0];
	[tilespmem:s13+$0xFFFFFF40] =	vst v29  }
0x18c: {  	v20 =	vld [tilespmem:s15+$0xF0];
	[tilespmem:s13+$0xFFFFFFB0] =	vst v17  }
0x18d: {  	v23 =	vld [tilespmem:s15+$0xC0];
	[tilespmem:s13+$0xFFFFFF30] =	vst v28  }
0x18e: {  	v28 =	vld [tilespmem:s15+$0xFFFFFF80];
	[tilespmem:s13+$0xFFFFFFE0] =	vst v27  }
0x18f: {  	v21 =	vld [tilespmem:s15+$0xFFFFFF00];
	[tilespmem:s13+$0xFFFFFF10] =	vst v32  }
0x190: {  	v11 =	vld [tilespmem:s15+$0x30];
	[tilespmem:s13+$0xFFFFFF60] =	vst v30  }
0x191: {  	s16 =	sshra.s32 s16, $0x2;
	v16 =	vld [tilespmem:s15+$0x0];
	[tilespmem:s13+$0xFFFFFF50] =	vst v26;
	s13 =	smov.u32 s15  }
0x192: {  	v13 =	vld [tilespmem:s16+$0x74A0]  }
0x193: {  	v26 =	vld [tilespmem:s15+$0xFFFFFFA0]  }
0x194: {  	v14 =	vld [tilespmem:s15+$0x70]  }
0x195: {  	v19 =	vld [tilespmem:s15+$0xFFFFFF20]  }
.Ltmp4:
0x196: {  	v24 =	vld [tilespmem:s15+$0xFFFFFFD0];
	(pc) =	sbr.rel @p0 .LBB2_11-.Ltmp4, $4  }
0x197: {  	v7 =	vperm.xlane v13, v1;
	v25 =	vld [tilespmem:s15+$0xFFFFFF90];
	v15 =	vperm.xlane v13, v4  }
0x198: {  	v17 =	vperm.xlane v13, v2;
	v13 =	vperm.xlane v13, v3;
	v22 =	vld [tilespmem:s15+$0x60]  }
0x199: {  	v31 =	vmul.f32 v21, v7;
	v21 =	vld [tilespmem:s15+$0x50];
	v29 =	vmul.f32 v34, v15  }
0x19a: {  	v28 =	vmul.f32 v28, v17;
	v30 =	vmul.f32 v33, v15;
	v27 =	vld [tilespmem:s15+$0xFFFFFFC0]  }
0x19b: {  	[tilespmem:s13+$0xFFFFFF00] =	vst v31  }
0x19c: {  	[tilespmem:s13+$0x80] =	vst v29  }
0x19d: {  	v23 =	vmul.f32 v23, v15;
	[tilespmem:s13+$0xE0] =	vst v30  }
0x19e: {  	v20 =	vmul.f32 v20, v15;
	[tilespmem:s13+$0xFFFFFF80] =	vst v28  }
0x19f: {  	v18 =	vmul.f32 v18, v15;
	[tilespmem:s13+$0xC0] =	vst v23  }
0x1a0: {  	v12 =	vmul.f32 v12, v15;
	[tilespmem:s13+$0xF0] =	vst v20  }
0x1a1: {  	v8 =	vmul.f32 v8, v15;
	[tilespmem:s13+$0xA0] =	vst v18  }
0x1a2: {  	v51 =	vmul.f32 v26, v17;
	[tilespmem:s13+$0xD0] =	vst v12  }
0x1a3: {  	v9 =	vmul.f32 v9, v13;
	[tilespmem:s13+$0x90] =	vst v8  }
0x1a4: {  	v5 =	vmul.f32 v5, v17;
	[tilespmem:s13+$0xFFFFFFA0] =	vst v51  }
0x1a5: {  	v55 =	vmul.f32 v24, v17;
	[tilespmem:s13+$0x10] =	vst v9  }
0x1a6: {  	v16 =	vmul.f32 v16, v13;
	[tilespmem:s13+$0xFFFFFFF0] =	vst v5  }
0x1a7: {  	v19 =	vmul.f32 v19, v7;
	[tilespmem:s13+$0xFFFFFFD0] =	vst v55  }
0x1a8: {  	v6 =	vmul.f32 v6, v15;
	[tilespmem:s13+$0x0] =	vst v16  }
0x1a9: {  	v11 =	vmul.f32 v11, v13;
	[tilespmem:s13+$0xFFFFFF20] =	vst v19  }
0x1aa: {  	v59 =	vmul.f32 v14, v13;
	[tilespmem:s13+$0xB0] =	vst v6  }
0x1ab: {  	v52 =	vld [tilespmem:s13+$0xFFFFFF70];
	v25 =	vmul.f32 v25, v17;
	[tilespmem:s13+$0x30] =	vst v11  }
0x1ac: {  	v53 =	vld [tilespmem:s13+$0x20];
	v6 =	vmul.f32 v22, v13;
	[tilespmem:s13+$0x70] =	vst v59  }
0x1ad: {  	v54 =	vld [tilespmem:s13+$0xFFFFFF40];
	[tilespmem:s13+$0xFFFFFF90] =	vst v25;
	v60 =	vmul.f32 v21, v13  }
0x1ae: {  	v57 =	vld [tilespmem:s13+$0xFFFFFF30];
	v27 =	vmul.f32 v27, v17;
	[tilespmem:s13+$0x60] =	vst v6  }
0x1af: {  	v49 =	vld [tilespmem:s13+$0xFFFFFFE0];
	v6 =	vmul.f32 v10, v13;
	[tilespmem:s13+$0x50] =	vst v60  }
0x1b0: {  	v50 =	vld [tilespmem:s13+$0xFFFFFFB0];
	v12 =	vmul.f32 v52, v7;
	[tilespmem:s13+$0xFFFFFFC0] =	vst v27  }
0x1b1: {  	v5 =	vld [tilespmem:s13+$0xFFFFFF10];
	v8 =	vmul.f32 v53, v13;
	[tilespmem:s13+$0x40] =	vst v6  }
0x1b2: {  	v56 =	vld [tilespmem:s13+$0xFFFFFF60];
	v61 =	vmul.f32 v54, v7;
	[tilespmem:s13+$0xFFFFFF70] =	vst v12  }
0x1b3: {  	v58 =	vld [tilespmem:s13+$0xFFFFFF50];
	v62 =	vmul.f32 v57, v7;
	[tilespmem:s13+$0x20] =	vst v8  }
0x1b4: {  	v63 =	vmul.f32 v49, v17;
	[tilespmem:s13+$0xFFFFFF40] =	vst v61  }
0x1b5: {  	v6 =	vmul.f32 v50, v17;
	[tilespmem:s13+$0xFFFFFF30] =	vst v62  }
0x1b6: {  	v5 =	vmul.f32 v5, v7;
	[tilespmem:s13+$0xFFFFFFE0] =	vst v63  }
0x1b7: {  	[tilespmem:s13+$0xFFFFFFB0] =	vst v6;
	v6 =	vmul.f32 v56, v7  }
0x1b8: {  	v7 =	vmul.f32 v58, v7;
	[tilespmem:s13+$0xFFFFFF10] =	vst v5  }
0x1b9: {  	[tilespmem:s13+$0xFFFFFF60] =	vst v6  }
0x1ba: {  	[tilespmem:s13+$0xFFFFFF50] =	vst v7  }
0x1bb: {  	[spmem:s2] =	stream.indirect.scatter.add.f32 [tilespmem:s31], [sflag:$0x4], $0x200, s12, s29, $0xb8;
	[tilespmem:$0x1C520] =	vst v63  }
0x1bc: {  	s11 =	sadd.s32 $0x1, s11;
	_ =	swait.ge [sflag:s24], $0x3000  }
0x1bd: {  	p0 =	sne.s32 s11, $0x37;
	[sflag:s24] =	ssyncset.done $0x0  }
.Ltmp5:
0x1be: {  	[sflag:s24] =	ssyncadd.s32 $0xFFFFD000;
	(pc) =	sbr.rel @p0 .LBB2_4-.Ltmp5, $4  }
0x1bf: {  	[spmem:s3] =	stream.indirect.scatter.add.f32 [tilespmem:s28], [sflag:$0x4], $0x10, s12, s29, $0xb8;
	[tilespmem:$0x1C520] =	vst v63  }
0x1c0: {  	_ =	swait.ge [sflag:s24], $0x180  }
0x1c1: {  	[sflag:s24] =	ssyncset.done $0x0  }
0x1c2: {  	[sflag:s24] =	ssyncadd.s32 $0xFFFFFE80  }
0x1c3: {  	s11 =	stileid.u32  }
0x1c4: {  	[bflag:$0x0] =	sbarrier.arrive $0xFFFF;
	s12 =	sshll.u32 s11, $0x6  }
0x1c5: {  	s13 =	sshrl.u32 s21, $0x3;
	s14 =	sadd.s32 $0x0, s23;
	s11 =	sor.u32 $0x1C04, s12  }
0x1c6: {  	[hbm:s14], [sflag:s11] =	dma.local [spmem:s13], $0x400  }
0x1c7: {  	s22 =	sadd.s32 $0x2000, s21;
	s16 =	sadd.s32 $0x0, s10;
	_ =	swait.ge [sflag:s24], $0x400  }
0x1c8: {  	s15 =	sadd.s32 $0x400, s23;
	s18 =	simm.s32 $0x800;
	[sflag:s24] =	ssyncset.done $0x0  }
0x1c9: {  	s16 =	sshrl.u32 s16, $0x3;
	s17 =	rddreg [dreg:$0x11];
	[sflag:s24] =	ssyncadd.s32 $0xFFFFFC00  }
0x1ca: {  	[hbm:s17], [sflag:s11] =	dma.local [spmem:s16], $0x20  }
0x1cb: {  	s13 =	sshrl.u32 s22, $0x3;
	s14 =	sadd.s32 $0x20, s17;
	_ =	swait.ge [sflag:s24], $0x20  }
0x1cc: {  	s16 =	sadd.s32 $0x2000, s22;
	s17 =	simm.s32 $0x100;
	[sflag:s24] =	ssyncset.done $0x0  }
.LBB2_14:
0x1cd: {  	s19 =	sor.u32 $0x1C04, s12;
	[sflag:s24] =	ssyncadd.s32 $0xFFFFFFE0;
	s20 =	smov.u32 s13  }
0x1ce: {  	s13 =	sshrl.u32 s16, $0x3;
	s22 =	smov.u32 s18;
	p0 =	sne.s32 s18, $0x2400  }
0x1cf: {  	[hbm:s15], [sflag:s19] =	dma.local [spmem:s20], $0x400  }
0x1d0: {  	s15 =	sadd.s32 s22, s23;
	s20 =	sadd.s32 $0x400, s18;
	_ =	swait.ge [sflag:s24], $0x400  }
.Ltmp6:
0x1d1: {  	s17 =	sadd.s32 s17, s10;
	[sflag:s24] =	ssyncset.done $0x0;
	(pc) =	sbr.rel @p0 .LBB2_14-.Ltmp6, $4  }
0x1d2: {  	s17 =	sshrl.u32 s17, $0x3;
	[sflag:s24] =	ssyncadd.s32 $0xFFFFFC00  }
0x1d3: {  	[hbm:s14], [sflag:s19] =	dma.local [spmem:s17], $0x20  }
0x1d4: {  	s16 =	sadd.s32 $0x2000, s16;
	s14 =	sadd.s32 $0x20, s14;
	_ =	swait.ge [sflag:s24], $0x20  }
0x1d5: {  	s18 =	smov.u32 s20;
	s17 =	sshra.s32 s22, $0x2;
	[sflag:s24] =	ssyncset.done $0x0  }
0x1d6: {  	[sflag:s24] =	ssyncadd.s32 $0xFFFFFFE0  }
0x1d7: {  	[hbm:s15], [sflag:s11] =	dma.local [spmem:s13], $0x400  }
0x1d8: {  	_ =	swait.ge [sflag:s24], $0x400  }
0x1d9: {  	s12 =	sadd.s32 s17, s10;
	[sflag:s24] =	ssyncset.done $0x0  }
0x1da: {  	s12 =	sshrl.u32 s12, $0x3;
	[sflag:s24] =	ssyncadd.s32 $0xFFFFFC00  }
0x1db: {  	[hbm:s14], [sflag:s11] =	dma.local [spmem:s12], $0x20  }
0x1dc: {  	_ =	swait.ge [sflag:s24], $0x20  }
0x1dd: {  	s9 =	sadd.s32 $0x1, s9;
	s22 =	rddreg [dreg:$0x7]  }
0x1de: {  	p0 =	sne.s32 s9, s22  }
.Ltmp7:
0x1df: {  	_ = 	snop;
	(pc) =	sbr.rel @p0 .LBB2_1-.Ltmp7, $3  }
0x1e0: {  	_ =	sdelay $0x1  }
0x1e1: {  	[sflag:s24] =	ssyncset.done $0x0  }
0x1e2: {  	[sflag:s24] =	ssyncadd.s32 $0xFFFFFFE0  }
0x1e3: {  	_ =	sfence.sel $0x180000  }
0x1e4: {  	[bflag:$0x0] =	sbarrier.arrive $0xFFFF  }
0x1e5: {  	_ =	strace $0x9000004A  }
0x1e6: {  	s0 =	stileid.u32;
	[bflag:$0x2] =	sbarrier.arrive $0xFFFF  }
0x1e7: {  	p0 =	sne.s32 s0, $0x0;
	s0 =	rddreg [dreg:$0x4]  }
0x1e8: {  	s0 =	sadd.s32 @!p0 $0x100000, s0  }
0x1e9: {  	[sflag:s0] =	ssyncadd.tile.s32 @!p0 $0x1;
	_ =	shalt  }
.Lfunc_end2:
_tile_overlayer_lowered:
.L_overlay_start_2:
0x1ea: {  	(tag) =	ssettag $0x2  }
0x1eb: {  	s0 =	rddreg [dreg:$0x0];
	s2 =	stileid.u32  }
0x1ec: {  	s1 =	rddreg [dreg:$0x1];
	p0 =	sne.s32 s2, $0x0  }
0x1ed: {  	s3 =	rddreg [dreg:$0x2];
	[bflag:$0x3] =	sbarrier.arrive $0xFFFF;
	s2 =	simm.s32 @!p0 $0x1C04  }
0x1ee: {  	[timem:s3], [sflag:s2] =	dma.local @!p0 [hbm:s0], s1  }
0x1ef: {  	s0 =	simm.s32 @!p0 $0x4  }
0x1f0: {  	_ =	swait.ge @!p0 [sflag:s0], s1  }
0x1f1: {  	s1 =	ssub.s32 @!p0 $0x0, s1;
	[sflag:s0] =	ssyncset.done @!p0 $0x0  }
0x1f2: {  	[sflag:s0] =	ssyncadd.s32 @!p0 s1  }
0x1f3: {  	[bflag:$0x3] =	sbarrier.arrive $0xFFFF  }
0x1f4: {  	_ =	shalt  }

// kernel: kernel.7.cloned.1.call-start
scs
__scs_entry_jumppad:
0x0: {  	(pc) =	sbr.rel $0x88, $3  }
0x1: {  	(tag) =	ssettag $0x0;
	lr =	simm.s32 $0x1  }
0x2: {  	[smem:$0x3F8F] =	sst lr;
	_ =	strace $0xD0000000  }
0x3: {  	_ = 	snop  }
0x4: {  	_ = 	snop  }
0x5: {  	_ = 	snop  }
0x6: {  	_ = 	snop  }
0x7: {  	_ = 	snop  }
__scs_overlays_trampoline_lowered:
0x8: {  	[smem:$0x3F9E] =	sst s0  }
0x9: {  	[smem:$0x3F9F] =	sst s1  }
0xa: {  	[smem:$0x3FA0] =	sst s2  }
0xb: {  	[smem:$0x3FA1] =	sst s3  }
0xc: {  	[smem:$0x3FA2] =	sst s4  }
0xd: {  	[smem:$0x3FA3] =	sst s5  }
0xe: {  	[smem:$0x3FA4] =	sst s6  }
0xf: {  	[smem:$0x3FA5] =	sst s7  }
0x10: {  	[smem:$0x3FA6] =	sst s8  }
0x11: {  	[smem:$0x3FA7] =	sst s9;
	s0 =	simm.s32 @!p0 $0x0  }
0x12: {  	s1 =	sld [smem:$0x3F8D];
	s0 =	simm.s32 @p0 $0x1  }
0x13: {  	[smem:$0x3FA8] =	sst s0;
	s0 =	simm.s32 @!p1 $0x0  }
0x14: {  	s2 =	sld [smem:$0x3F8C];
	s0 =	simm.s32 @p1 $0x1  }
0x15: {  	[smem:$0x3FA9] =	sst s0;
	s0 =	simm.s32 @!p2 $0x0  }
0x16: {  	s3 =	sld [smem:$0x3FDB];
	s0 =	simm.s32 @p2 $0x1  }
0x17: {  	s4 =	simm.s32 $0x1BF5;
	[smem:$0x3FAB] =	sst s0  }
0x18: {  	s0 =	sld [smem:$0x3F8E];
	_ =	swait.ge [sflag:s4], $0x0  }
0x19: {  	s7 =	sld [smem:$0x3F8F]  }
0x1a: {  	s8 =	sadd.s32 $0xFFFFE003, lr  }
0x1b: {  	s9 =	sadd.s32 $0xFFFFFEF7, lr;
	s5 =	simm.s32 $0xFFFFFFFF;
	p2 =	slt.u32 s8, $0xFFFFF086  }
0x1c: {  	p1 =	slt.u32 s9, $0xF7A;
	s5 =	simm.s32 @!p2 $0x0  }
0x1d: {  	s5 =	simm.s32 @p1 $0x1;
	p0 =	seq.s32 s7, s2  }
0x1e: {  	s7 =	smul.u32 @!p0 $0xF7A, s2;
	p2 =	seq.s32 @!p0 s5, $0x0  }
0x1f: {  	s9 =	smul.u32 $0xF7A, s1;
	s8 =	simm.s32 @!p0 $0x1BF5;
	p2 =	por !p2, p0  }
0x20: {  	[sflag:s8] =	ssyncset.s32 @!p0 $0xFFFFF086;
	s6 =	sadd.s32 @!p0 s3, s7;
	s7 =	simm.s32 @!p0 $0x108  }
0x21: {  	s3 =	sadd.s32 s3, s9;
	s6 =	sadd.s32 @!p0 $0x88, s6;
	s7 =	simm.s32 @p2 $0x1082  }
0x22: {  	[simem:s7], [sflag:s8] =	dma.local @!p0 [hbm:s6], $0xF7A  }
0x23: {  	s9 =	sor.u32 $0xD0000000, s2;
	s6 =	simm.s32 $0x108;
	_ =	swait.ge @!p0 [sflag:s8], $0x0  }
0x24: {  	s3 =	sadd.s32 $0x88, s3;
	s6 =	simm.s32 @!p1 $0x1082;
	[sflag:s4] =	ssyncset.s32 $0xFFFFF086  }
0x25: {  	[simem:s6], [sflag:s4] =	dma.local [hbm:s3], $0xF7A  }
0x26: {  	[smem:$0x3F8F] =	sst s1;
	(tag) =	ssettag s2;
	_ =	strace s9  }
0x27: {  	s1 =	sld [smem:$0x3F9F]  }
0x28: {  	s2 =	sld [smem:$0x3FA0]  }
0x29: {  	s4 =	sld [smem:$0x3FA2]  }
0x2a: {  	p0 =	seq.s32 s5, $0x0;
	s5 =	sld [smem:$0x3FA3]  }
0x2b: {  	s6 =	sld [smem:$0x3FA4]  }
0x2c: {  	s7 =	sld [smem:$0x3FA5]  }
0x2d: {  	s3 =	simm.s32 $0x108;
	s8 =	sld [smem:$0x3FA6]  }
0x2e: {  	s3 =	simm.s32 @!p0 $0x1082;
	s9 =	sld [smem:$0x3FA7]  }
0x2f: {  	lr =	sadd.s32 s0, s3;
	s0 =	sld [smem:$0x3F9E]  }
0x30: {  	s3 =	sld [smem:$0x3FA1]  }
0x31: {  	[smem:$0x3FAA] =	sst s10  }
0x32: {  	s10 =	sld [smem:$0x3FA8];
	_ =	sdelay $0x3  }
0x33: {  	p0 =	seq.s32 s10, $0x1;
	s10 =	sld [smem:$0x3FAA];
	_ =	sdelay $0x3  }
0x34: {  	[smem:$0x3FAA] =	sst s10  }
0x35: {  	s10 =	sld [smem:$0x3FA9];
	_ =	sdelay $0x3  }
0x36: {  	p1 =	seq.s32 s10, $0x1;
	s10 =	sld [smem:$0x3FAA];
	_ =	sdelay $0x3  }
0x37: {  	[smem:$0x3FAA] =	sst s10  }
0x38: {  	s10 =	sld [smem:$0x3FAB]  }
0x39: {  	_ = 	snop;
	(pc) =	sbr.ind lr, $3  }
0x3a: {  	_ = 	snop  }
0x3b: {  	_ = 	snop  }
0x3c: {  	p2 =	seq.s32 s10, $0x1;
	s10 =	sld [smem:$0x3FAA]  }
0x3d: {  	_ =	shalt  }
0x3e: {  	_ =	shalt  }
0x3f: {  	_ =	shalt  }
0x40: {  	_ =	shalt  }
0x41: {  	_ =	shalt  }
0x42: {  	_ =	shalt  }
0x43: {  	_ =	shalt  }
0x44: {  	_ =	shalt  }
0x45: {  	_ =	shalt  }
0x46: {  	_ =	shalt  }
0x47: {  	_ =	shalt  }
0x48: {  	_ =	shalt  }
0x49: {  	_ =	shalt  }
0x4a: {  	_ =	shalt  }
0x4b: {  	_ =	shalt  }
0x4c: {  	_ =	shalt  }
0x4d: {  	_ =	shalt  }
0x4e: {  	_ =	shalt  }
0x4f: {  	_ =	shalt  }
0x50: {  	_ =	shalt  }
0x51: {  	_ =	shalt  }
0x52: {  	_ =	shalt  }
0x53: {  	_ =	shalt  }
0x54: {  	_ =	shalt  }
0x55: {  	_ =	shalt  }
0x56: {  	_ =	shalt  }
0x57: {  	_ =	shalt  }
0x58: {  	_ =	shalt  }
0x59: {  	_ =	shalt  }
0x5a: {  	_ =	shalt  }
0x5b: {  	_ =	shalt  }
0x5c: {  	_ =	shalt  }
0x5d: {  	_ =	shalt  }
0x5e: {  	_ =	shalt  }
0x5f: {  	_ =	shalt  }
0x60: {  	_ =	shalt  }
0x61: {  	_ =	shalt  }
0x62: {  	_ =	shalt  }
0x63: {  	_ =	shalt  }
0x64: {  	_ =	shalt  }
0x65: {  	_ =	shalt  }
0x66: {  	_ =	shalt  }
0x67: {  	_ =	shalt  }
0x68: {  	_ =	shalt  }
0x69: {  	_ =	shalt  }
0x6a: {  	_ =	shalt  }
0x6b: {  	_ =	shalt  }
0x6c: {  	_ =	shalt  }
0x6d: {  	_ =	shalt  }
0x6e: {  	_ =	shalt  }
0x6f: {  	_ =	shalt  }
0x70: {  	_ =	shalt  }
0x71: {  	_ =	shalt  }
0x72: {  	_ =	shalt  }
0x73: {  	_ =	shalt  }
0x74: {  	_ =	shalt  }
0x75: {  	_ =	shalt  }
0x76: {  	_ =	shalt  }
0x77: {  	_ =	shalt  }
0x78: {  	_ =	shalt  }
0x79: {  	_ =	shalt  }
0x7a: {  	_ =	shalt  }
0x7b: {  	_ =	shalt  }
0x7c: {  	_ =	shalt  }
0x7d: {  	_ =	shalt  }
0x7e: {  	_ =	shalt  }
0x7f: {  	_ =	shalt  }
0x80: {  	_ =	shalt  }
0x81: {  	_ =	shalt  }
0x82: {  	_ =	shalt  }
0x83: {  	_ =	shalt  }
0x84: {  	_ =	shalt  }
0x85: {  	_ =	shalt  }
0x86: {  	_ =	shalt  }
0x87: {  	_ =	shalt  }
.Lfunc_end0:
.L_simem_size_0:
called_computation_lowered:
.L_overlay_start_0:
0x88: {  	s2 =	sld [smem:$0x3FD9]  }
0x89: {  	s3 =	sld [smem:$0x3FFE];
	_ =	sdelay $0x1  }
0x8a: {  	s1 =	srdreg.scid  }
0x8b: {  	s0 =	sand.u32 $0x1, s1  }
0x8c: {  	s17 =	sshll.u32 s0, $0xA;
	s2 =	sadd.s32 s3, s2  }
0x8d: {  	s2 =	sadd.s32 s2, s17  }
0x8e: {  	[smem:$0x3FB6] =	sst s2  }
0x8f: {  	_ = 	snop  }
0x90: {  	s2 =	sld [smem:$0x3FD0];
	(tm) =	ssettm $0x1  }
0x91: {  	s18 =	sld [smem:$0x3FFB];
	_ =	sdelay $0x3  }
0x92: {  	_ =	strace s18  }
0x93: {  	s3 =	sld [smem:$0x3FFC];
	_ =	sdelay $0x3  }
0x94: {  	_ =	strace s3  }
0x95: {  	s3 =	sld [smem:$0x3FFD];
	_ =	sdelay $0x3  }
0x96: {  	_ =	strace s3  }
0x97: {  	_ =	strace $0x8FFFFFFF  }
0x98: {  	s19 =	sld [smem:$0x3FDB];
	_ =	sdelay $0x1  }
0x99: {  	s4 =	simm.s32 $_scs_section_size  }
0x9a: {  	s5 =	simm.s32 $_size__tile_overlayer_lowered;
	s6 =	simm.s32 $_tile_overlayer_lowered  }
0x9b: {  	s22 =	simm.s32 $0x1BFF;
	s21 =	sshll.u32 s6, $0x1;
	s3 =	sadd.s32 s4, s19  }
0x9c: {  	s7 =	simm.s32 $0x0;
	s20 =	sshll.u32 s5, $0x1;
	s5 =	sadd.s32 s21, s3  }
0x9d: {  	[timem:s7], [sflag:s22] =	dma.local [hbm:s5], s20  }
0x9e: {  	_ =	swait.ge [sflag:s22], s20  }
0x9f: {  	s4 =	ssub.s32 $0x0, s20;
	[sflag:s22] =	ssyncset.done $0x0  }
0xa0: {  	[sflag:s22] =	ssyncadd.s32 s4;
	_ =	sdelay $0x1  }
0xa1: {  	s23 =	simm.s32 $0x1B8B  }
0xa2: {  	_ =	swait.ge [sflag:s23], $0x1  }
0xa3: {  	[sflag:s23] =	ssyncset.done $0x0  }
0xa4: {  	s25 =	simm.s32 $0x1B8E;
	s24 =	sld [smem:$0x3FFE];
	[sflag:s23] =	ssyncadd.s32 $0xFFFFFFFF  }
0xa5: {  	s26 =	simm.s32 $execute0_lowered;
	[smem:$0x3FD2] =	sst s25  }
0xa6: {  	s5 =	sshll.u32 s26, $0x1;
	_ =	strace $0x80000046;
	[dreg:$0x1] =	wrdreg $0xFFFFFFFF  }
0xa7: {  	s28 =	simm.s32 $_size_execute0_lowered;
	s3 =	sadd.s32 s3, s5;
	[dreg:$0x0] =	wrdreg $0x0  }
0xa8: {  	s5 =	sshll.u32 s28, $0x1;
	[dreg:$0x2] =	wrdreg s3  }
0xa9: {  	[dreg:$0x3] =	wrdreg s5  }
0xaa: {  	[dreg:$0x4] =	wrdreg $0xC0  }
0xab: {  	_ =	task [dreg:s7], $0x5FFFF  }
0xac: {  	[dreg:$0x1] =	wrdreg $0xFFFFFFFF  }
0xad: {  	[dreg:$0x0] =	wrdreg $0x60  }
0xae: {  	[dreg:$0x2] =	wrdreg s24  }
0xaf: {  	[dreg:$0x3] =	wrdreg s2  }
0xb0: {  	[dreg:$0x4] =	wrdreg $0x7B200  }
0xb1: {  	[dreg:$0x5] =	wrdreg $0x1BB200  }
0xb2: {  	[dreg:$0x6] =	wrdreg $0x9  }
0xb3: {  	_ =	task.clear_ibuf [dreg:s7], $0x7FFFF;
	_ =	strace $0x90000046  }
0xb4: {  	s29 =	simm.s32 $0x9;
	_ =	strace $0x80000048  }
0xb5: {  	_ =	swait.ge [sflag:s29], $0x1  }
0xb6: {  	[sflag:s29] =	ssyncadd.s32 $0xFFFFFFFF  }
0xb7: {  	_ =	strace $0x90000048  }
0xb8: {  	_ =	sfence  }
0xb9: {  	s30 =	sld [smem:$0x0];
	_ =	sdelay $0x2  }
0xba: {  	s31 =	sshll.u32 s1, $0xD;
	s1 =	sshrl.u32 s1, $0x2  }
0xbb: {  	s3 =	sand.u32 $0x4000, s31;
	s1 =	sadd.s32 s1, s30  }
0xbc: {  	s0 =	sor.u32 s3, s0;
	s1 =	sshll.u32 s1, $0x11  }
0xbd: {  	s0 =	sor.u32 s1, s0  }
0xbe: {  	s0 =	sadd.s32 $0x8F2B, s0  }
0xbf: {  	[sflag:s0] =	ssyncadd.remote.s32 $0x1  }
0xc0: {  	_ =	sfence.sel $0xFFFF  }
0xc1: {  	[dreg:$0x0] =	wrdreg $0xFFFFFFFF;
	(pc) =	sbr.abs _section_cstart, $3  }
0xc2: {  	[dreg:$0x1] =	wrdreg $0xFFFFFFFF  }
0xc3: {  	_ =	task.clear_ibuf [dreg:s7], $0x2FFFF;
	_ =	strace $0x9FFFFFFF  }
0xc4: {  	(tm) =	ssettm $0x7FFFFFFF  }
0xc5: {  	_ =	shalt  }
tec
execute0_lowered:
.L_overlay_start_1:
0x0: {  	(tag) =	ssettag $0x1  }
0x1: {  	s0 =	rddreg [dreg:$0x0]  }
0x2: {  	s1 =	rddreg [dreg:$0x1];
	s3 =	srdreg.scid  }
0x3: {  	s2 =	rddreg [dreg:$0x2];
	s13 =	stileid.u32;
	s6 =	simm.s32 $0x0  }
0x4: {  	s28 =	simm.s32 $0x74A0;
	s29 =	simm.s32 $0x18;
	s30 =	simm.s32 $0x14A0  }
0x5: {  	s4 =	sand.u32 $0x1, s3;
	s3 =	rddreg [dreg:$0x3];
	s12 =	smul.u32 $0x2800, s13  }
0x6: {  	[smem:$0x7FF] =	sst s6;
	s6 =	sadd.s32 $0x2CE00, s0;
	s23 =	smul.u32 $0x140, s13  }
0x7: {  	s7 =	sadd.s32 $0x2BA00, s0;
	s5 =	sshll.u32 s4, $0x4;
	s9 =	smul.u32 $0x28000, s4  }
0x8: {  	s10 =	smul.u32 $0x1400, s4;
	s4 =	ssub.s32 $0x2, s4;
	s5 =	sor.u32 s13, s5  }
0x9: {  	_ =	strace $0x80000047;
	s25 =	sshrl.u32 s4, $0x1;
	s8 =	smul.u32 $0x14A, s5  }
0xa: {  	s5 =	sadd.s32 $0x3A00, s0;
	s9 =	sadd.s32 s9, s0;
	s4 =	ssub.s32 s4, s25  }
0xb: {  	s14 =	smax.u32 s4, $0x1;
	s11 =	sadd.s32 s8, s0;
	s0 =	sadd.s32 s10, s0  }
0xc: {  	s1 =	sadd.s32 s1, s8;
	[dreg:$0x7] =	wrdreg s14;
	s26 =	sadd.s32 $0x2E200, s11  }
0xd: {  	s11 =	sshrl.u32 s12, $0x2;
	[dreg:$0x6] =	wrdreg s1;
	s0 =	sadd.s32 s23, s0  }
0xe: {  	[dreg:$0x5] =	wrdreg s26;
	s10 =	sadd.s32 s11, s3;
	s0 =	sadd.s32 $0x80C00, s0  }
0xf: {  	s31 =	simm.s32 $0x44A0;
	s15 =	sadd.s32 $0x100, s10;
	[dreg:$0x11] =	wrdreg s0  }
0x10: {  	s20 =	smul.u32 $0x50000, s13;
	s16 =	sadd.s32 $0x200, s10;
	[dreg:$0x8] =	wrdreg s15  }
0x11: {  	s4 =	simm.s32 $0x1;
	s17 =	sadd.s32 $0x300, s10;
	[dreg:$0x9] =	wrdreg s16  }
0x12: {  	s8 =	simm.s32 $0x2;
	s18 =	sadd.s32 $0x400, s10;
	[dreg:$0xa] =	wrdreg s17  }
0x13: {  	s1 =	sshrl.u32 s20, $0x2;
	s19 =	sadd.s32 $0x500, s10;
	[dreg:$0xb] =	wrdreg s18  }
0x14: {  	s26 =	sadd.s32 s12, s9;
	s21 =	sadd.s32 $0x600, s10;
	[dreg:$0xc] =	wrdreg s19  }
0x15: {  	s9 =	simm.s32 $0x0;
	s22 =	sadd.s32 $0x700, s10;
	[dreg:$0xd] =	wrdreg s21  }
0x16: {  	s24 =	sadd.s32 $0x800, s10;
	s25 =	sadd.s32 $0x900, s10;
	[dreg:$0xe] =	wrdreg s22  }
0x17: {  	s23 =	sadd.s32 $0x30C00, s26;
	s26 =	simm.s32 $0x7920;
	[dreg:$0xf] =	wrdreg s24  }
0x18: {  	v0 =	vimm.f32 $0.0e+00;
	v1 =	vimm.s32 $0x0;
	s0 =	simm.s32 $0x7620;
	[dreg:$0x10] =	wrdreg s25;
	s21 =	sadd.s32 s1, s2  }
0x19: {  	v2 =	vimm.s32 $0x1;
	v3 =	vimm.s32 $0x2;
	v4 =	vimm.s32 $0x3;
	s24 =	simm.s32 $0x4;
	s25 =	simm.s32 $0x77A0;
	s1 =	simm.s32 $0x3  }
.LBB2_1:
0x1a: {  	s11 =	simm.s32 $0x0;
	s12 =	rddreg [dreg:$0x5]  }
0x1b: {  	[tilespmem:s11], [sflag:$0x4] =	stream.linear.gather [hbm4b:s12+s11], $0xA50, $0x38;
	[tilespmem:$0x1C520] =	vst v63  }
0x1c: {  	_ =	swait.ge [sflag:s24], $0xA50  }
0x1d: {  	[sflag:s24] =	ssyncset.done $0x0  }
0x1e: {  	s13 =	simm.s32 $0xA50;
	s20 =	rddreg [dreg:$0x6];
	[sflag:s24] =	ssyncadd.s32 $0xFFFFF5B0  }
0x1f: {  	[tilespmem:s13], [sflag:$0x4] =	stream.linear.gather [hbm4b:s20+s11], $0xA50, $0x38;
	[tilespmem:$0x1C520] =	vst v63  }
0x20: {  	_ =	swait.ge [sflag:s24], $0xA50  }
0x21: {  	[sflag:s24] =	ssyncset.done $0x0  }
0x22: {  	[sflag:s24] =	ssyncadd.s32 $0xFFFFF5B0  }
0x23: {  	[tilespmem:$0x7920] =	vst v0  }
0x24: {  	[tilespmem:$0x7930] =	vst v0  }
0x25: {  	[tilespmem:$0x7940] =	vst v0  }
0x26: {  	[tilespmem:$0x7950] =	vst v0  }
0x27: {  	[tilespmem:$0x7960] =	vst v0  }
0x28: {  	[tilespmem:$0x7970] =	vst v0  }
0x29: {  	[tilespmem:$0x7980] =	vst v0  }
0x2a: {  	[tilespmem:$0x7990] =	vst v0  }
0x2b: {  	[tilespmem:$0x79A0] =	vst v0  }
0x2c: {  	[tilespmem:$0x79B0] =	vst v0  }
0x2d: {  	[tilespmem:$0x79C0] =	vst v0  }
0x2e: {  	[tilespmem:$0x79D0] =	vst v0  }
0x2f: {  	[tilespmem:$0x79E0] =	vst v0  }
0x30: {  	[tilespmem:$0x79F0] =	vst v0  }
0x31: {  	[tilespmem:$0x7A00] =	vst v0  }
0x32: {  	[tilespmem:$0x7A10] =	vst v0  }
0x33: {  	[tilespmem:$0x7A20] =	vst v0  }
0x34: {  	[tilespmem:$0x7A30] =	vst v0  }
0x35: {  	[tilespmem:$0x7A40] =	vst v0  }
0x36: {  	[tilespmem:$0x7A50] =	vst v0  }
0x37: {  	[tilespmem:$0x7A60] =	vst v0  }
0x38: {  	[tilespmem:$0x7A70] =	vst v0  }
0x39: {  	[tilespmem:$0x7A80] =	vst v0  }
0x3a: {  	[tilespmem:$0x7A90] =	vst v0  }
0x3b: {  	[tilespmem:$0x7AA0] =	vst v0  }
0x3c: {  	[tilespmem:$0x7AB0] =	vst v0  }
0x3d: {  	[tilespmem:$0x7AC0] =	vst v0  }
0x3e: {  	[tilespmem:$0x7AD0] =	vst v0  }
0x3f: {  	[tilespmem:$0x7AE0] =	vst v0  }
0x40: {  	[tilespmem:$0x7AF0] =	vst v0  }
0x41: {  	[tilespmem:$0x7B00] =	vst v0  }
0x42: {  	[tilespmem:$0x7B10] =	vst v0  }
0x43: {  	[tilespmem:$0x74A0] =	vst v0  }
0x44: {  	[tilespmem:$0x74B0] =	vst v0  }
0x45: {  	[tilespmem:$0x74C0] =	vst v0  }
0x46: {  	[tilespmem:$0x74D0] =	vst v0  }
0x47: {  	[tilespmem:$0x74E0] =	vst v0  }
0x48: {  	[tilespmem:$0x74F0] =	vst v0  }
0x49: {  	[tilespmem:$0x7500] =	vst v0  }
0x4a: {  	[tilespmem:$0x7510] =	vst v0  }
0x4b: {  	[tilespmem:$0x7520] =	vst v0  }
0x4c: {  	[tilespmem:$0x7530] =	vst v0  }
0x4d: {  	[tilespmem:$0x7540] =	vst v0  }
0x4e: {  	[tilespmem:$0x7550] =	vst v0  }
0x4f: {  	[tilespmem:$0x7560] =	vst v0  }
0x50: {  	[tilespmem:$0x7570] =	vst v0  }
0x51: {  	[tilespmem:$0x7580] =	vst v0  }
0x52: {  	[tilespmem:$0x7590] =	vst v0  }
0x53: {  	[tilespmem:$0x75A0] =	vst v0  }
0x54: {  	[tilespmem:$0x75B0] =	vst v0  }
0x55: {  	[tilespmem:$0x75C0] =	vst v0  }
0x56: {  	[tilespmem:$0x75D0] =	vst v0  }
0x57: {  	[tilespmem:$0x75E0] =	vst v0  }
0x58: {  	[tilespmem:$0x75F0] =	vst v0  }
0x59: {  	[tilespmem:$0x7600] =	vst v0  }
0x5a: {  	s22 =	sadd.s32 $0x0, s21;
	[tilespmem:$0x7610] =	vst v0  }
0x5b: {  	[spmem:s22] =	stream.linear.scatter [tilespmem:s26], [sflag:$0x4], $0x200, $0x38;
	[tilespmem:$0x1C520] =	vst v63  }
0x5c: {  	s11 =	simm.s32 $0x800;
	_ =	swait.ge [sflag:s24], $0x200  }
.LBB2_2:
0x5d: {  	s12 =	sshra.s32 s11, $0x2;
	[sflag:s24] =	ssyncset.done $0x0;
	p0 =	sne.s32 s11, $0x4F800  }
.Ltmp0:
0x5e: {  	s12 =	sadd.s32 s12, s21;
	[sflag:s24] =	ssyncadd.s32 $0xFFFFFE00;
	(pc) =	sbr.rel @p0 .LBB2_2-.Ltmp0, $3  }
0x5f: {  	[spmem:s12] =	stream.linear.scatter [tilespmem:s26], [sflag:$0x4], $0x200, $0x38;
	[tilespmem:$0x1C520] =	vst v63  }
0x60: {  	s11 =	sadd.s32 $0x800, s11;
	_ =	sdelay $0x1  }
0x61: {  	_ =	swait.ge [sflag:s24], $0x200  }
0x62: {  	[sflag:s24] =	ssyncset.done $0x0  }
0x63: {  	[sflag:s24] =	ssyncadd.s32 $0xFFFFFE00  }
0x64: {  	[spmem:s10] =	stream.linear.scatter [tilespmem:s28], [sflag:$0x4], $0x100, $0x38;
	[tilespmem:$0x1C520] =	vst v63  }
0x65: {  	_ =	swait.ge [sflag:s24], $0x100  }
0x66: {  	[sflag:s24] =	ssyncset.done $0x0  }
0x67: {  	s11 =	rddreg [dreg:$0x8];
	[sflag:s24] =	ssyncadd.s32 $0xFFFFFF00  }
0x68: {  	[spmem:s11] =	stream.linear.scatter [tilespmem:s28], [sflag:$0x4], $0x100, $0x38;
	[tilespmem:$0x1C520] =	vst v63  }
0x69: {  	_ =	swait.ge [sflag:s24], $0x100  }
0x6a: {  	[sflag:s24] =	ssyncset.done $0x0  }
0x6b: {  	s14 =	rddreg [dreg:$0x9];
	[sflag:s24] =	ssyncadd.s32 $0xFFFFFF00  }
0x6c: {  	[spmem:s14] =	stream.linear.scatter [tilespmem:s28], [sflag:$0x4], $0x100, $0x38;
	[tilespmem:$0x1C520] =	vst v63  }
0x6d: {  	_ =	swait.ge [sflag:s24], $0x100  }
0x6e: {  	[sflag:s24] =	ssyncset.done $0x0  }
0x6f: {  	s15 =	rddreg [dreg:$0xa];
	[sflag:s24] =	ssyncadd.s32 $0xFFFFFF00  }
0x70: {  	[spmem:s15] =	stream.linear.scatter [tilespmem:s28], [sflag:$0x4], $0x100, $0x38;
	[tilespmem:$0x1C520] =	vst v63  }
0x71: {  	_ =	swait.ge [sflag:s24], $0x100  }
0x72: {  	[sflag:s24] =	ssyncset.done $0x0  }
0x73: {  	s16 =	rddreg [dreg:$0xb];
	[sflag:s24] =	ssyncadd.s32 $0xFFFFFF00  }
0x74: {  	[spmem:s16] =	stream.linear.scatter [tilespmem:s28], [sflag:$0x4], $0x100, $0x38;
	[tilespmem:$0x1C520] =	vst v63  }
0x75: {  	_ =	swait.ge [sflag:s24], $0x100  }
0x76: {  	[sflag:s24] =	ssyncset.done $0x0  }
0x77: {  	s17 =	rddreg [dreg:$0xc];
	[sflag:s24] =	ssyncadd.s32 $0xFFFFFF00  }
0x78: {  	[spmem:s17] =	stream.linear.scatter [tilespmem:s28], [sflag:$0x4], $0x100, $0x38;
	[tilespmem:$0x1C520] =	vst v63  }
0x79: {  	_ =	swait.ge [sflag:s24], $0x100  }
0x7a: {  	[sflag:s24] =	ssyncset.done $0x0  }
0x7b: {  	s18 =	rddreg [dreg:$0xd];
	[sflag:s24] =	ssyncadd.s32 $0xFFFFFF00  }
0x7c: {  	[spmem:s18] =	stream.linear.scatter [tilespmem:s28], [sflag:$0x4], $0x100, $0x38;
	[tilespmem:$0x1C520] =	vst v63  }
0x7d: {  	_ =	swait.ge [sflag:s24], $0x100  }
0x7e: {  	[sflag:s24] =	ssyncset.done $0x0  }
0x7f: {  	s19 =	rddreg [dreg:$0xe];
	[sflag:s24] =	ssyncadd.s32 $0xFFFFFF00  }
0x80: {  	[spmem:s19] =	stream.linear.scatter [tilespmem:s28], [sflag:$0x4], $0x100, $0x38;
	[tilespmem:$0x1C520] =	vst v63  }
0x81: {  	_ =	swait.ge [sflag:s24], $0x100  }
0x82: {  	[sflag:s24] =	ssyncset.done $0x0  }
0x83: {  	s20 =	rddreg [dreg:$0xf];
	[sflag:s24] =	ssyncadd.s32 $0xFFFFFF00  }
0x84: {  	[spmem:s20] =	stream.linear.scatter [tilespmem:s28], [sflag:$0x4], $0x100, $0x38;
	[tilespmem:$0x1C520] =	vst v63  }
0x85: {  	_ =	swait.ge [sflag:s24], $0x100  }
0x86: {  	[sflag:s24] =	ssyncset.done $0x0  }
0x87: {  	s22 =	rddreg [dreg:$0x10];
	[sflag:s24] =	ssyncadd.s32 $0xFFFFFF00  }
0x88: {  	[spmem:s22] =	stream.linear.scatter [tilespmem:s28], [sflag:$0x4], $0x100, $0x38;
	[tilespmem:$0x1C520] =	vst v63  }
0x89: {  	_ =	swait.ge [sflag:s24], $0x100  }
0x8a: {  	[sflag:s24] =	ssyncset.done $0x0  }
0x8b: {  	[sflag:s24] =	ssyncadd.s32 $0xFFFFFF00  }
0x8c: {  	s11 =	simm.s32 $0x0;
	[bflag:$0x0] =	sbarrier.arrive $0xFFFF  }
0x8d: {  	[tilespmem:s30], [sflag:$0x1] =	stream.indirect.gather [hbm4b:s5+s29], $0x200, s11, s29, $0xb8;
	[tilespmem:$0x1C520] =	vst v63  }
.LBB2_4:
0x8e: {  	s13 =	smul.u32 $0x30, s11;
	_ =	sdelay $0x1  }
0x8f: {  	s12 =	sadd.s32 $0x18, s13  }
0x90: {  	[tilespmem:s31], [sflag:$0x2] =	stream.indirect.gather [hbm4b:s5+s29], $0x200, s12, s29, $0xb8;
	[tilespmem:$0x1C520] =	vst v63  }
0x91: {  	_ = 	snop  }
0x92: {  	[tilespmem:s0], [sflag:$0x3] =	stream.indirect.gather [hbm4b:s6+s29], $0x10, s13, s29, $0xb8;
	[tilespmem:$0x1C520] =	vst v63  }
0x93: {  	s13 =	sadd.s32 $0xA50, s13  }
0x94: {  	[tilespmem:s25], [sflag:$0x3] =	stream.indirect.gather [hbm4b:s7+s29], $0x10, s13, s29, $0xb8;
	[tilespmem:$0x1C520] =	vst v63  }
0x95: {  	_ =	swait.ge [sflag:s1], $0x180  }
0x96: {  	[sflag:s1] =	ssyncset.done $0x0  }
0x97: {  	[sflag:s1] =	ssyncadd.s32 $0xFFFFFE80  }
0x98: {  	_ =	swait.ge [sflag:s1], $0x180  }
0x99: {  	[sflag:s1] =	ssyncset.done $0x0  }
0x9a: {  	s14 =	simm.s32 $0x0;
	[sflag:s1] =	ssyncadd.s32 $0xFFFFFE80  }
0x9b: {  	v5 =	vld [tilespmem:s14+$0x7620]  }
0x9c: {  	v6 =	vld [tilespmem:s14+$0x77A0];
	_ =	sdelay $0x4  }
0x9d: {  	v5 =	vadd.f32 v6, v5;
	_ =	sdelay $0x1  }
0x9e: {  	s15 =	simm.s32 $0x10;
	v6 =	vmul.f32 $2.000000030e-01, v5  }
0x9f: {  	v7 =	vld [tilespmem:s15+$0x7620]  }
0xa0: {  	v8 =	vld [tilespmem:s15+$0x77A0];
	v5 =	vmax.f32 v5, v6  }
0xa1: {  	s17 =	simm.s32 $0x20;
	v5 =	vmul.f32 $1.442695020e+00, v5  }
0xa2: {  	v6 =	vld [tilespmem:s17+$0x7620]  }
0xa3: {  	(erf) = vpow2.f32 v5;
	v5 =	vld [tilespmem:s17+$0x77A0];
	_ =	sdelay $0x1  }
0xa4: {  	v7 =	vadd.f32 v8, v7;
	_ =	sdelay $0x1  }
0xa5: {  	v8 =	vmul.f32 $2.000000030e-01, v7  }
0xa6: {  	v9 =	vadd.f32 v5, v6  }
0xa7: {  	v5 =	vmax.f32 v7, v8  }
0xa8: {  	s16 =	simm.s32 $0x30;
	v6 =	vmul.f32 $1.442695020e+00, v5;
	v7 =	vmul.f32 $2.000000030e-01, v9  }
0xa9: {  	v5 =	vld [tilespmem:s16+$0x7620]  }
0xaa: {  	(erf) = vpow2.f32 v6;
	v6 =	vld [tilespmem:s16+$0x77A0];
	_ =	sdelay $0x1  }
0xab: {  	s18 =	simm.s32 $0x100;
	v8 =	vmax.f32 v9, v7;
	v7 =	vpop (erf)  }
.LBB2_5:
0xac: {  	s19 =	sshra.s32 s18, $0x2  }
0xad: {  	v8 =	vmul.f32 $1.442695020e+00, v8;
	[tilespmem:s14+$0x74A0] =	vst v7;
	s14 =	smov.u32 s15;
	s15 =	smov.u32 s17;
	p0 =	sne.s32 s18, $0x5C0  }
.Ltmp1:
0xae: {  	s18 =	sadd.s32 $0x40, s18;
	v7 =	vadd.f32 v6, v5;
	v5 =	vld [tilespmem:s19+$0x7620];
	(pc) =	sbr.rel @p0 .LBB2_5-.Ltmp1, $3  }
0xaf: {  	s17 =	smov.u32 s16;
	s16 =	smov.u32 s19;
	v6 =	vld [tilespmem:s19+$0x77A0];
	(erf) = vpow2.f32 v8  }
0xb0: {  	v8 =	vmul.f32 $2.000000030e-01, v7;
	_ =	sdelay $0x1  }
0xb1: {  	v8 =	vmax.f32 v7, v8;
	v7 =	vpop (erf)  }
0xb2: {  	_ = 	snop  }
0xb3: {  	v5 =	vadd.f32 v6, v5;
	_ =	sdelay $0x1  }
0xb4: {  	v6 =	vmul.f32 $2.000000030e-01, v5;
	_ =	sdelay $0x1  }
0xb5: {  	v8 =	vmul.f32 $1.442695020e+00, v8;
	v5 =	vmax.f32 v5, v6  }
0xb6: {  	v5 =	vmul.f32 $1.442695020e+00, v5  }
0xb7: {  	(erf) = vpow2.f32 v8  }
0xb8: {  	(erf) = vpow2.f32 v5;
	_ =	sdelay $0x6  }
0xb9: {  	[tilespmem:s14+$0x74A0] =	vst v7;
	v5 =	vpop (erf)  }
0xba: {  	[tilespmem:s15+$0x74A0] =	vst v5;
	v5 =	vpop (erf)  }
0xbb: {  	[tilespmem:s17+$0x74A0] =	vst v5;
	v5 =	vpop (erf)  }
0xbc: {  	[tilespmem:s16+$0x74A0] =	vst v5  }
0xbd: {  	_ =	swait.ge [sflag:s4], $0x3000  }
0xbe: {  	[sflag:s4] =	ssyncset.done $0x0  }
0xbf: {  	s14 =	simm.s32 $0x15A0;
	[sflag:s4] =	ssyncadd.s32 $0xFFFFD000  }
0xc0: {  	v5 =	vld [tilespmem:s14+$0xFFFFFFF0]  }
0xc1: {  	v8 =	vld [tilespmem:s14+$0x90]  }
0xc2: {  	v12 =	vld [tilespmem:s14+$0xD0]  }
0xc3: {  	v9 =	vld [tilespmem:s14+$0x10]  }
0xc4: {  	v18 =	vld [tilespmem:s14+$0xA0]  }
0xc5: {  	v30 =	vld [tilespmem:s14+$0xE0]  }
0xc6: {  	v27 =	vld [tilespmem:s14+$0x80]  }
0xc7: {  	v10 =	vld [tilespmem:s14+$0x40]  }
0xc8: {  	v6 =	vld [tilespmem:s14+$0xB0]  }
0xc9: {  	v20 =	vld [tilespmem:s14+$0xF0]  }
0xca: {  	v23 =	vld [tilespmem:s14+$0xC0]  }
0xcb: {  	v28 =	vld [tilespmem:s14+$0xFFFFFF80]  }
0xcc: {  	v21 =	vld [tilespmem:s14+$0xFFFFFF00]  }
0xcd: {  	v11 =	vld [tilespmem:s14+$0x30]  }
0xce: {  	s22 =	simm.s32 $0x0;
	v16 =	vld [tilespmem:s14+$0x0]  }
0xcf: {  	v13 =	vld [tilespmem:s22+$0x74A0]  }
0xd0: {  	v26 =	vld [tilespmem:s14+$0xFFFFFFA0]  }
0xd1: {  	v14 =	vld [tilespmem:s14+$0x70]  }
0xd2: {  	v19 =	vld [tilespmem:s14+$0xFFFFFF20]  }
0xd3: {  	v24 =	vld [tilespmem:s14+$0xFFFFFFD0]  }
0xd4: {  	v25 =	vld [tilespmem:s14+$0xFFFFFF90];
	v7 =	vperm.xlane v13, v1;
	v15 =	vperm.xlane v13, v4  }
0xd5: {  	v22 =	vld [tilespmem:s14+$0x60];
	v17 =	vperm.xlane v13, v2;
	v13 =	vperm.xlane v13, v3  }
0xd6: {  	v31 =	vmul.f32 v21, v7;
	v21 =	vld [tilespmem:s14+$0x50];
	v29 =	vmul.f32 v27, v15  }
0xd7: {  	s15 =	simm.s32 $0x40;
	s16 =	simm.s32 $0x15A0;
	v28 =	vmul.f32 v28, v17;
	v27 =	vld [tilespmem:s14+$0xFFFFFFC0];
	v30 =	vmul.f32 v30, v15  }
.LBB2_7:
0xd8: {  	p0 =	sne.s32 s15, $0x5C0  }
0xd9: {  	[tilespmem:s14+$0xFFFFFF00] =	vst v31;
	v31 =	vld [tilespmem:s14+$0xFFFFFF40];
	v26 =	vmul.f32 v26, v17;
	v23 =	vmul.f32 v23, v15;
	s16 =	sadd.s32 $0x200, s16;
	s17 =	smov.u32 s15;
	s15 =	sadd.s32 $0x40, s15  }
0xda: {  	v20 =	vmul.f32 v20, v15;
	v32 =	vld [tilespmem:s14+$0xFFFFFF10];
	v25 =	vmul.f32 v25, v17;
	[tilespmem:s14+$0x80] =	vst v29  }
0xdb: {  	v24 =	vmul.f32 v24, v17;
	v29 =	vld [tilespmem:s14+$0xFFFFFFE0];
	v22 =	vmul.f32 v22, v13;
	[tilespmem:s14+$0xE0] =	vst v30  }
0xdc: {  	v18 =	vmul.f32 v18, v15;
	[tilespmem:s14+$0xFFFFFF80] =	vst v28;
	v28 =	vld [tilespmem:s14+$0xFFFFFFB0];
	v21 =	vmul.f32 v21, v13  }
0xdd: {  	v19 =	vmul.f32 v19, v7;
	v30 =	vld [tilespmem:s14+$0xFFFFFF30];
	v27 =	vmul.f32 v27, v17;
	[tilespmem:s14+$0xC0] =	vst v23  }
0xde: {  	v33 =	vmul.f32 v5, v17;
	v10 =	vmul.f32 v10, v13;
	v23 =	vld [tilespmem:s14+$0xFFFFFF60];
	[tilespmem:s14+$0xF0] =	vst v20  }
0xdf: {  	v5 =	vmul.f32 v12, v15;
	v32 =	vmul.f32 v32, v7;
	v20 =	vld [tilespmem:s14+$0xFFFFFF50];
	[tilespmem:s14+$0xA0] =	vst v18  }
0xe0: {  	v8 =	vmul.f32 v8, v15;
	[tilespmem:s14+$0xFFFFFFC0] =	vst v27;
	v27 =	vmul.f32 v29, v17;
	v12 =	vld [tilespmem:s14+$0x20]  }
0xe1: {  	v9 =	vmul.f32 v9, v13;
	v18 =	vld [tilespmem:s14+$0xFFFFFF70];
	v17 =	vmul.f32 v28, v17;
	[tilespmem:s14+$0xD0] =	vst v5  }
0xe2: {  	v16 =	vmul.f32 v16, v13;
	v14 =	vmul.f32 v14, v13;
	v5 =	vld [tilespmem:s16+$0xFFFFFFF0];
	[tilespmem:s14+$0x90] =	vst v8  }
0xe3: {  	v29 =	vmul.f32 v31, v7;
	v28 =	vmul.f32 v30, v7;
	[tilespmem:s14+$0xFFFFFFA0] =	vst v26  }
0xe4: {  	v30 =	vmul.f32 v23, v7;
	v26 =	vmul.f32 v20, v7;
	[tilespmem:s14+$0x10] =	vst v9  }
0xe5: {  	v9 =	vmul.f32 v11, v13;
	[tilespmem:s14+$0xFFFFFFF0] =	vst v33;
	v20 =	vmul.f32 v12, v13  }
0xe6: {  	v6 =	vmul.f32 v6, v15;
	v7 =	vmul.f32 v18, v7;
	[tilespmem:s14+$0xFFFFFF90] =	vst v25  }
0xe7: {  	[tilespmem:s14+$0xFFFFFFD0] =	vst v24  }
0xe8: {  	[tilespmem:s14+$0x0] =	vst v16  }
0xe9: {  	[tilespmem:s14+$0xFFFFFF20] =	vst v19  }
0xea: {  	[tilespmem:s14+$0xB0] =	vst v6  }
0xeb: {  	v8 =	vld [tilespmem:s16+$0x90];
	[tilespmem:s14+$0x30] =	vst v9  }
0xec: {  	v12 =	vld [tilespmem:s16+$0xD0];
	[tilespmem:s14+$0xFFFFFF70] =	vst v7  }
0xed: {  	v9 =	vld [tilespmem:s16+$0x10];
	[tilespmem:s14+$0x60] =	vst v22  }
0xee: {  	v18 =	vld [tilespmem:s16+$0xA0];
	[tilespmem:s14+$0x70] =	vst v14  }
0xef: {  	v33 =	vld [tilespmem:s16+$0xE0];
	[tilespmem:s14+$0x50] =	vst v21  }
0xf0: {  	v34 =	vld [tilespmem:s16+$0x80];
	[tilespmem:s14+$0x40] =	vst v10  }
0xf1: {  	v10 =	vld [tilespmem:s16+$0x40];
	[tilespmem:s14+$0x20] =	vst v20  }
0xf2: {  	v6 =	vld [tilespmem:s16+$0xB0];
	[tilespmem:s14+$0xFFFFFF40] =	vst v29  }
0xf3: {  	v20 =	vld [tilespmem:s16+$0xF0];
	[tilespmem:s14+$0xFFFFFFB0] =	vst v17  }
0xf4: {  	v23 =	vld [tilespmem:s16+$0xC0];
	[tilespmem:s14+$0xFFFFFF30] =	vst v28  }
0xf5: {  	v28 =	vld [tilespmem:s16+$0xFFFFFF80];
	[tilespmem:s14+$0xFFFFFFE0] =	vst v27  }
0xf6: {  	v21 =	vld [tilespmem:s16+$0xFFFFFF00];
	[tilespmem:s14+$0xFFFFFF10] =	vst v32  }
0xf7: {  	v11 =	vld [tilespmem:s16+$0x30];
	[tilespmem:s14+$0xFFFFFF60] =	vst v30  }
0xf8: {  	s17 =	sshra.s32 s17, $0x2;
	v16 =	vld [tilespmem:s16+$0x0];
	[tilespmem:s14+$0xFFFFFF50] =	vst v26;
	s14 =	smov.u32 s16  }
0xf9: {  	v13 =	vld [tilespmem:s17+$0x74A0]  }
0xfa: {  	v26 =	vld [tilespmem:s16+$0xFFFFFFA0]  }
0xfb: {  	v14 =	vld [tilespmem:s16+$0x70]  }
0xfc: {  	v19 =	vld [tilespmem:s16+$0xFFFFFF20]  }
.Ltmp2:
0xfd: {  	v24 =	vld [tilespmem:s16+$0xFFFFFFD0];
	(pc) =	sbr.rel @p0 .LBB2_7-.Ltmp2, $4  }
0xfe: {  	v7 =	vperm.xlane v13, v1;
	v25 =	vld [tilespmem:s16+$0xFFFFFF90];
	v15 =	vperm.xlane v13, v4  }
0xff: {  	v17 =	vperm.xlane v13, v2;
	v13 =	vperm.xlane v13, v3;
	v22 =	vld [tilespmem:s16+$0x60]  }
0x100: {  	v31 =	vmul.f32 v21, v7;
	v21 =	vld [tilespmem:s16+$0x50];
	v29 =	vmul.f32 v34, v15  }
0x101: {  	v28 =	vmul.f32 v28, v17;
	v30 =	vmul.f32 v33, v15;
	v27 =	vld [tilespmem:s16+$0xFFFFFFC0]  }
0x102: {  	[tilespmem:s14+$0xFFFFFF00] =	vst v31  }
0x103: {  	[tilespmem:s14+$0x80] =	vst v29  }
0x104: {  	v23 =	vmul.f32 v23, v15;
	[tilespmem:s14+$0xE0] =	vst v30  }
0x105: {  	v20 =	vmul.f32 v20, v15;
	[tilespmem:s14+$0xFFFFFF80] =	vst v28  }
0x106: {  	v18 =	vmul.f32 v18, v15;
	[tilespmem:s14+$0xC0] =	vst v23  }
0x107: {  	v12 =	vmul.f32 v12, v15;
	[tilespmem:s14+$0xF0] =	vst v20  }
0x108: {  	v8 =	vmul.f32 v8, v15;
	[tilespmem:s14+$0xA0] =	vst v18  }
0x109: {  	v58 =	vmul.f32 v26, v17;
	[tilespmem:s14+$0xD0] =	vst v12  }
0x10a: {  	v9 =	vmul.f32 v9, v13;
	[tilespmem:s14+$0x90] =	vst v8  }
0x10b: {  	v5 =	vmul.f32 v5, v17;
	[tilespmem:s14+$0xFFFFFFA0] =	vst v58  }
0x10c: {  	v16 =	vmul.f32 v16, v13;
	[tilespmem:s14+$0x10] =	vst v9  }
0x10d: {  	v19 =	vmul.f32 v19, v7;
	[tilespmem:s14+$0xFFFFFFF0] =	vst v5  }
0x10e: {  	v6 =	vmul.f32 v6, v15;
	[tilespmem:s14+$0x0] =	vst v16  }
0x10f: {  	v11 =	vmul.f32 v11, v13;
	[tilespmem:s14+$0xFFFFFF20] =	vst v19  }
0x110: {  	v25 =	vmul.f32 v25, v17;
	[tilespmem:s14+$0xB0] =	vst v6  }
0x111: {  	v9 =	vmul.f32 v24, v17;
	[tilespmem:s14+$0x30] =	vst v11  }
0x112: {  	v59 =	vld [tilespmem:s14+$0xFFFFFF70];
	v6 =	vmul.f32 v22, v13;
	[tilespmem:s14+$0xFFFFFF90] =	vst v25  }
0x113: {  	v60 =	vld [tilespmem:s14+$0xFFFFFF40];
	v11 =	vmul.f32 v14, v13;
	[tilespmem:s14+$0xFFFFFFD0] =	vst v9  }
0x114: {  	v57 =	vld [tilespmem:s14+$0xFFFFFFB0];
	v63 =	vmul.f32 v21, v13;
	[tilespmem:s14+$0x60] =	vst v6  }
0x115: {  	v8 =	vld [tilespmem:s14+$0x20];
	v27 =	vmul.f32 v27, v17;
	[tilespmem:s14+$0x70] =	vst v11  }
0x116: {  	v56 =	vld [tilespmem:s14+$0xFFFFFFE0];
	v6 =	vmul.f32 v10, v13;
	[tilespmem:s14+$0x50] =	vst v63  }
0x117: {  	v5 =	vld [tilespmem:s14+$0xFFFFFF10];
	v12 =	vmul.f32 v59, v7;
	[tilespmem:s14+$0xFFFFFFC0] =	vst v27  }
0x118: {  	v61 =	vld [tilespmem:s14+$0xFFFFFF60];
	v10 =	vmul.f32 v60, v7;
	[tilespmem:s14+$0x40] =	vst v6  }
0x119: {  	v62 =	vld [tilespmem:s14+$0xFFFFFF30];
	v6 =	vmul.f32 v57, v17;
	[tilespmem:s14+$0xFFFFFF70] =	vst v12  }
0x11a: {  	v9 =	vld [tilespmem:s14+$0xFFFFFF50];
	v8 =	vmul.f32 v8, v13;
	[tilespmem:s14+$0xFFFFFF40] =	vst v10  }
0x11b: {  	v10 =	vmul.f32 v56, v17;
	[tilespmem:s14+$0xFFFFFFB0] =	vst v6  }
0x11c: {  	v5 =	vmul.f32 v5, v7;
	[tilespmem:s14+$0x20] =	vst v8  }
0x11d: {  	v6 =	vmul.f32 v61, v7;
	[tilespmem:s14+$0xFFFFFFE0] =	vst v10  }
0x11e: {  	v8 =	vmul.f32 v62, v7;
	[tilespmem:s14+$0xFFFFFF10] =	vst v5  }
0x11f: {  	v7 =	vmul.f32 v9, v7;
	[tilespmem:s14+$0xFFFFFF60] =	vst v6  }
0x120: {  	[tilespmem:s14+$0xFFFFFF30] =	vst v8  }
0x121: {  	[tilespmem:s14+$0xFFFFFF50] =	vst v7  }
0x122: {  	[spmem:s2] =	stream.indirect.scatter.add.f32 [tilespmem:s30], [sflag:$0x4], $0x200, s13, s29, $0xb8;
	[tilespmem:$0x1C520] =	vst v63  }
0x123: {  	_ =	swait.ge [sflag:s24], $0x3000  }
0x124: {  	[sflag:s24] =	ssyncset.done $0x0  }
0x125: {  	p0 =	seq.s32 s11, $0x36;
	[sflag:s24] =	ssyncadd.s32 $0xFFFFD000  }
0x126: {  	[spmem:s3] =	stream.indirect.scatter.add.f32 [tilespmem:s28], [sflag:$0x4], $0x10, s13, s29, $0xb8;
	[tilespmem:$0x1C520] =	vst v63  }
0x127: {  	s13 =	smul.u32 @!p0 $0xC0, s11  }
0x128: {  	_ =	swait.ge [sflag:s24], $0x180  }
0x129: {  	s15 =	simm.s32 @!p0 $0x14A0;
	[sflag:s24] =	ssyncset.done $0x0;
	s13 =	sshra.s32 @!p0 s13, $0x2  }
0x12a: {  	s14 =	simm.s32 @!p0 $0x18;
	[sflag:s24] =	ssyncadd.s32 $0xFFFFFE80;
	s13 =	sadd.s32 @!p0 $0x30, s13  }
0x12b: {  	[tilespmem:s15], [sflag:$0x1] =	stream.indirect.gather @!p0 [hbm4b:s5+s14], $0x200, s13, s14, $0xb8;
	[tilespmem:$0x1C520] =	vst v63  }
0x12c: {  	_ = 	snop  }
0x12d: {  	[tilespmem:s0], [sflag:$0x3] =	stream.indirect.gather [hbm4b:s6+s29], $0x10, s12, s29, $0xb8;
	[tilespmem:$0x1C520] =	vst v63  }
0x12e: {  	s12 =	sadd.s32 $0xA50, s12  }
0x12f: {  	[tilespmem:s25], [sflag:$0x3] =	stream.indirect.gather [hbm4b:s7+s29], $0x10, s12, s29, $0xb8;
	[tilespmem:$0x1C520] =	vst v63  }
0x130: {  	_ =	swait.ge [sflag:s1], $0x180  }
0x131: {  	[sflag:s1] =	ssyncset.done $0x0  }
0x132: {  	[sflag:s1] =	ssyncadd.s32 $0xFFFFFE80  }
0x133: {  	_ =	swait.ge [sflag:s1], $0x180  }
0x134: {  	[sflag:s1] =	ssyncset.done $0x0  }
0x135: {  	s13 =	simm.s32 $0x0;
	[sflag:s1] =	ssyncadd.s32 $0xFFFFFE80  }
0x136: {  	v5 =	vld [tilespmem:s13+$0x7620]  }
0x137: {  	v6 =	vld [tilespmem:s13+$0x77A0];
	_ =	sdelay $0x4  }
0x138: {  	s14 =	simm.s32 $0x10;
	v5 =	vadd.f32 v6, v5  }
0x139: {  	v7 =	vld [tilespmem:s14+$0x7620]  }
0x13a: {  	v8 =	vld [tilespmem:s14+$0x77A0];
	v6 =	vmul.f32 $2.000000030e-01, v5;
	_ =	sdelay $0x1  }
0x13b: {  	v5 =	vmax.f32 v5, v6  }
0x13c: {  	s16 =	simm.s32 $0x20;
	v5 =	vmul.f32 $1.442695020e+00, v5  }
0x13d: {  	v9 =	vld [tilespmem:s16+$0x77A0]  }
0x13e: {  	v6 =	vld [tilespmem:s16+$0x7620];
	(erf) = vpow2.f32 v5;
	v5 =	vadd.f32 v8, v7;
	_ =	sdelay $0x1  }
0x13f: {  	v7 =	vmul.f32 $2.000000030e-01, v5;
	_ =	sdelay $0x1  }
0x140: {  	v5 =	vmax.f32 v5, v7  }
0x141: {  	s15 =	simm.s32 $0x30;
	v8 =	vadd.f32 v9, v6;
	v7 =	vmul.f32 $1.442695020e+00, v5  }
0x142: {  	v6 =	vld [tilespmem:s15+$0x77A0]  }
0x143: {  	v9 =	vmul.f32 $2.000000030e-01, v8;
	v5 =	vld [tilespmem:s15+$0x7620];
	(erf) = vpow2.f32 v7;
	_ =	sdelay $0x1  }
0x144: {  	s17 =	simm.s32 $0x100;
	v8 =	vmax.f32 v8, v9;
	v7 =	vpop (erf)  }
.LBB2_9:
0x145: {  	s18 =	sshra.s32 s17, $0x2  }
0x146: {  	v8 =	vmul.f32 $1.442695020e+00, v8;
	[tilespmem:s13+$0x74A0] =	vst v7;
	s13 =	smov.u32 s14;
	s14 =	smov.u32 s16;
	p0 =	sne.s32 s17, $0x5C0  }
.Ltmp3:
0x147: {  	s17 =	sadd.s32 $0x40, s17;
	v7 =	vadd.f32 v6, v5;
	v5 =	vld [tilespmem:s18+$0x7620];
	(pc) =	sbr.rel @p0 .LBB2_9-.Ltmp3, $3  }
0x148: {  	s16 =	smov.u32 s15;
	s15 =	smov.u32 s18;
	v6 =	vld [tilespmem:s18+$0x77A0];
	(erf) = vpow2.f32 v8  }
0x149: {  	v8 =	vmul.f32 $2.000000030e-01, v7;
	_ =	sdelay $0x1  }
0x14a: {  	v8 =	vmax.f32 v7, v8;
	v7 =	vpop (erf)  }
0x14b: {  	_ = 	snop  }
0x14c: {  	v5 =	vadd.f32 v6, v5;
	_ =	sdelay $0x1  }
0x14d: {  	v6 =	vmul.f32 $2.000000030e-01, v5;
	_ =	sdelay $0x1  }
0x14e: {  	v8 =	vmul.f32 $1.442695020e+00, v8;
	v5 =	vmax.f32 v5, v6  }
0x14f: {  	v5 =	vmul.f32 $1.442695020e+00, v5  }
0x150: {  	(erf) = vpow2.f32 v8  }
0x151: {  	(erf) = vpow2.f32 v5;
	_ =	sdelay $0x6  }
0x152: {  	[tilespmem:s13+$0x74A0] =	vst v7;
	v5 =	vpop (erf)  }
0x153: {  	[tilespmem:s14+$0x74A0] =	vst v5;
	v5 =	vpop (erf)  }
0x154: {  	[tilespmem:s16+$0x74A0] =	vst v5;
	v5 =	vpop (erf)  }
0x155: {  	[tilespmem:s15+$0x74A0] =	vst v5  }
0x156: {  	_ =	swait.ge [sflag:s8], $0x3000  }
0x157: {  	[sflag:s8] =	ssyncset.done $0x0  }
0x158: {  	s13 =	simm.s32 $0x45A0;
	[sflag:s8] =	ssyncadd.s32 $0xFFFFD000  }
0x159: {  	v5 =	vld [tilespmem:s13+$0xFFFFFFF0]  }
0x15a: {  	v8 =	vld [tilespmem:s13+$0x90]  }
0x15b: {  	v12 =	vld [tilespmem:s13+$0xD0]  }
0x15c: {  	v9 =	vld [tilespmem:s13+$0x10]  }
0x15d: {  	v18 =	vld [tilespmem:s13+$0xA0]  }
0x15e: {  	v30 =	vld [tilespmem:s13+$0xE0]  }
0x15f: {  	v27 =	vld [tilespmem:s13+$0x80]  }
0x160: {  	v10 =	vld [tilespmem:s13+$0x40]  }
0x161: {  	v6 =	vld [tilespmem:s13+$0xB0]  }
0x162: {  	v20 =	vld [tilespmem:s13+$0xF0]  }
0x163: {  	v23 =	vld [tilespmem:s13+$0xC0]  }
0x164: {  	v28 =	vld [tilespmem:s13+$0xFFFFFF80]  }
0x165: {  	v21 =	vld [tilespmem:s13+$0xFFFFFF00]  }
0x166: {  	v11 =	vld [tilespmem:s13+$0x30]  }
0x167: {  	s22 =	simm.s32 $0x0;
	v16 =	vld [tilespmem:s13+$0x0]  }
0x168: {  	v13 =	vld [tilespmem:s22+$0x74A0]  }
0x169: {  	v26 =	vld [tilespmem:s13+$0xFFFFFFA0]  }
0x16a: {  	v14 =	vld [tilespmem:s13+$0x70]  }
0x16b: {  	v19 =	vld [tilespmem:s13+$0xFFFFFF20]  }
0x16c: {  	v24 =	vld [tilespmem:s13+$0xFFFFFFD0]  }
0x16d: {  	v25 =	vld [tilespmem:s13+$0xFFFFFF90];
	v7 =	vperm.xlane v13, v1;
	v15 =	vperm.xlane v13, v4  }
0x16e: {  	v22 =	vld [tilespmem:s13+$0x60];
	v17 =	vperm.xlane v13, v2;
	v13 =	vperm.xlane v13, v3  }
0x16f: {  	v31 =	vmul.f32 v21, v7;
	v21 =	vld [tilespmem:s13+$0x50];
	v29 =	vmul.f32 v27, v15  }
0x170: {  	s14 =	simm.s32 $0x40;
	s15 =	simm.s32 $0x45A0;
	v28 =	vmul.f32 v28, v17;
	v27 =	vld [tilespmem:s13+$0xFFFFFFC0];
	v30 =	vmul.f32 v30, v15  }
.LBB2_11:
0x171: {  	p0 =	sne.s32 s14, $0x5C0  }
0x172: {  	[tilespmem:s13+$0xFFFFFF00] =	vst v31;
	v31 =	vld [tilespmem:s13+$0xFFFFFF40];
	v26 =	vmul.f32 v26, v17;
	v23 =	vmul.f32 v23, v15;
	s15 =	sadd.s32 $0x200, s15;
	s16 =	smov.u32 s14;
	s14 =	sadd.s32 $0x40, s14  }
0x173: {  	v20 =	vmul.f32 v20, v15;
	v32 =	vld [tilespmem:s13+$0xFFFFFF10];
	v25 =	vmul.f32 v25, v17;
	[tilespmem:s13+$0x80] =	vst v29  }
0x174: {  	v24 =	vmul.f32 v24, v17;
	v29 =	vld [tilespmem:s13+$0xFFFFFFE0];
	v22 =	vmul.f32 v22, v13;
	[tilespmem:s13+$0xE0] =	vst v30  }
0x175: {  	v18 =	vmul.f32 v18, v15;
	[tilespmem:s13+$0xFFFFFF80] =	vst v28;
	v28 =	vld [tilespmem:s13+$0xFFFFFFB0];
	v21 =	vmul.f32 v21, v13  }
0x176: {  	v19 =	vmul.f32 v19, v7;
	v30 =	vld [tilespmem:s13+$0xFFFFFF30];
	v27 =	vmul.f32 v27, v17;
	[tilespmem:s13+$0xC0] =	vst v23  }
0x177: {  	v33 =	vmul.f32 v5, v17;
	v10 =	vmul.f32 v10, v13;
	v23 =	vld [tilespmem:s13+$0xFFFFFF60];
	[tilespmem:s13+$0xF0] =	vst v20  }
0x178: {  	v5 =	vmul.f32 v12, v15;
	v32 =	vmul.f32 v32, v7;
	v20 =	vld [tilespmem:s13+$0xFFFFFF50];
	[tilespmem:s13+$0xA0] =	vst v18  }
0x179: {  	v8 =	vmul.f32 v8, v15;
	[tilespmem:s13+$0xFFFFFFC0] =	vst v27;
	v27 =	vmul.f32 v29, v17;
	v12 =	vld [tilespmem:s13+$0x20]  }
0x17a: {  	v9 =	vmul.f32 v9, v13;
	v18 =	vld [tilespmem:s13+$0xFFFFFF70];
	v17 =	vmul.f32 v28, v17;
	[tilespmem:s13+$0xD0] =	vst v5  }
0x17b: {  	v16 =	vmul.f32 v16, v13;
	v14 =	vmul.f32 v14, v13;
	v5 =	vld [tilespmem:s15+$0xFFFFFFF0];
	[tilespmem:s13+$0x90] =	vst v8  }
0x17c: {  	v29 =	vmul.f32 v31, v7;
	v28 =	vmul.f32 v30, v7;
	[tilespmem:s13+$0xFFFFFFA0] =	vst v26  }
0x17d: {  	v30 =	vmul.f32 v23, v7;
	v26 =	vmul.f32 v20, v7;
	[tilespmem:s13+$0x10] =	vst v9  }
0x17e: {  	v9 =	vmul.f32 v11, v13;
	[tilespmem:s13+$0xFFFFFFF0] =	vst v33;
	v20 =	vmul.f32 v12, v13  }
0x17f: {  	v6 =	vmul.f32 v6, v15;
	v7 =	vmul.f32 v18, v7;
	[tilespmem:s13+$0xFFFFFF90] =	vst v25  }
0x180: {  	[tilespmem:s13+$0xFFFFFFD0] =	vst v24  }
0x181: {  	[tilespmem:s13+$0x0] =	vst v16  }
0x182: {  	[tilespmem:s13+$0xFFFFFF20] =	vst v19  }
0x183: {  	[tilespmem:s13+$0xB0] =	vst v6  }
0x184: {  	v8 =	vld [tilespmem:s15+$0x90];
	[tilespmem:s13+$0x30] =	vst v9  }
0x185: {  	v12 =	vld [tilespmem:s15+$0xD0];
	[tilespmem:s13+$0xFFFFFF70] =	vst v7  }
0x186: {  	v9 =	vld [tilespmem:s15+$0x10];
	[tilespmem:s13+$0x60] =	vst v22  }
0x187: {  	v18 =	vld [tilespmem:s15+$0xA0];
	[tilespmem:s13+$0x70] =	vst v14  }
0x188: {  	v33 =	vld [tilespmem:s15+$0xE0];
	[tilespmem:s13+$0x50] =	vst v21  }
0x189: {  	v34 =	vld [tilespmem:s15+$0x80];
	[tilespmem:s13+$0x40] =	vst v10  }
0x18a: {  	v10 =	vld [tilespmem:s15+$0x40];
	[tilespmem:s13+$0x20] =	vst v20  }
0x18b: {  	v6 =	vld [tilespmem:s15+$0xB0];
	[tilespmem:s13+$0xFFFFFF40] =	vst v29  }
0x18c: {  	v20 =	vld [tilespmem:s15+$0xF0];
	[tilespmem:s13+$0xFFFFFFB0] =	vst v17  }
0x18d: {  	v23 =	vld [tilespmem:s15+$0xC0];
	[tilespmem:s13+$0xFFFFFF30] =	vst v28  }
0x18e: {  	v28 =	vld [tilespmem:s15+$0xFFFFFF80];
	[tilespmem:s13+$0xFFFFFFE0] =	vst v27  }
0x18f: {  	v21 =	vld [tilespmem:s15+$0xFFFFFF00];
	[tilespmem:s13+$0xFFFFFF10] =	vst v32  }
0x190: {  	v11 =	vld [tilespmem:s15+$0x30];
	[tilespmem:s13+$0xFFFFFF60] =	vst v30  }
0x191: {  	s16 =	sshra.s32 s16, $0x2;
	v16 =	vld [tilespmem:s15+$0x0];
	[tilespmem:s13+$0xFFFFFF50] =	vst v26;
	s13 =	smov.u32 s15  }
0x192: {  	v13 =	vld [tilespmem:s16+$0x74A0]  }
0x193: {  	v26 =	vld [tilespmem:s15+$0xFFFFFFA0]  }
0x194: {  	v14 =	vld [tilespmem:s15+$0x70]  }
0x195: {  	v19 =	vld [tilespmem:s15+$0xFFFFFF20]  }
.Ltmp4:
0x196: {  	v24 =	vld [tilespmem:s15+$0xFFFFFFD0];
	(pc) =	sbr.rel @p0 .LBB2_11-.Ltmp4, $4  }
0x197: {  	v7 =	vperm.xlane v13, v1;
	v25 =	vld [tilespmem:s15+$0xFFFFFF90];
	v15 =	vperm.xlane v13, v4  }
0x198: {  	v17 =	vperm.xlane v13, v2;
	v13 =	vperm.xlane v13, v3;
	v22 =	vld [tilespmem:s15+$0x60]  }
0x199: {  	v31 =	vmul.f32 v21, v7;
	v21 =	vld [tilespmem:s15+$0x50];
	v29 =	vmul.f32 v34, v15  }
0x19a: {  	v28 =	vmul.f32 v28, v17;
	v30 =	vmul.f32 v33, v15;
	v27 =	vld [tilespmem:s15+$0xFFFFFFC0]  }
0x19b: {  	[tilespmem:s13+$0xFFFFFF00] =	vst v31  }
0x19c: {  	[tilespmem:s13+$0x80] =	vst v29  }
0x19d: {  	v23 =	vmul.f32 v23, v15;
	[tilespmem:s13+$0xE0] =	vst v30  }
0x19e: {  	v20 =	vmul.f32 v20, v15;
	[tilespmem:s13+$0xFFFFFF80] =	vst v28  }
0x19f: {  	v18 =	vmul.f32 v18, v15;
	[tilespmem:s13+$0xC0] =	vst v23  }
0x1a0: {  	v12 =	vmul.f32 v12, v15;
	[tilespmem:s13+$0xF0] =	vst v20  }
0x1a1: {  	v8 =	vmul.f32 v8, v15;
	[tilespmem:s13+$0xA0] =	vst v18  }
0x1a2: {  	v51 =	vmul.f32 v26, v17;
	[tilespmem:s13+$0xD0] =	vst v12  }
0x1a3: {  	v9 =	vmul.f32 v9, v13;
	[tilespmem:s13+$0x90] =	vst v8  }
0x1a4: {  	v5 =	vmul.f32 v5, v17;
	[tilespmem:s13+$0xFFFFFFA0] =	vst v51  }
0x1a5: {  	v55 =	vmul.f32 v24, v17;
	[tilespmem:s13+$0x10] =	vst v9  }
0x1a6: {  	v16 =	vmul.f32 v16, v13;
	[tilespmem:s13+$0xFFFFFFF0] =	vst v5  }
0x1a7: {  	v19 =	vmul.f32 v19, v7;
	[tilespmem:s13+$0xFFFFFFD0] =	vst v55  }
0x1a8: {  	v6 =	vmul.f32 v6, v15;
	[tilespmem:s13+$0x0] =	vst v16  }
0x1a9: {  	v11 =	vmul.f32 v11, v13;
	[tilespmem:s13+$0xFFFFFF20] =	vst v19  }
0x1aa: {  	v59 =	vmul.f32 v14, v13;
	[tilespmem:s13+$0xB0] =	vst v6  }
0x1ab: {  	v52 =	vld [tilespmem:s13+$0xFFFFFF70];
	v25 =	vmul.f32 v25, v17;
	[tilespmem:s13+$0x30] =	vst v11  }
0x1ac: {  	v53 =	vld [tilespmem:s13+$0x20];
	v6 =	vmul.f32 v22, v13;
	[tilespmem:s13+$0x70] =	vst v59  }
0x1ad: {  	v54 =	vld [tilespmem:s13+$0xFFFFFF40];
	[tilespmem:s13+$0xFFFFFF90] =	vst v25;
	v60 =	vmul.f32 v21, v13  }
0x1ae: {  	v57 =	vld [tilespmem:s13+$0xFFFFFF30];
	v27 =	vmul.f32 v27, v17;
	[tilespmem:s13+$0x60] =	vst v6  }
0x1af: {  	v49 =	vld [tilespmem:s13+$0xFFFFFFE0];
	v6 =	vmul.f32 v10, v13;
	[tilespmem:s13+$0x50] =	vst v60  }
0x1b0: {  	v50 =	vld [tilespmem:s13+$0xFFFFFFB0];
	v12 =	vmul.f32 v52, v7;
	[tilespmem:s13+$0xFFFFFFC0] =	vst v27  }
0x1b1: {  	v5 =	vld [tilespmem:s13+$0xFFFFFF10];
	v8 =	vmul.f32 v53, v13;
	[tilespmem:s13+$0x40] =	vst v6  }
0x1b2: {  	v56 =	vld [tilespmem:s13+$0xFFFFFF60];
	v61 =	vmul.f32 v54, v7;
	[tilespmem:s13+$0xFFFFFF70] =	vst v12  }
0x1b3: {  	v58 =	vld [tilespmem:s13+$0xFFFFFF50];
	v62 =	vmul.f32 v57, v7;
	[tilespmem:s13+$0x20] =	vst v8  }
0x1b4: {  	v63 =	vmul.f32 v49, v17;
	[tilespmem:s13+$0xFFFFFF40] =	vst v61  }
0x1b5: {  	v6 =	vmul.f32 v50, v17;
	[tilespmem:s13+$0xFFFFFF30] =	vst v62  }
0x1b6: {  	v5 =	vmul.f32 v5, v7;
	[tilespmem:s13+$0xFFFFFFE0] =	vst v63  }
0x1b7: {  	[tilespmem:s13+$0xFFFFFFB0] =	vst v6;
	v6 =	vmul.f32 v56, v7  }
0x1b8: {  	v7 =	vmul.f32 v58, v7;
	[tilespmem:s13+$0xFFFFFF10] =	vst v5  }
0x1b9: {  	[tilespmem:s13+$0xFFFFFF60] =	vst v6  }
0x1ba: {  	[tilespmem:s13+$0xFFFFFF50] =	vst v7  }
0x1bb: {  	[spmem:s2] =	stream.indirect.scatter.add.f32 [tilespmem:s31], [sflag:$0x4], $0x200, s12, s29, $0xb8;
	[tilespmem:$0x1C520] =	vst v63  }
0x1bc: {  	s11 =	sadd.s32 $0x1, s11;
	_ =	swait.ge [sflag:s24], $0x3000  }
0x1bd: {  	p0 =	sne.s32 s11, $0x37;
	[sflag:s24] =	ssyncset.done $0x0  }
.Ltmp5:
0x1be: {  	[sflag:s24] =	ssyncadd.s32 $0xFFFFD000;
	(pc) =	sbr.rel @p0 .LBB2_4-.Ltmp5, $4  }
0x1bf: {  	[spmem:s3] =	stream.indirect.scatter.add.f32 [tilespmem:s28], [sflag:$0x4], $0x10, s12, s29, $0xb8;
	[tilespmem:$0x1C520] =	vst v63  }
0x1c0: {  	_ =	swait.ge [sflag:s24], $0x180  }
0x1c1: {  	[sflag:s24] =	ssyncset.done $0x0  }
0x1c2: {  	[sflag:s24] =	ssyncadd.s32 $0xFFFFFE80  }
0x1c3: {  	s11 =	stileid.u32  }
0x1c4: {  	[bflag:$0x0] =	sbarrier.arrive $0xFFFF;
	s12 =	sshll.u32 s11, $0x6  }
0x1c5: {  	s13 =	sshrl.u32 s21, $0x3;
	s14 =	sadd.s32 $0x0, s23;
	s11 =	sor.u32 $0x1C04, s12  }
0x1c6: {  	[hbm:s14], [sflag:s11] =	dma.local [spmem:s13], $0x400  }
0x1c7: {  	s22 =	sadd.s32 $0x2000, s21;
	s16 =	sadd.s32 $0x0, s10;
	_ =	swait.ge [sflag:s24], $0x400  }
0x1c8: {  	s15 =	sadd.s32 $0x400, s23;
	s18 =	simm.s32 $0x800;
	[sflag:s24] =	ssyncset.done $0x0  }
0x1c9: {  	s16 =	sshrl.u32 s16, $0x3;
	s17 =	rddreg [dreg:$0x11];
	[sflag:s24] =	ssyncadd.s32 $0xFFFFFC00  }
0x1ca: {  	[hbm:s17], [sflag:s11] =	dma.local [spmem:s16], $0x20  }
0x1cb: {  	s13 =	sshrl.u32 s22, $0x3;
	s14 =	sadd.s32 $0x20, s17;
	_ =	swait.ge [sflag:s24], $0x20  }
0x1cc: {  	s16 =	sadd.s32 $0x2000, s22;
	s17 =	simm.s32 $0x100;
	[sflag:s24] =	ssyncset.done $0x0  }
.LBB2_14:
0x1cd: {  	s19 =	sor.u32 $0x1C04, s12;
	[sflag:s24] =	ssyncadd.s32 $0xFFFFFFE0;
	s20 =	smov.u32 s13  }
0x1ce: {  	s13 =	sshrl.u32 s16, $0x3;
	s22 =	smov.u32 s18;
	p0 =	sne.s32 s18, $0x2400  }
0x1cf: {  	[hbm:s15], [sflag:s19] =	dma.local [spmem:s20], $0x400  }
0x1d0: {  	s15 =	sadd.s32 s22, s23;
	s20 =	sadd.s32 $0x400, s18;
	_ =	swait.ge [sflag:s24], $0x400  }
.Ltmp6:
0x1d1: {  	s17 =	sadd.s32 s17, s10;
	[sflag:s24] =	ssyncset.done $0x0;
	(pc) =	sbr.rel @p0 .LBB2_14-.Ltmp6, $4  }
0x1d2: {  	s17 =	sshrl.u32 s17, $0x3;
	[sflag:s24] =	ssyncadd.s32 $0xFFFFFC00  }
0x1d3: {  	[hbm:s14], [sflag:s19] =	dma.local [spmem:s17], $0x20  }
0x1d4: {  	s16 =	sadd.s32 $0x2000, s16;
	s14 =	sadd.s32 $0x20, s14;
	_ =	swait.ge [sflag:s24], $0x20  }
0x1d5: {  	s18 =	smov.u32 s20;
	s17 =	sshra.s32 s22, $0x2;
	[sflag:s24] =	ssyncset.done $0x0  }
0x1d6: {  	[sflag:s24] =	ssyncadd.s32 $0xFFFFFFE0  }
0x1d7: {  	[hbm:s15], [sflag:s11] =	dma.local [spmem:s13], $0x400  }
0x1d8: {  	_ =	swait.ge [sflag:s24], $0x400  }
0x1d9: {  	s12 =	sadd.s32 s17, s10;
	[sflag:s24] =	ssyncset.done $0x0  }
0x1da: {  	s12 =	sshrl.u32 s12, $0x3;
	[sflag:s24] =	ssyncadd.s32 $0xFFFFFC00  }
0x1db: {  	[hbm:s14], [sflag:s11] =	dma.local [spmem:s12], $0x20  }
0x1dc: {  	_ =	swait.ge [sflag:s24], $0x20  }
0x1dd: {  	s9 =	sadd.s32 $0x1, s9;
	s22 =	rddreg [dreg:$0x7]  }
0x1de: {  	p0 =	sne.s32 s9, s22  }
.Ltmp7:
0x1df: {  	_ = 	snop;
	(pc) =	sbr.rel @p0 .LBB2_1-.Ltmp7, $3  }
0x1e0: {  	_ =	sdelay $0x1  }
0x1e1: {  	[sflag:s24] =	ssyncset.done $0x0  }
0x1e2: {  	[sflag:s24] =	ssyncadd.s32 $0xFFFFFFE0  }
0x1e3: {  	_ =	sfence.sel $0x180000  }
0x1e4: {  	[bflag:$0x0] =	sbarrier.arrive $0xFFFF  }
0x1e5: {  	_ =	strace $0x90000047  }
0x1e6: {  	s0 =	stileid.u32;
	[bflag:$0x2] =	sbarrier.arrive $0xFFFF  }
0x1e7: {  	p0 =	sne.s32 s0, $0x0;
	s0 =	rddreg [dreg:$0x4]  }
0x1e8: {  	s0 =	sadd.s32 @!p0 $0x100000, s0  }
0x1e9: {  	[sflag:s0] =	ssyncadd.tile.s32 @!p0 $0x1;
	_ =	shalt  }
.Lfunc_end2:
_tile_overlayer_lowered:
.L_overlay_start_2:
0x1ea: {  	(tag) =	ssettag $0x2  }
0x1eb: {  	s0 =	rddreg [dreg:$0x0];
	s2 =	stileid.u32  }
0x1ec: {  	s1 =	rddreg [dreg:$0x1];
	p0 =	sne.s32 s2, $0x0  }
0x1ed: {  	s3 =	rddreg [dreg:$0x2];
	[bflag:$0x3] =	sbarrier.arrive $0xFFFF;
	s2 =	simm.s32 @!p0 $0x1C04  }
0x1ee: {  	[timem:s3], [sflag:s2] =	dma.local @!p0 [hbm:s0], s1  }
0x1ef: {  	s0 =	simm.s32 @!p0 $0x4  }
0x1f0: {  	_ =	swait.ge @!p0 [sflag:s0], s1  }
0x1f1: {  	s1 =	ssub.s32 @!p0 $0x0, s1;
	[sflag:s0] =	ssyncset.done @!p0 $0x0  }
0x1f2: {  	[sflag:s0] =	ssyncadd.s32 @!p0 s1  }
0x1f3: {  	[bflag:$0x3] =	sbarrier.arrive $0xFFFF  }
0x1f4: {  	_ =	shalt  }

</sc_bundles>
